<compile_context>
chip_gen: v7x
topology: tpu7x:2x2x1
jax: 0.10.2.dev20260603
libtpu: 0.0.44.dev20260713+nightly
codegen_flags: <defaults>
</compile_context>

<pallas_src>
import jax
import jax.numpy as jnp
from jax import lax
from jax.experimental import pallas as pl
from jax.experimental.pallas import tpu as pltpu
from jax.experimental.pallas import tpu_sc as plsc

NC = 2
NS = 16
NW = NC * NS

NB = 4096
NT = 200
D = 64
BK = NB // NW
LG = BK // 16


def _body(widx_hbm, pidx_hbm, word_hbm, pos_hbm, out_hbm,
          widx_v, pidx_v, pos_stage, pos_sh, wbuf, tbuf,
          sem_g, sem_p, sem_w):
    b0 = (lax.axis_index("s") * NC + lax.axis_index("c")) * BK
    wid = b0 // BK
    iota = lax.iota(jnp.int32, 16)

    pltpu.sync_copy(widx_hbm.at[:, pl.ds(b0, BK)], widx_v)
    pltpu.sync_copy(pidx_hbm.at[:, pl.ds(b0, BK)], pidx_v)

    @pl.when(lax.axis_index("s") == 0)
    def _():
        pltpu.sync_copy(pos_hbm, pos_stage)
        pltpu.sync_copy(pos_stage, pos_sh)

    plsc.subcore_barrier()

    def fire_word(t, p):
        pltpu.async_copy(word_hbm.at[widx_v.at[t]], wbuf.at[p], sem_g.at[p])

    def wait_word(p):
        pltpu.make_async_copy(word_hbm.at[widx_v.at[0]], wbuf.at[p],
                              sem_g.at[p]).wait()

    def fire_pos(t, p):
        pltpu.async_copy(pos_sh.at[pidx_v.at[t]], wbuf.at[p], sem_p.at[p],
                         add=True)

    def wait_pos(p):
        pltpu.make_async_copy(pos_sh.at[pidx_v.at[0]], wbuf.at[p],
                              sem_p.at[p]).wait()

    def fire_write(t, p):
        for dt in range(8):
            pltpu.async_copy(tbuf.at[p, pl.ds(dt * 8, 8)],
                             out_hbm.at[t, dt, wid], sem_w.at[p])

    def wait_write(p):
        for dt in range(8):
            pltpu.make_async_copy(tbuf.at[p, pl.ds(dt * 8, 8)],
                                  out_hbm.at[0, dt, 0], sem_w.at[p]).wait()

    def compute(t, p):
        for lg in range(LG):
            b16 = iota + (lg * 16)

            def k_body(k, carry):
                ix = jnp.full((16,), k, jnp.int32) ^ iota
                dvs, wvs = [], []
                for db in range(0, D, 16):
                    dv = ix + db
                    dvs.append(dv)
                    wvs.append(plsc.load_gather(wbuf.at[p], [b16, dv]))
                for j in range(4):
                    plsc.store_scatter(tbuf.at[p], [dvs[j], b16], wvs[j])
                return carry

            lax.fori_loop(0, 16, k_body, 0, unroll=2)

    fire_word(0, 0)
    wait_word(0)
    fire_pos(0, 0)

    def step(t, p):
        q = (p + 1) % 2

        @pl.when(t + 1 < NT)
        def _():
            fire_word(t + 1, q)

        @pl.when(jnp.logical_and(t >= 2, t < NT + 2))
        def _():
            wait_write(p)

        @pl.when(t < NT)
        def _():
            wait_pos(p)

        @pl.when(t < NT)
        def _():
            compute(t, p)
            fire_write(t, p)

        @pl.when(t + 1 < NT)
        def _():
            wait_word(q)
            fire_pos(t + 1, q)

    def outer(g, carry):
        step(g * 2, 0)
        step(g * 2 + 1, 1)
        return carry

    lax.fori_loop(0, (NT + 2) // 2, outer, 0)


@jax.jit
def _emb(widx2, pidx2, word_table, pos_table):
    mesh = plsc.VectorSubcoreMesh(
        core_axis_name="c", subcore_axis_name="s",
        num_cores=NC, num_subcores=NS)
    f = pl.kernel(
        _body,
        out_type=jax.ShapeDtypeStruct((NT, D // 8, NW, 8, BK), jnp.float32),
        mesh=mesh,
        compiler_params=pltpu.CompilerParams(
            use_tc_tiling_on_sc=False, needs_layout_passes=False),
        scratch_types=[
            pltpu.VMEM((NT, BK), jnp.int32),
            pltpu.VMEM((NT, BK), jnp.int32),
            pltpu.VMEM((NT, D), jnp.float32),
            pltpu.VMEM_SHARED((NT, D), jnp.float32),
            pltpu.VMEM((2, BK, D), jnp.float32),
            pltpu.VMEM((2, D, BK), jnp.float32),
            pltpu.SemaphoreType.DMA((2,)),
            pltpu.SemaphoreType.DMA((2,)),
            pltpu.SemaphoreType.DMA((2,)),
        ],
    )
    return f(widx2, pidx2, word_table, pos_table)


def kernel(input_ids, pos_ids, word_table, pos_table):
    widx2 = input_ids.T.astype(jnp.int32)
    pidx2 = pos_ids.T.astype(jnp.int32)
    x5 = _emb(widx2, pidx2, word_table, pos_table)
    return x5.transpose(2, 4, 0, 1, 3).reshape(NB, NT, D)

# --- scband reference (transcript-rebuilt; emitter-appended) ---
"""Pipeline reference for scband-embedding-80221399154989 (READ-ONLY COPY).

The authoritative reference and input builder live on the scoring server;
editing this copy changes nothing except your own understanding.
"""

import jax, jax.numpy as jnp
import numpy as np

N_VOCAB = 100000
MAX_SEQ_LEN = 200
EMB_SIZE = 64


def get_sinusoid_encoding_table(n_position, d_hid, padding_idx=None):
    exponents = np.array([2 * (i // 2) / d_hid for i in range(d_hid)])
    pow_table = np.power(10000, exponents)
    sinusoid_table = np.array([pos / pow_table for pos in range(n_position)])
    sinusoid_table[:, 0::2] = np.sin(sinusoid_table[:, 0::2])
    sinusoid_table[:, 1::2] = np.cos(sinusoid_table[:, 1::2])
    if padding_idx is not None:
        sinusoid_table[padding_idx] = 0.0
    return jnp.asarray(sinusoid_table, dtype=jnp.float32)


def setup_inputs(seed: int = 0) -> dict:
    key = jax.random.key(seed)
    k1, k2, k3 = jax.random.split(key, 3)
    input_ids = jax.random.randint(k1, (4096, 200), 0, N_VOCAB, dtype=jnp.int64 if jax.config.jax_enable_x64 else jnp.int32)
    pos_ids = jax.random.randint(k2, (4096, 200), 0, MAX_SEQ_LEN, dtype=jnp.int64 if jax.config.jax_enable_x64 else jnp.int32)
    word_table = jax.random.normal(k3, (N_VOCAB, EMB_SIZE), dtype=jnp.float32)
    pos_table = get_sinusoid_encoding_table(MAX_SEQ_LEN, EMB_SIZE)
    return {"input_ids": input_ids, "pos_ids": pos_ids, "word_table": word_table, "pos_table": pos_table}


def reference(input_ids, pos_ids, word_table, pos_table):
    words_embeddings = jnp.take(word_table, input_ids, axis=0)
    position_embeddings = jnp.take(pos_table, pos_ids, axis=0)
    embeddings = words_embeddings + position_embeddings
    return embeddings

if __name__ == "__main__":
    import jax
    _d = setup_inputs()
    print(jax.jit(kernel)(*tuple(_d.values())))

</pallas_src>

<mosaic_0001>
#map = affine_map<(d0, d1) -> (0, 0)>
#map1 = affine_map<(d0, d1) -> (0, 0, 0, 0, 0)>
module attributes {stable_mosaic.version = 14 : i64} {
  func.func @_body(%arg0: i32, %arg1: i32, %arg2: memref<200x4096xi32, #tpu.memory_space<hbm>>, %arg3: memref<200x4096xi32, #tpu.memory_space<hbm>>, %arg4: memref<100000x64xf32, #tpu.memory_space<hbm>>, %arg5: memref<200x64xf32, #tpu.memory_space<hbm>>, %arg6: memref<200x8x32x8x128xf32, #tpu.memory_space<hbm>>, %arg7: memref<200x128xi32, #tpu.memory_space<vmem>>, %arg8: memref<200x128xi32, #tpu.memory_space<vmem>>, %arg9: memref<200x64xf32, #tpu.memory_space<vmem>>, %arg10: memref<200x64xf32, #tpu.memory_space<vmem_shared>>, %arg11: memref<2x128x64xf32, #tpu.memory_space<vmem>>, %arg12: memref<2x64x128xf32, #tpu.memory_space<vmem>>, %arg13: memref<2x!tpu.dma_semaphore, #tpu.memory_space<semaphore_mem>>, %arg14: memref<2x!tpu.dma_semaphore, #tpu.memory_space<semaphore_mem>>, %arg15: memref<2x!tpu.dma_semaphore, #tpu.memory_space<semaphore_mem>>) attributes {dimension_semantics = [#tpu.dimension_semantics<core_parallel>, #tpu.dimension_semantics<subcore_parallel>], iteration_bounds = array<i64: 2, 16>, scalar_prefetch = 0 : i64, scratch_operands = 9 : i64, tpu.core_type = #tpu.core_type<sc_vector_subcore>, window_params = [{transform_indices = #map}, {transform_indices = #map}, {transform_indices = #map}, {transform_indices = #map}, {transform_indices = #map1}]} {
    %mul3A = arith.constant 2 : i32
    %mul3A_0 = arith.muli %arg1, %mul3A : i32
    %add3A = arith.addi %mul3A_0, %arg0 : i32
    %mul3A_1 = arith.constant 128 : i32
    %mul3A_2 = arith.muli %add3A, %mul3A_1 : i32
    %jit3A = arith.constant 128 : i32
    %div3A = arith.divsi %mul3A_2, %jit3A : i32
    %sign3A = arith.constant 0 : i32
    %sign3A_3 = arith.cmpi sgt, %mul3A_2, %sign3A : i32
    %sign3A_4 = arith.extui %sign3A_3 : i1 to i32
    %sign3A_5 = arith.constant 0 : i32
    %sign3A_6 = arith.cmpi slt, %mul3A_2, %sign3A_5 : i32
    %sign3A_7 = arith.extui %sign3A_6 : i1 to i32
    %sign3A_8 = arith.subi %sign3A_4, %sign3A_7 : i32
    %sign3A_9 = arith.constant 0 : i32
    %sign3A_10 = arith.cmpi sgt, %jit3A, %sign3A_9 : i32
    %sign3A_11 = arith.extui %sign3A_10 : i1 to i32
    %sign3A_12 = arith.constant 0 : i32
    %sign3A_13 = arith.cmpi slt, %jit3A, %sign3A_12 : i32
    %sign3A_14 = arith.extui %sign3A_13 : i1 to i32
    %sign3A_15 = arith.subi %sign3A_11, %sign3A_14 : i32
    %ne3A = arith.cmpi ne, %sign3A_8, %sign3A_15 : i32
    %rem3A = arith.remsi %mul3A_2, %jit3A : i32
    %ne3A_16 = arith.constant 0 : i32
    %ne3A_17 = arith.cmpi ne, %rem3A, %ne3A_16 : i32
    %and3A = arith.andi %ne3A, %ne3A_17 : i1
    %sub3A = arith.constant 1 : i32
    %sub3A_18 = arith.subi %div3A, %sub3A : i32
    %select_n3A = arith.select %and3A, %sub3A_18, %div3A : i32
    %iota3A = tpu.iota {dimensions = array<i32: 0>} : vector<16xi32>
    "tpu.region"() ({
      %run_scoped3A = tpu.sem_alloc : memref<!tpu.dma_semaphore, #tpu.memory_space<semaphore_mem>>
      %dma_start3A_69 = arith.constant 0 : i32
      %dma_start3A_70 = tpu.memref_slice %arg2[%dma_start3A_69, %mul3A_2] : memref<200x4096xi32, #tpu.memory_space<hbm>> -> memref<200x128xi32, #tpu.memory_space<hbm>>
      %dma_start3A_71 = arith.constant 0 : i32
      %dma_start3A_72 = tpu.memref_slice %arg2[%dma_start3A_71, %mul3A_2] : memref<200x4096xi32, #tpu.memory_space<hbm>> -> memref<200x128xi32, #tpu.memory_space<hbm>>
      tpu.enqueue_dma source(%dma_start3A_72 : memref<200x128xi32, #tpu.memory_space<hbm>>) target(%arg7 : memref<200x128xi32, #tpu.memory_space<vmem>>) target_semaphore(%run_scoped3A : memref<!tpu.dma_semaphore, #tpu.memory_space<semaphore_mem>>)
      %dma_wait3A_73 = arith.constant 0 : i32
      %dma_wait3A_74 = tpu.memref_slice %arg2[%dma_wait3A_73, %mul3A_2] : memref<200x4096xi32, #tpu.memory_space<hbm>> -> memref<200x128xi32, #tpu.memory_space<hbm>>
      %dma_wait3A_75 = arith.constant 0 : i32
      %dma_wait3A_76 = tpu.memref_slice %arg2[%dma_wait3A_75, %mul3A_2] : memref<200x4096xi32, #tpu.memory_space<hbm>> -> memref<200x128xi32, #tpu.memory_space<hbm>>
      tpu.wait_dma2 semaphore(%run_scoped3A : memref<!tpu.dma_semaphore, #tpu.memory_space<semaphore_mem>>) src(%dma_wait3A_76 : memref<200x128xi32, #tpu.memory_space<hbm>>) dst(%arg7 : memref<200x128xi32, #tpu.memory_space<vmem>>)
      tpu.yield
    }) : () -> ()
    "tpu.region"() ({
      %run_scoped3A = tpu.sem_alloc : memref<!tpu.dma_semaphore, #tpu.memory_space<semaphore_mem>>
      %dma_start3A_69 = arith.constant 0 : i32
      %dma_start3A_70 = tpu.memref_slice %arg3[%dma_start3A_69, %mul3A_2] : memref<200x4096xi32, #tpu.memory_space<hbm>> -> memref<200x128xi32, #tpu.memory_space<hbm>>
      %dma_start3A_71 = arith.constant 0 : i32
      %dma_start3A_72 = tpu.memref_slice %arg3[%dma_start3A_71, %mul3A_2] : memref<200x4096xi32, #tpu.memory_space<hbm>> -> memref<200x128xi32, #tpu.memory_space<hbm>>
      tpu.enqueue_dma source(%dma_start3A_72 : memref<200x128xi32, #tpu.memory_space<hbm>>) target(%arg8 : memref<200x128xi32, #tpu.memory_space<vmem>>) target_semaphore(%run_scoped3A : memref<!tpu.dma_semaphore, #tpu.memory_space<semaphore_mem>>)
      %dma_wait3A_73 = arith.constant 0 : i32
      %dma_wait3A_74 = tpu.memref_slice %arg3[%dma_wait3A_73, %mul3A_2] : memref<200x4096xi32, #tpu.memory_space<hbm>> -> memref<200x128xi32, #tpu.memory_space<hbm>>
      %dma_wait3A_75 = arith.constant 0 : i32
      %dma_wait3A_76 = tpu.memref_slice %arg3[%dma_wait3A_75, %mul3A_2] : memref<200x4096xi32, #tpu.memory_space<hbm>> -> memref<200x128xi32, #tpu.memory_space<hbm>>
      tpu.wait_dma2 semaphore(%run_scoped3A : memref<!tpu.dma_semaphore, #tpu.memory_space<semaphore_mem>>) src(%dma_wait3A_76 : memref<200x128xi32, #tpu.memory_space<hbm>>) dst(%arg8 : memref<200x128xi32, #tpu.memory_space<vmem>>)
      tpu.yield
    }) : () -> ()
    %eq3A = arith.constant 0 : i32
    %eq3A_19 = arith.cmpi eq, %arg1, %eq3A : i32
    %convert_element_type3A = arith.extui %eq3A_19 : i1 to i32
    %cond3A = arith.constant 0 : i32
    %cond3A_20 = arith.cmpi ne, %convert_element_type3A, %cond3A : i32
    scf.if %cond3A_20 {
      "tpu.region"() ({
        %run_scoped3A = tpu.sem_alloc : memref<!tpu.dma_semaphore, #tpu.memory_space<semaphore_mem>>
        tpu.enqueue_dma source(%arg5 : memref<200x64xf32, #tpu.memory_space<hbm>>) target(%arg9 : memref<200x64xf32, #tpu.memory_space<vmem>>) target_semaphore(%run_scoped3A : memref<!tpu.dma_semaphore, #tpu.memory_space<semaphore_mem>>)
        tpu.wait_dma2 semaphore(%run_scoped3A : memref<!tpu.dma_semaphore, #tpu.memory_space<semaphore_mem>>) src(%arg5 : memref<200x64xf32, #tpu.memory_space<hbm>>) dst(%arg9 : memref<200x64xf32, #tpu.memory_space<vmem>>)
        tpu.yield
      }) : () -> ()
      "tpu.region"() ({
        %run_scoped3A = tpu.sem_alloc : memref<!tpu.dma_semaphore, #tpu.memory_space<semaphore_mem>>
        tpu.enqueue_dma source(%arg9 : memref<200x64xf32, #tpu.memory_space<vmem>>) target(%arg10 : memref<200x64xf32, #tpu.memory_space<vmem_shared>>) target_semaphore(%run_scoped3A : memref<!tpu.dma_semaphore, #tpu.memory_space<semaphore_mem>>)
        tpu.wait_dma2 semaphore(%run_scoped3A : memref<!tpu.dma_semaphore, #tpu.memory_space<semaphore_mem>>) src(%arg9 : memref<200x64xf32, #tpu.memory_space<vmem>>) dst(%arg10 : memref<200x64xf32, #tpu.memory_space<vmem_shared>>)
        tpu.yield
      }) : () -> ()
    } else {
    }
    %barrier3A = arith.constant 0 : index
    tpu.barrier barrier_id(%barrier3A)
    %dma_start3A = arith.constant 0 : i32
    %dma_start3A_21 = arith.constant 0 : i32
    %dma_start3A_22 = arith.constant 0 : i32
    %dma_start3A_23 = arith.constant 0 : i32
    %dma_start3A_24 = arith.constant 0 : i32
    %dma_start3A_25 = tpu.memref_slice %arg11[%dma_start3A_21, %dma_start3A_23, %dma_start3A_24] : memref<2x128x64xf32, #tpu.memory_space<vmem>> -> memref<1x128x64xf32, #tpu.memory_space<vmem>>
    %dma_start3A_26 = tpu.memref_squeeze %dma_start3A_25 : memref<1x128x64xf32, #tpu.memory_space<vmem>> -> memref<128x64xf32, #tpu.memory_space<vmem>>
    %dma_start3A_27 = arith.constant 0 : i32
    %dma_start3A_28 = tpu.memref_slice %arg7[%dma_start3A, %dma_start3A_27] : memref<200x128xi32, #tpu.memory_space<vmem>> -> memref<1x128xi32, #tpu.memory_space<vmem>>
    %dma_start3A_29 = tpu.memref_squeeze %dma_start3A_28 : memref<1x128xi32, #tpu.memory_space<vmem>> -> memref<128xi32, #tpu.memory_space<vmem>>
    %dma_start3A_30 = arith.constant 0 : i32
    %dma_start3A_31 = arith.constant 0 : i32
    %dma_start3A_32 = tpu.memref_slice %arg4[%dma_start3A_30, %dma_start3A_31] : memref<100000x64xf32, #tpu.memory_space<hbm>> -> memref<100000x64xf32, #tpu.memory_space<hbm>>
    %dma_start3A_33 = tpu.memref_slice %arg13[%dma_start3A_22] : memref<2x!tpu.dma_semaphore, #tpu.memory_space<semaphore_mem>> -> memref<1x!tpu.dma_semaphore, #tpu.memory_space<semaphore_mem>>
    %dma_start3A_34 = tpu.memref_squeeze %dma_start3A_33 : memref<1x!tpu.dma_semaphore, #tpu.memory_space<semaphore_mem>> -> memref<!tpu.dma_semaphore, #tpu.memory_space<semaphore_mem>>
    tpu.enqueue_indirect_dma source(%dma_start3A_32 : memref<100000x64xf32, #tpu.memory_space<hbm>>) target(%dma_start3A_26 : memref<128x64xf32, #tpu.memory_space<vmem>>) offsets(%dma_start3A_29 : memref<128xi32, #tpu.memory_space<vmem>>) semaphore(%dma_start3A_34 : memref<!tpu.dma_semaphore, #tpu.memory_space<semaphore_mem>>)
    %dma_wait3A = arith.constant 0 : i32
    %dma_wait3A_35 = arith.constant 0 : i32
    %dma_wait3A_36 = arith.constant 0 : i32
    %dma_wait3A_37 = arith.constant 0 : i32
    %dma_wait3A_38 = arith.constant 0 : i32
    %dma_wait3A_39 = tpu.memref_slice %arg11[%dma_wait3A_35, %dma_wait3A_37, %dma_wait3A_38] : memref<2x128x64xf32, #tpu.memory_space<vmem>> -> memref<1x128x64xf32, #tpu.memory_space<vmem>>
    %dma_wait3A_40 = tpu.memref_squeeze %dma_wait3A_39 : memref<1x128x64xf32, #tpu.memory_space<vmem>> -> memref<128x64xf32, #tpu.memory_space<vmem>>
    %dma_wait3A_41 = arith.constant 0 : i32
    %dma_wait3A_42 = tpu.memref_slice %arg7[%dma_wait3A, %dma_wait3A_41] : memref<200x128xi32, #tpu.memory_space<vmem>> -> memref<1x128xi32, #tpu.memory_space<vmem>>
    %dma_wait3A_43 = tpu.memref_squeeze %dma_wait3A_42 : memref<1x128xi32, #tpu.memory_space<vmem>> -> memref<128xi32, #tpu.memory_space<vmem>>
    %dma_wait3A_44 = arith.constant 0 : i32
    %dma_wait3A_45 = arith.constant 0 : i32
    %dma_wait3A_46 = tpu.memref_slice %arg4[%dma_wait3A_44, %dma_wait3A_45] : memref<100000x64xf32, #tpu.memory_space<hbm>> -> memref<100000x64xf32, #tpu.memory_space<hbm>>
    %dma_wait3A_47 = tpu.memref_slice %arg13[%dma_wait3A_36] : memref<2x!tpu.dma_semaphore, #tpu.memory_space<semaphore_mem>> -> memref<1x!tpu.dma_semaphore, #tpu.memory_space<semaphore_mem>>
    %dma_wait3A_48 = tpu.memref_squeeze %dma_wait3A_47 : memref<1x!tpu.dma_semaphore, #tpu.memory_space<semaphore_mem>> -> memref<!tpu.dma_semaphore, #tpu.memory_space<semaphore_mem>>
    tpu.wait_indirect_dma semaphore(%dma_wait3A_48 : memref<!tpu.dma_semaphore, #tpu.memory_space<semaphore_mem>>) src(%dma_wait3A_46 : memref<100000x64xf32, #tpu.memory_space<hbm>>) dst(%dma_wait3A_40 : memref<128x64xf32, #tpu.memory_space<vmem>>)
    %dma_start3A_49 = arith.constant 0 : i32
    %dma_start3A_50 = arith.constant 0 : i32
    %dma_start3A_51 = arith.constant 0 : i32
    %dma_start3A_52 = arith.constant 0 : i32
    %dma_start3A_53 = arith.constant 0 : i32
    %dma_start3A_54 = tpu.memref_slice %arg11[%dma_start3A_50, %dma_start3A_52, %dma_start3A_53] : memref<2x128x64xf32, #tpu.memory_space<vmem>> -> memref<1x128x64xf32, #tpu.memory_space<vmem>>
    %dma_start3A_55 = tpu.memref_squeeze %dma_start3A_54 : memref<1x128x64xf32, #tpu.memory_space<vmem>> -> memref<128x64xf32, #tpu.memory_space<vmem>>
    %dma_start3A_56 = arith.constant 0 : i32
    %dma_start3A_57 = tpu.memref_slice %arg8[%dma_start3A_49, %dma_start3A_56] : memref<200x128xi32, #tpu.memory_space<vmem>> -> memref<1x128xi32, #tpu.memory_space<vmem>>
    %dma_start3A_58 = tpu.memref_squeeze %dma_start3A_57 : memref<1x128xi32, #tpu.memory_space<vmem>> -> memref<128xi32, #tpu.memory_space<vmem>>
    %dma_start3A_59 = arith.constant 0 : i32
    %dma_start3A_60 = arith.constant 0 : i32
    %dma_start3A_61 = tpu.memref_slice %arg10[%dma_start3A_59, %dma_start3A_60] : memref<200x64xf32, #tpu.memory_space<vmem_shared>> -> memref<200x64xf32, #tpu.memory_space<vmem_shared>>
    %dma_start3A_62 = tpu.memref_slice %arg14[%dma_start3A_51] : memref<2x!tpu.dma_semaphore, #tpu.memory_space<semaphore_mem>> -> memref<1x!tpu.dma_semaphore, #tpu.memory_space<semaphore_mem>>
    %dma_start3A_63 = tpu.memref_squeeze %dma_start3A_62 : memref<1x!tpu.dma_semaphore, #tpu.memory_space<semaphore_mem>> -> memref<!tpu.dma_semaphore, #tpu.memory_space<semaphore_mem>>
    tpu.enqueue_indirect_dma source(%dma_start3A_61 : memref<200x64xf32, #tpu.memory_space<vmem_shared>>) target(%dma_start3A_55 : memref<128x64xf32, #tpu.memory_space<vmem>>) offsets(%dma_start3A_58 : memref<128xi32, #tpu.memory_space<vmem>>) semaphore(%dma_start3A_63 : memref<!tpu.dma_semaphore, #tpu.memory_space<semaphore_mem>>) {add = true}
    %scan3A = arith.constant 0 : i32
    %scan3A_64 = arith.constant 0 : i32
    %scan3A_65 = arith.constant 101 : i32
    %scan3A_66 = arith.addi %scan3A_64, %scan3A_65 : i32
    %scan3A_67 = arith.constant 1 : i32
    scf.for %scan3A_69 = %scan3A_64 to %scan3A_66 step %scan3A_67  : i32 {
      %mul3A_70 = arith.constant 2 : i32
      %mul3A_71 = arith.muli %scan3A_69, %mul3A_70 : i32
      %add3A_72 = arith.constant 1 : i32
      %add3A_73 = arith.addi %mul3A_71, %add3A_72 : i32
      %lt3A = arith.constant 200 : i32
      %lt3A_74 = arith.cmpi slt, %add3A_73, %lt3A : i32
      %convert_element_type3A_75 = arith.extui %lt3A_74 : i1 to i32
      %cond3A_76 = arith.constant 0 : i32
      %cond3A_77 = arith.cmpi ne, %convert_element_type3A_75, %cond3A_76 : i32
      scf.if %cond3A_77 {
        %add3A_138 = arith.constant 1 : i32
        %add3A_139 = arith.addi %mul3A_71, %add3A_138 : i32
        %dma_start3A_140 = arith.constant 1 : i32
        %dma_start3A_141 = arith.constant 1 : i32
        %dma_start3A_142 = arith.constant 0 : i32
        %dma_start3A_143 = arith.constant 0 : i32
        %dma_start3A_144 = tpu.memref_slice %arg11[%dma_start3A_140, %dma_start3A_142, %dma_start3A_143] : memref<2x128x64xf32, #tpu.memory_space<vmem>> -> memref<1x128x64xf32, #tpu.memory_space<vmem>>
        %dma_start3A_145 = tpu.memref_squeeze %dma_start3A_144 : memref<1x128x64xf32, #tpu.memory_space<vmem>> -> memref<128x64xf32, #tpu.memory_space<vmem>>
        %dma_start3A_146 = arith.constant 0 : i32
        %dma_start3A_147 = tpu.memref_slice %arg7[%add3A_139, %dma_start3A_146] : memref<200x128xi32, #tpu.memory_space<vmem>> -> memref<1x128xi32, #tpu.memory_space<vmem>>
        %dma_start3A_148 = tpu.memref_squeeze %dma_start3A_147 : memref<1x128xi32, #tpu.memory_space<vmem>> -> memref<128xi32, #tpu.memory_space<vmem>>
        %dma_start3A_149 = arith.constant 0 : i32
        %dma_start3A_150 = arith.constant 0 : i32
        %dma_start3A_151 = tpu.memref_slice %arg4[%dma_start3A_149, %dma_start3A_150] : memref<100000x64xf32, #tpu.memory_space<hbm>> -> memref<100000x64xf32, #tpu.memory_space<hbm>>
        %dma_start3A_152 = tpu.memref_slice %arg13[%dma_start3A_141] : memref<2x!tpu.dma_semaphore, #tpu.memory_space<semaphore_mem>> -> memref<1x!tpu.dma_semaphore, #tpu.memory_space<semaphore_mem>>
        %dma_start3A_153 = tpu.memref_squeeze %dma_start3A_152 : memref<1x!tpu.dma_semaphore, #tpu.memory_space<semaphore_mem>> -> memref<!tpu.dma_semaphore, #tpu.memory_space<semaphore_mem>>
        tpu.enqueue_indirect_dma source(%dma_start3A_151 : memref<100000x64xf32, #tpu.memory_space<hbm>>) target(%dma_start3A_145 : memref<128x64xf32, #tpu.memory_space<vmem>>) offsets(%dma_start3A_148 : memref<128xi32, #tpu.memory_space<vmem>>) semaphore(%dma_start3A_153 : memref<!tpu.dma_semaphore, #tpu.memory_space<semaphore_mem>>)
      } else {
      }
      %ge3A = arith.constant 2 : i32
      %ge3A_78 = arith.cmpi sge, %mul3A_71, %ge3A : i32
      %lt3A_79 = arith.constant 202 : i32
      %lt3A_80 = arith.cmpi slt, %mul3A_71, %lt3A_79 : i32
      %and3A_81 = arith.andi %ge3A_78, %lt3A_80 : i1
      %convert_element_type3A_82 = arith.extui %and3A_81 : i1 to i32
      %cond3A_83 = arith.constant 0 : i32
      %cond3A_84 = arith.cmpi ne, %convert_element_type3A_82, %cond3A_83 : i32
      scf.if %cond3A_84 {
        %dma_wait3A_138 = arith.constant 0 : i32
        %dma_wait3A_139 = arith.constant 0 : i32
        %dma_wait3A_140 = arith.constant 0 : i32
        %dma_wait3A_141 = arith.constant 0 : i32
        %dma_wait3A_142 = arith.constant 0 : i32
        %dma_wait3A_143 = arith.constant 0 : i32
        %dma_wait3A_144 = arith.constant 0 : i32
        %dma_wait3A_145 = tpu.memref_slice %arg12[%dma_wait3A_138, %dma_wait3A_143, %dma_wait3A_144] : memref<2x64x128xf32, #tpu.memory_space<vmem>> -> memref<1x8x128xf32, #tpu.memory_space<vmem>>
        %dma_wait3A_146 = tpu.memref_squeeze %dma_wait3A_145 : memref<1x8x128xf32, #tpu.memory_space<vmem>> -> memref<8x128xf32, #tpu.memory_space<vmem>>
        %dma_wait3A_147 = arith.constant 0 : i32
        %dma_wait3A_148 = arith.constant 0 : i32
        %dma_wait3A_149 = tpu.memref_slice %arg6[%dma_wait3A_139, %dma_wait3A_140, %dma_wait3A_141, %dma_wait3A_147, %dma_wait3A_148] : memref<200x8x32x8x128xf32, #tpu.memory_space<hbm>> -> memref<1x1x1x8x128xf32, #tpu.memory_space<hbm>>
        %dma_wait3A_150 = tpu.memref_squeeze %dma_wait3A_149 : memref<1x1x1x8x128xf32, #tpu.memory_space<hbm>> -> memref<8x128xf32, #tpu.memory_space<hbm>>
        %dma_wait3A_151 = tpu.memref_slice %arg15[%dma_wait3A_142] : memref<2x!tpu.dma_semaphore, #tpu.memory_space<semaphore_mem>> -> memref<1x!tpu.dma_semaphore, #tpu.memory_space<semaphore_mem>>
        %dma_wait3A_152 = tpu.memref_squeeze %dma_wait3A_151 : memref<1x!tpu.dma_semaphore, #tpu.memory_space<semaphore_mem>> -> memref<!tpu.dma_semaphore, #tpu.memory_space<semaphore_mem>>
        %dma_wait3A_153 = arith.constant 0 : i32
        %dma_wait3A_154 = arith.constant 0 : i32
        %dma_wait3A_155 = tpu.memref_slice %arg6[%dma_wait3A_139, %dma_wait3A_140, %dma_wait3A_141, %dma_wait3A_153, %dma_wait3A_154] : memref<200x8x32x8x128xf32, #tpu.memory_space<hbm>> -> memref<1x1x1x8x128xf32, #tpu.memory_space<hbm>>
        %dma_wait3A_156 = tpu.memref_squeeze %dma_wait3A_155 : memref<1x1x1x8x128xf32, #tpu.memory_space<hbm>> -> memref<8x128xf32, #tpu.memory_space<hbm>>
        %dma_wait3A_157 = arith.constant 0 : i32
        %dma_wait3A_158 = arith.constant 0 : i32
        %dma_wait3A_159 = tpu.memref_slice %arg12[%dma_wait3A_138, %dma_wait3A_157, %dma_wait3A_158] : memref<2x64x128xf32, #tpu.memory_space<vmem>> -> memref<1x8x128xf32, #tpu.memory_space<vmem>>
        %dma_wait3A_160 = tpu.memref_squeeze %dma_wait3A_159 : memref<1x8x128xf32, #tpu.memory_space<vmem>> -> memref<8x128xf32, #tpu.memory_space<vmem>>
        tpu.wait_dma2 semaphore(%dma_wait3A_152 : memref<!tpu.dma_semaphore, #tpu.memory_space<semaphore_mem>>) src(%dma_wait3A_160 : memref<8x128xf32, #tpu.memory_space<vmem>>) dst(%dma_wait3A_156 : memref<8x128xf32, #tpu.memory_space<hbm>>)
        %dma_wait3A_161 = arith.constant 0 : i32
        %dma_wait3A_162 = arith.constant 0 : i32
        %dma_wait3A_163 = arith.constant 1 : i32
        %dma_wait3A_164 = arith.constant 0 : i32
        %dma_wait3A_165 = arith.constant 0 : i32
        %dma_wait3A_166 = arith.constant 8 : i32
        %dma_wait3A_167 = arith.constant 0 : i32
        %dma_wait3A_168 = tpu.memref_slice %arg12[%dma_wait3A_161, %dma_wait3A_166, %dma_wait3A_167] : memref<2x64x128xf32, #tpu.memory_space<vmem>> -> memref<1x8x128xf32, #tpu.memory_space<vmem>>
        %dma_wait3A_169 = tpu.memref_squeeze %dma_wait3A_168 : memref<1x8x128xf32, #tpu.memory_space<vmem>> -> memref<8x128xf32, #tpu.memory_space<vmem>>
        %dma_wait3A_170 = arith.constant 0 : i32
        %dma_wait3A_171 = arith.constant 0 : i32
        %dma_wait3A_172 = tpu.memref_slice %arg6[%dma_wait3A_162, %dma_wait3A_163, %dma_wait3A_164, %dma_wait3A_170, %dma_wait3A_171] : memref<200x8x32x8x128xf32, #tpu.memory_space<hbm>> -> memref<1x1x1x8x128xf32, #tpu.memory_space<hbm>>
        %dma_wait3A_173 = tpu.memref_squeeze %dma_wait3A_172 : memref<1x1x1x8x128xf32, #tpu.memory_space<hbm>> -> memref<8x128xf32, #tpu.memory_space<hbm>>
        %dma_wait3A_174 = tpu.memref_slice %arg15[%dma_wait3A_165] : memref<2x!tpu.dma_semaphore, #tpu.memory_space<semaphore_mem>> -> memref<1x!tpu.dma_semaphore, #tpu.memory_space<semaphore_mem>>
        %dma_wait3A_175 = tpu.memref_squeeze %dma_wait3A_174 : memref<1x!tpu.dma_semaphore, #tpu.memory_space<semaphore_mem>> -> memref<!tpu.dma_semaphore, #tpu.memory_space<semaphore_mem>>
        %dma_wait3A_176 = arith.constant 0 : i32
        %dma_wait3A_177 = arith.constant 0 : i32
        %dma_wait3A_178 = tpu.memref_slice %arg6[%dma_wait3A_162, %dma_wait3A_163, %dma_wait3A_164, %dma_wait3A_176, %dma_wait3A_177] : memref<200x8x32x8x128xf32, #tpu.memory_space<hbm>> -> memref<1x1x1x8x128xf32, #tpu.memory_space<hbm>>
        %dma_wait3A_179 = tpu.memref_squeeze %dma_wait3A_178 : memref<1x1x1x8x128xf32, #tpu.memory_space<hbm>> -> memref<8x128xf32, #tpu.memory_space<hbm>>
        %dma_wait3A_180 = arith.constant 8 : i32
        %dma_wait3A_181 = arith.constant 0 : i32
        %dma_wait3A_182 = tpu.memref_slice %arg12[%dma_wait3A_161, %dma_wait3A_180, %dma_wait3A_181] : memref<2x64x128xf32, #tpu.memory_space<vmem>> -> memref<1x8x128xf32, #tpu.memory_space<vmem>>
        %dma_wait3A_183 = tpu.memref_squeeze %dma_wait3A_182 : memref<1x8x128xf32, #tpu.memory_space<vmem>> -> memref<8x128xf32, #tpu.memory_space<vmem>>
        tpu.wait_dma2 semaphore(%dma_wait3A_175 : memref<!tpu.dma_semaphore, #tpu.memory_space<semaphore_mem>>) src(%dma_wait3A_183 : memref<8x128xf32, #tpu.memory_space<vmem>>) dst(%dma_wait3A_179 : memref<8x128xf32, #tpu.memory_space<hbm>>)
        %dma_wait3A_184 = arith.constant 0 : i32
        %dma_wait3A_185 = arith.constant 0 : i32
        %dma_wait3A_186 = arith.constant 2 : i32
        %dma_wait3A_187 = arith.constant 0 : i32
        %dma_wait3A_188 = arith.constant 0 : i32
        %dma_wait3A_189 = arith.constant 16 : i32
        %dma_wait3A_190 = arith.constant 0 : i32
        %dma_wait3A_191 = tpu.memref_slice %arg12[%dma_wait3A_184, %dma_wait3A_189, %dma_wait3A_190] : memref<2x64x128xf32, #tpu.memory_space<vmem>> -> memref<1x8x128xf32, #tpu.memory_space<vmem>>
        %dma_wait3A_192 = tpu.memref_squeeze %dma_wait3A_191 : memref<1x8x128xf32, #tpu.memory_space<vmem>> -> memref<8x128xf32, #tpu.memory_space<vmem>>
        %dma_wait3A_193 = arith.constant 0 : i32
        %dma_wait3A_194 = arith.constant 0 : i32
        %dma_wait3A_195 = tpu.memref_slice %arg6[%dma_wait3A_185, %dma_wait3A_186, %dma_wait3A_187, %dma_wait3A_193, %dma_wait3A_194] : memref<200x8x32x8x128xf32, #tpu.memory_space<hbm>> -> memref<1x1x1x8x128xf32, #tpu.memory_space<hbm>>
        %dma_wait3A_196 = tpu.memref_squeeze %dma_wait3A_195 : memref<1x1x1x8x128xf32, #tpu.memory_space<hbm>> -> memref<8x128xf32, #tpu.memory_space<hbm>>
        %dma_wait3A_197 = tpu.memref_slice %arg15[%dma_wait3A_188] : memref<2x!tpu.dma_semaphore, #tpu.memory_space<semaphore_mem>> -> memref<1x!tpu.dma_semaphore, #tpu.memory_space<semaphore_mem>>
        %dma_wait3A_198 = tpu.memref_squeeze %dma_wait3A_197 : memref<1x!tpu.dma_semaphore, #tpu.memory_space<semaphore_mem>> -> memref<!tpu.dma_semaphore, #tpu.memory_space<semaphore_mem>>
        %dma_wait3A_199 = arith.constant 0 : i32
        %dma_wait3A_200 = arith.constant 0 : i32
        %dma_wait3A_201 = tpu.memref_slice %arg6[%dma_wait3A_185, %dma_wait3A_186, %dma_wait3A_187, %dma_wait3A_199, %dma_wait3A_200] : memref<200x8x32x8x128xf32, #tpu.memory_space<hbm>> -> memref<1x1x1x8x128xf32, #tpu.memory_space<hbm>>
        %dma_wait3A_202 = tpu.memref_squeeze %dma_wait3A_201 : memref<1x1x1x8x128xf32, #tpu.memory_space<hbm>> -> memref<8x128xf32, #tpu.memory_space<hbm>>
        %dma_wait3A_203 = arith.constant 16 : i32
        %dma_wait3A_204 = arith.constant 0 : i32
        %dma_wait3A_205 = tpu.memref_slice %arg12[%dma_wait3A_184, %dma_wait3A_203, %dma_wait3A_204] : memref<2x64x128xf32, #tpu.memory_space<vmem>> -> memref<1x8x128xf32, #tpu.memory_space<vmem>>
        %dma_wait3A_206 = tpu.memref_squeeze %dma_wait3A_205 : memref<1x8x128xf32, #tpu.memory_space<vmem>> -> memref<8x128xf32, #tpu.memory_space<vmem>>
        tpu.wait_dma2 semaphore(%dma_wait3A_198 : memref<!tpu.dma_semaphore, #tpu.memory_space<semaphore_mem>>) src(%dma_wait3A_206 : memref<8x128xf32, #tpu.memory_space<vmem>>) dst(%dma_wait3A_202 : memref<8x128xf32, #tpu.memory_space<hbm>>)
        %dma_wait3A_207 = arith.constant 0 : i32
        %dma_wait3A_208 = arith.constant 0 : i32
        %dma_wait3A_209 = arith.constant 3 : i32
        %dma_wait3A_210 = arith.constant 0 : i32
        %dma_wait3A_211 = arith.constant 0 : i32
        %dma_wait3A_212 = arith.constant 24 : i32
        %dma_wait3A_213 = arith.constant 0 : i32
        %dma_wait3A_214 = tpu.memref_slice %arg12[%dma_wait3A_207, %dma_wait3A_212, %dma_wait3A_213] : memref<2x64x128xf32, #tpu.memory_space<vmem>> -> memref<1x8x128xf32, #tpu.memory_space<vmem>>
        %dma_wait3A_215 = tpu.memref_squeeze %dma_wait3A_214 : memref<1x8x128xf32, #tpu.memory_space<vmem>> -> memref<8x128xf32, #tpu.memory_space<vmem>>
        %dma_wait3A_216 = arith.constant 0 : i32
        %dma_wait3A_217 = arith.constant 0 : i32
        %dma_wait3A_218 = tpu.memref_slice %arg6[%dma_wait3A_208, %dma_wait3A_209, %dma_wait3A_210, %dma_wait3A_216, %dma_wait3A_217] : memref<200x8x32x8x128xf32, #tpu.memory_space<hbm>> -> memref<1x1x1x8x128xf32, #tpu.memory_space<hbm>>
        %dma_wait3A_219 = tpu.memref_squeeze %dma_wait3A_218 : memref<1x1x1x8x128xf32, #tpu.memory_space<hbm>> -> memref<8x128xf32, #tpu.memory_space<hbm>>
        %dma_wait3A_220 = tpu.memref_slice %arg15[%dma_wait3A_211] : memref<2x!tpu.dma_semaphore, #tpu.memory_space<semaphore_mem>> -> memref<1x!tpu.dma_semaphore, #tpu.memory_space<semaphore_mem>>
        %dma_wait3A_221 = tpu.memref_squeeze %dma_wait3A_220 : memref<1x!tpu.dma_semaphore, #tpu.memory_space<semaphore_mem>> -> memref<!tpu.dma_semaphore, #tpu.memory_space<semaphore_mem>>
        %dma_wait3A_222 = arith.constant 0 : i32
        %dma_wait3A_223 = arith.constant 0 : i32
        %dma_wait3A_224 = tpu.memref_slice %arg6[%dma_wait3A_208, %dma_wait3A_209, %dma_wait3A_210, %dma_wait3A_222, %dma_wait3A_223] : memref<200x8x32x8x128xf32, #tpu.memory_space<hbm>> -> memref<1x1x1x8x128xf32, #tpu.memory_space<hbm>>
        %dma_wait3A_225 = tpu.memref_squeeze %dma_wait3A_224 : memref<1x1x1x8x128xf32, #tpu.memory_space<hbm>> -> memref<8x128xf32, #tpu.memory_space<hbm>>
        %dma_wait3A_226 = arith.constant 24 : i32
        %dma_wait3A_227 = arith.constant 0 : i32
        %dma_wait3A_228 = tpu.memref_slice %arg12[%dma_wait3A_207, %dma_wait3A_226, %dma_wait3A_227] : memref<2x64x128xf32, #tpu.memory_space<vmem>> -> memref<1x8x128xf32, #tpu.memory_space<vmem>>
        %dma_wait3A_229 = tpu.memref_squeeze %dma_wait3A_228 : memref<1x8x128xf32, #tpu.memory_space<vmem>> -> memref<8x128xf32, #tpu.memory_space<vmem>>
        tpu.wait_dma2 semaphore(%dma_wait3A_221 : memref<!tpu.dma_semaphore, #tpu.memory_space<semaphore_mem>>) src(%dma_wait3A_229 : memref<8x128xf32, #tpu.memory_space<vmem>>) dst(%dma_wait3A_225 : memref<8x128xf32, #tpu.memory_space<hbm>>)
        %dma_wait3A_230 = arith.constant 0 : i32
        %dma_wait3A_231 = arith.constant 0 : i32
        %dma_wait3A_232 = arith.constant 4 : i32
        %dma_wait3A_233 = arith.constant 0 : i32
        %dma_wait3A_234 = arith.constant 0 : i32
        %dma_wait3A_235 = arith.constant 32 : i32
        %dma_wait3A_236 = arith.constant 0 : i32
        %dma_wait3A_237 = tpu.memref_slice %arg12[%dma_wait3A_230, %dma_wait3A_235, %dma_wait3A_236] : memref<2x64x128xf32, #tpu.memory_space<vmem>> -> memref<1x8x128xf32, #tpu.memory_space<vmem>>
        %dma_wait3A_238 = tpu.memref_squeeze %dma_wait3A_237 : memref<1x8x128xf32, #tpu.memory_space<vmem>> -> memref<8x128xf32, #tpu.memory_space<vmem>>
        %dma_wait3A_239 = arith.constant 0 : i32
        %dma_wait3A_240 = arith.constant 0 : i32
        %dma_wait3A_241 = tpu.memref_slice %arg6[%dma_wait3A_231, %dma_wait3A_232, %dma_wait3A_233, %dma_wait3A_239, %dma_wait3A_240] : memref<200x8x32x8x128xf32, #tpu.memory_space<hbm>> -> memref<1x1x1x8x128xf32, #tpu.memory_space<hbm>>
        %dma_wait3A_242 = tpu.memref_squeeze %dma_wait3A_241 : memref<1x1x1x8x128xf32, #tpu.memory_space<hbm>> -> memref<8x128xf32, #tpu.memory_space<hbm>>
        %dma_wait3A_243 = tpu.memref_slice %arg15[%dma_wait3A_234] : memref<2x!tpu.dma_semaphore, #tpu.memory_space<semaphore_mem>> -> memref<1x!tpu.dma_semaphore, #tpu.memory_space<semaphore_mem>>
        %dma_wait3A_244 = tpu.memref_squeeze %dma_wait3A_243 : memref<1x!tpu.dma_semaphore, #tpu.memory_space<semaphore_mem>> -> memref<!tpu.dma_semaphore, #tpu.memory_space<semaphore_mem>>
        %dma_wait3A_245 = arith.constant 0 : i32
        %dma_wait3A_246 = arith.constant 0 : i32
        %dma_wait3A_247 = tpu.memref_slice %arg6[%dma_wait3A_231, %dma_wait3A_232, %dma_wait3A_233, %dma_wait3A_245, %dma_wait3A_246] : memref<200x8x32x8x128xf32, #tpu.memory_space<hbm>> -> memref<1x1x1x8x128xf32, #tpu.memory_space<hbm>>
        %dma_wait3A_248 = tpu.memref_squeeze %dma_wait3A_247 : memref<1x1x1x8x128xf32, #tpu.memory_space<hbm>> -> memref<8x128xf32, #tpu.memory_space<hbm>>
        %dma_wait3A_249 = arith.constant 32 : i32
        %dma_wait3A_250 = arith.constant 0 : i32
        %dma_wait3A_251 = tpu.memref_slice %arg12[%dma_wait3A_230, %dma_wait3A_249, %dma_wait3A_250] : memref<2x64x128xf32, #tpu.memory_space<vmem>> -> memref<1x8x128xf32, #tpu.memory_space<vmem>>
        %dma_wait3A_252 = tpu.memref_squeeze %dma_wait3A_251 : memref<1x8x128xf32, #tpu.memory_space<vmem>> -> memref<8x128xf32, #tpu.memory_space<vmem>>
        tpu.wait_dma2 semaphore(%dma_wait3A_244 : memref<!tpu.dma_semaphore, #tpu.memory_space<semaphore_mem>>) src(%dma_wait3A_252 : memref<8x128xf32, #tpu.memory_space<vmem>>) dst(%dma_wait3A_248 : memref<8x128xf32, #tpu.memory_space<hbm>>)
        %dma_wait3A_253 = arith.constant 0 : i32
        %dma_wait3A_254 = arith.constant 0 : i32
        %dma_wait3A_255 = arith.constant 5 : i32
        %dma_wait3A_256 = arith.constant 0 : i32
        %dma_wait3A_257 = arith.constant 0 : i32
        %dma_wait3A_258 = arith.constant 40 : i32
        %dma_wait3A_259 = arith.constant 0 : i32
        %dma_wait3A_260 = tpu.memref_slice %arg12[%dma_wait3A_253, %dma_wait3A_258, %dma_wait3A_259] : memref<2x64x128xf32, #tpu.memory_space<vmem>> -> memref<1x8x128xf32, #tpu.memory_space<vmem>>
        %dma_wait3A_261 = tpu.memref_squeeze %dma_wait3A_260 : memref<1x8x128xf32, #tpu.memory_space<vmem>> -> memref<8x128xf32, #tpu.memory_space<vmem>>
        %dma_wait3A_262 = arith.constant 0 : i32
        %dma_wait3A_263 = arith.constant 0 : i32
        %dma_wait3A_264 = tpu.memref_slice %arg6[%dma_wait3A_254, %dma_wait3A_255, %dma_wait3A_256, %dma_wait3A_262, %dma_wait3A_263] : memref<200x8x32x8x128xf32, #tpu.memory_space<hbm>> -> memref<1x1x1x8x128xf32, #tpu.memory_space<hbm>>
        %dma_wait3A_265 = tpu.memref_squeeze %dma_wait3A_264 : memref<1x1x1x8x128xf32, #tpu.memory_space<hbm>> -> memref<8x128xf32, #tpu.memory_space<hbm>>
        %dma_wait3A_266 = tpu.memref_slice %arg15[%dma_wait3A_257] : memref<2x!tpu.dma_semaphore, #tpu.memory_space<semaphore_mem>> -> memref<1x!tpu.dma_semaphore, #tpu.memory_space<semaphore_mem>>
        %dma_wait3A_267 = tpu.memref_squeeze %dma_wait3A_266 : memref<1x!tpu.dma_semaphore, #tpu.memory_space<semaphore_mem>> -> memref<!tpu.dma_semaphore, #tpu.memory_space<semaphore_mem>>
        %dma_wait3A_268 = arith.constant 0 : i32
        %dma_wait3A_269 = arith.constant 0 : i32
        %dma_wait3A_270 = tpu.memref_slice %arg6[%dma_wait3A_254, %dma_wait3A_255, %dma_wait3A_256, %dma_wait3A_268, %dma_wait3A_269] : memref<200x8x32x8x128xf32, #tpu.memory_space<hbm>> -> memref<1x1x1x8x128xf32, #tpu.memory_space<hbm>>
        %dma_wait3A_271 = tpu.memref_squeeze %dma_wait3A_270 : memref<1x1x1x8x128xf32, #tpu.memory_space<hbm>> -> memref<8x128xf32, #tpu.memory_space<hbm>>
        %dma_wait3A_272 = arith.constant 40 : i32
        %dma_wait3A_273 = arith.constant 0 : i32
        %dma_wait3A_274 = tpu.memref_slice %arg12[%dma_wait3A_253, %dma_wait3A_272, %dma_wait3A_273] : memref<2x64x128xf32, #tpu.memory_space<vmem>> -> memref<1x8x128xf32, #tpu.memory_space<vmem>>
        %dma_wait3A_275 = tpu.memref_squeeze %dma_wait3A_274 : memref<1x8x128xf32, #tpu.memory_space<vmem>> -> memref<8x128xf32, #tpu.memory_space<vmem>>
        tpu.wait_dma2 semaphore(%dma_wait3A_267 : memref<!tpu.dma_semaphore, #tpu.memory_space<semaphore_mem>>) src(%dma_wait3A_275 : memref<8x128xf32, #tpu.memory_space<vmem>>) dst(%dma_wait3A_271 : memref<8x128xf32, #tpu.memory_space<hbm>>)
        %dma_wait3A_276 = arith.constant 0 : i32
        %dma_wait3A_277 = arith.constant 0 : i32
        %dma_wait3A_278 = arith.constant 6 : i32
        %dma_wait3A_279 = arith.constant 0 : i32
        %dma_wait3A_280 = arith.constant 0 : i32
        %dma_wait3A_281 = arith.constant 48 : i32
        %dma_wait3A_282 = arith.constant 0 : i32
        %dma_wait3A_283 = tpu.memref_slice %arg12[%dma_wait3A_276, %dma_wait3A_281, %dma_wait3A_282] : memref<2x64x128xf32, #tpu.memory_space<vmem>> -> memref<1x8x128xf32, #tpu.memory_space<vmem>>
        %dma_wait3A_284 = tpu.memref_squeeze %dma_wait3A_283 : memref<1x8x128xf32, #tpu.memory_space<vmem>> -> memref<8x128xf32, #tpu.memory_space<vmem>>
        %dma_wait3A_285 = arith.constant 0 : i32
        %dma_wait3A_286 = arith.constant 0 : i32
        %dma_wait3A_287 = tpu.memref_slice %arg6[%dma_wait3A_277, %dma_wait3A_278, %dma_wait3A_279, %dma_wait3A_285, %dma_wait3A_286] : memref<200x8x32x8x128xf32, #tpu.memory_space<hbm>> -> memref<1x1x1x8x128xf32, #tpu.memory_space<hbm>>
        %dma_wait3A_288 = tpu.memref_squeeze %dma_wait3A_287 : memref<1x1x1x8x128xf32, #tpu.memory_space<hbm>> -> memref<8x128xf32, #tpu.memory_space<hbm>>
        %dma_wait3A_289 = tpu.memref_slice %arg15[%dma_wait3A_280] : memref<2x!tpu.dma_semaphore, #tpu.memory_space<semaphore_mem>> -> memref<1x!tpu.dma_semaphore, #tpu.memory_space<semaphore_mem>>
        %dma_wait3A_290 = tpu.memref_squeeze %dma_wait3A_289 : memref<1x!tpu.dma_semaphore, #tpu.memory_space<semaphore_mem>> -> memref<!tpu.dma_semaphore, #tpu.memory_space<semaphore_mem>>
        %dma_wait3A_291 = arith.constant 0 : i32
        %dma_wait3A_292 = arith.constant 0 : i32
        %dma_wait3A_293 = tpu.memref_slice %arg6[%dma_wait3A_277, %dma_wait3A_278, %dma_wait3A_279, %dma_wait3A_291, %dma_wait3A_292] : memref<200x8x32x8x128xf32, #tpu.memory_space<hbm>> -> memref<1x1x1x8x128xf32, #tpu.memory_space<hbm>>
        %dma_wait3A_294 = tpu.memref_squeeze %dma_wait3A_293 : memref<1x1x1x8x128xf32, #tpu.memory_space<hbm>> -> memref<8x128xf32, #tpu.memory_space<hbm>>
        %dma_wait3A_295 = arith.constant 48 : i32
        %dma_wait3A_296 = arith.constant 0 : i32
        %dma_wait3A_297 = tpu.memref_slice %arg12[%dma_wait3A_276, %dma_wait3A_295, %dma_wait3A_296] : memref<2x64x128xf32, #tpu.memory_space<vmem>> -> memref<1x8x128xf32, #tpu.memory_space<vmem>>
        %dma_wait3A_298 = tpu.memref_squeeze %dma_wait3A_297 : memref<1x8x128xf32, #tpu.memory_space<vmem>> -> memref<8x128xf32, #tpu.memory_space<vmem>>
        tpu.wait_dma2 semaphore(%dma_wait3A_290 : memref<!tpu.dma_semaphore, #tpu.memory_space<semaphore_mem>>) src(%dma_wait3A_298 : memref<8x128xf32, #tpu.memory_space<vmem>>) dst(%dma_wait3A_294 : memref<8x128xf32, #tpu.memory_space<hbm>>)
        %dma_wait3A_299 = arith.constant 0 : i32
        %dma_wait3A_300 = arith.constant 0 : i32
        %dma_wait3A_301 = arith.constant 7 : i32
        %dma_wait3A_302 = arith.constant 0 : i32
        %dma_wait3A_303 = arith.constant 0 : i32
        %dma_wait3A_304 = arith.constant 56 : i32
        %dma_wait3A_305 = arith.constant 0 : i32
        %dma_wait3A_306 = tpu.memref_slice %arg12[%dma_wait3A_299, %dma_wait3A_304, %dma_wait3A_305] : memref<2x64x128xf32, #tpu.memory_space<vmem>> -> memref<1x8x128xf32, #tpu.memory_space<vmem>>
        %dma_wait3A_307 = tpu.memref_squeeze %dma_wait3A_306 : memref<1x8x128xf32, #tpu.memory_space<vmem>> -> memref<8x128xf32, #tpu.memory_space<vmem>>
        %dma_wait3A_308 = arith.constant 0 : i32
        %dma_wait3A_309 = arith.constant 0 : i32
        %dma_wait3A_310 = tpu.memref_slice %arg6[%dma_wait3A_300, %dma_wait3A_301, %dma_wait3A_302, %dma_wait3A_308, %dma_wait3A_309] : memref<200x8x32x8x128xf32, #tpu.memory_space<hbm>> -> memref<1x1x1x8x128xf32, #tpu.memory_space<hbm>>
        %dma_wait3A_311 = tpu.memref_squeeze %dma_wait3A_310 : memref<1x1x1x8x128xf32, #tpu.memory_space<hbm>> -> memref<8x128xf32, #tpu.memory_space<hbm>>
        %dma_wait3A_312 = tpu.memref_slice %arg15[%dma_wait3A_303] : memref<2x!tpu.dma_semaphore, #tpu.memory_space<semaphore_mem>> -> memref<1x!tpu.dma_semaphore, #tpu.memory_space<semaphore_mem>>
        %dma_wait3A_313 = tpu.memref_squeeze %dma_wait3A_312 : memref<1x!tpu.dma_semaphore, #tpu.memory_space<semaphore_mem>> -> memref<!tpu.dma_semaphore, #tpu.memory_space<semaphore_mem>>
        %dma_wait3A_314 = arith.constant 0 : i32
        %dma_wait3A_315 = arith.constant 0 : i32
        %dma_wait3A_316 = tpu.memref_slice %arg6[%dma_wait3A_300, %dma_wait3A_301, %dma_wait3A_302, %dma_wait3A_314, %dma_wait3A_315] : memref<200x8x32x8x128xf32, #tpu.memory_space<hbm>> -> memref<1x1x1x8x128xf32, #tpu.memory_space<hbm>>
        %dma_wait3A_317 = tpu.memref_squeeze %dma_wait3A_316 : memref<1x1x1x8x128xf32, #tpu.memory_space<hbm>> -> memref<8x128xf32, #tpu.memory_space<hbm>>
        %dma_wait3A_318 = arith.constant 56 : i32
        %dma_wait3A_319 = arith.constant 0 : i32
        %dma_wait3A_320 = tpu.memref_slice %arg12[%dma_wait3A_299, %dma_wait3A_318, %dma_wait3A_319] : memref<2x64x128xf32, #tpu.memory_space<vmem>> -> memref<1x8x128xf32, #tpu.memory_space<vmem>>
        %dma_wait3A_321 = tpu.memref_squeeze %dma_wait3A_320 : memref<1x8x128xf32, #tpu.memory_space<vmem>> -> memref<8x128xf32, #tpu.memory_space<vmem>>
        tpu.wait_dma2 semaphore(%dma_wait3A_313 : memref<!tpu.dma_semaphore, #tpu.memory_space<semaphore_mem>>) src(%dma_wait3A_321 : memref<8x128xf32, #tpu.memory_space<vmem>>) dst(%dma_wait3A_317 : memref<8x128xf32, #tpu.memory_space<hbm>>)
      } else {
      }
      %lt3A_85 = arith.constant 200 : i32
      %lt3A_86 = arith.cmpi slt, %mul3A_71, %lt3A_85 : i32
      %convert_element_type3A_87 = arith.extui %lt3A_86 : i1 to i32
      %cond3A_88 = arith.constant 0 : i32
      %cond3A_89 = arith.cmpi ne, %convert_element_type3A_87, %cond3A_88 : i32
      scf.if %cond3A_89 {
        %dma_wait3A_138 = arith.constant 0 : i32
        %dma_wait3A_139 = arith.constant 0 : i32
        %dma_wait3A_140 = arith.constant 0 : i32
        %dma_wait3A_141 = arith.constant 0 : i32
        %dma_wait3A_142 = arith.constant 0 : i32
        %dma_wait3A_143 = tpu.memref_slice %arg11[%dma_wait3A_139, %dma_wait3A_141, %dma_wait3A_142] : memref<2x128x64xf32, #tpu.memory_space<vmem>> -> memref<1x128x64xf32, #tpu.memory_space<vmem>>
        %dma_wait3A_144 = tpu.memref_squeeze %dma_wait3A_143 : memref<1x128x64xf32, #tpu.memory_space<vmem>> -> memref<128x64xf32, #tpu.memory_space<vmem>>
        %dma_wait3A_145 = arith.constant 0 : i32
        %dma_wait3A_146 = tpu.memref_slice %arg8[%dma_wait3A_138, %dma_wait3A_145] : memref<200x128xi32, #tpu.memory_space<vmem>> -> memref<1x128xi32, #tpu.memory_space<vmem>>
        %dma_wait3A_147 = tpu.memref_squeeze %dma_wait3A_146 : memref<1x128xi32, #tpu.memory_space<vmem>> -> memref<128xi32, #tpu.memory_space<vmem>>
        %dma_wait3A_148 = arith.constant 0 : i32
        %dma_wait3A_149 = arith.constant 0 : i32
        %dma_wait3A_150 = tpu.memref_slice %arg10[%dma_wait3A_148, %dma_wait3A_149] : memref<200x64xf32, #tpu.memory_space<vmem_shared>> -> memref<200x64xf32, #tpu.memory_space<vmem_shared>>
        %dma_wait3A_151 = tpu.memref_slice %arg14[%dma_wait3A_140] : memref<2x!tpu.dma_semaphore, #tpu.memory_space<semaphore_mem>> -> memref<1x!tpu.dma_semaphore, #tpu.memory_space<semaphore_mem>>
        %dma_wait3A_152 = tpu.memref_squeeze %dma_wait3A_151 : memref<1x!tpu.dma_semaphore, #tpu.memory_space<semaphore_mem>> -> memref<!tpu.dma_semaphore, #tpu.memory_space<semaphore_mem>>
        tpu.wait_indirect_dma semaphore(%dma_wait3A_152 : memref<!tpu.dma_semaphore, #tpu.memory_space<semaphore_mem>>) src(%dma_wait3A_150 : memref<200x64xf32, #tpu.memory_space<vmem_shared>>) dst(%dma_wait3A_144 : memref<128x64xf32, #tpu.memory_space<vmem>>)
      } else {
      }
      %lt3A_90 = arith.constant 200 : i32
      %lt3A_91 = arith.cmpi slt, %mul3A_71, %lt3A_90 : i32
      %convert_element_type3A_92 = arith.extui %lt3A_91 : i1 to i32
      %cond3A_93 = arith.constant 0 : i32
      %cond3A_94 = arith.cmpi ne, %convert_element_type3A_92, %cond3A_93 : i32
      scf.if %cond3A_94 {
        %add3A_138 = arith.constant 0 : i32
        %add3A_139 = vector.broadcast %add3A_138 : i32 to vector<16xi32>
        %add3A_140 = arith.addi %iota3A, %add3A_139 : vector<16xi32>
        %scan3A_141 = arith.constant 0 : i32
        %scan3A_142 = arith.constant 0 : i32
        %scan3A_143 = arith.constant 16 : i32
        %scan3A_144 = arith.addi %scan3A_142, %scan3A_143 : i32
        %scan3A_145 = arith.constant 2 : i32
        scf.for %scan3A_378 = %scan3A_142 to %scan3A_144 step %scan3A_145  : i32 {
          %broadcast_in_dim3A = vector.broadcast %scan3A_378 : i32 to vector<16xi32>
          %xor3A = arith.xori %broadcast_in_dim3A, %iota3A : vector<16xi32>
          %add3A_379 = arith.constant 0 : i32
          %add3A_380 = vector.broadcast %add3A_379 : i32 to vector<16xi32>
          %add3A_381 = arith.addi %xor3A, %add3A_380 : vector<16xi32>
          %gather3A = arith.constant 0 : i32
          %gather3A_382 = arith.constant 0 : i32
          %gather3A_383 = arith.constant 0 : i32
          %gather3A_384 = tpu.memref_slice %arg11[%gather3A, %gather3A_382, %gather3A_383] : memref<2x128x64xf32, #tpu.memory_space<vmem>> -> memref<1x128x64xf32, #tpu.memory_space<vmem>>
          %gather3A_385 = tpu.memref_squeeze %gather3A_384 : memref<1x128x64xf32, #tpu.memory_space<vmem>> -> memref<128x64xf32, #tpu.memory_space<vmem>>
          %gather3A_386 = tpu.vector_load_idx %gather3A_385[%add3A_140, %add3A_381] : memref<128x64xf32, #tpu.memory_space<vmem>>[vector<16xi32>, vector<16xi32>], vector<16xf32>,
          %add3A_387 = arith.constant 16 : i32
          %add3A_388 = vector.broadcast %add3A_387 : i32 to vector<16xi32>
          %add3A_389 = arith.addi %xor3A, %add3A_388 : vector<16xi32>
          %gather3A_390 = arith.constant 0 : i32
          %gather3A_391 = arith.constant 0 : i32
          %gather3A_392 = arith.constant 0 : i32
          %gather3A_393 = tpu.memref_slice %arg11[%gather3A_390, %gather3A_391, %gather3A_392] : memref<2x128x64xf32, #tpu.memory_space<vmem>> -> memref<1x128x64xf32, #tpu.memory_space<vmem>>
          %gather3A_394 = tpu.memref_squeeze %gather3A_393 : memref<1x128x64xf32, #tpu.memory_space<vmem>> -> memref<128x64xf32, #tpu.memory_space<vmem>>
          %gather3A_395 = tpu.vector_load_idx %gather3A_394[%add3A_140, %add3A_389] : memref<128x64xf32, #tpu.memory_space<vmem>>[vector<16xi32>, vector<16xi32>], vector<16xf32>,
          %add3A_396 = arith.constant 32 : i32
          %add3A_397 = vector.broadcast %add3A_396 : i32 to vector<16xi32>
          %add3A_398 = arith.addi %xor3A, %add3A_397 : vector<16xi32>
          %gather3A_399 = arith.constant 0 : i32
          %gather3A_400 = arith.constant 0 : i32
          %gather3A_401 = arith.constant 0 : i32
          %gather3A_402 = tpu.memref_slice %arg11[%gather3A_399, %gather3A_400, %gather3A_401] : memref<2x128x64xf32, #tpu.memory_space<vmem>> -> memref<1x128x64xf32, #tpu.memory_space<vmem>>
          %gather3A_403 = tpu.memref_squeeze %gather3A_402 : memref<1x128x64xf32, #tpu.memory_space<vmem>> -> memref<128x64xf32, #tpu.memory_space<vmem>>
          %gather3A_404 = tpu.vector_load_idx %gather3A_403[%add3A_140, %add3A_398] : memref<128x64xf32, #tpu.memory_space<vmem>>[vector<16xi32>, vector<16xi32>], vector<16xf32>,
          %add3A_405 = arith.constant 48 : i32
          %add3A_406 = vector.broadcast %add3A_405 : i32 to vector<16xi32>
          %add3A_407 = arith.addi %xor3A, %add3A_406 : vector<16xi32>
          %gather3A_408 = arith.constant 0 : i32
          %gather3A_409 = arith.constant 0 : i32
          %gather3A_410 = arith.constant 0 : i32
          %gather3A_411 = tpu.memref_slice %arg11[%gather3A_408, %gather3A_409, %gather3A_410] : memref<2x128x64xf32, #tpu.memory_space<vmem>> -> memref<1x128x64xf32, #tpu.memory_space<vmem>>
          %gather3A_412 = tpu.memref_squeeze %gather3A_411 : memref<1x128x64xf32, #tpu.memory_space<vmem>> -> memref<128x64xf32, #tpu.memory_space<vmem>>
          %gather3A_413 = tpu.vector_load_idx %gather3A_412[%add3A_140, %add3A_407] : memref<128x64xf32, #tpu.memory_space<vmem>>[vector<16xi32>, vector<16xi32>], vector<16xf32>,
          %scatter3A = arith.constant 0 : i32
          %scatter3A_414 = arith.constant 0 : i32
          %scatter3A_415 = arith.constant 0 : i32
          %scatter3A_416 = tpu.memref_slice %arg12[%scatter3A, %scatter3A_414, %scatter3A_415] : memref<2x64x128xf32, #tpu.memory_space<vmem>> -> memref<1x64x128xf32, #tpu.memory_space<vmem>>
          %scatter3A_417 = tpu.memref_squeeze %scatter3A_416 : memref<1x64x128xf32, #tpu.memory_space<vmem>> -> memref<64x128xf32, #tpu.memory_space<vmem>>
          tpu.vector_store_idx %scatter3A_417[%add3A_381, %add3A_140], %gather3A_386 : memref<64x128xf32, #tpu.memory_space<vmem>>[vector<16xi32>, vector<16xi32>], vector<16xf32>,
          %scatter3A_418 = arith.constant 0 : i32
          %scatter3A_419 = arith.constant 0 : i32
          %scatter3A_420 = arith.constant 0 : i32
          %scatter3A_421 = tpu.memref_slice %arg12[%scatter3A_418, %scatter3A_419, %scatter3A_420] : memref<2x64x128xf32, #tpu.memory_space<vmem>> -> memref<1x64x128xf32, #tpu.memory_space<vmem>>
          %scatter3A_422 = tpu.memref_squeeze %scatter3A_421 : memref<1x64x128xf32, #tpu.memory_space<vmem>> -> memref<64x128xf32, #tpu.memory_space<vmem>>
          tpu.vector_store_idx %scatter3A_422[%add3A_389, %add3A_140], %gather3A_395 : memref<64x128xf32, #tpu.memory_space<vmem>>[vector<16xi32>, vector<16xi32>], vector<16xf32>,
          %scatter3A_423 = arith.constant 0 : i32
          %scatter3A_424 = arith.constant 0 : i32
          %scatter3A_425 = arith.constant 0 : i32
          %scatter3A_426 = tpu.memref_slice %arg12[%scatter3A_423, %scatter3A_424, %scatter3A_425] : memref<2x64x128xf32, #tpu.memory_space<vmem>> -> memref<1x64x128xf32, #tpu.memory_space<vmem>>
          %scatter3A_427 = tpu.memref_squeeze %scatter3A_426 : memref<1x64x128xf32, #tpu.memory_space<vmem>> -> memref<64x128xf32, #tpu.memory_space<vmem>>
          tpu.vector_store_idx %scatter3A_427[%add3A_398, %add3A_140], %gather3A_404 : memref<64x128xf32, #tpu.memory_space<vmem>>[vector<16xi32>, vector<16xi32>], vector<16xf32>,
          %scatter3A_428 = arith.constant 0 : i32
          %scatter3A_429 = arith.constant 0 : i32
          %scatter3A_430 = arith.constant 0 : i32
          %scatter3A_431 = tpu.memref_slice %arg12[%scatter3A_428, %scatter3A_429, %scatter3A_430] : memref<2x64x128xf32, #tpu.memory_space<vmem>> -> memref<1x64x128xf32, #tpu.memory_space<vmem>>
          %scatter3A_432 = tpu.memref_squeeze %scatter3A_431 : memref<1x64x128xf32, #tpu.memory_space<vmem>> -> memref<64x128xf32, #tpu.memory_space<vmem>>
          tpu.vector_store_idx %scatter3A_432[%add3A_407, %add3A_140], %gather3A_413 : memref<64x128xf32, #tpu.memory_space<vmem>>[vector<16xi32>, vector<16xi32>], vector<16xf32>,
          %scan3A_433 = arith.constant 1 : i32
          %scan3A_434 = arith.addi %scan3A_378, %scan3A_433 : i32
          %broadcast_in_dim3A_435 = vector.broadcast %scan3A_434 : i32 to vector<16xi32>
          %xor3A_436 = arith.xori %broadcast_in_dim3A_435, %iota3A : vector<16xi32>
          %add3A_437 = arith.constant 0 : i32
          %add3A_438 = vector.broadcast %add3A_437 : i32 to vector<16xi32>
          %add3A_439 = arith.addi %xor3A_436, %add3A_438 : vector<16xi32>
          %gather3A_440 = arith.constant 0 : i32
          %gather3A_441 = arith.constant 0 : i32
          %gather3A_442 = arith.constant 0 : i32
          %gather3A_443 = tpu.memref_slice %arg11[%gather3A_440, %gather3A_441, %gather3A_442] : memref<2x128x64xf32, #tpu.memory_space<vmem>> -> memref<1x128x64xf32, #tpu.memory_space<vmem>>
          %gather3A_444 = tpu.memref_squeeze %gather3A_443 : memref<1x128x64xf32, #tpu.memory_space<vmem>> -> memref<128x64xf32, #tpu.memory_space<vmem>>
          %gather3A_445 = tpu.vector_load_idx %gather3A_444[%add3A_140, %add3A_439] : memref<128x64xf32, #tpu.memory_space<vmem>>[vector<16xi32>, vector<16xi32>], vector<16xf32>,
          %add3A_446 = arith.constant 16 : i32
          %add3A_447 = vector.broadcast %add3A_446 : i32 to vector<16xi32>
          %add3A_448 = arith.addi %xor3A_436, %add3A_447 : vector<16xi32>
          %gather3A_449 = arith.constant 0 : i32
          %gather3A_450 = arith.constant 0 : i32
          %gather3A_451 = arith.constant 0 : i32
          %gather3A_452 = tpu.memref_slice %arg11[%gather3A_449, %gather3A_450, %gather3A_451] : memref<2x128x64xf32, #tpu.memory_space<vmem>> -> memref<1x128x64xf32, #tpu.memory_space<vmem>>
          %gather3A_453 = tpu.memref_squeeze %gather3A_452 : memref<1x128x64xf32, #tpu.memory_space<vmem>> -> memref<128x64xf32, #tpu.memory_space<vmem>>
          %gather3A_454 = tpu.vector_load_idx %gather3A_453[%add3A_140, %add3A_448] : memref<128x64xf32, #tpu.memory_space<vmem>>[vector<16xi32>, vector<16xi32>], vector<16xf32>,
          %add3A_455 = arith.constant 32 : i32
          %add3A_456 = vector.broadcast %add3A_455 : i32 to vector<16xi32>
          %add3A_457 = arith.addi %xor3A_436, %add3A_456 : vector<16xi32>
          %gather3A_458 = arith.constant 0 : i32
          %gather3A_459 = arith.constant 0 : i32
          %gather3A_460 = arith.constant 0 : i32
          %gather3A_461 = tpu.memref_slice %arg11[%gather3A_458, %gather3A_459, %gather3A_460] : memref<2x128x64xf32, #tpu.memory_space<vmem>> -> memref<1x128x64xf32, #tpu.memory_space<vmem>>
          %gather3A_462 = tpu.memref_squeeze %gather3A_461 : memref<1x128x64xf32, #tpu.memory_space<vmem>> -> memref<128x64xf32, #tpu.memory_space<vmem>>
          %gather3A_463 = tpu.vector_load_idx %gather3A_462[%add3A_140, %add3A_457] : memref<128x64xf32, #tpu.memory_space<vmem>>[vector<16xi32>, vector<16xi32>], vector<16xf32>,
          %add3A_464 = arith.constant 48 : i32
          %add3A_465 = vector.broadcast %add3A_464 : i32 to vector<16xi32>
          %add3A_466 = arith.addi %xor3A_436, %add3A_465 : vector<16xi32>
          %gather3A_467 = arith.constant 0 : i32
          %gather3A_468 = arith.constant 0 : i32
          %gather3A_469 = arith.constant 0 : i32
          %gather3A_470 = tpu.memref_slice %arg11[%gather3A_467, %gather3A_468, %gather3A_469] : memref<2x128x64xf32, #tpu.memory_space<vmem>> -> memref<1x128x64xf32, #tpu.memory_space<vmem>>
          %gather3A_471 = tpu.memref_squeeze %gather3A_470 : memref<1x128x64xf32, #tpu.memory_space<vmem>> -> memref<128x64xf32, #tpu.memory_space<vmem>>
          %gather3A_472 = tpu.vector_load_idx %gather3A_471[%add3A_140, %add3A_466] : memref<128x64xf32, #tpu.memory_space<vmem>>[vector<16xi32>, vector<16xi32>], vector<16xf32>,
          %scatter3A_473 = arith.constant 0 : i32
          %scatter3A_474 = arith.constant 0 : i32
          %scatter3A_475 = arith.constant 0 : i32
          %scatter3A_476 = tpu.memref_slice %arg12[%scatter3A_473, %scatter3A_474, %scatter3A_475] : memref<2x64x128xf32, #tpu.memory_space<vmem>> -> memref<1x64x128xf32, #tpu.memory_space<vmem>>
          %scatter3A_477 = tpu.memref_squeeze %scatter3A_476 : memref<1x64x128xf32, #tpu.memory_space<vmem>> -> memref<64x128xf32, #tpu.memory_space<vmem>>
          tpu.vector_store_idx %scatter3A_477[%add3A_439, %add3A_140], %gather3A_445 : memref<64x128xf32, #tpu.memory_space<vmem>>[vector<16xi32>, vector<16xi32>], vector<16xf32>,
          %scatter3A_478 = arith.constant 0 : i32
          %scatter3A_479 = arith.constant 0 : i32
          %scatter3A_480 = arith.constant 0 : i32
          %scatter3A_481 = tpu.memref_slice %arg12[%scatter3A_478, %scatter3A_479, %scatter3A_480] : memref<2x64x128xf32, #tpu.memory_space<vmem>> -> memref<1x64x128xf32, #tpu.memory_space<vmem>>
          %scatter3A_482 = tpu.memref_squeeze %scatter3A_481 : memref<1x64x128xf32, #tpu.memory_space<vmem>> -> memref<64x128xf32, #tpu.memory_space<vmem>>
          tpu.vector_store_idx %scatter3A_482[%add3A_448, %add3A_140], %gather3A_454 : memref<64x128xf32, #tpu.memory_space<vmem>>[vector<16xi32>, vector<16xi32>], vector<16xf32>,
          %scatter3A_483 = arith.constant 0 : i32
          %scatter3A_484 = arith.constant 0 : i32
          %scatter3A_485 = arith.constant 0 : i32
          %scatter3A_486 = tpu.memref_slice %arg12[%scatter3A_483, %scatter3A_484, %scatter3A_485] : memref<2x64x128xf32, #tpu.memory_space<vmem>> -> memref<1x64x128xf32, #tpu.memory_space<vmem>>
          %scatter3A_487 = tpu.memref_squeeze %scatter3A_486 : memref<1x64x128xf32, #tpu.memory_space<vmem>> -> memref<64x128xf32, #tpu.memory_space<vmem>>
          tpu.vector_store_idx %scatter3A_487[%add3A_457, %add3A_140], %gather3A_463 : memref<64x128xf32, #tpu.memory_space<vmem>>[vector<16xi32>, vector<16xi32>], vector<16xf32>,
          %scatter3A_488 = arith.constant 0 : i32
          %scatter3A_489 = arith.constant 0 : i32
          %scatter3A_490 = arith.constant 0 : i32
          %scatter3A_491 = tpu.memref_slice %arg12[%scatter3A_488, %scatter3A_489, %scatter3A_490] : memref<2x64x128xf32, #tpu.memory_space<vmem>> -> memref<1x64x128xf32, #tpu.memory_space<vmem>>
          %scatter3A_492 = tpu.memref_squeeze %scatter3A_491 : memref<1x64x128xf32, #tpu.memory_space<vmem>> -> memref<64x128xf32, #tpu.memory_space<vmem>>
          tpu.vector_store_idx %scatter3A_492[%add3A_466, %add3A_140], %gather3A_472 : memref<64x128xf32, #tpu.memory_space<vmem>>[vector<16xi32>, vector<16xi32>], vector<16xf32>,
        }
        %scan3A_146 = arith.constant 16 : i32
        %add3A_147 = arith.constant 16 : i32
        %add3A_148 = vector.broadcast %add3A_147 : i32 to vector<16xi32>
        %add3A_149 = arith.addi %iota3A, %add3A_148 : vector<16xi32>
        %scan3A_150 = arith.constant 0 : i32
        %scan3A_151 = arith.constant 0 : i32
        %scan3A_152 = arith.constant 16 : i32
        %scan3A_153 = arith.addi %scan3A_151, %scan3A_152 : i32
        %scan3A_154 = arith.constant 2 : i32
        scf.for %scan3A_378 = %scan3A_151 to %scan3A_153 step %scan3A_154  : i32 {
          %broadcast_in_dim3A = vector.broadcast %scan3A_378 : i32 to vector<16xi32>
          %xor3A = arith.xori %broadcast_in_dim3A, %iota3A : vector<16xi32>
          %add3A_379 = arith.constant 0 : i32
          %add3A_380 = vector.broadcast %add3A_379 : i32 to vector<16xi32>
          %add3A_381 = arith.addi %xor3A, %add3A_380 : vector<16xi32>
          %gather3A = arith.constant 0 : i32
          %gather3A_382 = arith.constant 0 : i32
          %gather3A_383 = arith.constant 0 : i32
          %gather3A_384 = tpu.memref_slice %arg11[%gather3A, %gather3A_382, %gather3A_383] : memref<2x128x64xf32, #tpu.memory_space<vmem>> -> memref<1x128x64xf32, #tpu.memory_space<vmem>>
          %gather3A_385 = tpu.memref_squeeze %gather3A_384 : memref<1x128x64xf32, #tpu.memory_space<vmem>> -> memref<128x64xf32, #tpu.memory_space<vmem>>
          %gather3A_386 = tpu.vector_load_idx %gather3A_385[%add3A_149, %add3A_381] : memref<128x64xf32, #tpu.memory_space<vmem>>[vector<16xi32>, vector<16xi32>], vector<16xf32>,
          %add3A_387 = arith.constant 16 : i32
          %add3A_388 = vector.broadcast %add3A_387 : i32 to vector<16xi32>
          %add3A_389 = arith.addi %xor3A, %add3A_388 : vector<16xi32>
          %gather3A_390 = arith.constant 0 : i32
          %gather3A_391 = arith.constant 0 : i32
          %gather3A_392 = arith.constant 0 : i32
          %gather3A_393 = tpu.memref_slice %arg11[%gather3A_390, %gather3A_391, %gather3A_392] : memref<2x128x64xf32, #tpu.memory_space<vmem>> -> memref<1x128x64xf32, #tpu.memory_space<vmem>>
          %gather3A_394 = tpu.memref_squeeze %gather3A_393 : memref<1x128x64xf32, #tpu.memory_space<vmem>> -> memref<128x64xf32, #tpu.memory_space<vmem>>
          %gather3A_395 = tpu.vector_load_idx %gather3A_394[%add3A_149, %add3A_389] : memref<128x64xf32, #tpu.memory_space<vmem>>[vector<16xi32>, vector<16xi32>], vector<16xf32>,
          %add3A_396 = arith.constant 32 : i32
          %add3A_397 = vector.broadcast %add3A_396 : i32 to vector<16xi32>
          %add3A_398 = arith.addi %xor3A, %add3A_397 : vector<16xi32>
          %gather3A_399 = arith.constant 0 : i32
          %gather3A_400 = arith.constant 0 : i32
          %gather3A_401 = arith.constant 0 : i32
          %gather3A_402 = tpu.memref_slice %arg11[%gather3A_399, %gather3A_400, %gather3A_401] : memref<2x128x64xf32, #tpu.memory_space<vmem>> -> memref<1x128x64xf32, #tpu.memory_space<vmem>>
          %gather3A_403 = tpu.memref_squeeze %gather3A_402 : memref<1x128x64xf32, #tpu.memory_space<vmem>> -> memref<128x64xf32, #tpu.memory_space<vmem>>
          %gather3A_404 = tpu.vector_load_idx %gather3A_403[%add3A_149, %add3A_398] : memref<128x64xf32, #tpu.memory_space<vmem>>[vector<16xi32>, vector<16xi32>], vector<16xf32>,
          %add3A_405 = arith.constant 48 : i32
          %add3A_406 = vector.broadcast %add3A_405 : i32 to vector<16xi32>
          %add3A_407 = arith.addi %xor3A, %add3A_406 : vector<16xi32>
          %gather3A_408 = arith.constant 0 : i32
          %gather3A_409 = arith.constant 0 : i32
          %gather3A_410 = arith.constant 0 : i32
          %gather3A_411 = tpu.memref_slice %arg11[%gather3A_408, %gather3A_409, %gather3A_410] : memref<2x128x64xf32, #tpu.memory_space<vmem>> -> memref<1x128x64xf32, #tpu.memory_space<vmem>>
          %gather3A_412 = tpu.memref_squeeze %gather3A_411 : memref<1x128x64xf32, #tpu.memory_space<vmem>> -> memref<128x64xf32, #tpu.memory_space<vmem>>
          %gather3A_413 = tpu.vector_load_idx %gather3A_412[%add3A_149, %add3A_407] : memref<128x64xf32, #tpu.memory_space<vmem>>[vector<16xi32>, vector<16xi32>], vector<16xf32>,
          %scatter3A = arith.constant 0 : i32
          %scatter3A_414 = arith.constant 0 : i32
          %scatter3A_415 = arith.constant 0 : i32
          %scatter3A_416 = tpu.memref_slice %arg12[%scatter3A, %scatter3A_414, %scatter3A_415] : memref<2x64x128xf32, #tpu.memory_space<vmem>> -> memref<1x64x128xf32, #tpu.memory_space<vmem>>
          %scatter3A_417 = tpu.memref_squeeze %scatter3A_416 : memref<1x64x128xf32, #tpu.memory_space<vmem>> -> memref<64x128xf32, #tpu.memory_space<vmem>>
          tpu.vector_store_idx %scatter3A_417[%add3A_381, %add3A_149], %gather3A_386 : memref<64x128xf32, #tpu.memory_space<vmem>>[vector<16xi32>, vector<16xi32>], vector<16xf32>,
          %scatter3A_418 = arith.constant 0 : i32
          %scatter3A_419 = arith.constant 0 : i32
          %scatter3A_420 = arith.constant 0 : i32
          %scatter3A_421 = tpu.memref_slice %arg12[%scatter3A_418, %scatter3A_419, %scatter3A_420] : memref<2x64x128xf32, #tpu.memory_space<vmem>> -> memref<1x64x128xf32, #tpu.memory_space<vmem>>
          %scatter3A_422 = tpu.memref_squeeze %scatter3A_421 : memref<1x64x128xf32, #tpu.memory_space<vmem>> -> memref<64x128xf32, #tpu.memory_space<vmem>>
          tpu.vector_store_idx %scatter3A_422[%add3A_389, %add3A_149], %gather3A_395 : memref<64x128xf32, #tpu.memory_space<vmem>>[vector<16xi32>, vector<16xi32>], vector<16xf32>,
          %scatter3A_423 = arith.constant 0 : i32
          %scatter3A_424 = arith.constant 0 : i32
          %scatter3A_425 = arith.constant 0 : i32
          %scatter3A_426 = tpu.memref_slice %arg12[%scatter3A_423, %scatter3A_424, %scatter3A_425] : memref<2x64x128xf32, #tpu.memory_space<vmem>> -> memref<1x64x128xf32, #tpu.memory_space<vmem>>
          %scatter3A_427 = tpu.memref_squeeze %scatter3A_426 : memref<1x64x128xf32, #tpu.memory_space<vmem>> -> memref<64x128xf32, #tpu.memory_space<vmem>>
          tpu.vector_store_idx %scatter3A_427[%add3A_398, %add3A_149], %gather3A_404 : memref<64x128xf32, #tpu.memory_space<vmem>>[vector<16xi32>, vector<16xi32>], vector<16xf32>,
          %scatter3A_428 = arith.constant 0 : i32
          %scatter3A_429 = arith.constant 0 : i32
          %scatter3A_430 = arith.constant 0 : i32
          %scatter3A_431 = tpu.memref_slice %arg12[%scatter3A_428, %scatter3A_429, %scatter3A_430] : memref<2x64x128xf32, #tpu.memory_space<vmem>> -> memref<1x64x128xf32, #tpu.memory_space<vmem>>
          %scatter3A_432 = tpu.memref_squeeze %scatter3A_431 : memref<1x64x128xf32, #tpu.memory_space<vmem>> -> memref<64x128xf32, #tpu.memory_space<vmem>>
          tpu.vector_store_idx %scatter3A_432[%add3A_407, %add3A_149], %gather3A_413 : memref<64x128xf32, #tpu.memory_space<vmem>>[vector<16xi32>, vector<16xi32>], vector<16xf32>,
          %scan3A_433 = arith.constant 1 : i32
          %scan3A_434 = arith.addi %scan3A_378, %scan3A_433 : i32
          %broadcast_in_dim3A_435 = vector.broadcast %scan3A_434 : i32 to vector<16xi32>
          %xor3A_436 = arith.xori %broadcast_in_dim3A_435, %iota3A : vector<16xi32>
          %add3A_437 = arith.constant 0 : i32
          %add3A_438 = vector.broadcast %add3A_437 : i32 to vector<16xi32>
          %add3A_439 = arith.addi %xor3A_436, %add3A_438 : vector<16xi32>
          %gather3A_440 = arith.constant 0 : i32
          %gather3A_441 = arith.constant 0 : i32
          %gather3A_442 = arith.constant 0 : i32
          %gather3A_443 = tpu.memref_slice %arg11[%gather3A_440, %gather3A_441, %gather3A_442] : memref<2x128x64xf32, #tpu.memory_space<vmem>> -> memref<1x128x64xf32, #tpu.memory_space<vmem>>
          %gather3A_444 = tpu.memref_squeeze %gather3A_443 : memref<1x128x64xf32, #tpu.memory_space<vmem>> -> memref<128x64xf32, #tpu.memory_space<vmem>>
          %gather3A_445 = tpu.vector_load_idx %gather3A_444[%add3A_149, %add3A_439] : memref<128x64xf32, #tpu.memory_space<vmem>>[vector<16xi32>, vector<16xi32>], vector<16xf32>,
          %add3A_446 = arith.constant 16 : i32
          %add3A_447 = vector.broadcast %add3A_446 : i32 to vector<16xi32>
          %add3A_448 = arith.addi %xor3A_436, %add3A_447 : vector<16xi32>
          %gather3A_449 = arith.constant 0 : i32
          %gather3A_450 = arith.constant 0 : i32
          %gather3A_451 = arith.constant 0 : i32
          %gather3A_452 = tpu.memref_slice %arg11[%gather3A_449, %gather3A_450, %gather3A_451] : memref<2x128x64xf32, #tpu.memory_space<vmem>> -> memref<1x128x64xf32, #tpu.memory_space<vmem>>
          %gather3A_453 = tpu.memref_squeeze %gather3A_452 : memref<1x128x64xf32, #tpu.memory_space<vmem>> -> memref<128x64xf32, #tpu.memory_space<vmem>>
          %gather3A_454 = tpu.vector_load_idx %gather3A_453[%add3A_149, %add3A_448] : memref<128x64xf32, #tpu.memory_space<vmem>>[vector<16xi32>, vector<16xi32>], vector<16xf32>,
          %add3A_455 = arith.constant 32 : i32
          %add3A_456 = vector.broadcast %add3A_455 : i32 to vector<16xi32>
          %add3A_457 = arith.addi %xor3A_436, %add3A_456 : vector<16xi32>
          %gather3A_458 = arith.constant 0 : i32
          %gather3A_459 = arith.constant 0 : i32
          %gather3A_460 = arith.constant 0 : i32
          %gather3A_461 = tpu.memref_slice %arg11[%gather3A_458, %gather3A_459, %gather3A_460] : memref<2x128x64xf32, #tpu.memory_space<vmem>> -> memref<1x128x64xf32, #tpu.memory_space<vmem>>
          %gather3A_462 = tpu.memref_squeeze %gather3A_461 : memref<1x128x64xf32, #tpu.memory_space<vmem>> -> memref<128x64xf32, #tpu.memory_space<vmem>>
          %gather3A_463 = tpu.vector_load_idx %gather3A_462[%add3A_149, %add3A_457] : memref<128x64xf32, #tpu.memory_space<vmem>>[vector<16xi32>, vector<16xi32>], vector<16xf32>,
          %add3A_464 = arith.constant 48 : i32
          %add3A_465 = vector.broadcast %add3A_464 : i32 to vector<16xi32>
          %add3A_466 = arith.addi %xor3A_436, %add3A_465 : vector<16xi32>
          %gather3A_467 = arith.constant 0 : i32
          %gather3A_468 = arith.constant 0 : i32
          %gather3A_469 = arith.constant 0 : i32
          %gather3A_470 = tpu.memref_slice %arg11[%gather3A_467, %gather3A_468, %gather3A_469] : memref<2x128x64xf32, #tpu.memory_space<vmem>> -> memref<1x128x64xf32, #tpu.memory_space<vmem>>
          %gather3A_471 = tpu.memref_squeeze %gather3A_470 : memref<1x128x64xf32, #tpu.memory_space<vmem>> -> memref<128x64xf32, #tpu.memory_space<vmem>>
          %gather3A_472 = tpu.vector_load_idx %gather3A_471[%add3A_149, %add3A_466] : memref<128x64xf32, #tpu.memory_space<vmem>>[vector<16xi32>, vector<16xi32>], vector<16xf32>,
          %scatter3A_473 = arith.constant 0 : i32
          %scatter3A_474 = arith.constant 0 : i32
          %scatter3A_475 = arith.constant 0 : i32
          %scatter3A_476 = tpu.memref_slice %arg12[%scatter3A_473, %scatter3A_474, %scatter3A_475] : memref<2x64x128xf32, #tpu.memory_space<vmem>> -> memref<1x64x128xf32, #tpu.memory_space<vmem>>
          %scatter3A_477 = tpu.memref_squeeze %scatter3A_476 : memref<1x64x128xf32, #tpu.memory_space<vmem>> -> memref<64x128xf32, #tpu.memory_space<vmem>>
          tpu.vector_store_idx %scatter3A_477[%add3A_439, %add3A_149], %gather3A_445 : memref<64x128xf32, #tpu.memory_space<vmem>>[vector<16xi32>, vector<16xi32>], vector<16xf32>,
          %scatter3A_478 = arith.constant 0 : i32
          %scatter3A_479 = arith.constant 0 : i32
          %scatter3A_480 = arith.constant 0 : i32
          %scatter3A_481 = tpu.memref_slice %arg12[%scatter3A_478, %scatter3A_479, %scatter3A_480] : memref<2x64x128xf32, #tpu.memory_space<vmem>> -> memref<1x64x128xf32, #tpu.memory_space<vmem>>
          %scatter3A_482 = tpu.memref_squeeze %scatter3A_481 : memref<1x64x128xf32, #tpu.memory_space<vmem>> -> memref<64x128xf32, #tpu.memory_space<vmem>>
          tpu.vector_store_idx %scatter3A_482[%add3A_448, %add3A_149], %gather3A_454 : memref<64x128xf32, #tpu.memory_space<vmem>>[vector<16xi32>, vector<16xi32>], vector<16xf32>,
          %scatter3A_483 = arith.constant 0 : i32
          %scatter3A_484 = arith.constant 0 : i32
          %scatter3A_485 = arith.constant 0 : i32
          %scatter3A_486 = tpu.memref_slice %arg12[%scatter3A_483, %scatter3A_484, %scatter3A_485] : memref<2x64x128xf32, #tpu.memory_space<vmem>> -> memref<1x64x128xf32, #tpu.memory_space<vmem>>
          %scatter3A_487 = tpu.memref_squeeze %scatter3A_486 : memref<1x64x128xf32, #tpu.memory_space<vmem>> -> memref<64x128xf32, #tpu.memory_space<vmem>>
          tpu.vector_store_idx %scatter3A_487[%add3A_457, %add3A_149], %gather3A_463 : memref<64x128xf32, #tpu.memory_space<vmem>>[vector<16xi32>, vector<16xi32>], vector<16xf32>,
          %scatter3A_488 = arith.constant 0 : i32
          %scatter3A_489 = arith.constant 0 : i32
          %scatter3A_490 = arith.constant 0 : i32
          %scatter3A_491 = tpu.memref_slice %arg12[%scatter3A_488, %scatter3A_489, %scatter3A_490] : memref<2x64x128xf32, #tpu.memory_space<vmem>> -> memref<1x64x128xf32, #tpu.memory_space<vmem>>
          %scatter3A_492 = tpu.memref_squeeze %scatter3A_491 : memref<1x64x128xf32, #tpu.memory_space<vmem>> -> memref<64x128xf32, #tpu.memory_space<vmem>>
          tpu.vector_store_idx %scatter3A_492[%add3A_466, %add3A_149], %gather3A_472 : memref<64x128xf32, #tpu.memory_space<vmem>>[vector<16xi32>, vector<16xi32>], vector<16xf32>,
        }
        %scan3A_155 = arith.constant 16 : i32
        %add3A_156 = arith.constant 32 : i32
        %add3A_157 = vector.broadcast %add3A_156 : i32 to vector<16xi32>
        %add3A_158 = arith.addi %iota3A, %add3A_157 : vector<16xi32>
        %scan3A_159 = arith.constant 0 : i32
        %scan3A_160 = arith.constant 0 : i32
        %scan3A_161 = arith.constant 16 : i32
        %scan3A_162 = arith.addi %scan3A_160, %scan3A_161 : i32
        %scan3A_163 = arith.constant 2 : i32
        scf.for %scan3A_378 = %scan3A_160 to %scan3A_162 step %scan3A_163  : i32 {
          %broadcast_in_dim3A = vector.broadcast %scan3A_378 : i32 to vector<16xi32>
          %xor3A = arith.xori %broadcast_in_dim3A, %iota3A : vector<16xi32>
          %add3A_379 = arith.constant 0 : i32
          %add3A_380 = vector.broadcast %add3A_379 : i32 to vector<16xi32>
          %add3A_381 = arith.addi %xor3A, %add3A_380 : vector<16xi32>
          %gather3A = arith.constant 0 : i32
          %gather3A_382 = arith.constant 0 : i32
          %gather3A_383 = arith.constant 0 : i32
          %gather3A_384 = tpu.memref_slice %arg11[%gather3A, %gather3A_382, %gather3A_383] : memref<2x128x64xf32, #tpu.memory_space<vmem>> -> memref<1x128x64xf32, #tpu.memory_space<vmem>>
          %gather3A_385 = tpu.memref_squeeze %gather3A_384 : memref<1x128x64xf32, #tpu.memory_space<vmem>> -> memref<128x64xf32, #tpu.memory_space<vmem>>
          %gather3A_386 = tpu.vector_load_idx %gather3A_385[%add3A_158, %add3A_381] : memref<128x64xf32, #tpu.memory_space<vmem>>[vector<16xi32>, vector<16xi32>], vector<16xf32>,
          %add3A_387 = arith.constant 16 : i32
          %add3A_388 = vector.broadcast %add3A_387 : i32 to vector<16xi32>
          %add3A_389 = arith.addi %xor3A, %add3A_388 : vector<16xi32>
          %gather3A_390 = arith.constant 0 : i32
          %gather3A_391 = arith.constant 0 : i32
          %gather3A_392 = arith.constant 0 : i32
          %gather3A_393 = tpu.memref_slice %arg11[%gather3A_390, %gather3A_391, %gather3A_392] : memref<2x128x64xf32, #tpu.memory_space<vmem>> -> memref<1x128x64xf32, #tpu.memory_space<vmem>>
          %gather3A_394 = tpu.memref_squeeze %gather3A_393 : memref<1x128x64xf32, #tpu.memory_space<vmem>> -> memref<128x64xf32, #tpu.memory_space<vmem>>
          %gather3A_395 = tpu.vector_load_idx %gather3A_394[%add3A_158, %add3A_389] : memref<128x64xf32, #tpu.memory_space<vmem>>[vector<16xi32>, vector<16xi32>], vector<16xf32>,
          %add3A_396 = arith.constant 32 : i32
          %add3A_397 = vector.broadcast %add3A_396 : i32 to vector<16xi32>
          %add3A_398 = arith.addi %xor3A, %add3A_397 : vector<16xi32>
          %gather3A_399 = arith.constant 0 : i32
          %gather3A_400 = arith.constant 0 : i32
          %gather3A_401 = arith.constant 0 : i32
          %gather3A_402 = tpu.memref_slice %arg11[%gather3A_399, %gather3A_400, %gather3A_401] : memref<2x128x64xf32, #tpu.memory_space<vmem>> -> memref<1x128x64xf32, #tpu.memory_space<vmem>>
          %gather3A_403 = tpu.memref_squeeze %gather3A_402 : memref<1x128x64xf32, #tpu.memory_space<vmem>> -> memref<128x64xf32, #tpu.memory_space<vmem>>
          %gather3A_404 = tpu.vector_load_idx %gather3A_403[%add3A_158, %add3A_398] : memref<128x64xf32, #tpu.memory_space<vmem>>[vector<16xi32>, vector<16xi32>], vector<16xf32>,
          %add3A_405 = arith.constant 48 : i32
          %add3A_406 = vector.broadcast %add3A_405 : i32 to vector<16xi32>
          %add3A_407 = arith.addi %xor3A, %add3A_406 : vector<16xi32>
          %gather3A_408 = arith.constant 0 : i32
          %gather3A_409 = arith.constant 0 : i32
          %gather3A_410 = arith.constant 0 : i32
          %gather3A_411 = tpu.memref_slice %arg11[%gather3A_408, %gather3A_409, %gather3A_410] : memref<2x128x64xf32, #tpu.memory_space<vmem>> -> memref<1x128x64xf32, #tpu.memory_space<vmem>>
          %gather3A_412 = tpu.memref_squeeze %gather3A_411 : memref<1x128x64xf32, #tpu.memory_space<vmem>> -> memref<128x64xf32, #tpu.memory_space<vmem>>
          %gather3A_413 = tpu.vector_load_idx %gather3A_412[%add3A_158, %add3A_407] : memref<128x64xf32, #tpu.memory_space<vmem>>[vector<16xi32>, vector<16xi32>], vector<16xf32>,
          %scatter3A = arith.constant 0 : i32
          %scatter3A_414 = arith.constant 0 : i32
          %scatter3A_415 = arith.constant 0 : i32
          %scatter3A_416 = tpu.memref_slice %arg12[%scatter3A, %scatter3A_414, %scatter3A_415] : memref<2x64x128xf32, #tpu.memory_space<vmem>> -> memref<1x64x128xf32, #tpu.memory_space<vmem>>
          %scatter3A_417 = tpu.memref_squeeze %scatter3A_416 : memref<1x64x128xf32, #tpu.memory_space<vmem>> -> memref<64x128xf32, #tpu.memory_space<vmem>>
          tpu.vector_store_idx %scatter3A_417[%add3A_381, %add3A_158], %gather3A_386 : memref<64x128xf32, #tpu.memory_space<vmem>>[vector<16xi32>, vector<16xi32>], vector<16xf32>,
          %scatter3A_418 = arith.constant 0 : i32
          %scatter3A_419 = arith.constant 0 : i32
          %scatter3A_420 = arith.constant 0 : i32
          %scatter3A_421 = tpu.memref_slice %arg12[%scatter3A_418, %scatter3A_419, %scatter3A_420] : memref<2x64x128xf32, #tpu.memory_space<vmem>> -> memref<1x64x128xf32, #tpu.memory_space<vmem>>
          %scatter3A_422 = tpu.memref_squeeze %scatter3A_421 : memref<1x64x128xf32, #tpu.memory_space<vmem>> -> memref<64x128xf32, #tpu.memory_space<vmem>>
          tpu.vector_store_idx %scatter3A_422[%add3A_389, %add3A_158], %gather3A_395 : memref<64x128xf32, #tpu.memory_space<vmem>>[vector<16xi32>, vector<16xi32>], vector<16xf32>,
          %scatter3A_423 = arith.constant 0 : i32
          %scatter3A_424 = arith.constant 0 : i32
          %scatter3A_425 = arith.constant 0 : i32
          %scatter3A_426 = tpu.memref_slice %arg12[%scatter3A_423, %scatter3A_424, %scatter3A_425] : memref<2x64x128xf32, #tpu.memory_space<vmem>> -> memref<1x64x128xf32, #tpu.memory_space<vmem>>
          %scatter3A_427 = tpu.memref_squeeze %scatter3A_426 : memref<1x64x128xf32, #tpu.memory_space<vmem>> -> memref<64x128xf32, #tpu.memory_space<vmem>>
          tpu.vector_store_idx %scatter3A_427[%add3A_398, %add3A_158], %gather3A_404 : memref<64x128xf32, #tpu.memory_space<vmem>>[vector<16xi32>, vector<16xi32>], vector<16xf32>,
          %scatter3A_428 = arith.constant 0 : i32
          %scatter3A_429 = arith.constant 0 : i32
          %scatter3A_430 = arith.constant 0 : i32
          %scatter3A_431 = tpu.memref_slice %arg12[%scatter3A_428, %scatter3A_429, %scatter3A_430] : memref<2x64x128xf32, #tpu.memory_space<vmem>> -> memref<1x64x128xf32, #tpu.memory_space<vmem>>
          %scatter3A_432 = tpu.memref_squeeze %scatter3A_431 : memref<1x64x128xf32, #tpu.memory_space<vmem>> -> memref<64x128xf32, #tpu.memory_space<vmem>>
          tpu.vector_store_idx %scatter3A_432[%add3A_407, %add3A_158], %gather3A_413 : memref<64x128xf32, #tpu.memory_space<vmem>>[vector<16xi32>, vector<16xi32>], vector<16xf32>,
          %scan3A_433 = arith.constant 1 : i32
          %scan3A_434 = arith.addi %scan3A_378, %scan3A_433 : i32
          %broadcast_in_dim3A_435 = vector.broadcast %scan3A_434 : i32 to vector<16xi32>
          %xor3A_436 = arith.xori %broadcast_in_dim3A_435, %iota3A : vector<16xi32>
          %add3A_437 = arith.constant 0 : i32
          %add3A_438 = vector.broadcast %add3A_437 : i32 to vector<16xi32>
          %add3A_439 = arith.addi %xor3A_436, %add3A_438 : vector<16xi32>
          %gather3A_440 = arith.constant 0 : i32
          %gather3A_441 = arith.constant 0 : i32
          %gather3A_442 = arith.constant 0 : i32
          %gather3A_443 = tpu.memref_slice %arg11[%gather3A_440, %gather3A_441, %gather3A_442] : memref<2x128x64xf32, #tpu.memory_space<vmem>> -> memref<1x128x64xf32, #tpu.memory_space<vmem>>
          %gather3A_444 = tpu.memref_squeeze %gather3A_443 : memref<1x128x64xf32, #tpu.memory_space<vmem>> -> memref<128x64xf32, #tpu.memory_space<vmem>>
          %gather3A_445 = tpu.vector_load_idx %gather3A_444[%add3A_158, %add3A_439] : memref<128x64xf32, #tpu.memory_space<vmem>>[vector<16xi32>, vector<16xi32>], vector<16xf32>,
          %add3A_446 = arith.constant 16 : i32
          %add3A_447 = vector.broadcast %add3A_446 : i32 to vector<16xi32>
          %add3A_448 = arith.addi %xor3A_436, %add3A_447 : vector<16xi32>
          %gather3A_449 = arith.constant 0 : i32
          %gather3A_450 = arith.constant 0 : i32
          %gather3A_451 = arith.constant 0 : i32
          %gather3A_452 = tpu.memref_slice %arg11[%gather3A_449, %gather3A_450, %gather3A_451] : memref<2x128x64xf32, #tpu.memory_space<vmem>> -> memref<1x128x64xf32, #tpu.memory_space<vmem>>
          %gather3A_453 = tpu.memref_squeeze %gather3A_452 : memref<1x128x64xf32, #tpu.memory_space<vmem>> -> memref<128x64xf32, #tpu.memory_space<vmem>>
          %gather3A_454 = tpu.vector_load_idx %gather3A_453[%add3A_158, %add3A_448] : memref<128x64xf32, #tpu.memory_space<vmem>>[vector<16xi32>, vector<16xi32>], vector<16xf32>,
          %add3A_455 = arith.constant 32 : i32
          %add3A_456 = vector.broadcast %add3A_455 : i32 to vector<16xi32>
          %add3A_457 = arith.addi %xor3A_436, %add3A_456 : vector<16xi32>
          %gather3A_458 = arith.constant 0 : i32
          %gather3A_459 = arith.constant 0 : i32
          %gather3A_460 = arith.constant 0 : i32
          %gather3A_461 = tpu.memref_slice %arg11[%gather3A_458, %gather3A_459, %gather3A_460] : memref<2x128x64xf32, #tpu.memory_space<vmem>> -> memref<1x128x64xf32, #tpu.memory_space<vmem>>
          %gather3A_462 = tpu.memref_squeeze %gather3A_461 : memref<1x128x64xf32, #tpu.memory_space<vmem>> -> memref<128x64xf32, #tpu.memory_space<vmem>>
          %gather3A_463 = tpu.vector_load_idx %gather3A_462[%add3A_158, %add3A_457] : memref<128x64xf32, #tpu.memory_space<vmem>>[vector<16xi32>, vector<16xi32>], vector<16xf32>,
          %add3A_464 = arith.constant 48 : i32
          %add3A_465 = vector.broadcast %add3A_464 : i32 to vector<16xi32>
          %add3A_466 = arith.addi %xor3A_436, %add3A_465 : vector<16xi32>
          %gather3A_467 = arith.constant 0 : i32
          %gather3A_468 = arith.constant 0 : i32
          %gather3A_469 = arith.constant 0 : i32
          %gather3A_470 = tpu.memref_slice %arg11[%gather3A_467, %gather3A_468, %gather3A_469] : memref<2x128x64xf32, #tpu.memory_space<vmem>> -> memref<1x128x64xf32, #tpu.memory_space<vmem>>
          %gather3A_471 = tpu.memref_squeeze %gather3A_470 : memref<1x128x64xf32, #tpu.memory_space<vmem>> -> memref<128x64xf32, #tpu.memory_space<vmem>>
          %gather3A_472 = tpu.vector_load_idx %gather3A_471[%add3A_158, %add3A_466] : memref<128x64xf32, #tpu.memory_space<vmem>>[vector<16xi32>, vector<16xi32>], vector<16xf32>,
          %scatter3A_473 = arith.constant 0 : i32
          %scatter3A_474 = arith.constant 0 : i32
          %scatter3A_475 = arith.constant 0 : i32
          %scatter3A_476 = tpu.memref_slice %arg12[%scatter3A_473, %scatter3A_474, %scatter3A_475] : memref<2x64x128xf32, #tpu.memory_space<vmem>> -> memref<1x64x128xf32, #tpu.memory_space<vmem>>
          %scatter3A_477 = tpu.memref_squeeze %scatter3A_476 : memref<1x64x128xf32, #tpu.memory_space<vmem>> -> memref<64x128xf32, #tpu.memory_space<vmem>>
          tpu.vector_store_idx %scatter3A_477[%add3A_439, %add3A_158], %gather3A_445 : memref<64x128xf32, #tpu.memory_space<vmem>>[vector<16xi32>, vector<16xi32>], vector<16xf32>,
          %scatter3A_478 = arith.constant 0 : i32
          %scatter3A_479 = arith.constant 0 : i32
          %scatter3A_480 = arith.constant 0 : i32
          %scatter3A_481 = tpu.memref_slice %arg12[%scatter3A_478, %scatter3A_479, %scatter3A_480] : memref<2x64x128xf32, #tpu.memory_space<vmem>> -> memref<1x64x128xf32, #tpu.memory_space<vmem>>
          %scatter3A_482 = tpu.memref_squeeze %scatter3A_481 : memref<1x64x128xf32, #tpu.memory_space<vmem>> -> memref<64x128xf32, #tpu.memory_space<vmem>>
          tpu.vector_store_idx %scatter3A_482[%add3A_448, %add3A_158], %gather3A_454 : memref<64x128xf32, #tpu.memory_space<vmem>>[vector<16xi32>, vector<16xi32>], vector<16xf32>,
          %scatter3A_483 = arith.constant 0 : i32
          %scatter3A_484 = arith.constant 0 : i32
          %scatter3A_485 = arith.constant 0 : i32
          %scatter3A_486 = tpu.memref_slice %arg12[%scatter3A_483, %scatter3A_484, %scatter3A_485] : memref<2x64x128xf32, #tpu.memory_space<vmem>> -> memref<1x64x128xf32, #tpu.memory_space<vmem>>
          %scatter3A_487 = tpu.memref_squeeze %scatter3A_486 : memref<1x64x128xf32, #tpu.memory_space<vmem>> -> memref<64x128xf32, #tpu.memory_space<vmem>>
          tpu.vector_store_idx %scatter3A_487[%add3A_457, %add3A_158], %gather3A_463 : memref<64x128xf32, #tpu.memory_space<vmem>>[vector<16xi32>, vector<16xi32>], vector<16xf32>,
          %scatter3A_488 = arith.constant 0 : i32
          %scatter3A_489 = arith.constant 0 : i32
          %scatter3A_490 = arith.constant 0 : i32
          %scatter3A_491 = tpu.memref_slice %arg12[%scatter3A_488, %scatter3A_489, %scatter3A_490] : memref<2x64x128xf32, #tpu.memory_space<vmem>> -> memref<1x64x128xf32, #tpu.memory_space<vmem>>
          %scatter3A_492 = tpu.memref_squeeze %scatter3A_491 : memref<1x64x128xf32, #tpu.memory_space<vmem>> -> memref<64x128xf32, #tpu.memory_space<vmem>>
          tpu.vector_store_idx %scatter3A_492[%add3A_466, %add3A_158], %gather3A_472 : memref<64x128xf32, #tpu.memory_space<vmem>>[vector<16xi32>, vector<16xi32>], vector<16xf32>,
        }
        %scan3A_164 = arith.constant 16 : i32
        %add3A_165 = arith.constant 48 : i32
        %add3A_166 = vector.broadcast %add3A_165 : i32 to vector<16xi32>
        %add3A_167 = arith.addi %iota3A, %add3A_166 : vector<16xi32>
        %scan3A_168 = arith.constant 0 : i32
        %scan3A_169 = arith.constant 0 : i32
        %scan3A_170 = arith.constant 16 : i32
        %scan3A_171 = arith.addi %scan3A_169, %scan3A_170 : i32
        %scan3A_172 = arith.constant 2 : i32
        scf.for %scan3A_378 = %scan3A_169 to %scan3A_171 step %scan3A_172  : i32 {
          %broadcast_in_dim3A = vector.broadcast %scan3A_378 : i32 to vector<16xi32>
          %xor3A = arith.xori %broadcast_in_dim3A, %iota3A : vector<16xi32>
          %add3A_379 = arith.constant 0 : i32
          %add3A_380 = vector.broadcast %add3A_379 : i32 to vector<16xi32>
          %add3A_381 = arith.addi %xor3A, %add3A_380 : vector<16xi32>
          %gather3A = arith.constant 0 : i32
          %gather3A_382 = arith.constant 0 : i32
          %gather3A_383 = arith.constant 0 : i32
          %gather3A_384 = tpu.memref_slice %arg11[%gather3A, %gather3A_382, %gather3A_383] : memref<2x128x64xf32, #tpu.memory_space<vmem>> -> memref<1x128x64xf32, #tpu.memory_space<vmem>>
          %gather3A_385 = tpu.memref_squeeze %gather3A_384 : memref<1x128x64xf32, #tpu.memory_space<vmem>> -> memref<128x64xf32, #tpu.memory_space<vmem>>
          %gather3A_386 = tpu.vector_load_idx %gather3A_385[%add3A_167, %add3A_381] : memref<128x64xf32, #tpu.memory_space<vmem>>[vector<16xi32>, vector<16xi32>], vector<16xf32>,
          %add3A_387 = arith.constant 16 : i32
          %add3A_388 = vector.broadcast %add3A_387 : i32 to vector<16xi32>
          %add3A_389 = arith.addi %xor3A, %add3A_388 : vector<16xi32>
          %gather3A_390 = arith.constant 0 : i32
          %gather3A_391 = arith.constant 0 : i32
          %gather3A_392 = arith.constant 0 : i32
          %gather3A_393 = tpu.memref_slice %arg11[%gather3A_390, %gather3A_391, %gather3A_392] : memref<2x128x64xf32, #tpu.memory_space<vmem>> -> memref<1x128x64xf32, #tpu.memory_space<vmem>>
          %gather3A_394 = tpu.memref_squeeze %gather3A_393 : memref<1x128x64xf32, #tpu.memory_space<vmem>> -> memref<128x64xf32, #tpu.memory_space<vmem>>
          %gather3A_395 = tpu.vector_load_idx %gather3A_394[%add3A_167, %add3A_389] : memref<128x64xf32, #tpu.memory_space<vmem>>[vector<16xi32>, vector<16xi32>], vector<16xf32>,
          %add3A_396 = arith.constant 32 : i32
          %add3A_397 = vector.broadcast %add3A_396 : i32 to vector<16xi32>
          %add3A_398 = arith.addi %xor3A, %add3A_397 : vector<16xi32>
          %gather3A_399 = arith.constant 0 : i32
          %gather3A_400 = arith.constant 0 : i32
          %gather3A_401 = arith.constant 0 : i32
          %gather3A_402 = tpu.memref_slice %arg11[%gather3A_399, %gather3A_400, %gather3A_401] : memref<2x128x64xf32, #tpu.memory_space<vmem>> -> memref<1x128x64xf32, #tpu.memory_space<vmem>>
          %gather3A_403 = tpu.memref_squeeze %gather3A_402 : memref<1x128x64xf32, #tpu.memory_space<vmem>> -> memref<128x64xf32, #tpu.memory_space<vmem>>
          %gather3A_404 = tpu.vector_load_idx %gather3A_403[%add3A_167, %add3A_398] : memref<128x64xf32, #tpu.memory_space<vmem>>[vector<16xi32>, vector<16xi32>], vector<16xf32>,
          %add3A_405 = arith.constant 48 : i32
          %add3A_406 = vector.broadcast %add3A_405 : i32 to vector<16xi32>
          %add3A_407 = arith.addi %xor3A, %add3A_406 : vector<16xi32>
          %gather3A_408 = arith.constant 0 : i32
          %gather3A_409 = arith.constant 0 : i32
          %gather3A_410 = arith.constant 0 : i32
          %gather3A_411 = tpu.memref_slice %arg11[%gather3A_408, %gather3A_409, %gather3A_410] : memref<2x128x64xf32, #tpu.memory_space<vmem>> -> memref<1x128x64xf32, #tpu.memory_space<vmem>>
          %gather3A_412 = tpu.memref_squeeze %gather3A_411 : memref<1x128x64xf32, #tpu.memory_space<vmem>> -> memref<128x64xf32, #tpu.memory_space<vmem>>
          %gather3A_413 = tpu.vector_load_idx %gather3A_412[%add3A_167, %add3A_407] : memref<128x64xf32, #tpu.memory_space<vmem>>[vector<16xi32>, vector<16xi32>], vector<16xf32>,
          %scatter3A = arith.constant 0 : i32
          %scatter3A_414 = arith.constant 0 : i32
          %scatter3A_415 = arith.constant 0 : i32
          %scatter3A_416 = tpu.memref_slice %arg12[%scatter3A, %scatter3A_414, %scatter3A_415] : memref<2x64x128xf32, #tpu.memory_space<vmem>> -> memref<1x64x128xf32, #tpu.memory_space<vmem>>
          %scatter3A_417 = tpu.memref_squeeze %scatter3A_416 : memref<1x64x128xf32, #tpu.memory_space<vmem>> -> memref<64x128xf32, #tpu.memory_space<vmem>>
          tpu.vector_store_idx %scatter3A_417[%add3A_381, %add3A_167], %gather3A_386 : memref<64x128xf32, #tpu.memory_space<vmem>>[vector<16xi32>, vector<16xi32>], vector<16xf32>,
          %scatter3A_418 = arith.constant 0 : i32
          %scatter3A_419 = arith.constant 0 : i32
          %scatter3A_420 = arith.constant 0 : i32
          %scatter3A_421 = tpu.memref_slice %arg12[%scatter3A_418, %scatter3A_419, %scatter3A_420] : memref<2x64x128xf32, #tpu.memory_space<vmem>> -> memref<1x64x128xf32, #tpu.memory_space<vmem>>
          %scatter3A_422 = tpu.memref_squeeze %scatter3A_421 : memref<1x64x128xf32, #tpu.memory_space<vmem>> -> memref<64x128xf32, #tpu.memory_space<vmem>>
          tpu.vector_store_idx %scatter3A_422[%add3A_389, %add3A_167], %gather3A_395 : memref<64x128xf32, #tpu.memory_space<vmem>>[vector<16xi32>, vector<16xi32>], vector<16xf32>,
          %scatter3A_423 = arith.constant 0 : i32
          %scatter3A_424 = arith.constant 0 : i32
          %scatter3A_425 = arith.constant 0 : i32
          %scatter3A_426 = tpu.memref_slice %arg12[%scatter3A_423, %scatter3A_424, %scatter3A_425] : memref<2x64x128xf32, #tpu.memory_space<vmem>> -> memref<1x64x128xf32, #tpu.memory_space<vmem>>
          %scatter3A_427 = tpu.memref_squeeze %scatter3A_426 : memref<1x64x128xf32, #tpu.memory_space<vmem>> -> memref<64x128xf32, #tpu.memory_space<vmem>>
          tpu.vector_store_idx %scatter3A_427[%add3A_398, %add3A_167], %gather3A_404 : memref<64x128xf32, #tpu.memory_space<vmem>>[vector<16xi32>, vector<16xi32>], vector<16xf32>,
          %scatter3A_428 = arith.constant 0 : i32
          %scatter3A_429 = arith.constant 0 : i32
          %scatter3A_430 = arith.constant 0 : i32
          %scatter3A_431 = tpu.memref_slice %arg12[%scatter3A_428, %scatter3A_429, %scatter3A_430] : memref<2x64x128xf32, #tpu.memory_space<vmem>> -> memref<1x64x128xf32, #tpu.memory_space<vmem>>
          %scatter3A_432 = tpu.memref_squeeze %scatter3A_431 : memref<1x64x128xf32, #tpu.memory_space<vmem>> -> memref<64x128xf32, #tpu.memory_space<vmem>>
          tpu.vector_store_idx %scatter3A_432[%add3A_407, %add3A_167], %gather3A_413 : memref<64x128xf32, #tpu.memory_space<vmem>>[vector<16xi32>, vector<16xi32>], vector<16xf32>,
          %scan3A_433 = arith.constant 1 : i32
          %scan3A_434 = arith.addi %scan3A_378, %scan3A_433 : i32
          %broadcast_in_dim3A_435 = vector.broadcast %scan3A_434 : i32 to vector<16xi32>
          %xor3A_436 = arith.xori %broadcast_in_dim3A_435, %iota3A : vector<16xi32>
          %add3A_437 = arith.constant 0 : i32
          %add3A_438 = vector.broadcast %add3A_437 : i32 to vector<16xi32>
          %add3A_439 = arith.addi %xor3A_436, %add3A_438 : vector<16xi32>
          %gather3A_440 = arith.constant 0 : i32
          %gather3A_441 = arith.constant 0 : i32
          %gather3A_442 = arith.constant 0 : i32
          %gather3A_443 = tpu.memref_slice %arg11[%gather3A_440, %gather3A_441, %gather3A_442] : memref<2x128x64xf32, #tpu.memory_space<vmem>> -> memref<1x128x64xf32, #tpu.memory_space<vmem>>
          %gather3A_444 = tpu.memref_squeeze %gather3A_443 : memref<1x128x64xf32, #tpu.memory_space<vmem>> -> memref<128x64xf32, #tpu.memory_space<vmem>>
          %gather3A_445 = tpu.vector_load_idx %gather3A_444[%add3A_167, %add3A_439] : memref<128x64xf32, #tpu.memory_space<vmem>>[vector<16xi32>, vector<16xi32>], vector<16xf32>,
          %add3A_446 = arith.constant 16 : i32
          %add3A_447 = vector.broadcast %add3A_446 : i32 to vector<16xi32>
          %add3A_448 = arith.addi %xor3A_436, %add3A_447 : vector<16xi32>
          %gather3A_449 = arith.constant 0 : i32
          %gather3A_450 = arith.constant 0 : i32
          %gather3A_451 = arith.constant 0 : i32
          %gather3A_452 = tpu.memref_slice %arg11[%gather3A_449, %gather3A_450, %gather3A_451] : memref<2x128x64xf32, #tpu.memory_space<vmem>> -> memref<1x128x64xf32, #tpu.memory_space<vmem>>
          %gather3A_453 = tpu.memref_squeeze %gather3A_452 : memref<1x128x64xf32, #tpu.memory_space<vmem>> -> memref<128x64xf32, #tpu.memory_space<vmem>>
          %gather3A_454 = tpu.vector_load_idx %gather3A_453[%add3A_167, %add3A_448] : memref<128x64xf32, #tpu.memory_space<vmem>>[vector<16xi32>, vector<16xi32>], vector<16xf32>,
          %add3A_455 = arith.constant 32 : i32
          %add3A_456 = vector.broadcast %add3A_455 : i32 to vector<16xi32>
          %add3A_457 = arith.addi %xor3A_436, %add3A_456 : vector<16xi32>
          %gather3A_458 = arith.constant 0 : i32
          %gather3A_459 = arith.constant 0 : i32
          %gather3A_460 = arith.constant 0 : i32
          %gather3A_461 = tpu.memref_slice %arg11[%gather3A_458, %gather3A_459, %gather3A_460] : memref<2x128x64xf32, #tpu.memory_space<vmem>> -> memref<1x128x64xf32, #tpu.memory_space<vmem>>
          %gather3A_462 = tpu.memref_squeeze %gather3A_461 : memref<1x128x64xf32, #tpu.memory_space<vmem>> -> memref<128x64xf32, #tpu.memory_space<vmem>>
          %gather3A_463 = tpu.vector_load_idx %gather3A_462[%add3A_167, %add3A_457] : memref<128x64xf32, #tpu.memory_space<vmem>>[vector<16xi32>, vector<16xi32>], vector<16xf32>,
          %add3A_464 = arith.constant 48 : i32
          %add3A_465 = vector.broadcast %add3A_464 : i32 to vector<16xi32>
          %add3A_466 = arith.addi %xor3A_436, %add3A_465 : vector<16xi32>
          %gather3A_467 = arith.constant 0 : i32
          %gather3A_468 = arith.constant 0 : i32
          %gather3A_469 = arith.constant 0 : i32
          %gather3A_470 = tpu.memref_slice %arg11[%gather3A_467, %gather3A_468, %gather3A_469] : memref<2x128x64xf32, #tpu.memory_space<vmem>> -> memref<1x128x64xf32, #tpu.memory_space<vmem>>
          %gather3A_471 = tpu.memref_squeeze %gather3A_470 : memref<1x128x64xf32, #tpu.memory_space<vmem>> -> memref<128x64xf32, #tpu.memory_space<vmem>>
          %gather3A_472 = tpu.vector_load_idx %gather3A_471[%add3A_167, %add3A_466] : memref<128x64xf32, #tpu.memory_space<vmem>>[vector<16xi32>, vector<16xi32>], vector<16xf32>,
          %scatter3A_473 = arith.constant 0 : i32
          %scatter3A_474 = arith.constant 0 : i32
          %scatter3A_475 = arith.constant 0 : i32
          %scatter3A_476 = tpu.memref_slice %arg12[%scatter3A_473, %scatter3A_474, %scatter3A_475] : memref<2x64x128xf32, #tpu.memory_space<vmem>> -> memref<1x64x128xf32, #tpu.memory_space<vmem>>
          %scatter3A_477 = tpu.memref_squeeze %scatter3A_476 : memref<1x64x128xf32, #tpu.memory_space<vmem>> -> memref<64x128xf32, #tpu.memory_space<vmem>>
          tpu.vector_store_idx %scatter3A_477[%add3A_439, %add3A_167], %gather3A_445 : memref<64x128xf32, #tpu.memory_space<vmem>>[vector<16xi32>, vector<16xi32>], vector<16xf32>,
          %scatter3A_478 = arith.constant 0 : i32
          %scatter3A_479 = arith.constant 0 : i32
          %scatter3A_480 = arith.constant 0 : i32
          %scatter3A_481 = tpu.memref_slice %arg12[%scatter3A_478, %scatter3A_479, %scatter3A_480] : memref<2x64x128xf32, #tpu.memory_space<vmem>> -> memref<1x64x128xf32, #tpu.memory_space<vmem>>
          %scatter3A_482 = tpu.memref_squeeze %scatter3A_481 : memref<1x64x128xf32, #tpu.memory_space<vmem>> -> memref<64x128xf32, #tpu.memory_space<vmem>>
          tpu.vector_store_idx %scatter3A_482[%add3A_448, %add3A_167], %gather3A_454 : memref<64x128xf32, #tpu.memory_space<vmem>>[vector<16xi32>, vector<16xi32>], vector<16xf32>,
          %scatter3A_483 = arith.constant 0 : i32
          %scatter3A_484 = arith.constant 0 : i32
          %scatter3A_485 = arith.constant 0 : i32
          %scatter3A_486 = tpu.memref_slice %arg12[%scatter3A_483, %scatter3A_484, %scatter3A_485] : memref<2x64x128xf32, #tpu.memory_space<vmem>> -> memref<1x64x128xf32, #tpu.memory_space<vmem>>
          %scatter3A_487 = tpu.memref_squeeze %scatter3A_486 : memref<1x64x128xf32, #tpu.memory_space<vmem>> -> memref<64x128xf32, #tpu.memory_space<vmem>>
          tpu.vector_store_idx %scatter3A_487[%add3A_457, %add3A_167], %gather3A_463 : memref<64x128xf32, #tpu.memory_space<vmem>>[vector<16xi32>, vector<16xi32>], vector<16xf32>,
          %scatter3A_488 = arith.constant 0 : i32
          %scatter3A_489 = arith.constant 0 : i32
          %scatter3A_490 = arith.constant 0 : i32
          %scatter3A_491 = tpu.memref_slice %arg12[%scatter3A_488, %scatter3A_489, %scatter3A_490] : memref<2x64x128xf32, #tpu.memory_space<vmem>> -> memref<1x64x128xf32, #tpu.memory_space<vmem>>
          %scatter3A_492 = tpu.memref_squeeze %scatter3A_491 : memref<1x64x128xf32, #tpu.memory_space<vmem>> -> memref<64x128xf32, #tpu.memory_space<vmem>>
          tpu.vector_store_idx %scatter3A_492[%add3A_466, %add3A_167], %gather3A_472 : memref<64x128xf32, #tpu.memory_space<vmem>>[vector<16xi32>, vector<16xi32>], vector<16xf32>,
        }
        %scan3A_173 = arith.constant 16 : i32
        %add3A_174 = arith.constant 64 : i32
        %add3A_175 = vector.broadcast %add3A_174 : i32 to vector<16xi32>
        %add3A_176 = arith.addi %iota3A, %add3A_175 : vector<16xi32>
        %scan3A_177 = arith.constant 0 : i32
        %scan3A_178 = arith.constant 0 : i32
        %scan3A_179 = arith.constant 16 : i32
        %scan3A_180 = arith.addi %scan3A_178, %scan3A_179 : i32
        %scan3A_181 = arith.constant 2 : i32
        scf.for %scan3A_378 = %scan3A_178 to %scan3A_180 step %scan3A_181  : i32 {
          %broadcast_in_dim3A = vector.broadcast %scan3A_378 : i32 to vector<16xi32>
          %xor3A = arith.xori %broadcast_in_dim3A, %iota3A : vector<16xi32>
          %add3A_379 = arith.constant 0 : i32
          %add3A_380 = vector.broadcast %add3A_379 : i32 to vector<16xi32>
          %add3A_381 = arith.addi %xor3A, %add3A_380 : vector<16xi32>
          %gather3A = arith.constant 0 : i32
          %gather3A_382 = arith.constant 0 : i32
          %gather3A_383 = arith.constant 0 : i32
          %gather3A_384 = tpu.memref_slice %arg11[%gather3A, %gather3A_382, %gather3A_383] : memref<2x128x64xf32, #tpu.memory_space<vmem>> -> memref<1x128x64xf32, #tpu.memory_space<vmem>>
          %gather3A_385 = tpu.memref_squeeze %gather3A_384 : memref<1x128x64xf32, #tpu.memory_space<vmem>> -> memref<128x64xf32, #tpu.memory_space<vmem>>
          %gather3A_386 = tpu.vector_load_idx %gather3A_385[%add3A_176, %add3A_381] : memref<128x64xf32, #tpu.memory_space<vmem>>[vector<16xi32>, vector<16xi32>], vector<16xf32>,
          %add3A_387 = arith.constant 16 : i32
          %add3A_388 = vector.broadcast %add3A_387 : i32 to vector<16xi32>
          %add3A_389 = arith.addi %xor3A, %add3A_388 : vector<16xi32>
          %gather3A_390 = arith.constant 0 : i32
          %gather3A_391 = arith.constant 0 : i32
          %gather3A_392 = arith.constant 0 : i32
          %gather3A_393 = tpu.memref_slice %arg11[%gather3A_390, %gather3A_391, %gather3A_392] : memref<2x128x64xf32, #tpu.memory_space<vmem>> -> memref<1x128x64xf32, #tpu.memory_space<vmem>>
          %gather3A_394 = tpu.memref_squeeze %gather3A_393 : memref<1x128x64xf32, #tpu.memory_space<vmem>> -> memref<128x64xf32, #tpu.memory_space<vmem>>
          %gather3A_395 = tpu.vector_load_idx %gather3A_394[%add3A_176, %add3A_389] : memref<128x64xf32, #tpu.memory_space<vmem>>[vector<16xi32>, vector<16xi32>], vector<16xf32>,
          %add3A_396 = arith.constant 32 : i32
          %add3A_397 = vector.broadcast %add3A_396 : i32 to vector<16xi32>
          %add3A_398 = arith.addi %xor3A, %add3A_397 : vector<16xi32>
          %gather3A_399 = arith.constant 0 : i32
          %gather3A_400 = arith.constant 0 : i32
          %gather3A_401 = arith.constant 0 : i32
          %gather3A_402 = tpu.memref_slice %arg11[%gather3A_399, %gather3A_400, %gather3A_401] : memref<2x128x64xf32, #tpu.memory_space<vmem>> -> memref<1x128x64xf32, #tpu.memory_space<vmem>>
          %gather3A_403 = tpu.memref_squeeze %gather3A_402 : memref<1x128x64xf32, #tpu.memory_space<vmem>> -> memref<128x64xf32, #tpu.memory_space<vmem>>
          %gather3A_404 = tpu.vector_load_idx %gather3A_403[%add3A_176, %add3A_398] : memref<128x64xf32, #tpu.memory_space<vmem>>[vector<16xi32>, vector<16xi32>], vector<16xf32>,
          %add3A_405 = arith.constant 48 : i32
          %add3A_406 = vector.broadcast %add3A_405 : i32 to vector<16xi32>
          %add3A_407 = arith.addi %xor3A, %add3A_406 : vector<16xi32>
          %gather3A_408 = arith.constant 0 : i32
          %gather3A_409 = arith.constant 0 : i32
          %gather3A_410 = arith.constant 0 : i32
          %gather3A_411 = tpu.memref_slice %arg11[%gather3A_408, %gather3A_409, %gather3A_410] : memref<2x128x64xf32, #tpu.memory_space<vmem>> -> memref<1x128x64xf32, #tpu.memory_space<vmem>>
          %gather3A_412 = tpu.memref_squeeze %gather3A_411 : memref<1x128x64xf32, #tpu.memory_space<vmem>> -> memref<128x64xf32, #tpu.memory_space<vmem>>
          %gather3A_413 = tpu.vector_load_idx %gather3A_412[%add3A_176, %add3A_407] : memref<128x64xf32, #tpu.memory_space<vmem>>[vector<16xi32>, vector<16xi32>], vector<16xf32>,
          %scatter3A = arith.constant 0 : i32
          %scatter3A_414 = arith.constant 0 : i32
          %scatter3A_415 = arith.constant 0 : i32
          %scatter3A_416 = tpu.memref_slice %arg12[%scatter3A, %scatter3A_414, %scatter3A_415] : memref<2x64x128xf32, #tpu.memory_space<vmem>> -> memref<1x64x128xf32, #tpu.memory_space<vmem>>
          %scatter3A_417 = tpu.memref_squeeze %scatter3A_416 : memref<1x64x128xf32, #tpu.memory_space<vmem>> -> memref<64x128xf32, #tpu.memory_space<vmem>>
          tpu.vector_store_idx %scatter3A_417[%add3A_381, %add3A_176], %gather3A_386 : memref<64x128xf32, #tpu.memory_space<vmem>>[vector<16xi32>, vector<16xi32>], vector<16xf32>,
          %scatter3A_418 = arith.constant 0 : i32
          %scatter3A_419 = arith.constant 0 : i32
          %scatter3A_420 = arith.constant 0 : i32
          %scatter3A_421 = tpu.memref_slice %arg12[%scatter3A_418, %scatter3A_419, %scatter3A_420] : memref<2x64x128xf32, #tpu.memory_space<vmem>> -> memref<1x64x128xf32, #tpu.memory_space<vmem>>
          %scatter3A_422 = tpu.memref_squeeze %scatter3A_421 : memref<1x64x128xf32, #tpu.memory_space<vmem>> -> memref<64x128xf32, #tpu.memory_space<vmem>>
          tpu.vector_store_idx %scatter3A_422[%add3A_389, %add3A_176], %gather3A_395 : memref<64x128xf32, #tpu.memory_space<vmem>>[vector<16xi32>, vector<16xi32>], vector<16xf32>,
          %scatter3A_423 = arith.constant 0 : i32
          %scatter3A_424 = arith.constant 0 : i32
          %scatter3A_425 = arith.constant 0 : i32
          %scatter3A_426 = tpu.memref_slice %arg12[%scatter3A_423, %scatter3A_424, %scatter3A_425] : memref<2x64x128xf32, #tpu.memory_space<vmem>> -> memref<1x64x128xf32, #tpu.memory_space<vmem>>
          %scatter3A_427 = tpu.memref_squeeze %scatter3A_426 : memref<1x64x128xf32, #tpu.memory_space<vmem>> -> memref<64x128xf32, #tpu.memory_space<vmem>>
          tpu.vector_store_idx %scatter3A_427[%add3A_398, %add3A_176], %gather3A_404 : memref<64x128xf32, #tpu.memory_space<vmem>>[vector<16xi32>, vector<16xi32>], vector<16xf32>,
          %scatter3A_428 = arith.constant 0 : i32
          %scatter3A_429 = arith.constant 0 : i32
          %scatter3A_430 = arith.constant 0 : i32
          %scatter3A_431 = tpu.memref_slice %arg12[%scatter3A_428, %scatter3A_429, %scatter3A_430] : memref<2x64x128xf32, #tpu.memory_space<vmem>> -> memref<1x64x128xf32, #tpu.memory_space<vmem>>
          %scatter3A_432 = tpu.memref_squeeze %scatter3A_431 : memref<1x64x128xf32, #tpu.memory_space<vmem>> -> memref<64x128xf32, #tpu.memory_space<vmem>>
          tpu.vector_store_idx %scatter3A_432[%add3A_407, %add3A_176], %gather3A_413 : memref<64x128xf32, #tpu.memory_space<vmem>>[vector<16xi32>, vector<16xi32>], vector<16xf32>,
          %scan3A_433 = arith.constant 1 : i32
          %scan3A_434 = arith.addi %scan3A_378, %scan3A_433 : i32
          %broadcast_in_dim3A_435 = vector.broadcast %scan3A_434 : i32 to vector<16xi32>
          %xor3A_436 = arith.xori %broadcast_in_dim3A_435, %iota3A : vector<16xi32>
          %add3A_437 = arith.constant 0 : i32
          %add3A_438 = vector.broadcast %add3A_437 : i32 to vector<16xi32>
          %add3A_439 = arith.addi %xor3A_436, %add3A_438 : vector<16xi32>
          %gather3A_440 = arith.constant 0 : i32
          %gather3A_441 = arith.constant 0 : i32
          %gather3A_442 = arith.constant 0 : i32
          %gather3A_443 = tpu.memref_slice %arg11[%gather3A_440, %gather3A_441, %gather3A_442] : memref<2x128x64xf32, #tpu.memory_space<vmem>> -> memref<1x128x64xf32, #tpu.memory_space<vmem>>
          %gather3A_444 = tpu.memref_squeeze %gather3A_443 : memref<1x128x64xf32, #tpu.memory_space<vmem>> -> memref<128x64xf32, #tpu.memory_space<vmem>>
          %gather3A_445 = tpu.vector_load_idx %gather3A_444[%add3A_176, %add3A_439] : memref<128x64xf32, #tpu.memory_space<vmem>>[vector<16xi32>, vector<16xi32>], vector<16xf32>,
          %add3A_446 = arith.constant 16 : i32
          %add3A_447 = vector.broadcast %add3A_446 : i32 to vector<16xi32>
          %add3A_448 = arith.addi %xor3A_436, %add3A_447 : vector<16xi32>
          %gather3A_449 = arith.constant 0 : i32
          %gather3A_450 = arith.constant 0 : i32
          %gather3A_451 = arith.constant 0 : i32
          %gather3A_452 = tpu.memref_slice %arg11[%gather3A_449, %gather3A_450, %gather3A_451] : memref<2x128x64xf32, #tpu.memory_space<vmem>> -> memref<1x128x64xf32, #tpu.memory_space<vmem>>
          %gather3A_453 = tpu.memref_squeeze %gather3A_452 : memref<1x128x64xf32, #tpu.memory_space<vmem>> -> memref<128x64xf32, #tpu.memory_space<vmem>>
          %gather3A_454 = tpu.vector_load_idx %gather3A_453[%add3A_176, %add3A_448] : memref<128x64xf32, #tpu.memory_space<vmem>>[vector<16xi32>, vector<16xi32>], vector<16xf32>,
          %add3A_455 = arith.constant 32 : i32
          %add3A_456 = vector.broadcast %add3A_455 : i32 to vector<16xi32>
          %add3A_457 = arith.addi %xor3A_436, %add3A_456 : vector<16xi32>
          %gather3A_458 = arith.constant 0 : i32
          %gather3A_459 = arith.constant 0 : i32
          %gather3A_460 = arith.constant 0 : i32
          %gather3A_461 = tpu.memref_slice %arg11[%gather3A_458, %gather3A_459, %gather3A_460] : memref<2x128x64xf32, #tpu.memory_space<vmem>> -> memref<1x128x64xf32, #tpu.memory_space<vmem>>
          %gather3A_462 = tpu.memref_squeeze %gather3A_461 : memref<1x128x64xf32, #tpu.memory_space<vmem>> -> memref<128x64xf32, #tpu.memory_space<vmem>>
          %gather3A_463 = tpu.vector_load_idx %gather3A_462[%add3A_176, %add3A_457] : memref<128x64xf32, #tpu.memory_space<vmem>>[vector<16xi32>, vector<16xi32>], vector<16xf32>,
          %add3A_464 = arith.constant 48 : i32
          %add3A_465 = vector.broadcast %add3A_464 : i32 to vector<16xi32>
          %add3A_466 = arith.addi %xor3A_436, %add3A_465 : vector<16xi32>
          %gather3A_467 = arith.constant 0 : i32
          %gather3A_468 = arith.constant 0 : i32
          %gather3A_469 = arith.constant 0 : i32
          %gather3A_470 = tpu.memref_slice %arg11[%gather3A_467, %gather3A_468, %gather3A_469] : memref<2x128x64xf32, #tpu.memory_space<vmem>> -> memref<1x128x64xf32, #tpu.memory_space<vmem>>
          %gather3A_471 = tpu.memref_squeeze %gather3A_470 : memref<1x128x64xf32, #tpu.memory_space<vmem>> -> memref<128x64xf32, #tpu.memory_space<vmem>>
          %gather3A_472 = tpu.vector_load_idx %gather3A_471[%add3A_176, %add3A_466] : memref<128x64xf32, #tpu.memory_space<vmem>>[vector<16xi32>, vector<16xi32>], vector<16xf32>,
          %scatter3A_473 = arith.constant 0 : i32
          %scatter3A_474 = arith.constant 0 : i32
          %scatter3A_475 = arith.constant 0 : i32
          %scatter3A_476 = tpu.memref_slice %arg12[%scatter3A_473, %scatter3A_474, %scatter3A_475] : memref<2x64x128xf32, #tpu.memory_space<vmem>> -> memref<1x64x128xf32, #tpu.memory_space<vmem>>
          %scatter3A_477 = tpu.memref_squeeze %scatter3A_476 : memref<1x64x128xf32, #tpu.memory_space<vmem>> -> memref<64x128xf32, #tpu.memory_space<vmem>>
          tpu.vector_store_idx %scatter3A_477[%add3A_439, %add3A_176], %gather3A_445 : memref<64x128xf32, #tpu.memory_space<vmem>>[vector<16xi32>, vector<16xi32>], vector<16xf32>,
          %scatter3A_478 = arith.constant 0 : i32
          %scatter3A_479 = arith.constant 0 : i32
          %scatter3A_480 = arith.constant 0 : i32
          %scatter3A_481 = tpu.memref_slice %arg12[%scatter3A_478, %scatter3A_479, %scatter3A_480] : memref<2x64x128xf32, #tpu.memory_space<vmem>> -> memref<1x64x128xf32, #tpu.memory_space<vmem>>
          %scatter3A_482 = tpu.memref_squeeze %scatter3A_481 : memref<1x64x128xf32, #tpu.memory_space<vmem>> -> memref<64x128xf32, #tpu.memory_space<vmem>>
          tpu.vector_store_idx %scatter3A_482[%add3A_448, %add3A_176], %gather3A_454 : memref<64x128xf32, #tpu.memory_space<vmem>>[vector<16xi32>, vector<16xi32>], vector<16xf32>,
          %scatter3A_483 = arith.constant 0 : i32
          %scatter3A_484 = arith.constant 0 : i32
          %scatter3A_485 = arith.constant 0 : i32
          %scatter3A_486 = tpu.memref_slice %arg12[%scatter3A_483, %scatter3A_484, %scatter3A_485] : memref<2x64x128xf32, #tpu.memory_space<vmem>> -> memref<1x64x128xf32, #tpu.memory_space<vmem>>
          %scatter3A_487 = tpu.memref_squeeze %scatter3A_486 : memref<1x64x128xf32, #tpu.memory_space<vmem>> -> memref<64x128xf32, #tpu.memory_space<vmem>>
          tpu.vector_store_idx %scatter3A_487[%add3A_457, %add3A_176], %gather3A_463 : memref<64x128xf32, #tpu.memory_space<vmem>>[vector<16xi32>, vector<16xi32>], vector<16xf32>,
          %scatter3A_488 = arith.constant 0 : i32
          %scatter3A_489 = arith.constant 0 : i32
          %scatter3A_490 = arith.constant 0 : i32
          %scatter3A_491 = tpu.memref_slice %arg12[%scatter3A_488, %scatter3A_489, %scatter3A_490] : memref<2x64x128xf32, #tpu.memory_space<vmem>> -> memref<1x64x128xf32, #tpu.memory_space<vmem>>
          %scatter3A_492 = tpu.memref_squeeze %scatter3A_491 : memref<1x64x128xf32, #tpu.memory_space<vmem>> -> memref<64x128xf32, #tpu.memory_space<vmem>>
          tpu.vector_store_idx %scatter3A_492[%add3A_466, %add3A_176], %gather3A_472 : memref<64x128xf32, #tpu.memory_space<vmem>>[vector<16xi32>, vector<16xi32>], vector<16xf32>,
        }
        %scan3A_182 = arith.constant 16 : i32
        %add3A_183 = arith.constant 80 : i32
        %add3A_184 = vector.broadcast %add3A_183 : i32 to vector<16xi32>
        %add3A_185 = arith.addi %iota3A, %add3A_184 : vector<16xi32>
        %scan3A_186 = arith.constant 0 : i32
        %scan3A_187 = arith.constant 0 : i32
        %scan3A_188 = arith.constant 16 : i32
        %scan3A_189 = arith.addi %scan3A_187, %scan3A_188 : i32
        %scan3A_190 = arith.constant 2 : i32
        scf.for %scan3A_378 = %scan3A_187 to %scan3A_189 step %scan3A_190  : i32 {
          %broadcast_in_dim3A = vector.broadcast %scan3A_378 : i32 to vector<16xi32>
          %xor3A = arith.xori %broadcast_in_dim3A, %iota3A : vector<16xi32>
          %add3A_379 = arith.constant 0 : i32
          %add3A_380 = vector.broadcast %add3A_379 : i32 to vector<16xi32>
          %add3A_381 = arith.addi %xor3A, %add3A_380 : vector<16xi32>
          %gather3A = arith.constant 0 : i32
          %gather3A_382 = arith.constant 0 : i32
          %gather3A_383 = arith.constant 0 : i32
          %gather3A_384 = tpu.memref_slice %arg11[%gather3A, %gather3A_382, %gather3A_383] : memref<2x128x64xf32, #tpu.memory_space<vmem>> -> memref<1x128x64xf32, #tpu.memory_space<vmem>>
          %gather3A_385 = tpu.memref_squeeze %gather3A_384 : memref<1x128x64xf32, #tpu.memory_space<vmem>> -> memref<128x64xf32, #tpu.memory_space<vmem>>
          %gather3A_386 = tpu.vector_load_idx %gather3A_385[%add3A_185, %add3A_381] : memref<128x64xf32, #tpu.memory_space<vmem>>[vector<16xi32>, vector<16xi32>], vector<16xf32>,
          %add3A_387 = arith.constant 16 : i32
          %add3A_388 = vector.broadcast %add3A_387 : i32 to vector<16xi32>
          %add3A_389 = arith.addi %xor3A, %add3A_388 : vector<16xi32>
          %gather3A_390 = arith.constant 0 : i32
          %gather3A_391 = arith.constant 0 : i32
          %gather3A_392 = arith.constant 0 : i32
          %gather3A_393 = tpu.memref_slice %arg11[%gather3A_390, %gather3A_391, %gather3A_392] : memref<2x128x64xf32, #tpu.memory_space<vmem>> -> memref<1x128x64xf32, #tpu.memory_space<vmem>>
          %gather3A_394 = tpu.memref_squeeze %gather3A_393 : memref<1x128x64xf32, #tpu.memory_space<vmem>> -> memref<128x64xf32, #tpu.memory_space<vmem>>
          %gather3A_395 = tpu.vector_load_idx %gather3A_394[%add3A_185, %add3A_389] : memref<128x64xf32, #tpu.memory_space<vmem>>[vector<16xi32>, vector<16xi32>], vector<16xf32>,
          %add3A_396 = arith.constant 32 : i32
          %add3A_397 = vector.broadcast %add3A_396 : i32 to vector<16xi32>
          %add3A_398 = arith.addi %xor3A, %add3A_397 : vector<16xi32>
          %gather3A_399 = arith.constant 0 : i32
          %gather3A_400 = arith.constant 0 : i32
          %gather3A_401 = arith.constant 0 : i32
          %gather3A_402 = tpu.memref_slice %arg11[%gather3A_399, %gather3A_400, %gather3A_401] : memref<2x128x64xf32, #tpu.memory_space<vmem>> -> memref<1x128x64xf32, #tpu.memory_space<vmem>>
          %gather3A_403 = tpu.memref_squeeze %gather3A_402 : memref<1x128x64xf32, #tpu.memory_space<vmem>> -> memref<128x64xf32, #tpu.memory_space<vmem>>
          %gather3A_404 = tpu.vector_load_idx %gather3A_403[%add3A_185, %add3A_398] : memref<128x64xf32, #tpu.memory_space<vmem>>[vector<16xi32>, vector<16xi32>], vector<16xf32>,
          %add3A_405 = arith.constant 48 : i32
          %add3A_406 = vector.broadcast %add3A_405 : i32 to vector<16xi32>
          %add3A_407 = arith.addi %xor3A, %add3A_406 : vector<16xi32>
          %gather3A_408 = arith.constant 0 : i32
          %gather3A_409 = arith.constant 0 : i32
          %gather3A_410 = arith.constant 0 : i32
          %gather3A_411 = tpu.memref_slice %arg11[%gather3A_408, %gather3A_409, %gather3A_410] : memref<2x128x64xf32, #tpu.memory_space<vmem>> -> memref<1x128x64xf32, #tpu.memory_space<vmem>>
          %gather3A_412 = tpu.memref_squeeze %gather3A_411 : memref<1x128x64xf32, #tpu.memory_space<vmem>> -> memref<128x64xf32, #tpu.memory_space<vmem>>
          %gather3A_413 = tpu.vector_load_idx %gather3A_412[%add3A_185, %add3A_407] : memref<128x64xf32, #tpu.memory_space<vmem>>[vector<16xi32>, vector<16xi32>], vector<16xf32>,
          %scatter3A = arith.constant 0 : i32
          %scatter3A_414 = arith.constant 0 : i32
          %scatter3A_415 = arith.constant 0 : i32
          %scatter3A_416 = tpu.memref_slice %arg12[%scatter3A, %scatter3A_414, %scatter3A_415] : memref<2x64x128xf32, #tpu.memory_space<vmem>> -> memref<1x64x128xf32, #tpu.memory_space<vmem>>
          %scatter3A_417 = tpu.memref_squeeze %scatter3A_416 : memref<1x64x128xf32, #tpu.memory_space<vmem>> -> memref<64x128xf32, #tpu.memory_space<vmem>>
          tpu.vector_store_idx %scatter3A_417[%add3A_381, %add3A_185], %gather3A_386 : memref<64x128xf32, #tpu.memory_space<vmem>>[vector<16xi32>, vector<16xi32>], vector<16xf32>,
          %scatter3A_418 = arith.constant 0 : i32
          %scatter3A_419 = arith.constant 0 : i32
          %scatter3A_420 = arith.constant 0 : i32
          %scatter3A_421 = tpu.memref_slice %arg12[%scatter3A_418, %scatter3A_419, %scatter3A_420] : memref<2x64x128xf32, #tpu.memory_space<vmem>> -> memref<1x64x128xf32, #tpu.memory_space<vmem>>
          %scatter3A_422 = tpu.memref_squeeze %scatter3A_421 : memref<1x64x128xf32, #tpu.memory_space<vmem>> -> memref<64x128xf32, #tpu.memory_space<vmem>>
          tpu.vector_store_idx %scatter3A_422[%add3A_389, %add3A_185], %gather3A_395 : memref<64x128xf32, #tpu.memory_space<vmem>>[vector<16xi32>, vector<16xi32>], vector<16xf32>,
          %scatter3A_423 = arith.constant 0 : i32
          %scatter3A_424 = arith.constant 0 : i32
          %scatter3A_425 = arith.constant 0 : i32
          %scatter3A_426 = tpu.memref_slice %arg12[%scatter3A_423, %scatter3A_424, %scatter3A_425] : memref<2x64x128xf32, #tpu.memory_space<vmem>> -> memref<1x64x128xf32, #tpu.memory_space<vmem>>
          %scatter3A_427 = tpu.memref_squeeze %scatter3A_426 : memref<1x64x128xf32, #tpu.memory_space<vmem>> -> memref<64x128xf32, #tpu.memory_space<vmem>>
          tpu.vector_store_idx %scatter3A_427[%add3A_398, %add3A_185], %gather3A_404 : memref<64x128xf32, #tpu.memory_space<vmem>>[vector<16xi32>, vector<16xi32>], vector<16xf32>,
          %scatter3A_428 = arith.constant 0 : i32
          %scatter3A_429 = arith.constant 0 : i32
          %scatter3A_430 = arith.constant 0 : i32
          %scatter3A_431 = tpu.memref_slice %arg12[%scatter3A_428, %scatter3A_429, %scatter3A_430] : memref<2x64x128xf32, #tpu.memory_space<vmem>> -> memref<1x64x128xf32, #tpu.memory_space<vmem>>
          %scatter3A_432 = tpu.memref_squeeze %scatter3A_431 : memref<1x64x128xf32, #tpu.memory_space<vmem>> -> memref<64x128xf32, #tpu.memory_space<vmem>>
          tpu.vector_store_idx %scatter3A_432[%add3A_407, %add3A_185], %gather3A_413 : memref<64x128xf32, #tpu.memory_space<vmem>>[vector<16xi32>, vector<16xi32>], vector<16xf32>,
          %scan3A_433 = arith.constant 1 : i32
          %scan3A_434 = arith.addi %scan3A_378, %scan3A_433 : i32
          %broadcast_in_dim3A_435 = vector.broadcast %scan3A_434 : i32 to vector<16xi32>
          %xor3A_436 = arith.xori %broadcast_in_dim3A_435, %iota3A : vector<16xi32>
          %add3A_437 = arith.constant 0 : i32
          %add3A_438 = vector.broadcast %add3A_437 : i32 to vector<16xi32>
          %add3A_439 = arith.addi %xor3A_436, %add3A_438 : vector<16xi32>
          %gather3A_440 = arith.constant 0 : i32
          %gather3A_441 = arith.constant 0 : i32
          %gather3A_442 = arith.constant 0 : i32
          %gather3A_443 = tpu.memref_slice %arg11[%gather3A_440, %gather3A_441, %gather3A_442] : memref<2x128x64xf32, #tpu.memory_space<vmem>> -> memref<1x128x64xf32, #tpu.memory_space<vmem>>
          %gather3A_444 = tpu.memref_squeeze %gather3A_443 : memref<1x128x64xf32, #tpu.memory_space<vmem>> -> memref<128x64xf32, #tpu.memory_space<vmem>>
          %gather3A_445 = tpu.vector_load_idx %gather3A_444[%add3A_185, %add3A_439] : memref<128x64xf32, #tpu.memory_space<vmem>>[vector<16xi32>, vector<16xi32>], vector<16xf32>,
          %add3A_446 = arith.constant 16 : i32
          %add3A_447 = vector.broadcast %add3A_446 : i32 to vector<16xi32>
          %add3A_448 = arith.addi %xor3A_436, %add3A_447 : vector<16xi32>
          %gather3A_449 = arith.constant 0 : i32
          %gather3A_450 = arith.constant 0 : i32
          %gather3A_451 = arith.constant 0 : i32
          %gather3A_452 = tpu.memref_slice %arg11[%gather3A_449, %gather3A_450, %gather3A_451] : memref<2x128x64xf32, #tpu.memory_space<vmem>> -> memref<1x128x64xf32, #tpu.memory_space<vmem>>
          %gather3A_453 = tpu.memref_squeeze %gather3A_452 : memref<1x128x64xf32, #tpu.memory_space<vmem>> -> memref<128x64xf32, #tpu.memory_space<vmem>>
          %gather3A_454 = tpu.vector_load_idx %gather3A_453[%add3A_185, %add3A_448] : memref<128x64xf32, #tpu.memory_space<vmem>>[vector<16xi32>, vector<16xi32>], vector<16xf32>,
          %add3A_455 = arith.constant 32 : i32
          %add3A_456 = vector.broadcast %add3A_455 : i32 to vector<16xi32>
          %add3A_457 = arith.addi %xor3A_436, %add3A_456 : vector<16xi32>
          %gather3A_458 = arith.constant 0 : i32
          %gather3A_459 = arith.constant 0 : i32
          %gather3A_460 = arith.constant 0 : i32
          %gather3A_461 = tpu.memref_slice %arg11[%gather3A_458, %gather3A_459, %gather3A_460] : memref<2x128x64xf32, #tpu.memory_space<vmem>> -> memref<1x128x64xf32, #tpu.memory_space<vmem>>
          %gather3A_462 = tpu.memref_squeeze %gather3A_461 : memref<1x128x64xf32, #tpu.memory_space<vmem>> -> memref<128x64xf32, #tpu.memory_space<vmem>>
          %gather3A_463 = tpu.vector_load_idx %gather3A_462[%add3A_185, %add3A_457] : memref<128x64xf32, #tpu.memory_space<vmem>>[vector<16xi32>, vector<16xi32>], vector<16xf32>,
          %add3A_464 = arith.constant 48 : i32
          %add3A_465 = vector.broadcast %add3A_464 : i32 to vector<16xi32>
          %add3A_466 = arith.addi %xor3A_436, %add3A_465 : vector<16xi32>
          %gather3A_467 = arith.constant 0 : i32
          %gather3A_468 = arith.constant 0 : i32
          %gather3A_469 = arith.constant 0 : i32
          %gather3A_470 = tpu.memref_slice %arg11[%gather3A_467, %gather3A_468, %gather3A_469] : memref<2x128x64xf32, #tpu.memory_space<vmem>> -> memref<1x128x64xf32, #tpu.memory_space<vmem>>
          %gather3A_471 = tpu.memref_squeeze %gather3A_470 : memref<1x128x64xf32, #tpu.memory_space<vmem>> -> memref<128x64xf32, #tpu.memory_space<vmem>>
          %gather3A_472 = tpu.vector_load_idx %gather3A_471[%add3A_185, %add3A_466] : memref<128x64xf32, #tpu.memory_space<vmem>>[vector<16xi32>, vector<16xi32>], vector<16xf32>,
          %scatter3A_473 = arith.constant 0 : i32
          %scatter3A_474 = arith.constant 0 : i32
          %scatter3A_475 = arith.constant 0 : i32
          %scatter3A_476 = tpu.memref_slice %arg12[%scatter3A_473, %scatter3A_474, %scatter3A_475] : memref<2x64x128xf32, #tpu.memory_space<vmem>> -> memref<1x64x128xf32, #tpu.memory_space<vmem>>
          %scatter3A_477 = tpu.memref_squeeze %scatter3A_476 : memref<1x64x128xf32, #tpu.memory_space<vmem>> -> memref<64x128xf32, #tpu.memory_space<vmem>>
          tpu.vector_store_idx %scatter3A_477[%add3A_439, %add3A_185], %gather3A_445 : memref<64x128xf32, #tpu.memory_space<vmem>>[vector<16xi32>, vector<16xi32>], vector<16xf32>,
          %scatter3A_478 = arith.constant 0 : i32
          %scatter3A_479 = arith.constant 0 : i32
          %scatter3A_480 = arith.constant 0 : i32
          %scatter3A_481 = tpu.memref_slice %arg12[%scatter3A_478, %scatter3A_479, %scatter3A_480] : memref<2x64x128xf32, #tpu.memory_space<vmem>> -> memref<1x64x128xf32, #tpu.memory_space<vmem>>
          %scatter3A_482 = tpu.memref_squeeze %scatter3A_481 : memref<1x64x128xf32, #tpu.memory_space<vmem>> -> memref<64x128xf32, #tpu.memory_space<vmem>>
          tpu.vector_store_idx %scatter3A_482[%add3A_448, %add3A_185], %gather3A_454 : memref<64x128xf32, #tpu.memory_space<vmem>>[vector<16xi32>, vector<16xi32>], vector<16xf32>,
          %scatter3A_483 = arith.constant 0 : i32
          %scatter3A_484 = arith.constant 0 : i32
          %scatter3A_485 = arith.constant 0 : i32
          %scatter3A_486 = tpu.memref_slice %arg12[%scatter3A_483, %scatter3A_484, %scatter3A_485] : memref<2x64x128xf32, #tpu.memory_space<vmem>> -> memref<1x64x128xf32, #tpu.memory_space<vmem>>
          %scatter3A_487 = tpu.memref_squeeze %scatter3A_486 : memref<1x64x128xf32, #tpu.memory_space<vmem>> -> memref<64x128xf32, #tpu.memory_space<vmem>>
          tpu.vector_store_idx %scatter3A_487[%add3A_457, %add3A_185], %gather3A_463 : memref<64x128xf32, #tpu.memory_space<vmem>>[vector<16xi32>, vector<16xi32>], vector<16xf32>,
          %scatter3A_488 = arith.constant 0 : i32
          %scatter3A_489 = arith.constant 0 : i32
          %scatter3A_490 = arith.constant 0 : i32
          %scatter3A_491 = tpu.memref_slice %arg12[%scatter3A_488, %scatter3A_489, %scatter3A_490] : memref<2x64x128xf32, #tpu.memory_space<vmem>> -> memref<1x64x128xf32, #tpu.memory_space<vmem>>
          %scatter3A_492 = tpu.memref_squeeze %scatter3A_491 : memref<1x64x128xf32, #tpu.memory_space<vmem>> -> memref<64x128xf32, #tpu.memory_space<vmem>>
          tpu.vector_store_idx %scatter3A_492[%add3A_466, %add3A_185], %gather3A_472 : memref<64x128xf32, #tpu.memory_space<vmem>>[vector<16xi32>, vector<16xi32>], vector<16xf32>,
        }
        %scan3A_191 = arith.constant 16 : i32
        %add3A_192 = arith.constant 96 : i32
        %add3A_193 = vector.broadcast %add3A_192 : i32 to vector<16xi32>
        %add3A_194 = arith.addi %iota3A, %add3A_193 : vector<16xi32>
        %scan3A_195 = arith.constant 0 : i32
        %scan3A_196 = arith.constant 0 : i32
        %scan3A_197 = arith.constant 16 : i32
        %scan3A_198 = arith.addi %scan3A_196, %scan3A_197 : i32
        %scan3A_199 = arith.constant 2 : i32
        scf.for %scan3A_378 = %scan3A_196 to %scan3A_198 step %scan3A_199  : i32 {
          %broadcast_in_dim3A = vector.broadcast %scan3A_378 : i32 to vector<16xi32>
          %xor3A = arith.xori %broadcast_in_dim3A, %iota3A : vector<16xi32>
          %add3A_379 = arith.constant 0 : i32
          %add3A_380 = vector.broadcast %add3A_379 : i32 to vector<16xi32>
          %add3A_381 = arith.addi %xor3A, %add3A_380 : vector<16xi32>
          %gather3A = arith.constant 0 : i32
          %gather3A_382 = arith.constant 0 : i32
          %gather3A_383 = arith.constant 0 : i32
          %gather3A_384 = tpu.memref_slice %arg11[%gather3A, %gather3A_382, %gather3A_383] : memref<2x128x64xf32, #tpu.memory_space<vmem>> -> memref<1x128x64xf32, #tpu.memory_space<vmem>>
          %gather3A_385 = tpu.memref_squeeze %gather3A_384 : memref<1x128x64xf32, #tpu.memory_space<vmem>> -> memref<128x64xf32, #tpu.memory_space<vmem>>
          %gather3A_386 = tpu.vector_load_idx %gather3A_385[%add3A_194, %add3A_381] : memref<128x64xf32, #tpu.memory_space<vmem>>[vector<16xi32>, vector<16xi32>], vector<16xf32>,
          %add3A_387 = arith.constant 16 : i32
          %add3A_388 = vector.broadcast %add3A_387 : i32 to vector<16xi32>
          %add3A_389 = arith.addi %xor3A, %add3A_388 : vector<16xi32>
          %gather3A_390 = arith.constant 0 : i32
          %gather3A_391 = arith.constant 0 : i32
          %gather3A_392 = arith.constant 0 : i32
          %gather3A_393 = tpu.memref_slice %arg11[%gather3A_390, %gather3A_391, %gather3A_392] : memref<2x128x64xf32, #tpu.memory_space<vmem>> -> memref<1x128x64xf32, #tpu.memory_space<vmem>>
          %gather3A_394 = tpu.memref_squeeze %gather3A_393 : memref<1x128x64xf32, #tpu.memory_space<vmem>> -> memref<128x64xf32, #tpu.memory_space<vmem>>
          %gather3A_395 = tpu.vector_load_idx %gather3A_394[%add3A_194, %add3A_389] : memref<128x64xf32, #tpu.memory_space<vmem>>[vector<16xi32>, vector<16xi32>], vector<16xf32>,
          %add3A_396 = arith.constant 32 : i32
          %add3A_397 = vector.broadcast %add3A_396 : i32 to vector<16xi32>
          %add3A_398 = arith.addi %xor3A, %add3A_397 : vector<16xi32>
          %gather3A_399 = arith.constant 0 : i32
          %gather3A_400 = arith.constant 0 : i32
          %gather3A_401 = arith.constant 0 : i32
          %gather3A_402 = tpu.memref_slice %arg11[%gather3A_399, %gather3A_400, %gather3A_401] : memref<2x128x64xf32, #tpu.memory_space<vmem>> -> memref<1x128x64xf32, #tpu.memory_space<vmem>>
          %gather3A_403 = tpu.memref_squeeze %gather3A_402 : memref<1x128x64xf32, #tpu.memory_space<vmem>> -> memref<128x64xf32, #tpu.memory_space<vmem>>
          %gather3A_404 = tpu.vector_load_idx %gather3A_403[%add3A_194, %add3A_398] : memref<128x64xf32, #tpu.memory_space<vmem>>[vector<16xi32>, vector<16xi32>], vector<16xf32>,
          %add3A_405 = arith.constant 48 : i32
          %add3A_406 = vector.broadcast %add3A_405 : i32 to vector<16xi32>
          %add3A_407 = arith.addi %xor3A, %add3A_406 : vector<16xi32>
          %gather3A_408 = arith.constant 0 : i32
          %gather3A_409 = arith.constant 0 : i32
          %gather3A_410 = arith.constant 0 : i32
          %gather3A_411 = tpu.memref_slice %arg11[%gather3A_408, %gather3A_409, %gather3A_410] : memref<2x128x64xf32, #tpu.memory_space<vmem>> -> memref<1x128x64xf32, #tpu.memory_space<vmem>>
          %gather3A_412 = tpu.memref_squeeze %gather3A_411 : memref<1x128x64xf32, #tpu.memory_space<vmem>> -> memref<128x64xf32, #tpu.memory_space<vmem>>
          %gather3A_413 = tpu.vector_load_idx %gather3A_412[%add3A_194, %add3A_407] : memref<128x64xf32, #tpu.memory_space<vmem>>[vector<16xi32>, vector<16xi32>], vector<16xf32>,
          %scatter3A = arith.constant 0 : i32
          %scatter3A_414 = arith.constant 0 : i32
          %scatter3A_415 = arith.constant 0 : i32
          %scatter3A_416 = tpu.memref_slice %arg12[%scatter3A, %scatter3A_414, %scatter3A_415] : memref<2x64x128xf32, #tpu.memory_space<vmem>> -> memref<1x64x128xf32, #tpu.memory_space<vmem>>
          %scatter3A_417 = tpu.memref_squeeze %scatter3A_416 : memref<1x64x128xf32, #tpu.memory_space<vmem>> -> memref<64x128xf32, #tpu.memory_space<vmem>>
          tpu.vector_store_idx %scatter3A_417[%add3A_381, %add3A_194], %gather3A_386 : memref<64x128xf32, #tpu.memory_space<vmem>>[vector<16xi32>, vector<16xi32>], vector<16xf32>,
          %scatter3A_418 = arith.constant 0 : i32
          %scatter3A_419 = arith.constant 0 : i32
          %scatter3A_420 = arith.constant 0 : i32
          %scatter3A_421 = tpu.memref_slice %arg12[%scatter3A_418, %scatter3A_419, %scatter3A_420] : memref<2x64x128xf32, #tpu.memory_space<vmem>> -> memref<1x64x128xf32, #tpu.memory_space<vmem>>
          %scatter3A_422 = tpu.memref_squeeze %scatter3A_421 : memref<1x64x128xf32, #tpu.memory_space<vmem>> -> memref<64x128xf32, #tpu.memory_space<vmem>>
          tpu.vector_store_idx %scatter3A_422[%add3A_389, %add3A_194], %gather3A_395 : memref<64x128xf32, #tpu.memory_space<vmem>>[vector<16xi32>, vector<16xi32>], vector<16xf32>,
          %scatter3A_423 = arith.constant 0 : i32
          %scatter3A_424 = arith.constant 0 : i32
          %scatter3A_425 = arith.constant 0 : i32
          %scatter3A_426 = tpu.memref_slice %arg12[%scatter3A_423, %scatter3A_424, %scatter3A_425] : memref<2x64x128xf32, #tpu.memory_space<vmem>> -> memref<1x64x128xf32, #tpu.memory_space<vmem>>
          %scatter3A_427 = tpu.memref_squeeze %scatter3A_426 : memref<1x64x128xf32, #tpu.memory_space<vmem>> -> memref<64x128xf32, #tpu.memory_space<vmem>>
          tpu.vector_store_idx %scatter3A_427[%add3A_398, %add3A_194], %gather3A_404 : memref<64x128xf32, #tpu.memory_space<vmem>>[vector<16xi32>, vector<16xi32>], vector<16xf32>,
          %scatter3A_428 = arith.constant 0 : i32
          %scatter3A_429 = arith.constant 0 : i32
          %scatter3A_430 = arith.constant 0 : i32
          %scatter3A_431 = tpu.memref_slice %arg12[%scatter3A_428, %scatter3A_429, %scatter3A_430] : memref<2x64x128xf32, #tpu.memory_space<vmem>> -> memref<1x64x128xf32, #tpu.memory_space<vmem>>
          %scatter3A_432 = tpu.memref_squeeze %scatter3A_431 : memref<1x64x128xf32, #tpu.memory_space<vmem>> -> memref<64x128xf32, #tpu.memory_space<vmem>>
          tpu.vector_store_idx %scatter3A_432[%add3A_407, %add3A_194], %gather3A_413 : memref<64x128xf32, #tpu.memory_space<vmem>>[vector<16xi32>, vector<16xi32>], vector<16xf32>,
          %scan3A_433 = arith.constant 1 : i32
          %scan3A_434 = arith.addi %scan3A_378, %scan3A_433 : i32
          %broadcast_in_dim3A_435 = vector.broadcast %scan3A_434 : i32 to vector<16xi32>
          %xor3A_436 = arith.xori %broadcast_in_dim3A_435, %iota3A : vector<16xi32>
          %add3A_437 = arith.constant 0 : i32
          %add3A_438 = vector.broadcast %add3A_437 : i32 to vector<16xi32>
          %add3A_439 = arith.addi %xor3A_436, %add3A_438 : vector<16xi32>
          %gather3A_440 = arith.constant 0 : i32
          %gather3A_441 = arith.constant 0 : i32
          %gather3A_442 = arith.constant 0 : i32
          %gather3A_443 = tpu.memref_slice %arg11[%gather3A_440, %gather3A_441, %gather3A_442] : memref<2x128x64xf32, #tpu.memory_space<vmem>> -> memref<1x128x64xf32, #tpu.memory_space<vmem>>
          %gather3A_444 = tpu.memref_squeeze %gather3A_443 : memref<1x128x64xf32, #tpu.memory_space<vmem>> -> memref<128x64xf32, #tpu.memory_space<vmem>>
          %gather3A_445 = tpu.vector_load_idx %gather3A_444[%add3A_194, %add3A_439] : memref<128x64xf32, #tpu.memory_space<vmem>>[vector<16xi32>, vector<16xi32>], vector<16xf32>,
          %add3A_446 = arith.constant 16 : i32
          %add3A_447 = vector.broadcast %add3A_446 : i32 to vector<16xi32>
          %add3A_448 = arith.addi %xor3A_436, %add3A_447 : vector<16xi32>
          %gather3A_449 = arith.constant 0 : i32
          %gather3A_450 = arith.constant 0 : i32
          %gather3A_451 = arith.constant 0 : i32
          %gather3A_452 = tpu.memref_slice %arg11[%gather3A_449, %gather3A_450, %gather3A_451] : memref<2x128x64xf32, #tpu.memory_space<vmem>> -> memref<1x128x64xf32, #tpu.memory_space<vmem>>
          %gather3A_453 = tpu.memref_squeeze %gather3A_452 : memref<1x128x64xf32, #tpu.memory_space<vmem>> -> memref<128x64xf32, #tpu.memory_space<vmem>>
          %gather3A_454 = tpu.vector_load_idx %gather3A_453[%add3A_194, %add3A_448] : memref<128x64xf32, #tpu.memory_space<vmem>>[vector<16xi32>, vector<16xi32>], vector<16xf32>,
          %add3A_455 = arith.constant 32 : i32
          %add3A_456 = vector.broadcast %add3A_455 : i32 to vector<16xi32>
          %add3A_457 = arith.addi %xor3A_436, %add3A_456 : vector<16xi32>
          %gather3A_458 = arith.constant 0 : i32
          %gather3A_459 = arith.constant 0 : i32
          %gather3A_460 = arith.constant 0 : i32
          %gather3A_461 = tpu.memref_slice %arg11[%gather3A_458, %gather3A_459, %gather3A_460] : memref<2x128x64xf32, #tpu.memory_space<vmem>> -> memref<1x128x64xf32, #tpu.memory_space<vmem>>
          %gather3A_462 = tpu.memref_squeeze %gather3A_461 : memref<1x128x64xf32, #tpu.memory_space<vmem>> -> memref<128x64xf32, #tpu.memory_space<vmem>>
          %gather3A_463 = tpu.vector_load_idx %gather3A_462[%add3A_194, %add3A_457] : memref<128x64xf32, #tpu.memory_space<vmem>>[vector<16xi32>, vector<16xi32>], vector<16xf32>,
          %add3A_464 = arith.constant 48 : i32
          %add3A_465 = vector.broadcast %add3A_464 : i32 to vector<16xi32>
          %add3A_466 = arith.addi %xor3A_436, %add3A_465 : vector<16xi32>
          %gather3A_467 = arith.constant 0 : i32
          %gather3A_468 = arith.constant 0 : i32
          %gather3A_469 = arith.constant 0 : i32
          %gather3A_470 = tpu.memref_slice %arg11[%gather3A_467, %gather3A_468, %gather3A_469] : memref<2x128x64xf32, #tpu.memory_space<vmem>> -> memref<1x128x64xf32, #tpu.memory_space<vmem>>
          %gather3A_471 = tpu.memref_squeeze %gather3A_470 : memref<1x128x64xf32, #tpu.memory_space<vmem>> -> memref<128x64xf32, #tpu.memory_space<vmem>>
          %gather3A_472 = tpu.vector_load_idx %gather3A_471[%add3A_194, %add3A_466] : memref<128x64xf32, #tpu.memory_space<vmem>>[vector<16xi32>, vector<16xi32>], vector<16xf32>,
          %scatter3A_473 = arith.constant 0 : i32
          %scatter3A_474 = arith.constant 0 : i32
          %scatter3A_475 = arith.constant 0 : i32
          %scatter3A_476 = tpu.memref_slice %arg12[%scatter3A_473, %scatter3A_474, %scatter3A_475] : memref<2x64x128xf32, #tpu.memory_space<vmem>> -> memref<1x64x128xf32, #tpu.memory_space<vmem>>
          %scatter3A_477 = tpu.memref_squeeze %scatter3A_476 : memref<1x64x128xf32, #tpu.memory_space<vmem>> -> memref<64x128xf32, #tpu.memory_space<vmem>>
          tpu.vector_store_idx %scatter3A_477[%add3A_439, %add3A_194], %gather3A_445 : memref<64x128xf32, #tpu.memory_space<vmem>>[vector<16xi32>, vector<16xi32>], vector<16xf32>,
          %scatter3A_478 = arith.constant 0 : i32
          %scatter3A_479 = arith.constant 0 : i32
          %scatter3A_480 = arith.constant 0 : i32
          %scatter3A_481 = tpu.memref_slice %arg12[%scatter3A_478, %scatter3A_479, %scatter3A_480] : memref<2x64x128xf32, #tpu.memory_space<vmem>> -> memref<1x64x128xf32, #tpu.memory_space<vmem>>
          %scatter3A_482 = tpu.memref_squeeze %scatter3A_481 : memref<1x64x128xf32, #tpu.memory_space<vmem>> -> memref<64x128xf32, #tpu.memory_space<vmem>>
          tpu.vector_store_idx %scatter3A_482[%add3A_448, %add3A_194], %gather3A_454 : memref<64x128xf32, #tpu.memory_space<vmem>>[vector<16xi32>, vector<16xi32>], vector<16xf32>,
          %scatter3A_483 = arith.constant 0 : i32
          %scatter3A_484 = arith.constant 0 : i32
          %scatter3A_485 = arith.constant 0 : i32
          %scatter3A_486 = tpu.memref_slice %arg12[%scatter3A_483, %scatter3A_484, %scatter3A_485] : memref<2x64x128xf32, #tpu.memory_space<vmem>> -> memref<1x64x128xf32, #tpu.memory_space<vmem>>
          %scatter3A_487 = tpu.memref_squeeze %scatter3A_486 : memref<1x64x128xf32, #tpu.memory_space<vmem>> -> memref<64x128xf32, #tpu.memory_space<vmem>>
          tpu.vector_store_idx %scatter3A_487[%add3A_457, %add3A_194], %gather3A_463 : memref<64x128xf32, #tpu.memory_space<vmem>>[vector<16xi32>, vector<16xi32>], vector<16xf32>,
          %scatter3A_488 = arith.constant 0 : i32
          %scatter3A_489 = arith.constant 0 : i32
          %scatter3A_490 = arith.constant 0 : i32
          %scatter3A_491 = tpu.memref_slice %arg12[%scatter3A_488, %scatter3A_489, %scatter3A_490] : memref<2x64x128xf32, #tpu.memory_space<vmem>> -> memref<1x64x128xf32, #tpu.memory_space<vmem>>
          %scatter3A_492 = tpu.memref_squeeze %scatter3A_491 : memref<1x64x128xf32, #tpu.memory_space<vmem>> -> memref<64x128xf32, #tpu.memory_space<vmem>>
          tpu.vector_store_idx %scatter3A_492[%add3A_466, %add3A_194], %gather3A_472 : memref<64x128xf32, #tpu.memory_space<vmem>>[vector<16xi32>, vector<16xi32>], vector<16xf32>,
        }
        %scan3A_200 = arith.constant 16 : i32
        %add3A_201 = arith.constant 112 : i32
        %add3A_202 = vector.broadcast %add3A_201 : i32 to vector<16xi32>
        %add3A_203 = arith.addi %iota3A, %add3A_202 : vector<16xi32>
        %scan3A_204 = arith.constant 0 : i32
        %scan3A_205 = arith.constant 0 : i32
        %scan3A_206 = arith.constant 16 : i32
        %scan3A_207 = arith.addi %scan3A_205, %scan3A_206 : i32
        %scan3A_208 = arith.constant 2 : i32
        scf.for %scan3A_378 = %scan3A_205 to %scan3A_207 step %scan3A_208  : i32 {
          %broadcast_in_dim3A = vector.broadcast %scan3A_378 : i32 to vector<16xi32>
          %xor3A = arith.xori %broadcast_in_dim3A, %iota3A : vector<16xi32>
          %add3A_379 = arith.constant 0 : i32
          %add3A_380 = vector.broadcast %add3A_379 : i32 to vector<16xi32>
          %add3A_381 = arith.addi %xor3A, %add3A_380 : vector<16xi32>
          %gather3A = arith.constant 0 : i32
          %gather3A_382 = arith.constant 0 : i32
          %gather3A_383 = arith.constant 0 : i32
          %gather3A_384 = tpu.memref_slice %arg11[%gather3A, %gather3A_382, %gather3A_383] : memref<2x128x64xf32, #tpu.memory_space<vmem>> -> memref<1x128x64xf32, #tpu.memory_space<vmem>>
          %gather3A_385 = tpu.memref_squeeze %gather3A_384 : memref<1x128x64xf32, #tpu.memory_space<vmem>> -> memref<128x64xf32, #tpu.memory_space<vmem>>
          %gather3A_386 = tpu.vector_load_idx %gather3A_385[%add3A_203, %add3A_381] : memref<128x64xf32, #tpu.memory_space<vmem>>[vector<16xi32>, vector<16xi32>], vector<16xf32>,
          %add3A_387 = arith.constant 16 : i32
          %add3A_388 = vector.broadcast %add3A_387 : i32 to vector<16xi32>
          %add3A_389 = arith.addi %xor3A, %add3A_388 : vector<16xi32>
          %gather3A_390 = arith.constant 0 : i32
          %gather3A_391 = arith.constant 0 : i32
          %gather3A_392 = arith.constant 0 : i32
          %gather3A_393 = tpu.memref_slice %arg11[%gather3A_390, %gather3A_391, %gather3A_392] : memref<2x128x64xf32, #tpu.memory_space<vmem>> -> memref<1x128x64xf32, #tpu.memory_space<vmem>>
          %gather3A_394 = tpu.memref_squeeze %gather3A_393 : memref<1x128x64xf32, #tpu.memory_space<vmem>> -> memref<128x64xf32, #tpu.memory_space<vmem>>
          %gather3A_395 = tpu.vector_load_idx %gather3A_394[%add3A_203, %add3A_389] : memref<128x64xf32, #tpu.memory_space<vmem>>[vector<16xi32>, vector<16xi32>], vector<16xf32>,
          %add3A_396 = arith.constant 32 : i32
          %add3A_397 = vector.broadcast %add3A_396 : i32 to vector<16xi32>
          %add3A_398 = arith.addi %xor3A, %add3A_397 : vector<16xi32>
          %gather3A_399 = arith.constant 0 : i32
          %gather3A_400 = arith.constant 0 : i32
          %gather3A_401 = arith.constant 0 : i32
          %gather3A_402 = tpu.memref_slice %arg11[%gather3A_399, %gather3A_400, %gather3A_401] : memref<2x128x64xf32, #tpu.memory_space<vmem>> -> memref<1x128x64xf32, #tpu.memory_space<vmem>>
          %gather3A_403 = tpu.memref_squeeze %gather3A_402 : memref<1x128x64xf32, #tpu.memory_space<vmem>> -> memref<128x64xf32, #tpu.memory_space<vmem>>
          %gather3A_404 = tpu.vector_load_idx %gather3A_403[%add3A_203, %add3A_398] : memref<128x64xf32, #tpu.memory_space<vmem>>[vector<16xi32>, vector<16xi32>], vector<16xf32>,
          %add3A_405 = arith.constant 48 : i32
          %add3A_406 = vector.broadcast %add3A_405 : i32 to vector<16xi32>
          %add3A_407 = arith.addi %xor3A, %add3A_406 : vector<16xi32>
          %gather3A_408 = arith.constant 0 : i32
          %gather3A_409 = arith.constant 0 : i32
          %gather3A_410 = arith.constant 0 : i32
          %gather3A_411 = tpu.memref_slice %arg11[%gather3A_408, %gather3A_409, %gather3A_410] : memref<2x128x64xf32, #tpu.memory_space<vmem>> -> memref<1x128x64xf32, #tpu.memory_space<vmem>>
          %gather3A_412 = tpu.memref_squeeze %gather3A_411 : memref<1x128x64xf32, #tpu.memory_space<vmem>> -> memref<128x64xf32, #tpu.memory_space<vmem>>
          %gather3A_413 = tpu.vector_load_idx %gather3A_412[%add3A_203, %add3A_407] : memref<128x64xf32, #tpu.memory_space<vmem>>[vector<16xi32>, vector<16xi32>], vector<16xf32>,
          %scatter3A = arith.constant 0 : i32
          %scatter3A_414 = arith.constant 0 : i32
          %scatter3A_415 = arith.constant 0 : i32
          %scatter3A_416 = tpu.memref_slice %arg12[%scatter3A, %scatter3A_414, %scatter3A_415] : memref<2x64x128xf32, #tpu.memory_space<vmem>> -> memref<1x64x128xf32, #tpu.memory_space<vmem>>
          %scatter3A_417 = tpu.memref_squeeze %scatter3A_416 : memref<1x64x128xf32, #tpu.memory_space<vmem>> -> memref<64x128xf32, #tpu.memory_space<vmem>>
          tpu.vector_store_idx %scatter3A_417[%add3A_381, %add3A_203], %gather3A_386 : memref<64x128xf32, #tpu.memory_space<vmem>>[vector<16xi32>, vector<16xi32>], vector<16xf32>,
          %scatter3A_418 = arith.constant 0 : i32
          %scatter3A_419 = arith.constant 0 : i32
          %scatter3A_420 = arith.constant 0 : i32
          %scatter3A_421 = tpu.memref_slice %arg12[%scatter3A_418, %scatter3A_419, %scatter3A_420] : memref<2x64x128xf32, #tpu.memory_space<vmem>> -> memref<1x64x128xf32, #tpu.memory_space<vmem>>
          %scatter3A_422 = tpu.memref_squeeze %scatter3A_421 : memref<1x64x128xf32, #tpu.memory_space<vmem>> -> memref<64x128xf32, #tpu.memory_space<vmem>>
          tpu.vector_store_idx %scatter3A_422[%add3A_389, %add3A_203], %gather3A_395 : memref<64x128xf32, #tpu.memory_space<vmem>>[vector<16xi32>, vector<16xi32>], vector<16xf32>,
          %scatter3A_423 = arith.constant 0 : i32
          %scatter3A_424 = arith.constant 0 : i32
          %scatter3A_425 = arith.constant 0 : i32
          %scatter3A_426 = tpu.memref_slice %arg12[%scatter3A_423, %scatter3A_424, %scatter3A_425] : memref<2x64x128xf32, #tpu.memory_space<vmem>> -> memref<1x64x128xf32, #tpu.memory_space<vmem>>
          %scatter3A_427 = tpu.memref_squeeze %scatter3A_426 : memref<1x64x128xf32, #tpu.memory_space<vmem>> -> memref<64x128xf32, #tpu.memory_space<vmem>>
          tpu.vector_store_idx %scatter3A_427[%add3A_398, %add3A_203], %gather3A_404 : memref<64x128xf32, #tpu.memory_space<vmem>>[vector<16xi32>, vector<16xi32>], vector<16xf32>,
          %scatter3A_428 = arith.constant 0 : i32
          %scatter3A_429 = arith.constant 0 : i32
          %scatter3A_430 = arith.constant 0 : i32
          %scatter3A_431 = tpu.memref_slice %arg12[%scatter3A_428, %scatter3A_429, %scatter3A_430] : memref<2x64x128xf32, #tpu.memory_space<vmem>> -> memref<1x64x128xf32, #tpu.memory_space<vmem>>
          %scatter3A_432 = tpu.memref_squeeze %scatter3A_431 : memref<1x64x128xf32, #tpu.memory_space<vmem>> -> memref<64x128xf32, #tpu.memory_space<vmem>>
          tpu.vector_store_idx %scatter3A_432[%add3A_407, %add3A_203], %gather3A_413 : memref<64x128xf32, #tpu.memory_space<vmem>>[vector<16xi32>, vector<16xi32>], vector<16xf32>,
          %scan3A_433 = arith.constant 1 : i32
          %scan3A_434 = arith.addi %scan3A_378, %scan3A_433 : i32
          %broadcast_in_dim3A_435 = vector.broadcast %scan3A_434 : i32 to vector<16xi32>
          %xor3A_436 = arith.xori %broadcast_in_dim3A_435, %iota3A : vector<16xi32>
          %add3A_437 = arith.constant 0 : i32
          %add3A_438 = vector.broadcast %add3A_437 : i32 to vector<16xi32>
          %add3A_439 = arith.addi %xor3A_436, %add3A_438 : vector<16xi32>
          %gather3A_440 = arith.constant 0 : i32
          %gather3A_441 = arith.constant 0 : i32
          %gather3A_442 = arith.constant 0 : i32
          %gather3A_443 = tpu.memref_slice %arg11[%gather3A_440, %gather3A_441, %gather3A_442] : memref<2x128x64xf32, #tpu.memory_space<vmem>> -> memref<1x128x64xf32, #tpu.memory_space<vmem>>
          %gather3A_444 = tpu.memref_squeeze %gather3A_443 : memref<1x128x64xf32, #tpu.memory_space<vmem>> -> memref<128x64xf32, #tpu.memory_space<vmem>>
          %gather3A_445 = tpu.vector_load_idx %gather3A_444[%add3A_203, %add3A_439] : memref<128x64xf32, #tpu.memory_space<vmem>>[vector<16xi32>, vector<16xi32>], vector<16xf32>,
          %add3A_446 = arith.constant 16 : i32
          %add3A_447 = vector.broadcast %add3A_446 : i32 to vector<16xi32>
          %add3A_448 = arith.addi %xor3A_436, %add3A_447 : vector<16xi32>
          %gather3A_449 = arith.constant 0 : i32
          %gather3A_450 = arith.constant 0 : i32
          %gather3A_451 = arith.constant 0 : i32
          %gather3A_452 = tpu.memref_slice %arg11[%gather3A_449, %gather3A_450, %gather3A_451] : memref<2x128x64xf32, #tpu.memory_space<vmem>> -> memref<1x128x64xf32, #tpu.memory_space<vmem>>
          %gather3A_453 = tpu.memref_squeeze %gather3A_452 : memref<1x128x64xf32, #tpu.memory_space<vmem>> -> memref<128x64xf32, #tpu.memory_space<vmem>>
          %gather3A_454 = tpu.vector_load_idx %gather3A_453[%add3A_203, %add3A_448] : memref<128x64xf32, #tpu.memory_space<vmem>>[vector<16xi32>, vector<16xi32>], vector<16xf32>,
          %add3A_455 = arith.constant 32 : i32
          %add3A_456 = vector.broadcast %add3A_455 : i32 to vector<16xi32>
          %add3A_457 = arith.addi %xor3A_436, %add3A_456 : vector<16xi32>
          %gather3A_458 = arith.constant 0 : i32
          %gather3A_459 = arith.constant 0 : i32
          %gather3A_460 = arith.constant 0 : i32
          %gather3A_461 = tpu.memref_slice %arg11[%gather3A_458, %gather3A_459, %gather3A_460] : memref<2x128x64xf32, #tpu.memory_space<vmem>> -> memref<1x128x64xf32, #tpu.memory_space<vmem>>
          %gather3A_462 = tpu.memref_squeeze %gather3A_461 : memref<1x128x64xf32, #tpu.memory_space<vmem>> -> memref<128x64xf32, #tpu.memory_space<vmem>>
          %gather3A_463 = tpu.vector_load_idx %gather3A_462[%add3A_203, %add3A_457] : memref<128x64xf32, #tpu.memory_space<vmem>>[vector<16xi32>, vector<16xi32>], vector<16xf32>,
          %add3A_464 = arith.constant 48 : i32
          %add3A_465 = vector.broadcast %add3A_464 : i32 to vector<16xi32>
          %add3A_466 = arith.addi %xor3A_436, %add3A_465 : vector<16xi32>
          %gather3A_467 = arith.constant 0 : i32
          %gather3A_468 = arith.constant 0 : i32
          %gather3A_469 = arith.constant 0 : i32
          %gather3A_470 = tpu.memref_slice %arg11[%gather3A_467, %gather3A_468, %gather3A_469] : memref<2x128x64xf32, #tpu.memory_space<vmem>> -> memref<1x128x64xf32, #tpu.memory_space<vmem>>
          %gather3A_471 = tpu.memref_squeeze %gather3A_470 : memref<1x128x64xf32, #tpu.memory_space<vmem>> -> memref<128x64xf32, #tpu.memory_space<vmem>>
          %gather3A_472 = tpu.vector_load_idx %gather3A_471[%add3A_203, %add3A_466] : memref<128x64xf32, #tpu.memory_space<vmem>>[vector<16xi32>, vector<16xi32>], vector<16xf32>,
          %scatter3A_473 = arith.constant 0 : i32
          %scatter3A_474 = arith.constant 0 : i32
          %scatter3A_475 = arith.constant 0 : i32
          %scatter3A_476 = tpu.memref_slice %arg12[%scatter3A_473, %scatter3A_474, %scatter3A_475] : memref<2x64x128xf32, #tpu.memory_space<vmem>> -> memref<1x64x128xf32, #tpu.memory_space<vmem>>
          %scatter3A_477 = tpu.memref_squeeze %scatter3A_476 : memref<1x64x128xf32, #tpu.memory_space<vmem>> -> memref<64x128xf32, #tpu.memory_space<vmem>>
          tpu.vector_store_idx %scatter3A_477[%add3A_439, %add3A_203], %gather3A_445 : memref<64x128xf32, #tpu.memory_space<vmem>>[vector<16xi32>, vector<16xi32>], vector<16xf32>,
          %scatter3A_478 = arith.constant 0 : i32
          %scatter3A_479 = arith.constant 0 : i32
          %scatter3A_480 = arith.constant 0 : i32
          %scatter3A_481 = tpu.memref_slice %arg12[%scatter3A_478, %scatter3A_479, %scatter3A_480] : memref<2x64x128xf32, #tpu.memory_space<vmem>> -> memref<1x64x128xf32, #tpu.memory_space<vmem>>
          %scatter3A_482 = tpu.memref_squeeze %scatter3A_481 : memref<1x64x128xf32, #tpu.memory_space<vmem>> -> memref<64x128xf32, #tpu.memory_space<vmem>>
          tpu.vector_store_idx %scatter3A_482[%add3A_448, %add3A_203], %gather3A_454 : memref<64x128xf32, #tpu.memory_space<vmem>>[vector<16xi32>, vector<16xi32>], vector<16xf32>,
          %scatter3A_483 = arith.constant 0 : i32
          %scatter3A_484 = arith.constant 0 : i32
          %scatter3A_485 = arith.constant 0 : i32
          %scatter3A_486 = tpu.memref_slice %arg12[%scatter3A_483, %scatter3A_484, %scatter3A_485] : memref<2x64x128xf32, #tpu.memory_space<vmem>> -> memref<1x64x128xf32, #tpu.memory_space<vmem>>
          %scatter3A_487 = tpu.memref_squeeze %scatter3A_486 : memref<1x64x128xf32, #tpu.memory_space<vmem>> -> memref<64x128xf32, #tpu.memory_space<vmem>>
          tpu.vector_store_idx %scatter3A_487[%add3A_457, %add3A_203], %gather3A_463 : memref<64x128xf32, #tpu.memory_space<vmem>>[vector<16xi32>, vector<16xi32>], vector<16xf32>,
          %scatter3A_488 = arith.constant 0 : i32
          %scatter3A_489 = arith.constant 0 : i32
          %scatter3A_490 = arith.constant 0 : i32
          %scatter3A_491 = tpu.memref_slice %arg12[%scatter3A_488, %scatter3A_489, %scatter3A_490] : memref<2x64x128xf32, #tpu.memory_space<vmem>> -> memref<1x64x128xf32, #tpu.memory_space<vmem>>
          %scatter3A_492 = tpu.memref_squeeze %scatter3A_491 : memref<1x64x128xf32, #tpu.memory_space<vmem>> -> memref<64x128xf32, #tpu.memory_space<vmem>>
          tpu.vector_store_idx %scatter3A_492[%add3A_466, %add3A_203], %gather3A_472 : memref<64x128xf32, #tpu.memory_space<vmem>>[vector<16xi32>, vector<16xi32>], vector<16xf32>,
        }
        %scan3A_209 = arith.constant 16 : i32
        %dma_start3A_210 = arith.constant 0 : i32
        %dma_start3A_211 = arith.constant 0 : i32
        %dma_start3A_212 = arith.constant 0 : i32
        %dma_start3A_213 = arith.constant 0 : i32
        %dma_start3A_214 = arith.constant 0 : i32
        %dma_start3A_215 = tpu.memref_slice %arg12[%dma_start3A_210, %dma_start3A_213, %dma_start3A_214] : memref<2x64x128xf32, #tpu.memory_space<vmem>> -> memref<1x8x128xf32, #tpu.memory_space<vmem>>
        %dma_start3A_216 = tpu.memref_squeeze %dma_start3A_215 : memref<1x8x128xf32, #tpu.memory_space<vmem>> -> memref<8x128xf32, #tpu.memory_space<vmem>>
        %dma_start3A_217 = arith.constant 0 : i32
        %dma_start3A_218 = arith.constant 0 : i32
        %dma_start3A_219 = tpu.memref_slice %arg6[%mul3A_71, %dma_start3A_211, %select_n3A, %dma_start3A_217, %dma_start3A_218] : memref<200x8x32x8x128xf32, #tpu.memory_space<hbm>> -> memref<1x1x1x8x128xf32, #tpu.memory_space<hbm>>
        %dma_start3A_220 = tpu.memref_squeeze %dma_start3A_219 : memref<1x1x1x8x128xf32, #tpu.memory_space<hbm>> -> memref<8x128xf32, #tpu.memory_space<hbm>>
        %dma_start3A_221 = tpu.memref_slice %arg15[%dma_start3A_212] : memref<2x!tpu.dma_semaphore, #tpu.memory_space<semaphore_mem>> -> memref<1x!tpu.dma_semaphore, #tpu.memory_space<semaphore_mem>>
        %dma_start3A_222 = tpu.memref_squeeze %dma_start3A_221 : memref<1x!tpu.dma_semaphore, #tpu.memory_space<semaphore_mem>> -> memref<!tpu.dma_semaphore, #tpu.memory_space<semaphore_mem>>
        %dma_start3A_223 = arith.constant 0 : i32
        %dma_start3A_224 = arith.constant 0 : i32
        %dma_start3A_225 = tpu.memref_slice %arg6[%mul3A_71, %dma_start3A_211, %select_n3A, %dma_start3A_223, %dma_start3A_224] : memref<200x8x32x8x128xf32, #tpu.memory_space<hbm>> -> memref<1x1x1x8x128xf32, #tpu.memory_space<hbm>>
        %dma_start3A_226 = tpu.memref_squeeze %dma_start3A_225 : memref<1x1x1x8x128xf32, #tpu.memory_space<hbm>> -> memref<8x128xf32, #tpu.memory_space<hbm>>
        %dma_start3A_227 = arith.constant 0 : i32
        %dma_start3A_228 = arith.constant 0 : i32
        %dma_start3A_229 = tpu.memref_slice %arg12[%dma_start3A_210, %dma_start3A_227, %dma_start3A_228] : memref<2x64x128xf32, #tpu.memory_space<vmem>> -> memref<1x8x128xf32, #tpu.memory_space<vmem>>
        %dma_start3A_230 = tpu.memref_squeeze %dma_start3A_229 : memref<1x8x128xf32, #tpu.memory_space<vmem>> -> memref<8x128xf32, #tpu.memory_space<vmem>>
        tpu.enqueue_dma source(%dma_start3A_230 : memref<8x128xf32, #tpu.memory_space<vmem>>) target(%dma_start3A_226 : memref<8x128xf32, #tpu.memory_space<hbm>>) target_semaphore(%dma_start3A_222 : memref<!tpu.dma_semaphore, #tpu.memory_space<semaphore_mem>>)
        %dma_start3A_231 = arith.constant 0 : i32
        %dma_start3A_232 = arith.constant 1 : i32
        %dma_start3A_233 = arith.constant 0 : i32
        %dma_start3A_234 = arith.constant 8 : i32
        %dma_start3A_235 = arith.constant 0 : i32
        %dma_start3A_236 = tpu.memref_slice %arg12[%dma_start3A_231, %dma_start3A_234, %dma_start3A_235] : memref<2x64x128xf32, #tpu.memory_space<vmem>> -> memref<1x8x128xf32, #tpu.memory_space<vmem>>
        %dma_start3A_237 = tpu.memref_squeeze %dma_start3A_236 : memref<1x8x128xf32, #tpu.memory_space<vmem>> -> memref<8x128xf32, #tpu.memory_space<vmem>>
        %dma_start3A_238 = arith.constant 0 : i32
        %dma_start3A_239 = arith.constant 0 : i32
        %dma_start3A_240 = tpu.memref_slice %arg6[%mul3A_71, %dma_start3A_232, %select_n3A, %dma_start3A_238, %dma_start3A_239] : memref<200x8x32x8x128xf32, #tpu.memory_space<hbm>> -> memref<1x1x1x8x128xf32, #tpu.memory_space<hbm>>
        %dma_start3A_241 = tpu.memref_squeeze %dma_start3A_240 : memref<1x1x1x8x128xf32, #tpu.memory_space<hbm>> -> memref<8x128xf32, #tpu.memory_space<hbm>>
        %dma_start3A_242 = tpu.memref_slice %arg15[%dma_start3A_233] : memref<2x!tpu.dma_semaphore, #tpu.memory_space<semaphore_mem>> -> memref<1x!tpu.dma_semaphore, #tpu.memory_space<semaphore_mem>>
        %dma_start3A_243 = tpu.memref_squeeze %dma_start3A_242 : memref<1x!tpu.dma_semaphore, #tpu.memory_space<semaphore_mem>> -> memref<!tpu.dma_semaphore, #tpu.memory_space<semaphore_mem>>
        %dma_start3A_244 = arith.constant 0 : i32
        %dma_start3A_245 = arith.constant 0 : i32
        %dma_start3A_246 = tpu.memref_slice %arg6[%mul3A_71, %dma_start3A_232, %select_n3A, %dma_start3A_244, %dma_start3A_245] : memref<200x8x32x8x128xf32, #tpu.memory_space<hbm>> -> memref<1x1x1x8x128xf32, #tpu.memory_space<hbm>>
        %dma_start3A_247 = tpu.memref_squeeze %dma_start3A_246 : memref<1x1x1x8x128xf32, #tpu.memory_space<hbm>> -> memref<8x128xf32, #tpu.memory_space<hbm>>
        %dma_start3A_248 = arith.constant 8 : i32
        %dma_start3A_249 = arith.constant 0 : i32
        %dma_start3A_250 = tpu.memref_slice %arg12[%dma_start3A_231, %dma_start3A_248, %dma_start3A_249] : memref<2x64x128xf32, #tpu.memory_space<vmem>> -> memref<1x8x128xf32, #tpu.memory_space<vmem>>
        %dma_start3A_251 = tpu.memref_squeeze %dma_start3A_250 : memref<1x8x128xf32, #tpu.memory_space<vmem>> -> memref<8x128xf32, #tpu.memory_space<vmem>>
        tpu.enqueue_dma source(%dma_start3A_251 : memref<8x128xf32, #tpu.memory_space<vmem>>) target(%dma_start3A_247 : memref<8x128xf32, #tpu.memory_space<hbm>>) target_semaphore(%dma_start3A_243 : memref<!tpu.dma_semaphore, #tpu.memory_space<semaphore_mem>>)
        %dma_start3A_252 = arith.constant 0 : i32
        %dma_start3A_253 = arith.constant 2 : i32
        %dma_start3A_254 = arith.constant 0 : i32
        %dma_start3A_255 = arith.constant 16 : i32
        %dma_start3A_256 = arith.constant 0 : i32
        %dma_start3A_257 = tpu.memref_slice %arg12[%dma_start3A_252, %dma_start3A_255, %dma_start3A_256] : memref<2x64x128xf32, #tpu.memory_space<vmem>> -> memref<1x8x128xf32, #tpu.memory_space<vmem>>
        %dma_start3A_258 = tpu.memref_squeeze %dma_start3A_257 : memref<1x8x128xf32, #tpu.memory_space<vmem>> -> memref<8x128xf32, #tpu.memory_space<vmem>>
        %dma_start3A_259 = arith.constant 0 : i32
        %dma_start3A_260 = arith.constant 0 : i32
        %dma_start3A_261 = tpu.memref_slice %arg6[%mul3A_71, %dma_start3A_253, %select_n3A, %dma_start3A_259, %dma_start3A_260] : memref<200x8x32x8x128xf32, #tpu.memory_space<hbm>> -> memref<1x1x1x8x128xf32, #tpu.memory_space<hbm>>
        %dma_start3A_262 = tpu.memref_squeeze %dma_start3A_261 : memref<1x1x1x8x128xf32, #tpu.memory_space<hbm>> -> memref<8x128xf32, #tpu.memory_space<hbm>>
        %dma_start3A_263 = tpu.memref_slice %arg15[%dma_start3A_254] : memref<2x!tpu.dma_semaphore, #tpu.memory_space<semaphore_mem>> -> memref<1x!tpu.dma_semaphore, #tpu.memory_space<semaphore_mem>>
        %dma_start3A_264 = tpu.memref_squeeze %dma_start3A_263 : memref<1x!tpu.dma_semaphore, #tpu.memory_space<semaphore_mem>> -> memref<!tpu.dma_semaphore, #tpu.memory_space<semaphore_mem>>
        %dma_start3A_265 = arith.constant 0 : i32
        %dma_start3A_266 = arith.constant 0 : i32
        %dma_start3A_267 = tpu.memref_slice %arg6[%mul3A_71, %dma_start3A_253, %select_n3A, %dma_start3A_265, %dma_start3A_266] : memref<200x8x32x8x128xf32, #tpu.memory_space<hbm>> -> memref<1x1x1x8x128xf32, #tpu.memory_space<hbm>>
        %dma_start3A_268 = tpu.memref_squeeze %dma_start3A_267 : memref<1x1x1x8x128xf32, #tpu.memory_space<hbm>> -> memref<8x128xf32, #tpu.memory_space<hbm>>
        %dma_start3A_269 = arith.constant 16 : i32
        %dma_start3A_270 = arith.constant 0 : i32
        %dma_start3A_271 = tpu.memref_slice %arg12[%dma_start3A_252, %dma_start3A_269, %dma_start3A_270] : memref<2x64x128xf32, #tpu.memory_space<vmem>> -> memref<1x8x128xf32, #tpu.memory_space<vmem>>
        %dma_start3A_272 = tpu.memref_squeeze %dma_start3A_271 : memref<1x8x128xf32, #tpu.memory_space<vmem>> -> memref<8x128xf32, #tpu.memory_space<vmem>>
        tpu.enqueue_dma source(%dma_start3A_272 : memref<8x128xf32, #tpu.memory_space<vmem>>) target(%dma_start3A_268 : memref<8x128xf32, #tpu.memory_space<hbm>>) target_semaphore(%dma_start3A_264 : memref<!tpu.dma_semaphore, #tpu.memory_space<semaphore_mem>>)
        %dma_start3A_273 = arith.constant 0 : i32
        %dma_start3A_274 = arith.constant 3 : i32
        %dma_start3A_275 = arith.constant 0 : i32
        %dma_start3A_276 = arith.constant 24 : i32
        %dma_start3A_277 = arith.constant 0 : i32
        %dma_start3A_278 = tpu.memref_slice %arg12[%dma_start3A_273, %dma_start3A_276, %dma_start3A_277] : memref<2x64x128xf32, #tpu.memory_space<vmem>> -> memref<1x8x128xf32, #tpu.memory_space<vmem>>
        %dma_start3A_279 = tpu.memref_squeeze %dma_start3A_278 : memref<1x8x128xf32, #tpu.memory_space<vmem>> -> memref<8x128xf32, #tpu.memory_space<vmem>>
        %dma_start3A_280 = arith.constant 0 : i32
        %dma_start3A_281 = arith.constant 0 : i32
        %dma_start3A_282 = tpu.memref_slice %arg6[%mul3A_71, %dma_start3A_274, %select_n3A, %dma_start3A_280, %dma_start3A_281] : memref<200x8x32x8x128xf32, #tpu.memory_space<hbm>> -> memref<1x1x1x8x128xf32, #tpu.memory_space<hbm>>
        %dma_start3A_283 = tpu.memref_squeeze %dma_start3A_282 : memref<1x1x1x8x128xf32, #tpu.memory_space<hbm>> -> memref<8x128xf32, #tpu.memory_space<hbm>>
        %dma_start3A_284 = tpu.memref_slice %arg15[%dma_start3A_275] : memref<2x!tpu.dma_semaphore, #tpu.memory_space<semaphore_mem>> -> memref<1x!tpu.dma_semaphore, #tpu.memory_space<semaphore_mem>>
        %dma_start3A_285 = tpu.memref_squeeze %dma_start3A_284 : memref<1x!tpu.dma_semaphore, #tpu.memory_space<semaphore_mem>> -> memref<!tpu.dma_semaphore, #tpu.memory_space<semaphore_mem>>
        %dma_start3A_286 = arith.constant 0 : i32
        %dma_start3A_287 = arith.constant 0 : i32
        %dma_start3A_288 = tpu.memref_slice %arg6[%mul3A_71, %dma_start3A_274, %select_n3A, %dma_start3A_286, %dma_start3A_287] : memref<200x8x32x8x128xf32, #tpu.memory_space<hbm>> -> memref<1x1x1x8x128xf32, #tpu.memory_space<hbm>>
        %dma_start3A_289 = tpu.memref_squeeze %dma_start3A_288 : memref<1x1x1x8x128xf32, #tpu.memory_space<hbm>> -> memref<8x128xf32, #tpu.memory_space<hbm>>
        %dma_start3A_290 = arith.constant 24 : i32
        %dma_start3A_291 = arith.constant 0 : i32
        %dma_start3A_292 = tpu.memref_slice %arg12[%dma_start3A_273, %dma_start3A_290, %dma_start3A_291] : memref<2x64x128xf32, #tpu.memory_space<vmem>> -> memref<1x8x128xf32, #tpu.memory_space<vmem>>
        %dma_start3A_293 = tpu.memref_squeeze %dma_start3A_292 : memref<1x8x128xf32, #tpu.memory_space<vmem>> -> memref<8x128xf32, #tpu.memory_space<vmem>>
        tpu.enqueue_dma source(%dma_start3A_293 : memref<8x128xf32, #tpu.memory_space<vmem>>) target(%dma_start3A_289 : memref<8x128xf32, #tpu.memory_space<hbm>>) target_semaphore(%dma_start3A_285 : memref<!tpu.dma_semaphore, #tpu.memory_space<semaphore_mem>>)
        %dma_start3A_294 = arith.constant 0 : i32
        %dma_start3A_295 = arith.constant 4 : i32
        %dma_start3A_296 = arith.constant 0 : i32
        %dma_start3A_297 = arith.constant 32 : i32
        %dma_start3A_298 = arith.constant 0 : i32
        %dma_start3A_299 = tpu.memref_slice %arg12[%dma_start3A_294, %dma_start3A_297, %dma_start3A_298] : memref<2x64x128xf32, #tpu.memory_space<vmem>> -> memref<1x8x128xf32, #tpu.memory_space<vmem>>
        %dma_start3A_300 = tpu.memref_squeeze %dma_start3A_299 : memref<1x8x128xf32, #tpu.memory_space<vmem>> -> memref<8x128xf32, #tpu.memory_space<vmem>>
        %dma_start3A_301 = arith.constant 0 : i32
        %dma_start3A_302 = arith.constant 0 : i32
        %dma_start3A_303 = tpu.memref_slice %arg6[%mul3A_71, %dma_start3A_295, %select_n3A, %dma_start3A_301, %dma_start3A_302] : memref<200x8x32x8x128xf32, #tpu.memory_space<hbm>> -> memref<1x1x1x8x128xf32, #tpu.memory_space<hbm>>
        %dma_start3A_304 = tpu.memref_squeeze %dma_start3A_303 : memref<1x1x1x8x128xf32, #tpu.memory_space<hbm>> -> memref<8x128xf32, #tpu.memory_space<hbm>>
        %dma_start3A_305 = tpu.memref_slice %arg15[%dma_start3A_296] : memref<2x!tpu.dma_semaphore, #tpu.memory_space<semaphore_mem>> -> memref<1x!tpu.dma_semaphore, #tpu.memory_space<semaphore_mem>>
        %dma_start3A_306 = tpu.memref_squeeze %dma_start3A_305 : memref<1x!tpu.dma_semaphore, #tpu.memory_space<semaphore_mem>> -> memref<!tpu.dma_semaphore, #tpu.memory_space<semaphore_mem>>
        %dma_start3A_307 = arith.constant 0 : i32
        %dma_start3A_308 = arith.constant 0 : i32
        %dma_start3A_309 = tpu.memref_slice %arg6[%mul3A_71, %dma_start3A_295, %select_n3A, %dma_start3A_307, %dma_start3A_308] : memref<200x8x32x8x128xf32, #tpu.memory_space<hbm>> -> memref<1x1x1x8x128xf32, #tpu.memory_space<hbm>>
        %dma_start3A_310 = tpu.memref_squeeze %dma_start3A_309 : memref<1x1x1x8x128xf32, #tpu.memory_space<hbm>> -> memref<8x128xf32, #tpu.memory_space<hbm>>
        %dma_start3A_311 = arith.constant 32 : i32
        %dma_start3A_312 = arith.constant 0 : i32
        %dma_start3A_313 = tpu.memref_slice %arg12[%dma_start3A_294, %dma_start3A_311, %dma_start3A_312] : memref<2x64x128xf32, #tpu.memory_space<vmem>> -> memref<1x8x128xf32, #tpu.memory_space<vmem>>
        %dma_start3A_314 = tpu.memref_squeeze %dma_start3A_313 : memref<1x8x128xf32, #tpu.memory_space<vmem>> -> memref<8x128xf32, #tpu.memory_space<vmem>>
        tpu.enqueue_dma source(%dma_start3A_314 : memref<8x128xf32, #tpu.memory_space<vmem>>) target(%dma_start3A_310 : memref<8x128xf32, #tpu.memory_space<hbm>>) target_semaphore(%dma_start3A_306 : memref<!tpu.dma_semaphore, #tpu.memory_space<semaphore_mem>>)
        %dma_start3A_315 = arith.constant 0 : i32
        %dma_start3A_316 = arith.constant 5 : i32
        %dma_start3A_317 = arith.constant 0 : i32
        %dma_start3A_318 = arith.constant 40 : i32
        %dma_start3A_319 = arith.constant 0 : i32
        %dma_start3A_320 = tpu.memref_slice %arg12[%dma_start3A_315, %dma_start3A_318, %dma_start3A_319] : memref<2x64x128xf32, #tpu.memory_space<vmem>> -> memref<1x8x128xf32, #tpu.memory_space<vmem>>
        %dma_start3A_321 = tpu.memref_squeeze %dma_start3A_320 : memref<1x8x128xf32, #tpu.memory_space<vmem>> -> memref<8x128xf32, #tpu.memory_space<vmem>>
        %dma_start3A_322 = arith.constant 0 : i32
        %dma_start3A_323 = arith.constant 0 : i32
        %dma_start3A_324 = tpu.memref_slice %arg6[%mul3A_71, %dma_start3A_316, %select_n3A, %dma_start3A_322, %dma_start3A_323] : memref<200x8x32x8x128xf32, #tpu.memory_space<hbm>> -> memref<1x1x1x8x128xf32, #tpu.memory_space<hbm>>
        %dma_start3A_325 = tpu.memref_squeeze %dma_start3A_324 : memref<1x1x1x8x128xf32, #tpu.memory_space<hbm>> -> memref<8x128xf32, #tpu.memory_space<hbm>>
        %dma_start3A_326 = tpu.memref_slice %arg15[%dma_start3A_317] : memref<2x!tpu.dma_semaphore, #tpu.memory_space<semaphore_mem>> -> memref<1x!tpu.dma_semaphore, #tpu.memory_space<semaphore_mem>>
        %dma_start3A_327 = tpu.memref_squeeze %dma_start3A_326 : memref<1x!tpu.dma_semaphore, #tpu.memory_space<semaphore_mem>> -> memref<!tpu.dma_semaphore, #tpu.memory_space<semaphore_mem>>
        %dma_start3A_328 = arith.constant 0 : i32
        %dma_start3A_329 = arith.constant 0 : i32
        %dma_start3A_330 = tpu.memref_slice %arg6[%mul3A_71, %dma_start3A_316, %select_n3A, %dma_start3A_328, %dma_start3A_329] : memref<200x8x32x8x128xf32, #tpu.memory_space<hbm>> -> memref<1x1x1x8x128xf32, #tpu.memory_space<hbm>>
        %dma_start3A_331 = tpu.memref_squeeze %dma_start3A_330 : memref<1x1x1x8x128xf32, #tpu.memory_space<hbm>> -> memref<8x128xf32, #tpu.memory_space<hbm>>
        %dma_start3A_332 = arith.constant 40 : i32
        %dma_start3A_333 = arith.constant 0 : i32
        %dma_start3A_334 = tpu.memref_slice %arg12[%dma_start3A_315, %dma_start3A_332, %dma_start3A_333] : memref<2x64x128xf32, #tpu.memory_space<vmem>> -> memref<1x8x128xf32, #tpu.memory_space<vmem>>
        %dma_start3A_335 = tpu.memref_squeeze %dma_start3A_334 : memref<1x8x128xf32, #tpu.memory_space<vmem>> -> memref<8x128xf32, #tpu.memory_space<vmem>>
        tpu.enqueue_dma source(%dma_start3A_335 : memref<8x128xf32, #tpu.memory_space<vmem>>) target(%dma_start3A_331 : memref<8x128xf32, #tpu.memory_space<hbm>>) target_semaphore(%dma_start3A_327 : memref<!tpu.dma_semaphore, #tpu.memory_space<semaphore_mem>>)
        %dma_start3A_336 = arith.constant 0 : i32
        %dma_start3A_337 = arith.constant 6 : i32
        %dma_start3A_338 = arith.constant 0 : i32
        %dma_start3A_339 = arith.constant 48 : i32
        %dma_start3A_340 = arith.constant 0 : i32
        %dma_start3A_341 = tpu.memref_slice %arg12[%dma_start3A_336, %dma_start3A_339, %dma_start3A_340] : memref<2x64x128xf32, #tpu.memory_space<vmem>> -> memref<1x8x128xf32, #tpu.memory_space<vmem>>
        %dma_start3A_342 = tpu.memref_squeeze %dma_start3A_341 : memref<1x8x128xf32, #tpu.memory_space<vmem>> -> memref<8x128xf32, #tpu.memory_space<vmem>>
        %dma_start3A_343 = arith.constant 0 : i32
        %dma_start3A_344 = arith.constant 0 : i32
        %dma_start3A_345 = tpu.memref_slice %arg6[%mul3A_71, %dma_start3A_337, %select_n3A, %dma_start3A_343, %dma_start3A_344] : memref<200x8x32x8x128xf32, #tpu.memory_space<hbm>> -> memref<1x1x1x8x128xf32, #tpu.memory_space<hbm>>
        %dma_start3A_346 = tpu.memref_squeeze %dma_start3A_345 : memref<1x1x1x8x128xf32, #tpu.memory_space<hbm>> -> memref<8x128xf32, #tpu.memory_space<hbm>>
        %dma_start3A_347 = tpu.memref_slice %arg15[%dma_start3A_338] : memref<2x!tpu.dma_semaphore, #tpu.memory_space<semaphore_mem>> -> memref<1x!tpu.dma_semaphore, #tpu.memory_space<semaphore_mem>>
        %dma_start3A_348 = tpu.memref_squeeze %dma_start3A_347 : memref<1x!tpu.dma_semaphore, #tpu.memory_space<semaphore_mem>> -> memref<!tpu.dma_semaphore, #tpu.memory_space<semaphore_mem>>
        %dma_start3A_349 = arith.constant 0 : i32
        %dma_start3A_350 = arith.constant 0 : i32
        %dma_start3A_351 = tpu.memref_slice %arg6[%mul3A_71, %dma_start3A_337, %select_n3A, %dma_start3A_349, %dma_start3A_350] : memref<200x8x32x8x128xf32, #tpu.memory_space<hbm>> -> memref<1x1x1x8x128xf32, #tpu.memory_space<hbm>>
        %dma_start3A_352 = tpu.memref_squeeze %dma_start3A_351 : memref<1x1x1x8x128xf32, #tpu.memory_space<hbm>> -> memref<8x128xf32, #tpu.memory_space<hbm>>
        %dma_start3A_353 = arith.constant 48 : i32
        %dma_start3A_354 = arith.constant 0 : i32
        %dma_start3A_355 = tpu.memref_slice %arg12[%dma_start3A_336, %dma_start3A_353, %dma_start3A_354] : memref<2x64x128xf32, #tpu.memory_space<vmem>> -> memref<1x8x128xf32, #tpu.memory_space<vmem>>
        %dma_start3A_356 = tpu.memref_squeeze %dma_start3A_355 : memref<1x8x128xf32, #tpu.memory_space<vmem>> -> memref<8x128xf32, #tpu.memory_space<vmem>>
        tpu.enqueue_dma source(%dma_start3A_356 : memref<8x128xf32, #tpu.memory_space<vmem>>) target(%dma_start3A_352 : memref<8x128xf32, #tpu.memory_space<hbm>>) target_semaphore(%dma_start3A_348 : memref<!tpu.dma_semaphore, #tpu.memory_space<semaphore_mem>>)
        %dma_start3A_357 = arith.constant 0 : i32
        %dma_start3A_358 = arith.constant 7 : i32
        %dma_start3A_359 = arith.constant 0 : i32
        %dma_start3A_360 = arith.constant 56 : i32
        %dma_start3A_361 = arith.constant 0 : i32
        %dma_start3A_362 = tpu.memref_slice %arg12[%dma_start3A_357, %dma_start3A_360, %dma_start3A_361] : memref<2x64x128xf32, #tpu.memory_space<vmem>> -> memref<1x8x128xf32, #tpu.memory_space<vmem>>
        %dma_start3A_363 = tpu.memref_squeeze %dma_start3A_362 : memref<1x8x128xf32, #tpu.memory_space<vmem>> -> memref<8x128xf32, #tpu.memory_space<vmem>>
        %dma_start3A_364 = arith.constant 0 : i32
        %dma_start3A_365 = arith.constant 0 : i32
        %dma_start3A_366 = tpu.memref_slice %arg6[%mul3A_71, %dma_start3A_358, %select_n3A, %dma_start3A_364, %dma_start3A_365] : memref<200x8x32x8x128xf32, #tpu.memory_space<hbm>> -> memref<1x1x1x8x128xf32, #tpu.memory_space<hbm>>
        %dma_start3A_367 = tpu.memref_squeeze %dma_start3A_366 : memref<1x1x1x8x128xf32, #tpu.memory_space<hbm>> -> memref<8x128xf32, #tpu.memory_space<hbm>>
        %dma_start3A_368 = tpu.memref_slice %arg15[%dma_start3A_359] : memref<2x!tpu.dma_semaphore, #tpu.memory_space<semaphore_mem>> -> memref<1x!tpu.dma_semaphore, #tpu.memory_space<semaphore_mem>>
        %dma_start3A_369 = tpu.memref_squeeze %dma_start3A_368 : memref<1x!tpu.dma_semaphore, #tpu.memory_space<semaphore_mem>> -> memref<!tpu.dma_semaphore, #tpu.memory_space<semaphore_mem>>
        %dma_start3A_370 = arith.constant 0 : i32
        %dma_start3A_371 = arith.constant 0 : i32
        %dma_start3A_372 = tpu.memref_slice %arg6[%mul3A_71, %dma_start3A_358, %select_n3A, %dma_start3A_370, %dma_start3A_371] : memref<200x8x32x8x128xf32, #tpu.memory_space<hbm>> -> memref<1x1x1x8x128xf32, #tpu.memory_space<hbm>>
        %dma_start3A_373 = tpu.memref_squeeze %dma_start3A_372 : memref<1x1x1x8x128xf32, #tpu.memory_space<hbm>> -> memref<8x128xf32, #tpu.memory_space<hbm>>
        %dma_start3A_374 = arith.constant 56 : i32
        %dma_start3A_375 = arith.constant 0 : i32
        %dma_start3A_376 = tpu.memref_slice %arg12[%dma_start3A_357, %dma_start3A_374, %dma_start3A_375] : memref<2x64x128xf32, #tpu.memory_space<vmem>> -> memref<1x8x128xf32, #tpu.memory_space<vmem>>
        %dma_start3A_377 = tpu.memref_squeeze %dma_start3A_376 : memref<1x8x128xf32, #tpu.memory_space<vmem>> -> memref<8x128xf32, #tpu.memory_space<vmem>>
        tpu.enqueue_dma source(%dma_start3A_377 : memref<8x128xf32, #tpu.memory_space<vmem>>) target(%dma_start3A_373 : memref<8x128xf32, #tpu.memory_space<hbm>>) target_semaphore(%dma_start3A_369 : memref<!tpu.dma_semaphore, #tpu.memory_space<semaphore_mem>>)
      } else {
      }
      %add3A_95 = arith.constant 1 : i32
      %add3A_96 = arith.addi %mul3A_71, %add3A_95 : i32
      %lt3A_97 = arith.constant 200 : i32
      %lt3A_98 = arith.cmpi slt, %add3A_96, %lt3A_97 : i32
      %convert_element_type3A_99 = arith.extui %lt3A_98 : i1 to i32
      %cond3A_100 = arith.constant 0 : i32
      %cond3A_101 = arith.cmpi ne, %convert_element_type3A_99, %cond3A_100 : i32
      scf.if %cond3A_101 {
        %dma_wait3A_138 = arith.constant 0 : i32
        %dma_wait3A_139 = arith.constant 1 : i32
        %dma_wait3A_140 = arith.constant 1 : i32
        %dma_wait3A_141 = arith.constant 0 : i32
        %dma_wait3A_142 = arith.constant 0 : i32
        %dma_wait3A_143 = tpu.memref_slice %arg11[%dma_wait3A_139, %dma_wait3A_141, %dma_wait3A_142] : memref<2x128x64xf32, #tpu.memory_space<vmem>> -> memref<1x128x64xf32, #tpu.memory_space<vmem>>
        %dma_wait3A_144 = tpu.memref_squeeze %dma_wait3A_143 : memref<1x128x64xf32, #tpu.memory_space<vmem>> -> memref<128x64xf32, #tpu.memory_space<vmem>>
        %dma_wait3A_145 = arith.constant 0 : i32
        %dma_wait3A_146 = tpu.memref_slice %arg7[%dma_wait3A_138, %dma_wait3A_145] : memref<200x128xi32, #tpu.memory_space<vmem>> -> memref<1x128xi32, #tpu.memory_space<vmem>>
        %dma_wait3A_147 = tpu.memref_squeeze %dma_wait3A_146 : memref<1x128xi32, #tpu.memory_space<vmem>> -> memref<128xi32, #tpu.memory_space<vmem>>
        %dma_wait3A_148 = arith.constant 0 : i32
        %dma_wait3A_149 = arith.constant 0 : i32
        %dma_wait3A_150 = tpu.memref_slice %arg4[%dma_wait3A_148, %dma_wait3A_149] : memref<100000x64xf32, #tpu.memory_space<hbm>> -> memref<100000x64xf32, #tpu.memory_space<hbm>>
        %dma_wait3A_151 = tpu.memref_slice %arg13[%dma_wait3A_140] : memref<2x!tpu.dma_semaphore, #tpu.memory_space<semaphore_mem>> -> memref<1x!tpu.dma_semaphore, #tpu.memory_space<semaphore_mem>>
        %dma_wait3A_152 = tpu.memref_squeeze %dma_wait3A_151 : memref<1x!tpu.dma_semaphore, #tpu.memory_space<semaphore_mem>> -> memref<!tpu.dma_semaphore, #tpu.memory_space<semaphore_mem>>
        tpu.wait_indirect_dma semaphore(%dma_wait3A_152 : memref<!tpu.dma_semaphore, #tpu.memory_space<semaphore_mem>>) src(%dma_wait3A_150 : memref<100000x64xf32, #tpu.memory_space<hbm>>) dst(%dma_wait3A_144 : memref<128x64xf32, #tpu.memory_space<vmem>>)
        %add3A_153 = arith.constant 1 : i32
        %add3A_154 = arith.addi %mul3A_71, %add3A_153 : i32
        %dma_start3A_155 = arith.constant 1 : i32
        %dma_start3A_156 = arith.constant 1 : i32
        %dma_start3A_157 = arith.constant 0 : i32
        %dma_start3A_158 = arith.constant 0 : i32
        %dma_start3A_159 = tpu.memref_slice %arg11[%dma_start3A_155, %dma_start3A_157, %dma_start3A_158] : memref<2x128x64xf32, #tpu.memory_space<vmem>> -> memref<1x128x64xf32, #tpu.memory_space<vmem>>
        %dma_start3A_160 = tpu.memref_squeeze %dma_start3A_159 : memref<1x128x64xf32, #tpu.memory_space<vmem>> -> memref<128x64xf32, #tpu.memory_space<vmem>>
        %dma_start3A_161 = arith.constant 0 : i32
        %dma_start3A_162 = tpu.memref_slice %arg8[%add3A_154, %dma_start3A_161] : memref<200x128xi32, #tpu.memory_space<vmem>> -> memref<1x128xi32, #tpu.memory_space<vmem>>
        %dma_start3A_163 = tpu.memref_squeeze %dma_start3A_162 : memref<1x128xi32, #tpu.memory_space<vmem>> -> memref<128xi32, #tpu.memory_space<vmem>>
        %dma_start3A_164 = arith.constant 0 : i32
        %dma_start3A_165 = arith.constant 0 : i32
        %dma_start3A_166 = tpu.memref_slice %arg10[%dma_start3A_164, %dma_start3A_165] : memref<200x64xf32, #tpu.memory_space<vmem_shared>> -> memref<200x64xf32, #tpu.memory_space<vmem_shared>>
        %dma_start3A_167 = tpu.memref_slice %arg14[%dma_start3A_156] : memref<2x!tpu.dma_semaphore, #tpu.memory_space<semaphore_mem>> -> memref<1x!tpu.dma_semaphore, #tpu.memory_space<semaphore_mem>>
        %dma_start3A_168 = tpu.memref_squeeze %dma_start3A_167 : memref<1x!tpu.dma_semaphore, #tpu.memory_space<semaphore_mem>> -> memref<!tpu.dma_semaphore, #tpu.memory_space<semaphore_mem>>
        tpu.enqueue_indirect_dma source(%dma_start3A_166 : memref<200x64xf32, #tpu.memory_space<vmem_shared>>) target(%dma_start3A_160 : memref<128x64xf32, #tpu.memory_space<vmem>>) offsets(%dma_start3A_163 : memref<128xi32, #tpu.memory_space<vmem>>) semaphore(%dma_start3A_168 : memref<!tpu.dma_semaphore, #tpu.memory_space<semaphore_mem>>) {add = true}
      } else {
      }
      %mul3A_102 = arith.constant 2 : i32
      %mul3A_103 = arith.muli %scan3A_69, %mul3A_102 : i32
      %add3A_104 = arith.constant 1 : i32
      %add3A_105 = arith.addi %mul3A_103, %add3A_104 : i32
      %add3A_106 = arith.constant 1 : i32
      %add3A_107 = arith.addi %add3A_105, %add3A_106 : i32
      %lt3A_108 = arith.constant 200 : i32
      %lt3A_109 = arith.cmpi slt, %add3A_107, %lt3A_108 : i32
      %convert_element_type3A_110 = arith.extui %lt3A_109 : i1 to i32
      %cond3A_111 = arith.constant 0 : i32
      %cond3A_112 = arith.cmpi ne, %convert_element_type3A_110, %cond3A_111 : i32
      scf.if %cond3A_112 {
        %add3A_138 = arith.constant 1 : i32
        %add3A_139 = arith.addi %add3A_105, %add3A_138 : i32
        %dma_start3A_140 = arith.constant 0 : i32
        %dma_start3A_141 = arith.constant 0 : i32
        %dma_start3A_142 = arith.constant 0 : i32
        %dma_start3A_143 = arith.constant 0 : i32
        %dma_start3A_144 = tpu.memref_slice %arg11[%dma_start3A_140, %dma_start3A_142, %dma_start3A_143] : memref<2x128x64xf32, #tpu.memory_space<vmem>> -> memref<1x128x64xf32, #tpu.memory_space<vmem>>
        %dma_start3A_145 = tpu.memref_squeeze %dma_start3A_144 : memref<1x128x64xf32, #tpu.memory_space<vmem>> -> memref<128x64xf32, #tpu.memory_space<vmem>>
        %dma_start3A_146 = arith.constant 0 : i32
        %dma_start3A_147 = tpu.memref_slice %arg7[%add3A_139, %dma_start3A_146] : memref<200x128xi32, #tpu.memory_space<vmem>> -> memref<1x128xi32, #tpu.memory_space<vmem>>
        %dma_start3A_148 = tpu.memref_squeeze %dma_start3A_147 : memref<1x128xi32, #tpu.memory_space<vmem>> -> memref<128xi32, #tpu.memory_space<vmem>>
        %dma_start3A_149 = arith.constant 0 : i32
        %dma_start3A_150 = arith.constant 0 : i32
        %dma_start3A_151 = tpu.memref_slice %arg4[%dma_start3A_149, %dma_start3A_150] : memref<100000x64xf32, #tpu.memory_space<hbm>> -> memref<100000x64xf32, #tpu.memory_space<hbm>>
        %dma_start3A_152 = tpu.memref_slice %arg13[%dma_start3A_141] : memref<2x!tpu.dma_semaphore, #tpu.memory_space<semaphore_mem>> -> memref<1x!tpu.dma_semaphore, #tpu.memory_space<semaphore_mem>>
        %dma_start3A_153 = tpu.memref_squeeze %dma_start3A_152 : memref<1x!tpu.dma_semaphore, #tpu.memory_space<semaphore_mem>> -> memref<!tpu.dma_semaphore, #tpu.memory_space<semaphore_mem>>
        tpu.enqueue_indirect_dma source(%dma_start3A_151 : memref<100000x64xf32, #tpu.memory_space<hbm>>) target(%dma_start3A_145 : memref<128x64xf32, #tpu.memory_space<vmem>>) offsets(%dma_start3A_148 : memref<128xi32, #tpu.memory_space<vmem>>) semaphore(%dma_start3A_153 : memref<!tpu.dma_semaphore, #tpu.memory_space<semaphore_mem>>)
      } else {
      }
      %ge3A_113 = arith.constant 2 : i32
      %ge3A_114 = arith.cmpi sge, %add3A_105, %ge3A_113 : i32
      %lt3A_115 = arith.constant 202 : i32
      %lt3A_116 = arith.cmpi slt, %add3A_105, %lt3A_115 : i32
      %and3A_117 = arith.andi %ge3A_114, %lt3A_116 : i1
      %convert_element_type3A_118 = arith.extui %and3A_117 : i1 to i32
      %cond3A_119 = arith.constant 0 : i32
      %cond3A_120 = arith.cmpi ne, %convert_element_type3A_118, %cond3A_119 : i32
      scf.if %cond3A_120 {
        %dma_wait3A_138 = arith.constant 1 : i32
        %dma_wait3A_139 = arith.constant 0 : i32
        %dma_wait3A_140 = arith.constant 0 : i32
        %dma_wait3A_141 = arith.constant 0 : i32
        %dma_wait3A_142 = arith.constant 1 : i32
        %dma_wait3A_143 = arith.constant 0 : i32
        %dma_wait3A_144 = arith.constant 0 : i32
        %dma_wait3A_145 = tpu.memref_slice %arg12[%dma_wait3A_138, %dma_wait3A_143, %dma_wait3A_144] : memref<2x64x128xf32, #tpu.memory_space<vmem>> -> memref<1x8x128xf32, #tpu.memory_space<vmem>>
        %dma_wait3A_146 = tpu.memref_squeeze %dma_wait3A_145 : memref<1x8x128xf32, #tpu.memory_space<vmem>> -> memref<8x128xf32, #tpu.memory_space<vmem>>
        %dma_wait3A_147 = arith.constant 0 : i32
        %dma_wait3A_148 = arith.constant 0 : i32
        %dma_wait3A_149 = tpu.memref_slice %arg6[%dma_wait3A_139, %dma_wait3A_140, %dma_wait3A_141, %dma_wait3A_147, %dma_wait3A_148] : memref<200x8x32x8x128xf32, #tpu.memory_space<hbm>> -> memref<1x1x1x8x128xf32, #tpu.memory_space<hbm>>
        %dma_wait3A_150 = tpu.memref_squeeze %dma_wait3A_149 : memref<1x1x1x8x128xf32, #tpu.memory_space<hbm>> -> memref<8x128xf32, #tpu.memory_space<hbm>>
        %dma_wait3A_151 = tpu.memref_slice %arg15[%dma_wait3A_142] : memref<2x!tpu.dma_semaphore, #tpu.memory_space<semaphore_mem>> -> memref<1x!tpu.dma_semaphore, #tpu.memory_space<semaphore_mem>>
        %dma_wait3A_152 = tpu.memref_squeeze %dma_wait3A_151 : memref<1x!tpu.dma_semaphore, #tpu.memory_space<semaphore_mem>> -> memref<!tpu.dma_semaphore, #tpu.memory_space<semaphore_mem>>
        %dma_wait3A_153 = arith.constant 0 : i32
        %dma_wait3A_154 = arith.constant 0 : i32
        %dma_wait3A_155 = tpu.memref_slice %arg6[%dma_wait3A_139, %dma_wait3A_140, %dma_wait3A_141, %dma_wait3A_153, %dma_wait3A_154] : memref<200x8x32x8x128xf32, #tpu.memory_space<hbm>> -> memref<1x1x1x8x128xf32, #tpu.memory_space<hbm>>
        %dma_wait3A_156 = tpu.memref_squeeze %dma_wait3A_155 : memref<1x1x1x8x128xf32, #tpu.memory_space<hbm>> -> memref<8x128xf32, #tpu.memory_space<hbm>>
        %dma_wait3A_157 = arith.constant 0 : i32
        %dma_wait3A_158 = arith.constant 0 : i32
        %dma_wait3A_159 = tpu.memref_slice %arg12[%dma_wait3A_138, %dma_wait3A_157, %dma_wait3A_158] : memref<2x64x128xf32, #tpu.memory_space<vmem>> -> memref<1x8x128xf32, #tpu.memory_space<vmem>>
        %dma_wait3A_160 = tpu.memref_squeeze %dma_wait3A_159 : memref<1x8x128xf32, #tpu.memory_space<vmem>> -> memref<8x128xf32, #tpu.memory_space<vmem>>
        tpu.wait_dma2 semaphore(%dma_wait3A_152 : memref<!tpu.dma_semaphore, #tpu.memory_space<semaphore_mem>>) src(%dma_wait3A_160 : memref<8x128xf32, #tpu.memory_space<vmem>>) dst(%dma_wait3A_156 : memref<8x128xf32, #tpu.memory_space<hbm>>)
        %dma_wait3A_161 = arith.constant 1 : i32
        %dma_wait3A_162 = arith.constant 0 : i32
        %dma_wait3A_163 = arith.constant 1 : i32
        %dma_wait3A_164 = arith.constant 0 : i32
        %dma_wait3A_165 = arith.constant 1 : i32
        %dma_wait3A_166 = arith.constant 8 : i32
        %dma_wait3A_167 = arith.constant 0 : i32
        %dma_wait3A_168 = tpu.memref_slice %arg12[%dma_wait3A_161, %dma_wait3A_166, %dma_wait3A_167] : memref<2x64x128xf32, #tpu.memory_space<vmem>> -> memref<1x8x128xf32, #tpu.memory_space<vmem>>
        %dma_wait3A_169 = tpu.memref_squeeze %dma_wait3A_168 : memref<1x8x128xf32, #tpu.memory_space<vmem>> -> memref<8x128xf32, #tpu.memory_space<vmem>>
        %dma_wait3A_170 = arith.constant 0 : i32
        %dma_wait3A_171 = arith.constant 0 : i32
        %dma_wait3A_172 = tpu.memref_slice %arg6[%dma_wait3A_162, %dma_wait3A_163, %dma_wait3A_164, %dma_wait3A_170, %dma_wait3A_171] : memref<200x8x32x8x128xf32, #tpu.memory_space<hbm>> -> memref<1x1x1x8x128xf32, #tpu.memory_space<hbm>>
        %dma_wait3A_173 = tpu.memref_squeeze %dma_wait3A_172 : memref<1x1x1x8x128xf32, #tpu.memory_space<hbm>> -> memref<8x128xf32, #tpu.memory_space<hbm>>
        %dma_wait3A_174 = tpu.memref_slice %arg15[%dma_wait3A_165] : memref<2x!tpu.dma_semaphore, #tpu.memory_space<semaphore_mem>> -> memref<1x!tpu.dma_semaphore, #tpu.memory_space<semaphore_mem>>
        %dma_wait3A_175 = tpu.memref_squeeze %dma_wait3A_174 : memref<1x!tpu.dma_semaphore, #tpu.memory_space<semaphore_mem>> -> memref<!tpu.dma_semaphore, #tpu.memory_space<semaphore_mem>>
        %dma_wait3A_176 = arith.constant 0 : i32
        %dma_wait3A_177 = arith.constant 0 : i32
        %dma_wait3A_178 = tpu.memref_slice %arg6[%dma_wait3A_162, %dma_wait3A_163, %dma_wait3A_164, %dma_wait3A_176, %dma_wait3A_177] : memref<200x8x32x8x128xf32, #tpu.memory_space<hbm>> -> memref<1x1x1x8x128xf32, #tpu.memory_space<hbm>>
        %dma_wait3A_179 = tpu.memref_squeeze %dma_wait3A_178 : memref<1x1x1x8x128xf32, #tpu.memory_space<hbm>> -> memref<8x128xf32, #tpu.memory_space<hbm>>
        %dma_wait3A_180 = arith.constant 8 : i32
        %dma_wait3A_181 = arith.constant 0 : i32
        %dma_wait3A_182 = tpu.memref_slice %arg12[%dma_wait3A_161, %dma_wait3A_180, %dma_wait3A_181] : memref<2x64x128xf32, #tpu.memory_space<vmem>> -> memref<1x8x128xf32, #tpu.memory_space<vmem>>
        %dma_wait3A_183 = tpu.memref_squeeze %dma_wait3A_182 : memref<1x8x128xf32, #tpu.memory_space<vmem>> -> memref<8x128xf32, #tpu.memory_space<vmem>>
        tpu.wait_dma2 semaphore(%dma_wait3A_175 : memref<!tpu.dma_semaphore, #tpu.memory_space<semaphore_mem>>) src(%dma_wait3A_183 : memref<8x128xf32, #tpu.memory_space<vmem>>) dst(%dma_wait3A_179 : memref<8x128xf32, #tpu.memory_space<hbm>>)
        %dma_wait3A_184 = arith.constant 1 : i32
        %dma_wait3A_185 = arith.constant 0 : i32
        %dma_wait3A_186 = arith.constant 2 : i32
        %dma_wait3A_187 = arith.constant 0 : i32
        %dma_wait3A_188 = arith.constant 1 : i32
        %dma_wait3A_189 = arith.constant 16 : i32
        %dma_wait3A_190 = arith.constant 0 : i32
        %dma_wait3A_191 = tpu.memref_slice %arg12[%dma_wait3A_184, %dma_wait3A_189, %dma_wait3A_190] : memref<2x64x128xf32, #tpu.memory_space<vmem>> -> memref<1x8x128xf32, #tpu.memory_space<vmem>>
        %dma_wait3A_192 = tpu.memref_squeeze %dma_wait3A_191 : memref<1x8x128xf32, #tpu.memory_space<vmem>> -> memref<8x128xf32, #tpu.memory_space<vmem>>
        %dma_wait3A_193 = arith.constant 0 : i32
        %dma_wait3A_194 = arith.constant 0 : i32
        %dma_wait3A_195 = tpu.memref_slice %arg6[%dma_wait3A_185, %dma_wait3A_186, %dma_wait3A_187, %dma_wait3A_193, %dma_wait3A_194] : memref<200x8x32x8x128xf32, #tpu.memory_space<hbm>> -> memref<1x1x1x8x128xf32, #tpu.memory_space<hbm>>
        %dma_wait3A_196 = tpu.memref_squeeze %dma_wait3A_195 : memref<1x1x1x8x128xf32, #tpu.memory_space<hbm>> -> memref<8x128xf32, #tpu.memory_space<hbm>>
        %dma_wait3A_197 = tpu.memref_slice %arg15[%dma_wait3A_188] : memref<2x!tpu.dma_semaphore, #tpu.memory_space<semaphore_mem>> -> memref<1x!tpu.dma_semaphore, #tpu.memory_space<semaphore_mem>>
        %dma_wait3A_198 = tpu.memref_squeeze %dma_wait3A_197 : memref<1x!tpu.dma_semaphore, #tpu.memory_space<semaphore_mem>> -> memref<!tpu.dma_semaphore, #tpu.memory_space<semaphore_mem>>
        %dma_wait3A_199 = arith.constant 0 : i32
        %dma_wait3A_200 = arith.constant 0 : i32
        %dma_wait3A_201 = tpu.memref_slice %arg6[%dma_wait3A_185, %dma_wait3A_186, %dma_wait3A_187, %dma_wait3A_199, %dma_wait3A_200] : memref<200x8x32x8x128xf32, #tpu.memory_space<hbm>> -> memref<1x1x1x8x128xf32, #tpu.memory_space<hbm>>
        %dma_wait3A_202 = tpu.memref_squeeze %dma_wait3A_201 : memref<1x1x1x8x128xf32, #tpu.memory_space<hbm>> -> memref<8x128xf32, #tpu.memory_space<hbm>>
        %dma_wait3A_203 = arith.constant 16 : i32
        %dma_wait3A_204 = arith.constant 0 : i32
        %dma_wait3A_205 = tpu.memref_slice %arg12[%dma_wait3A_184, %dma_wait3A_203, %dma_wait3A_204] : memref<2x64x128xf32, #tpu.memory_space<vmem>> -> memref<1x8x128xf32, #tpu.memory_space<vmem>>
        %dma_wait3A_206 = tpu.memref_squeeze %dma_wait3A_205 : memref<1x8x128xf32, #tpu.memory_space<vmem>> -> memref<8x128xf32, #tpu.memory_space<vmem>>
        tpu.wait_dma2 semaphore(%dma_wait3A_198 : memref<!tpu.dma_semaphore, #tpu.memory_space<semaphore_mem>>) src(%dma_wait3A_206 : memref<8x128xf32, #tpu.memory_space<vmem>>) dst(%dma_wait3A_202 : memref<8x128xf32, #tpu.memory_space<hbm>>)
        %dma_wait3A_207 = arith.constant 1 : i32
        %dma_wait3A_208 = arith.constant 0 : i32
        %dma_wait3A_209 = arith.constant 3 : i32
        %dma_wait3A_210 = arith.constant 0 : i32
        %dma_wait3A_211 = arith.constant 1 : i32
        %dma_wait3A_212 = arith.constant 24 : i32
        %dma_wait3A_213 = arith.constant 0 : i32
        %dma_wait3A_214 = tpu.memref_slice %arg12[%dma_wait3A_207, %dma_wait3A_212, %dma_wait3A_213] : memref<2x64x128xf32, #tpu.memory_space<vmem>> -> memref<1x8x128xf32, #tpu.memory_space<vmem>>
        %dma_wait3A_215 = tpu.memref_squeeze %dma_wait3A_214 : memref<1x8x128xf32, #tpu.memory_space<vmem>> -> memref<8x128xf32, #tpu.memory_space<vmem>>
        %dma_wait3A_216 = arith.constant 0 : i32
        %dma_wait3A_217 = arith.constant 0 : i32
        %dma_wait3A_218 = tpu.memref_slice %arg6[%dma_wait3A_208, %dma_wait3A_209, %dma_wait3A_210, %dma_wait3A_216, %dma_wait3A_217] : memref<200x8x32x8x128xf32, #tpu.memory_space<hbm>> -> memref<1x1x1x8x128xf32, #tpu.memory_space<hbm>>
        %dma_wait3A_219 = tpu.memref_squeeze %dma_wait3A_218 : memref<1x1x1x8x128xf32, #tpu.memory_space<hbm>> -> memref<8x128xf32, #tpu.memory_space<hbm>>
        %dma_wait3A_220 = tpu.memref_slice %arg15[%dma_wait3A_211] : memref<2x!tpu.dma_semaphore, #tpu.memory_space<semaphore_mem>> -> memref<1x!tpu.dma_semaphore, #tpu.memory_space<semaphore_mem>>
        %dma_wait3A_221 = tpu.memref_squeeze %dma_wait3A_220 : memref<1x!tpu.dma_semaphore, #tpu.memory_space<semaphore_mem>> -> memref<!tpu.dma_semaphore, #tpu.memory_space<semaphore_mem>>
        %dma_wait3A_222 = arith.constant 0 : i32
        %dma_wait3A_223 = arith.constant 0 : i32
        %dma_wait3A_224 = tpu.memref_slice %arg6[%dma_wait3A_208, %dma_wait3A_209, %dma_wait3A_210, %dma_wait3A_222, %dma_wait3A_223] : memref<200x8x32x8x128xf32, #tpu.memory_space<hbm>> -> memref<1x1x1x8x128xf32, #tpu.memory_space<hbm>>
        %dma_wait3A_225 = tpu.memref_squeeze %dma_wait3A_224 : memref<1x1x1x8x128xf32, #tpu.memory_space<hbm>> -> memref<8x128xf32, #tpu.memory_space<hbm>>
        %dma_wait3A_226 = arith.constant 24 : i32
        %dma_wait3A_227 = arith.constant 0 : i32
        %dma_wait3A_228 = tpu.memref_slice %arg12[%dma_wait3A_207, %dma_wait3A_226, %dma_wait3A_227] : memref<2x64x128xf32, #tpu.memory_space<vmem>> -> memref<1x8x128xf32, #tpu.memory_space<vmem>>
        %dma_wait3A_229 = tpu.memref_squeeze %dma_wait3A_228 : memref<1x8x128xf32, #tpu.memory_space<vmem>> -> memref<8x128xf32, #tpu.memory_space<vmem>>
        tpu.wait_dma2 semaphore(%dma_wait3A_221 : memref<!tpu.dma_semaphore, #tpu.memory_space<semaphore_mem>>) src(%dma_wait3A_229 : memref<8x128xf32, #tpu.memory_space<vmem>>) dst(%dma_wait3A_225 : memref<8x128xf32, #tpu.memory_space<hbm>>)
        %dma_wait3A_230 = arith.constant 1 : i32
        %dma_wait3A_231 = arith.constant 0 : i32
        %dma_wait3A_232 = arith.constant 4 : i32
        %dma_wait3A_233 = arith.constant 0 : i32
        %dma_wait3A_234 = arith.constant 1 : i32
        %dma_wait3A_235 = arith.constant 32 : i32
        %dma_wait3A_236 = arith.constant 0 : i32
        %dma_wait3A_237 = tpu.memref_slice %arg12[%dma_wait3A_230, %dma_wait3A_235, %dma_wait3A_236] : memref<2x64x128xf32, #tpu.memory_space<vmem>> -> memref<1x8x128xf32, #tpu.memory_space<vmem>>
        %dma_wait3A_238 = tpu.memref_squeeze %dma_wait3A_237 : memref<1x8x128xf32, #tpu.memory_space<vmem>> -> memref<8x128xf32, #tpu.memory_space<vmem>>
        %dma_wait3A_239 = arith.constant 0 : i32
        %dma_wait3A_240 = arith.constant 0 : i32
        %dma_wait3A_241 = tpu.memref_slice %arg6[%dma_wait3A_231, %dma_wait3A_232, %dma_wait3A_233, %dma_wait3A_239, %dma_wait3A_240] : memref<200x8x32x8x128xf32, #tpu.memory_space<hbm>> -> memref<1x1x1x8x128xf32, #tpu.memory_space<hbm>>
        %dma_wait3A_242 = tpu.memref_squeeze %dma_wait3A_241 : memref<1x1x1x8x128xf32, #tpu.memory_space<hbm>> -> memref<8x128xf32, #tpu.memory_space<hbm>>
        %dma_wait3A_243 = tpu.memref_slice %arg15[%dma_wait3A_234] : memref<2x!tpu.dma_semaphore, #tpu.memory_space<semaphore_mem>> -> memref<1x!tpu.dma_semaphore, #tpu.memory_space<semaphore_mem>>
        %dma_wait3A_244 = tpu.memref_squeeze %dma_wait3A_243 : memref<1x!tpu.dma_semaphore, #tpu.memory_space<semaphore_mem>> -> memref<!tpu.dma_semaphore, #tpu.memory_space<semaphore_mem>>
        %dma_wait3A_245 = arith.constant 0 : i32
        %dma_wait3A_246 = arith.constant 0 : i32
        %dma_wait3A_247 = tpu.memref_slice %arg6[%dma_wait3A_231, %dma_wait3A_232, %dma_wait3A_233, %dma_wait3A_245, %dma_wait3A_246] : memref<200x8x32x8x128xf32, #tpu.memory_space<hbm>> -> memref<1x1x1x8x128xf32, #tpu.memory_space<hbm>>
        %dma_wait3A_248 = tpu.memref_squeeze %dma_wait3A_247 : memref<1x1x1x8x128xf32, #tpu.memory_space<hbm>> -> memref<8x128xf32, #tpu.memory_space<hbm>>
        %dma_wait3A_249 = arith.constant 32 : i32
        %dma_wait3A_250 = arith.constant 0 : i32
        %dma_wait3A_251 = tpu.memref_slice %arg12[%dma_wait3A_230, %dma_wait3A_249, %dma_wait3A_250] : memref<2x64x128xf32, #tpu.memory_space<vmem>> -> memref<1x8x128xf32, #tpu.memory_space<vmem>>
        %dma_wait3A_252 = tpu.memref_squeeze %dma_wait3A_251 : memref<1x8x128xf32, #tpu.memory_space<vmem>> -> memref<8x128xf32, #tpu.memory_space<vmem>>
        tpu.wait_dma2 semaphore(%dma_wait3A_244 : memref<!tpu.dma_semaphore, #tpu.memory_space<semaphore_mem>>) src(%dma_wait3A_252 : memref<8x128xf32, #tpu.memory_space<vmem>>) dst(%dma_wait3A_248 : memref<8x128xf32, #tpu.memory_space<hbm>>)
        %dma_wait3A_253 = arith.constant 1 : i32
        %dma_wait3A_254 = arith.constant 0 : i32
        %dma_wait3A_255 = arith.constant 5 : i32
        %dma_wait3A_256 = arith.constant 0 : i32
        %dma_wait3A_257 = arith.constant 1 : i32
        %dma_wait3A_258 = arith.constant 40 : i32
        %dma_wait3A_259 = arith.constant 0 : i32
        %dma_wait3A_260 = tpu.memref_slice %arg12[%dma_wait3A_253, %dma_wait3A_258, %dma_wait3A_259] : memref<2x64x128xf32, #tpu.memory_space<vmem>> -> memref<1x8x128xf32, #tpu.memory_space<vmem>>
        %dma_wait3A_261 = tpu.memref_squeeze %dma_wait3A_260 : memref<1x8x128xf32, #tpu.memory_space<vmem>> -> memref<8x128xf32, #tpu.memory_space<vmem>>
        %dma_wait3A_262 = arith.constant 0 : i32
        %dma_wait3A_263 = arith.constant 0 : i32
        %dma_wait3A_264 = tpu.memref_slice %arg6[%dma_wait3A_254, %dma_wait3A_255, %dma_wait3A_256, %dma_wait3A_262, %dma_wait3A_263] : memref<200x8x32x8x128xf32, #tpu.memory_space<hbm>> -> memref<1x1x1x8x128xf32, #tpu.memory_space<hbm>>
        %dma_wait3A_265 = tpu.memref_squeeze %dma_wait3A_264 : memref<1x1x1x8x128xf32, #tpu.memory_space<hbm>> -> memref<8x128xf32, #tpu.memory_space<hbm>>
        %dma_wait3A_266 = tpu.memref_slice %arg15[%dma_wait3A_257] : memref<2x!tpu.dma_semaphore, #tpu.memory_space<semaphore_mem>> -> memref<1x!tpu.dma_semaphore, #tpu.memory_space<semaphore_mem>>
        %dma_wait3A_267 = tpu.memref_squeeze %dma_wait3A_266 : memref<1x!tpu.dma_semaphore, #tpu.memory_space<semaphore_mem>> -> memref<!tpu.dma_semaphore, #tpu.memory_space<semaphore_mem>>
        %dma_wait3A_268 = arith.constant 0 : i32
        %dma_wait3A_269 = arith.constant 0 : i32
        %dma_wait3A_270 = tpu.memref_slice %arg6[%dma_wait3A_254, %dma_wait3A_255, %dma_wait3A_256, %dma_wait3A_268, %dma_wait3A_269] : memref<200x8x32x8x128xf32, #tpu.memory_space<hbm>> -> memref<1x1x1x8x128xf32, #tpu.memory_space<hbm>>
        %dma_wait3A_271 = tpu.memref_squeeze %dma_wait3A_270 : memref<1x1x1x8x128xf32, #tpu.memory_space<hbm>> -> memref<8x128xf32, #tpu.memory_space<hbm>>
        %dma_wait3A_272 = arith.constant 40 : i32
        %dma_wait3A_273 = arith.constant 0 : i32
        %dma_wait3A_274 = tpu.memref_slice %arg12[%dma_wait3A_253, %dma_wait3A_272, %dma_wait3A_273] : memref<2x64x128xf32, #tpu.memory_space<vmem>> -> memref<1x8x128xf32, #tpu.memory_space<vmem>>
        %dma_wait3A_275 = tpu.memref_squeeze %dma_wait3A_274 : memref<1x8x128xf32, #tpu.memory_space<vmem>> -> memref<8x128xf32, #tpu.memory_space<vmem>>
        tpu.wait_dma2 semaphore(%dma_wait3A_267 : memref<!tpu.dma_semaphore, #tpu.memory_space<semaphore_mem>>) src(%dma_wait3A_275 : memref<8x128xf32, #tpu.memory_space<vmem>>) dst(%dma_wait3A_271 : memref<8x128xf32, #tpu.memory_space<hbm>>)
        %dma_wait3A_276 = arith.constant 1 : i32
        %dma_wait3A_277 = arith.constant 0 : i32
        %dma_wait3A_278 = arith.constant 6 : i32
        %dma_wait3A_279 = arith.constant 0 : i32
        %dma_wait3A_280 = arith.constant 1 : i32
        %dma_wait3A_281 = arith.constant 48 : i32
        %dma_wait3A_282 = arith.constant 0 : i32
        %dma_wait3A_283 = tpu.memref_slice %arg12[%dma_wait3A_276, %dma_wait3A_281, %dma_wait3A_282] : memref<2x64x128xf32, #tpu.memory_space<vmem>> -> memref<1x8x128xf32, #tpu.memory_space<vmem>>
        %dma_wait3A_284 = tpu.memref_squeeze %dma_wait3A_283 : memref<1x8x128xf32, #tpu.memory_space<vmem>> -> memref<8x128xf32, #tpu.memory_space<vmem>>
        %dma_wait3A_285 = arith.constant 0 : i32
        %dma_wait3A_286 = arith.constant 0 : i32
        %dma_wait3A_287 = tpu.memref_slice %arg6[%dma_wait3A_277, %dma_wait3A_278, %dma_wait3A_279, %dma_wait3A_285, %dma_wait3A_286] : memref<200x8x32x8x128xf32, #tpu.memory_space<hbm>> -> memref<1x1x1x8x128xf32, #tpu.memory_space<hbm>>
        %dma_wait3A_288 = tpu.memref_squeeze %dma_wait3A_287 : memref<1x1x1x8x128xf32, #tpu.memory_space<hbm>> -> memref<8x128xf32, #tpu.memory_space<hbm>>
        %dma_wait3A_289 = tpu.memref_slice %arg15[%dma_wait3A_280] : memref<2x!tpu.dma_semaphore, #tpu.memory_space<semaphore_mem>> -> memref<1x!tpu.dma_semaphore, #tpu.memory_space<semaphore_mem>>
        %dma_wait3A_290 = tpu.memref_squeeze %dma_wait3A_289 : memref<1x!tpu.dma_semaphore, #tpu.memory_space<semaphore_mem>> -> memref<!tpu.dma_semaphore, #tpu.memory_space<semaphore_mem>>
        %dma_wait3A_291 = arith.constant 0 : i32
        %dma_wait3A_292 = arith.constant 0 : i32
        %dma_wait3A_293 = tpu.memref_slice %arg6[%dma_wait3A_277, %dma_wait3A_278, %dma_wait3A_279, %dma_wait3A_291, %dma_wait3A_292] : memref<200x8x32x8x128xf32, #tpu.memory_space<hbm>> -> memref<1x1x1x8x128xf32, #tpu.memory_space<hbm>>
        %dma_wait3A_294 = tpu.memref_squeeze %dma_wait3A_293 : memref<1x1x1x8x128xf32, #tpu.memory_space<hbm>> -> memref<8x128xf32, #tpu.memory_space<hbm>>
        %dma_wait3A_295 = arith.constant 48 : i32
        %dma_wait3A_296 = arith.constant 0 : i32
        %dma_wait3A_297 = tpu.memref_slice %arg12[%dma_wait3A_276, %dma_wait3A_295, %dma_wait3A_296] : memref<2x64x128xf32, #tpu.memory_space<vmem>> -> memref<1x8x128xf32, #tpu.memory_space<vmem>>
        %dma_wait3A_298 = tpu.memref_squeeze %dma_wait3A_297 : memref<1x8x128xf32, #tpu.memory_space<vmem>> -> memref<8x128xf32, #tpu.memory_space<vmem>>
        tpu.wait_dma2 semaphore(%dma_wait3A_290 : memref<!tpu.dma_semaphore, #tpu.memory_space<semaphore_mem>>) src(%dma_wait3A_298 : memref<8x128xf32, #tpu.memory_space<vmem>>) dst(%dma_wait3A_294 : memref<8x128xf32, #tpu.memory_space<hbm>>)
        %dma_wait3A_299 = arith.constant 1 : i32
        %dma_wait3A_300 = arith.constant 0 : i32
        %dma_wait3A_301 = arith.constant 7 : i32
        %dma_wait3A_302 = arith.constant 0 : i32
        %dma_wait3A_303 = arith.constant 1 : i32
        %dma_wait3A_304 = arith.constant 56 : i32
        %dma_wait3A_305 = arith.constant 0 : i32
        %dma_wait3A_306 = tpu.memref_slice %arg12[%dma_wait3A_299, %dma_wait3A_304, %dma_wait3A_305] : memref<2x64x128xf32, #tpu.memory_space<vmem>> -> memref<1x8x128xf32, #tpu.memory_space<vmem>>
        %dma_wait3A_307 = tpu.memref_squeeze %dma_wait3A_306 : memref<1x8x128xf32, #tpu.memory_space<vmem>> -> memref<8x128xf32, #tpu.memory_space<vmem>>
        %dma_wait3A_308 = arith.constant 0 : i32
        %dma_wait3A_309 = arith.constant 0 : i32
        %dma_wait3A_310 = tpu.memref_slice %arg6[%dma_wait3A_300, %dma_wait3A_301, %dma_wait3A_302, %dma_wait3A_308, %dma_wait3A_309] : memref<200x8x32x8x128xf32, #tpu.memory_space<hbm>> -> memref<1x1x1x8x128xf32, #tpu.memory_space<hbm>>
        %dma_wait3A_311 = tpu.memref_squeeze %dma_wait3A_310 : memref<1x1x1x8x128xf32, #tpu.memory_space<hbm>> -> memref<8x128xf32, #tpu.memory_space<hbm>>
        %dma_wait3A_312 = tpu.memref_slice %arg15[%dma_wait3A_303] : memref<2x!tpu.dma_semaphore, #tpu.memory_space<semaphore_mem>> -> memref<1x!tpu.dma_semaphore, #tpu.memory_space<semaphore_mem>>
        %dma_wait3A_313 = tpu.memref_squeeze %dma_wait3A_312 : memref<1x!tpu.dma_semaphore, #tpu.memory_space<semaphore_mem>> -> memref<!tpu.dma_semaphore, #tpu.memory_space<semaphore_mem>>
        %dma_wait3A_314 = arith.constant 0 : i32
        %dma_wait3A_315 = arith.constant 0 : i32
        %dma_wait3A_316 = tpu.memref_slice %arg6[%dma_wait3A_300, %dma_wait3A_301, %dma_wait3A_302, %dma_wait3A_314, %dma_wait3A_315] : memref<200x8x32x8x128xf32, #tpu.memory_space<hbm>> -> memref<1x1x1x8x128xf32, #tpu.memory_space<hbm>>
        %dma_wait3A_317 = tpu.memref_squeeze %dma_wait3A_316 : memref<1x1x1x8x128xf32, #tpu.memory_space<hbm>> -> memref<8x128xf32, #tpu.memory_space<hbm>>
        %dma_wait3A_318 = arith.constant 56 : i32
        %dma_wait3A_319 = arith.constant 0 : i32
        %dma_wait3A_320 = tpu.memref_slice %arg12[%dma_wait3A_299, %dma_wait3A_318, %dma_wait3A_319] : memref<2x64x128xf32, #tpu.memory_space<vmem>> -> memref<1x8x128xf32, #tpu.memory_space<vmem>>
        %dma_wait3A_321 = tpu.memref_squeeze %dma_wait3A_320 : memref<1x8x128xf32, #tpu.memory_space<vmem>> -> memref<8x128xf32, #tpu.memory_space<vmem>>
        tpu.wait_dma2 semaphore(%dma_wait3A_313 : memref<!tpu.dma_semaphore, #tpu.memory_space<semaphore_mem>>) src(%dma_wait3A_321 : memref<8x128xf32, #tpu.memory_space<vmem>>) dst(%dma_wait3A_317 : memref<8x128xf32, #tpu.memory_space<hbm>>)
      } else {
      }
      %lt3A_121 = arith.constant 200 : i32
      %lt3A_122 = arith.cmpi slt, %add3A_105, %lt3A_121 : i32
      %convert_element_type3A_123 = arith.extui %lt3A_122 : i1 to i32
      %cond3A_124 = arith.constant 0 : i32
      %cond3A_125 = arith.cmpi ne, %convert_element_type3A_123, %cond3A_124 : i32
      scf.if %cond3A_125 {
        %dma_wait3A_138 = arith.constant 0 : i32
        %dma_wait3A_139 = arith.constant 1 : i32
        %dma_wait3A_140 = arith.constant 1 : i32
        %dma_wait3A_141 = arith.constant 0 : i32
        %dma_wait3A_142 = arith.constant 0 : i32
        %dma_wait3A_143 = tpu.memref_slice %arg11[%dma_wait3A_139, %dma_wait3A_141, %dma_wait3A_142] : memref<2x128x64xf32, #tpu.memory_space<vmem>> -> memref<1x128x64xf32, #tpu.memory_space<vmem>>
        %dma_wait3A_144 = tpu.memref_squeeze %dma_wait3A_143 : memref<1x128x64xf32, #tpu.memory_space<vmem>> -> memref<128x64xf32, #tpu.memory_space<vmem>>
        %dma_wait3A_145 = arith.constant 0 : i32
        %dma_wait3A_146 = tpu.memref_slice %arg8[%dma_wait3A_138, %dma_wait3A_145] : memref<200x128xi32, #tpu.memory_space<vmem>> -> memref<1x128xi32, #tpu.memory_space<vmem>>
        %dma_wait3A_147 = tpu.memref_squeeze %dma_wait3A_146 : memref<1x128xi32, #tpu.memory_space<vmem>> -> memref<128xi32, #tpu.memory_space<vmem>>
        %dma_wait3A_148 = arith.constant 0 : i32
        %dma_wait3A_149 = arith.constant 0 : i32
        %dma_wait3A_150 = tpu.memref_slice %arg10[%dma_wait3A_148, %dma_wait3A_149] : memref<200x64xf32, #tpu.memory_space<vmem_shared>> -> memref<200x64xf32, #tpu.memory_space<vmem_shared>>
        %dma_wait3A_151 = tpu.memref_slice %arg14[%dma_wait3A_140] : memref<2x!tpu.dma_semaphore, #tpu.memory_space<semaphore_mem>> -> memref<1x!tpu.dma_semaphore, #tpu.memory_space<semaphore_mem>>
        %dma_wait3A_152 = tpu.memref_squeeze %dma_wait3A_151 : memref<1x!tpu.dma_semaphore, #tpu.memory_space<semaphore_mem>> -> memref<!tpu.dma_semaphore, #tpu.memory_space<semaphore_mem>>
        tpu.wait_indirect_dma semaphore(%dma_wait3A_152 : memref<!tpu.dma_semaphore, #tpu.memory_space<semaphore_mem>>) src(%dma_wait3A_150 : memref<200x64xf32, #tpu.memory_space<vmem_shared>>) dst(%dma_wait3A_144 : memref<128x64xf32, #tpu.memory_space<vmem>>)
      } else {
      }
      %lt3A_126 = arith.constant 200 : i32
      %lt3A_127 = arith.cmpi slt, %add3A_105, %lt3A_126 : i32
      %convert_element_type3A_128 = arith.extui %lt3A_127 : i1 to i32
      %cond3A_129 = arith.constant 0 : i32
      %cond3A_130 = arith.cmpi ne, %convert_element_type3A_128, %cond3A_129 : i32
      scf.if %cond3A_130 {
        %add3A_138 = arith.constant 0 : i32
        %add3A_139 = vector.broadcast %add3A_138 : i32 to vector<16xi32>
        %add3A_140 = arith.addi %iota3A, %add3A_139 : vector<16xi32>
        %scan3A_141 = arith.constant 0 : i32
        %scan3A_142 = arith.constant 0 : i32
        %scan3A_143 = arith.constant 16 : i32
        %scan3A_144 = arith.addi %scan3A_142, %scan3A_143 : i32
        %scan3A_145 = arith.constant 2 : i32
        scf.for %scan3A_378 = %scan3A_142 to %scan3A_144 step %scan3A_145  : i32 {
          %broadcast_in_dim3A = vector.broadcast %scan3A_378 : i32 to vector<16xi32>
          %xor3A = arith.xori %broadcast_in_dim3A, %iota3A : vector<16xi32>
          %add3A_379 = arith.constant 0 : i32
          %add3A_380 = vector.broadcast %add3A_379 : i32 to vector<16xi32>
          %add3A_381 = arith.addi %xor3A, %add3A_380 : vector<16xi32>
          %gather3A = arith.constant 1 : i32
          %gather3A_382 = arith.constant 0 : i32
          %gather3A_383 = arith.constant 0 : i32
          %gather3A_384 = tpu.memref_slice %arg11[%gather3A, %gather3A_382, %gather3A_383] : memref<2x128x64xf32, #tpu.memory_space<vmem>> -> memref<1x128x64xf32, #tpu.memory_space<vmem>>
          %gather3A_385 = tpu.memref_squeeze %gather3A_384 : memref<1x128x64xf32, #tpu.memory_space<vmem>> -> memref<128x64xf32, #tpu.memory_space<vmem>>
          %gather3A_386 = tpu.vector_load_idx %gather3A_385[%add3A_140, %add3A_381] : memref<128x64xf32, #tpu.memory_space<vmem>>[vector<16xi32>, vector<16xi32>], vector<16xf32>,
          %add3A_387 = arith.constant 16 : i32
          %add3A_388 = vector.broadcast %add3A_387 : i32 to vector<16xi32>
          %add3A_389 = arith.addi %xor3A, %add3A_388 : vector<16xi32>
          %gather3A_390 = arith.constant 1 : i32
          %gather3A_391 = arith.constant 0 : i32
          %gather3A_392 = arith.constant 0 : i32
          %gather3A_393 = tpu.memref_slice %arg11[%gather3A_390, %gather3A_391, %gather3A_392] : memref<2x128x64xf32, #tpu.memory_space<vmem>> -> memref<1x128x64xf32, #tpu.memory_space<vmem>>
          %gather3A_394 = tpu.memref_squeeze %gather3A_393 : memref<1x128x64xf32, #tpu.memory_space<vmem>> -> memref<128x64xf32, #tpu.memory_space<vmem>>
          %gather3A_395 = tpu.vector_load_idx %gather3A_394[%add3A_140, %add3A_389] : memref<128x64xf32, #tpu.memory_space<vmem>>[vector<16xi32>, vector<16xi32>], vector<16xf32>,
          %add3A_396 = arith.constant 32 : i32
          %add3A_397 = vector.broadcast %add3A_396 : i32 to vector<16xi32>
          %add3A_398 = arith.addi %xor3A, %add3A_397 : vector<16xi32>
          %gather3A_399 = arith.constant 1 : i32
          %gather3A_400 = arith.constant 0 : i32
          %gather3A_401 = arith.constant 0 : i32
          %gather3A_402 = tpu.memref_slice %arg11[%gather3A_399, %gather3A_400, %gather3A_401] : memref<2x128x64xf32, #tpu.memory_space<vmem>> -> memref<1x128x64xf32, #tpu.memory_space<vmem>>
          %gather3A_403 = tpu.memref_squeeze %gather3A_402 : memref<1x128x64xf32, #tpu.memory_space<vmem>> -> memref<128x64xf32, #tpu.memory_space<vmem>>
          %gather3A_404 = tpu.vector_load_idx %gather3A_403[%add3A_140, %add3A_398] : memref<128x64xf32, #tpu.memory_space<vmem>>[vector<16xi32>, vector<16xi32>], vector<16xf32>,
          %add3A_405 = arith.constant 48 : i32
          %add3A_406 = vector.broadcast %add3A_405 : i32 to vector<16xi32>
          %add3A_407 = arith.addi %xor3A, %add3A_406 : vector<16xi32>
          %gather3A_408 = arith.constant 1 : i32
          %gather3A_409 = arith.constant 0 : i32
          %gather3A_410 = arith.constant 0 : i32
          %gather3A_411 = tpu.memref_slice %arg11[%gather3A_408, %gather3A_409, %gather3A_410] : memref<2x128x64xf32, #tpu.memory_space<vmem>> -> memref<1x128x64xf32, #tpu.memory_space<vmem>>
          %gather3A_412 = tpu.memref_squeeze %gather3A_411 : memref<1x128x64xf32, #tpu.memory_space<vmem>> -> memref<128x64xf32, #tpu.memory_space<vmem>>
          %gather3A_413 = tpu.vector_load_idx %gather3A_412[%add3A_140, %add3A_407] : memref<128x64xf32, #tpu.memory_space<vmem>>[vector<16xi32>, vector<16xi32>], vector<16xf32>,
          %scatter3A = arith.constant 1 : i32
          %scatter3A_414 = arith.constant 0 : i32
          %scatter3A_415 = arith.constant 0 : i32
          %scatter3A_416 = tpu.memref_slice %arg12[%scatter3A, %scatter3A_414, %scatter3A_415] : memref<2x64x128xf32, #tpu.memory_space<vmem>> -> memref<1x64x128xf32, #tpu.memory_space<vmem>>
          %scatter3A_417 = tpu.memref_squeeze %scatter3A_416 : memref<1x64x128xf32, #tpu.memory_space<vmem>> -> memref<64x128xf32, #tpu.memory_space<vmem>>
          tpu.vector_store_idx %scatter3A_417[%add3A_381, %add3A_140], %gather3A_386 : memref<64x128xf32, #tpu.memory_space<vmem>>[vector<16xi32>, vector<16xi32>], vector<16xf32>,
          %scatter3A_418 = arith.constant 1 : i32
          %scatter3A_419 = arith.constant 0 : i32
          %scatter3A_420 = arith.constant 0 : i32
          %scatter3A_421 = tpu.memref_slice %arg12[%scatter3A_418, %scatter3A_419, %scatter3A_420] : memref<2x64x128xf32, #tpu.memory_space<vmem>> -> memref<1x64x128xf32, #tpu.memory_space<vmem>>
          %scatter3A_422 = tpu.memref_squeeze %scatter3A_421 : memref<1x64x128xf32, #tpu.memory_space<vmem>> -> memref<64x128xf32, #tpu.memory_space<vmem>>
          tpu.vector_store_idx %scatter3A_422[%add3A_389, %add3A_140], %gather3A_395 : memref<64x128xf32, #tpu.memory_space<vmem>>[vector<16xi32>, vector<16xi32>], vector<16xf32>,
          %scatter3A_423 = arith.constant 1 : i32
          %scatter3A_424 = arith.constant 0 : i32
          %scatter3A_425 = arith.constant 0 : i32
          %scatter3A_426 = tpu.memref_slice %arg12[%scatter3A_423, %scatter3A_424, %scatter3A_425] : memref<2x64x128xf32, #tpu.memory_space<vmem>> -> memref<1x64x128xf32, #tpu.memory_space<vmem>>
          %scatter3A_427 = tpu.memref_squeeze %scatter3A_426 : memref<1x64x128xf32, #tpu.memory_space<vmem>> -> memref<64x128xf32, #tpu.memory_space<vmem>>
          tpu.vector_store_idx %scatter3A_427[%add3A_398, %add3A_140], %gather3A_404 : memref<64x128xf32, #tpu.memory_space<vmem>>[vector<16xi32>, vector<16xi32>], vector<16xf32>,
          %scatter3A_428 = arith.constant 1 : i32
          %scatter3A_429 = arith.constant 0 : i32
          %scatter3A_430 = arith.constant 0 : i32
          %scatter3A_431 = tpu.memref_slice %arg12[%scatter3A_428, %scatter3A_429, %scatter3A_430] : memref<2x64x128xf32, #tpu.memory_space<vmem>> -> memref<1x64x128xf32, #tpu.memory_space<vmem>>
          %scatter3A_432 = tpu.memref_squeeze %scatter3A_431 : memref<1x64x128xf32, #tpu.memory_space<vmem>> -> memref<64x128xf32, #tpu.memory_space<vmem>>
          tpu.vector_store_idx %scatter3A_432[%add3A_407, %add3A_140], %gather3A_413 : memref<64x128xf32, #tpu.memory_space<vmem>>[vector<16xi32>, vector<16xi32>], vector<16xf32>,
          %scan3A_433 = arith.constant 1 : i32
          %scan3A_434 = arith.addi %scan3A_378, %scan3A_433 : i32
          %broadcast_in_dim3A_435 = vector.broadcast %scan3A_434 : i32 to vector<16xi32>
          %xor3A_436 = arith.xori %broadcast_in_dim3A_435, %iota3A : vector<16xi32>
          %add3A_437 = arith.constant 0 : i32
          %add3A_438 = vector.broadcast %add3A_437 : i32 to vector<16xi32>
          %add3A_439 = arith.addi %xor3A_436, %add3A_438 : vector<16xi32>
          %gather3A_440 = arith.constant 1 : i32
          %gather3A_441 = arith.constant 0 : i32
          %gather3A_442 = arith.constant 0 : i32
          %gather3A_443 = tpu.memref_slice %arg11[%gather3A_440, %gather3A_441, %gather3A_442] : memref<2x128x64xf32, #tpu.memory_space<vmem>> -> memref<1x128x64xf32, #tpu.memory_space<vmem>>
          %gather3A_444 = tpu.memref_squeeze %gather3A_443 : memref<1x128x64xf32, #tpu.memory_space<vmem>> -> memref<128x64xf32, #tpu.memory_space<vmem>>
          %gather3A_445 = tpu.vector_load_idx %gather3A_444[%add3A_140, %add3A_439] : memref<128x64xf32, #tpu.memory_space<vmem>>[vector<16xi32>, vector<16xi32>], vector<16xf32>,
          %add3A_446 = arith.constant 16 : i32
          %add3A_447 = vector.broadcast %add3A_446 : i32 to vector<16xi32>
          %add3A_448 = arith.addi %xor3A_436, %add3A_447 : vector<16xi32>
          %gather3A_449 = arith.constant 1 : i32
          %gather3A_450 = arith.constant 0 : i32
          %gather3A_451 = arith.constant 0 : i32
          %gather3A_452 = tpu.memref_slice %arg11[%gather3A_449, %gather3A_450, %gather3A_451] : memref<2x128x64xf32, #tpu.memory_space<vmem>> -> memref<1x128x64xf32, #tpu.memory_space<vmem>>
          %gather3A_453 = tpu.memref_squeeze %gather3A_452 : memref<1x128x64xf32, #tpu.memory_space<vmem>> -> memref<128x64xf32, #tpu.memory_space<vmem>>
          %gather3A_454 = tpu.vector_load_idx %gather3A_453[%add3A_140, %add3A_448] : memref<128x64xf32, #tpu.memory_space<vmem>>[vector<16xi32>, vector<16xi32>], vector<16xf32>,
          %add3A_455 = arith.constant 32 : i32
          %add3A_456 = vector.broadcast %add3A_455 : i32 to vector<16xi32>
          %add3A_457 = arith.addi %xor3A_436, %add3A_456 : vector<16xi32>
          %gather3A_458 = arith.constant 1 : i32
          %gather3A_459 = arith.constant 0 : i32
          %gather3A_460 = arith.constant 0 : i32
          %gather3A_461 = tpu.memref_slice %arg11[%gather3A_458, %gather3A_459, %gather3A_460] : memref<2x128x64xf32, #tpu.memory_space<vmem>> -> memref<1x128x64xf32, #tpu.memory_space<vmem>>
          %gather3A_462 = tpu.memref_squeeze %gather3A_461 : memref<1x128x64xf32, #tpu.memory_space<vmem>> -> memref<128x64xf32, #tpu.memory_space<vmem>>
          %gather3A_463 = tpu.vector_load_idx %gather3A_462[%add3A_140, %add3A_457] : memref<128x64xf32, #tpu.memory_space<vmem>>[vector<16xi32>, vector<16xi32>], vector<16xf32>,
          %add3A_464 = arith.constant 48 : i32
          %add3A_465 = vector.broadcast %add3A_464 : i32 to vector<16xi32>
          %add3A_466 = arith.addi %xor3A_436, %add3A_465 : vector<16xi32>
          %gather3A_467 = arith.constant 1 : i32
          %gather3A_468 = arith.constant 0 : i32
          %gather3A_469 = arith.constant 0 : i32
          %gather3A_470 = tpu.memref_slice %arg11[%gather3A_467, %gather3A_468, %gather3A_469] : memref<2x128x64xf32, #tpu.memory_space<vmem>> -> memref<1x128x64xf32, #tpu.memory_space<vmem>>
          %gather3A_471 = tpu.memref_squeeze %gather3A_470 : memref<1x128x64xf32, #tpu.memory_space<vmem>> -> memref<128x64xf32, #tpu.memory_space<vmem>>
          %gather3A_472 = tpu.vector_load_idx %gather3A_471[%add3A_140, %add3A_466] : memref<128x64xf32, #tpu.memory_space<vmem>>[vector<16xi32>, vector<16xi32>], vector<16xf32>,
          %scatter3A_473 = arith.constant 1 : i32
          %scatter3A_474 = arith.constant 0 : i32
          %scatter3A_475 = arith.constant 0 : i32
          %scatter3A_476 = tpu.memref_slice %arg12[%scatter3A_473, %scatter3A_474, %scatter3A_475] : memref<2x64x128xf32, #tpu.memory_space<vmem>> -> memref<1x64x128xf32, #tpu.memory_space<vmem>>
          %scatter3A_477 = tpu.memref_squeeze %scatter3A_476 : memref<1x64x128xf32, #tpu.memory_space<vmem>> -> memref<64x128xf32, #tpu.memory_space<vmem>>
          tpu.vector_store_idx %scatter3A_477[%add3A_439, %add3A_140], %gather3A_445 : memref<64x128xf32, #tpu.memory_space<vmem>>[vector<16xi32>, vector<16xi32>], vector<16xf32>,
          %scatter3A_478 = arith.constant 1 : i32
          %scatter3A_479 = arith.constant 0 : i32
          %scatter3A_480 = arith.constant 0 : i32
          %scatter3A_481 = tpu.memref_slice %arg12[%scatter3A_478, %scatter3A_479, %scatter3A_480] : memref<2x64x128xf32, #tpu.memory_space<vmem>> -> memref<1x64x128xf32, #tpu.memory_space<vmem>>
          %scatter3A_482 = tpu.memref_squeeze %scatter3A_481 : memref<1x64x128xf32, #tpu.memory_space<vmem>> -> memref<64x128xf32, #tpu.memory_space<vmem>>
          tpu.vector_store_idx %scatter3A_482[%add3A_448, %add3A_140], %gather3A_454 : memref<64x128xf32, #tpu.memory_space<vmem>>[vector<16xi32>, vector<16xi32>], vector<16xf32>,
          %scatter3A_483 = arith.constant 1 : i32
          %scatter3A_484 = arith.constant 0 : i32
          %scatter3A_485 = arith.constant 0 : i32
          %scatter3A_486 = tpu.memref_slice %arg12[%scatter3A_483, %scatter3A_484, %scatter3A_485] : memref<2x64x128xf32, #tpu.memory_space<vmem>> -> memref<1x64x128xf32, #tpu.memory_space<vmem>>
          %scatter3A_487 = tpu.memref_squeeze %scatter3A_486 : memref<1x64x128xf32, #tpu.memory_space<vmem>> -> memref<64x128xf32, #tpu.memory_space<vmem>>
          tpu.vector_store_idx %scatter3A_487[%add3A_457, %add3A_140], %gather3A_463 : memref<64x128xf32, #tpu.memory_space<vmem>>[vector<16xi32>, vector<16xi32>], vector<16xf32>,
          %scatter3A_488 = arith.constant 1 : i32
          %scatter3A_489 = arith.constant 0 : i32
          %scatter3A_490 = arith.constant 0 : i32
          %scatter3A_491 = tpu.memref_slice %arg12[%scatter3A_488, %scatter3A_489, %scatter3A_490] : memref<2x64x128xf32, #tpu.memory_space<vmem>> -> memref<1x64x128xf32, #tpu.memory_space<vmem>>
          %scatter3A_492 = tpu.memref_squeeze %scatter3A_491 : memref<1x64x128xf32, #tpu.memory_space<vmem>> -> memref<64x128xf32, #tpu.memory_space<vmem>>
          tpu.vector_store_idx %scatter3A_492[%add3A_466, %add3A_140], %gather3A_472 : memref<64x128xf32, #tpu.memory_space<vmem>>[vector<16xi32>, vector<16xi32>], vector<16xf32>,
        }
        %scan3A_146 = arith.constant 16 : i32
        %add3A_147 = arith.constant 16 : i32
        %add3A_148 = vector.broadcast %add3A_147 : i32 to vector<16xi32>
        %add3A_149 = arith.addi %iota3A, %add3A_148 : vector<16xi32>
        %scan3A_150 = arith.constant 0 : i32
        %scan3A_151 = arith.constant 0 : i32
        %scan3A_152 = arith.constant 16 : i32
        %scan3A_153 = arith.addi %scan3A_151, %scan3A_152 : i32
        %scan3A_154 = arith.constant 2 : i32
        scf.for %scan3A_378 = %scan3A_151 to %scan3A_153 step %scan3A_154  : i32 {
          %broadcast_in_dim3A = vector.broadcast %scan3A_378 : i32 to vector<16xi32>
          %xor3A = arith.xori %broadcast_in_dim3A, %iota3A : vector<16xi32>
          %add3A_379 = arith.constant 0 : i32
          %add3A_380 = vector.broadcast %add3A_379 : i32 to vector<16xi32>
          %add3A_381 = arith.addi %xor3A, %add3A_380 : vector<16xi32>
          %gather3A = arith.constant 1 : i32
          %gather3A_382 = arith.constant 0 : i32
          %gather3A_383 = arith.constant 0 : i32
          %gather3A_384 = tpu.memref_slice %arg11[%gather3A, %gather3A_382, %gather3A_383] : memref<2x128x64xf32, #tpu.memory_space<vmem>> -> memref<1x128x64xf32, #tpu.memory_space<vmem>>
          %gather3A_385 = tpu.memref_squeeze %gather3A_384 : memref<1x128x64xf32, #tpu.memory_space<vmem>> -> memref<128x64xf32, #tpu.memory_space<vmem>>
          %gather3A_386 = tpu.vector_load_idx %gather3A_385[%add3A_149, %add3A_381] : memref<128x64xf32, #tpu.memory_space<vmem>>[vector<16xi32>, vector<16xi32>], vector<16xf32>,
          %add3A_387 = arith.constant 16 : i32
          %add3A_388 = vector.broadcast %add3A_387 : i32 to vector<16xi32>
          %add3A_389 = arith.addi %xor3A, %add3A_388 : vector<16xi32>
          %gather3A_390 = arith.constant 1 : i32
          %gather3A_391 = arith.constant 0 : i32
          %gather3A_392 = arith.constant 0 : i32
          %gather3A_393 = tpu.memref_slice %arg11[%gather3A_390, %gather3A_391, %gather3A_392] : memref<2x128x64xf32, #tpu.memory_space<vmem>> -> memref<1x128x64xf32, #tpu.memory_space<vmem>>
          %gather3A_394 = tpu.memref_squeeze %gather3A_393 : memref<1x128x64xf32, #tpu.memory_space<vmem>> -> memref<128x64xf32, #tpu.memory_space<vmem>>
          %gather3A_395 = tpu.vector_load_idx %gather3A_394[%add3A_149, %add3A_389] : memref<128x64xf32, #tpu.memory_space<vmem>>[vector<16xi32>, vector<16xi32>], vector<16xf32>,
          %add3A_396 = arith.constant 32 : i32
          %add3A_397 = vector.broadcast %add3A_396 : i32 to vector<16xi32>
          %add3A_398 = arith.addi %xor3A, %add3A_397 : vector<16xi32>
          %gather3A_399 = arith.constant 1 : i32
          %gather3A_400 = arith.constant 0 : i32
          %gather3A_401 = arith.constant 0 : i32
          %gather3A_402 = tpu.memref_slice %arg11[%gather3A_399, %gather3A_400, %gather3A_401] : memref<2x128x64xf32, #tpu.memory_space<vmem>> -> memref<1x128x64xf32, #tpu.memory_space<vmem>>
          %gather3A_403 = tpu.memref_squeeze %gather3A_402 : memref<1x128x64xf32, #tpu.memory_space<vmem>> -> memref<128x64xf32, #tpu.memory_space<vmem>>
          %gather3A_404 = tpu.vector_load_idx %gather3A_403[%add3A_149, %add3A_398] : memref<128x64xf32, #tpu.memory_space<vmem>>[vector<16xi32>, vector<16xi32>], vector<16xf32>,
          %add3A_405 = arith.constant 48 : i32
          %add3A_406 = vector.broadcast %add3A_405 : i32 to vector<16xi32>
          %add3A_407 = arith.addi %xor3A, %add3A_406 : vector<16xi32>
          %gather3A_408 = arith.constant 1 : i32
          %gather3A_409 = arith.constant 0 : i32
          %gather3A_410 = arith.constant 0 : i32
          %gather3A_411 = tpu.memref_slice %arg11[%gather3A_408, %gather3A_409, %gather3A_410] : memref<2x128x64xf32, #tpu.memory_space<vmem>> -> memref<1x128x64xf32, #tpu.memory_space<vmem>>
          %gather3A_412 = tpu.memref_squeeze %gather3A_411 : memref<1x128x64xf32, #tpu.memory_space<vmem>> -> memref<128x64xf32, #tpu.memory_space<vmem>>
          %gather3A_413 = tpu.vector_load_idx %gather3A_412[%add3A_149, %add3A_407] : memref<128x64xf32, #tpu.memory_space<vmem>>[vector<16xi32>, vector<16xi32>], vector<16xf32>,
          %scatter3A = arith.constant 1 : i32
          %scatter3A_414 = arith.constant 0 : i32
          %scatter3A_415 = arith.constant 0 : i32
          %scatter3A_416 = tpu.memref_slice %arg12[%scatter3A, %scatter3A_414, %scatter3A_415] : memref<2x64x128xf32, #tpu.memory_space<vmem>> -> memref<1x64x128xf32, #tpu.memory_space<vmem>>
          %scatter3A_417 = tpu.memref_squeeze %scatter3A_416 : memref<1x64x128xf32, #tpu.memory_space<vmem>> -> memref<64x128xf32, #tpu.memory_space<vmem>>
          tpu.vector_store_idx %scatter3A_417[%add3A_381, %add3A_149], %gather3A_386 : memref<64x128xf32, #tpu.memory_space<vmem>>[vector<16xi32>, vector<16xi32>], vector<16xf32>,
          %scatter3A_418 = arith.constant 1 : i32
          %scatter3A_419 = arith.constant 0 : i32
          %scatter3A_420 = arith.constant 0 : i32
          %scatter3A_421 = tpu.memref_slice %arg12[%scatter3A_418, %scatter3A_419, %scatter3A_420] : memref<2x64x128xf32, #tpu.memory_space<vmem>> -> memref<1x64x128xf32, #tpu.memory_space<vmem>>
          %scatter3A_422 = tpu.memref_squeeze %scatter3A_421 : memref<1x64x128xf32, #tpu.memory_space<vmem>> -> memref<64x128xf32, #tpu.memory_space<vmem>>
          tpu.vector_store_idx %scatter3A_422[%add3A_389, %add3A_149], %gather3A_395 : memref<64x128xf32, #tpu.memory_space<vmem>>[vector<16xi32>, vector<16xi32>], vector<16xf32>,
          %scatter3A_423 = arith.constant 1 : i32
          %scatter3A_424 = arith.constant 0 : i32
          %scatter3A_425 = arith.constant 0 : i32
          %scatter3A_426 = tpu.memref_slice %arg12[%scatter3A_423, %scatter3A_424, %scatter3A_425] : memref<2x64x128xf32, #tpu.memory_space<vmem>> -> memref<1x64x128xf32, #tpu.memory_space<vmem>>
          %scatter3A_427 = tpu.memref_squeeze %scatter3A_426 : memref<1x64x128xf32, #tpu.memory_space<vmem>> -> memref<64x128xf32, #tpu.memory_space<vmem>>
          tpu.vector_store_idx %scatter3A_427[%add3A_398, %add3A_149], %gather3A_404 : memref<64x128xf32, #tpu.memory_space<vmem>>[vector<16xi32>, vector<16xi32>], vector<16xf32>,
          %scatter3A_428 = arith.constant 1 : i32
          %scatter3A_429 = arith.constant 0 : i32
          %scatter3A_430 = arith.constant 0 : i32
          %scatter3A_431 = tpu.memref_slice %arg12[%scatter3A_428, %scatter3A_429, %scatter3A_430] : memref<2x64x128xf32, #tpu.memory_space<vmem>> -> memref<1x64x128xf32, #tpu.memory_space<vmem>>
          %scatter3A_432 = tpu.memref_squeeze %scatter3A_431 : memref<1x64x128xf32, #tpu.memory_space<vmem>> -> memref<64x128xf32, #tpu.memory_space<vmem>>
          tpu.vector_store_idx %scatter3A_432[%add3A_407, %add3A_149], %gather3A_413 : memref<64x128xf32, #tpu.memory_space<vmem>>[vector<16xi32>, vector<16xi32>], vector<16xf32>,
          %scan3A_433 = arith.constant 1 : i32
          %scan3A_434 = arith.addi %scan3A_378, %scan3A_433 : i32
          %broadcast_in_dim3A_435 = vector.broadcast %scan3A_434 : i32 to vector<16xi32>
          %xor3A_436 = arith.xori %broadcast_in_dim3A_435, %iota3A : vector<16xi32>
          %add3A_437 = arith.constant 0 : i32
          %add3A_438 = vector.broadcast %add3A_437 : i32 to vector<16xi32>
          %add3A_439 = arith.addi %xor3A_436, %add3A_438 : vector<16xi32>
          %gather3A_440 = arith.constant 1 : i32
          %gather3A_441 = arith.constant 0 : i32
          %gather3A_442 = arith.constant 0 : i32
          %gather3A_443 = tpu.memref_slice %arg11[%gather3A_440, %gather3A_441, %gather3A_442] : memref<2x128x64xf32, #tpu.memory_space<vmem>> -> memref<1x128x64xf32, #tpu.memory_space<vmem>>
          %gather3A_444 = tpu.memref_squeeze %gather3A_443 : memref<1x128x64xf32, #tpu.memory_space<vmem>> -> memref<128x64xf32, #tpu.memory_space<vmem>>
          %gather3A_445 = tpu.vector_load_idx %gather3A_444[%add3A_149, %add3A_439] : memref<128x64xf32, #tpu.memory_space<vmem>>[vector<16xi32>, vector<16xi32>], vector<16xf32>,
          %add3A_446 = arith.constant 16 : i32
          %add3A_447 = vector.broadcast %add3A_446 : i32 to vector<16xi32>
          %add3A_448 = arith.addi %xor3A_436, %add3A_447 : vector<16xi32>
          %gather3A_449 = arith.constant 1 : i32
          %gather3A_450 = arith.constant 0 : i32
          %gather3A_451 = arith.constant 0 : i32
          %gather3A_452 = tpu.memref_slice %arg11[%gather3A_449, %gather3A_450, %gather3A_451] : memref<2x128x64xf32, #tpu.memory_space<vmem>> -> memref<1x128x64xf32, #tpu.memory_space<vmem>>
          %gather3A_453 = tpu.memref_squeeze %gather3A_452 : memref<1x128x64xf32, #tpu.memory_space<vmem>> -> memref<128x64xf32, #tpu.memory_space<vmem>>
          %gather3A_454 = tpu.vector_load_idx %gather3A_453[%add3A_149, %add3A_448] : memref<128x64xf32, #tpu.memory_space<vmem>>[vector<16xi32>, vector<16xi32>], vector<16xf32>,
          %add3A_455 = arith.constant 32 : i32
          %add3A_456 = vector.broadcast %add3A_455 : i32 to vector<16xi32>
          %add3A_457 = arith.addi %xor3A_436, %add3A_456 : vector<16xi32>
          %gather3A_458 = arith.constant 1 : i32
          %gather3A_459 = arith.constant 0 : i32
          %gather3A_460 = arith.constant 0 : i32
          %gather3A_461 = tpu.memref_slice %arg11[%gather3A_458, %gather3A_459, %gather3A_460] : memref<2x128x64xf32, #tpu.memory_space<vmem>> -> memref<1x128x64xf32, #tpu.memory_space<vmem>>
          %gather3A_462 = tpu.memref_squeeze %gather3A_461 : memref<1x128x64xf32, #tpu.memory_space<vmem>> -> memref<128x64xf32, #tpu.memory_space<vmem>>
          %gather3A_463 = tpu.vector_load_idx %gather3A_462[%add3A_149, %add3A_457] : memref<128x64xf32, #tpu.memory_space<vmem>>[vector<16xi32>, vector<16xi32>], vector<16xf32>,
          %add3A_464 = arith.constant 48 : i32
          %add3A_465 = vector.broadcast %add3A_464 : i32 to vector<16xi32>
          %add3A_466 = arith.addi %xor3A_436, %add3A_465 : vector<16xi32>
          %gather3A_467 = arith.constant 1 : i32
          %gather3A_468 = arith.constant 0 : i32
          %gather3A_469 = arith.constant 0 : i32
          %gather3A_470 = tpu.memref_slice %arg11[%gather3A_467, %gather3A_468, %gather3A_469] : memref<2x128x64xf32, #tpu.memory_space<vmem>> -> memref<1x128x64xf32, #tpu.memory_space<vmem>>
          %gather3A_471 = tpu.memref_squeeze %gather3A_470 : memref<1x128x64xf32, #tpu.memory_space<vmem>> -> memref<128x64xf32, #tpu.memory_space<vmem>>
          %gather3A_472 = tpu.vector_load_idx %gather3A_471[%add3A_149, %add3A_466] : memref<128x64xf32, #tpu.memory_space<vmem>>[vector<16xi32>, vector<16xi32>], vector<16xf32>,
          %scatter3A_473 = arith.constant 1 : i32
          %scatter3A_474 = arith.constant 0 : i32
          %scatter3A_475 = arith.constant 0 : i32
          %scatter3A_476 = tpu.memref_slice %arg12[%scatter3A_473, %scatter3A_474, %scatter3A_475] : memref<2x64x128xf32, #tpu.memory_space<vmem>> -> memref<1x64x128xf32, #tpu.memory_space<vmem>>
          %scatter3A_477 = tpu.memref_squeeze %scatter3A_476 : memref<1x64x128xf32, #tpu.memory_space<vmem>> -> memref<64x128xf32, #tpu.memory_space<vmem>>
          tpu.vector_store_idx %scatter3A_477[%add3A_439, %add3A_149], %gather3A_445 : memref<64x128xf32, #tpu.memory_space<vmem>>[vector<16xi32>, vector<16xi32>], vector<16xf32>,
          %scatter3A_478 = arith.constant 1 : i32
          %scatter3A_479 = arith.constant 0 : i32
          %scatter3A_480 = arith.constant 0 : i32
          %scatter3A_481 = tpu.memref_slice %arg12[%scatter3A_478, %scatter3A_479, %scatter3A_480] : memref<2x64x128xf32, #tpu.memory_space<vmem>> -> memref<1x64x128xf32, #tpu.memory_space<vmem>>
          %scatter3A_482 = tpu.memref_squeeze %scatter3A_481 : memref<1x64x128xf32, #tpu.memory_space<vmem>> -> memref<64x128xf32, #tpu.memory_space<vmem>>
          tpu.vector_store_idx %scatter3A_482[%add3A_448, %add3A_149], %gather3A_454 : memref<64x128xf32, #tpu.memory_space<vmem>>[vector<16xi32>, vector<16xi32>], vector<16xf32>,
          %scatter3A_483 = arith.constant 1 : i32
          %scatter3A_484 = arith.constant 0 : i32
          %scatter3A_485 = arith.constant 0 : i32
          %scatter3A_486 = tpu.memref_slice %arg12[%scatter3A_483, %scatter3A_484, %scatter3A_485] : memref<2x64x128xf32, #tpu.memory_space<vmem>> -> memref<1x64x128xf32, #tpu.memory_space<vmem>>
          %scatter3A_487 = tpu.memref_squeeze %scatter3A_486 : memref<1x64x128xf32, #tpu.memory_space<vmem>> -> memref<64x128xf32, #tpu.memory_space<vmem>>
          tpu.vector_store_idx %scatter3A_487[%add3A_457, %add3A_149], %gather3A_463 : memref<64x128xf32, #tpu.memory_space<vmem>>[vector<16xi32>, vector<16xi32>], vector<16xf32>,
          %scatter3A_488 = arith.constant 1 : i32
          %scatter3A_489 = arith.constant 0 : i32
          %scatter3A_490 = arith.constant 0 : i32
          %scatter3A_491 = tpu.memref_slice %arg12[%scatter3A_488, %scatter3A_489, %scatter3A_490] : memref<2x64x128xf32, #tpu.memory_space<vmem>> -> memref<1x64x128xf32, #tpu.memory_space<vmem>>
          %scatter3A_492 = tpu.memref_squeeze %scatter3A_491 : memref<1x64x128xf32, #tpu.memory_space<vmem>> -> memref<64x128xf32, #tpu.memory_space<vmem>>
          tpu.vector_store_idx %scatter3A_492[%add3A_466, %add3A_149], %gather3A_472 : memref<64x128xf32, #tpu.memory_space<vmem>>[vector<16xi32>, vector<16xi32>], vector<16xf32>,
        }
        %scan3A_155 = arith.constant 16 : i32
        %add3A_156 = arith.constant 32 : i32
        %add3A_157 = vector.broadcast %add3A_156 : i32 to vector<16xi32>
        %add3A_158 = arith.addi %iota3A, %add3A_157 : vector<16xi32>
        %scan3A_159 = arith.constant 0 : i32
        %scan3A_160 = arith.constant 0 : i32
        %scan3A_161 = arith.constant 16 : i32
        %scan3A_162 = arith.addi %scan3A_160, %scan3A_161 : i32
        %scan3A_163 = arith.constant 2 : i32
        scf.for %scan3A_378 = %scan3A_160 to %scan3A_162 step %scan3A_163  : i32 {
          %broadcast_in_dim3A = vector.broadcast %scan3A_378 : i32 to vector<16xi32>
          %xor3A = arith.xori %broadcast_in_dim3A, %iota3A : vector<16xi32>
          %add3A_379 = arith.constant 0 : i32
          %add3A_380 = vector.broadcast %add3A_379 : i32 to vector<16xi32>
          %add3A_381 = arith.addi %xor3A, %add3A_380 : vector<16xi32>
          %gather3A = arith.constant 1 : i32
          %gather3A_382 = arith.constant 0 : i32
          %gather3A_383 = arith.constant 0 : i32
          %gather3A_384 = tpu.memref_slice %arg11[%gather3A, %gather3A_382, %gather3A_383] : memref<2x128x64xf32, #tpu.memory_space<vmem>> -> memref<1x128x64xf32, #tpu.memory_space<vmem>>
          %gather3A_385 = tpu.memref_squeeze %gather3A_384 : memref<1x128x64xf32, #tpu.memory_space<vmem>> -> memref<128x64xf32, #tpu.memory_space<vmem>>
          %gather3A_386 = tpu.vector_load_idx %gather3A_385[%add3A_158, %add3A_381] : memref<128x64xf32, #tpu.memory_space<vmem>>[vector<16xi32>, vector<16xi32>], vector<16xf32>,
          %add3A_387 = arith.constant 16 : i32
          %add3A_388 = vector.broadcast %add3A_387 : i32 to vector<16xi32>
          %add3A_389 = arith.addi %xor3A, %add3A_388 : vector<16xi32>
          %gather3A_390 = arith.constant 1 : i32
          %gather3A_391 = arith.constant 0 : i32
          %gather3A_392 = arith.constant 0 : i32
          %gather3A_393 = tpu.memref_slice %arg11[%gather3A_390, %gather3A_391, %gather3A_392] : memref<2x128x64xf32, #tpu.memory_space<vmem>> -> memref<1x128x64xf32, #tpu.memory_space<vmem>>
          %gather3A_394 = tpu.memref_squeeze %gather3A_393 : memref<1x128x64xf32, #tpu.memory_space<vmem>> -> memref<128x64xf32, #tpu.memory_space<vmem>>
          %gather3A_395 = tpu.vector_load_idx %gather3A_394[%add3A_158, %add3A_389] : memref<128x64xf32, #tpu.memory_space<vmem>>[vector<16xi32>, vector<16xi32>], vector<16xf32>,
          %add3A_396 = arith.constant 32 : i32
          %add3A_397 = vector.broadcast %add3A_396 : i32 to vector<16xi32>
          %add3A_398 = arith.addi %xor3A, %add3A_397 : vector<16xi32>
          %gather3A_399 = arith.constant 1 : i32
          %gather3A_400 = arith.constant 0 : i32
          %gather3A_401 = arith.constant 0 : i32
          %gather3A_402 = tpu.memref_slice %arg11[%gather3A_399, %gather3A_400, %gather3A_401] : memref<2x128x64xf32, #tpu.memory_space<vmem>> -> memref<1x128x64xf32, #tpu.memory_space<vmem>>
          %gather3A_403 = tpu.memref_squeeze %gather3A_402 : memref<1x128x64xf32, #tpu.memory_space<vmem>> -> memref<128x64xf32, #tpu.memory_space<vmem>>
          %gather3A_404 = tpu.vector_load_idx %gather3A_403[%add3A_158, %add3A_398] : memref<128x64xf32, #tpu.memory_space<vmem>>[vector<16xi32>, vector<16xi32>], vector<16xf32>,
          %add3A_405 = arith.constant 48 : i32
          %add3A_406 = vector.broadcast %add3A_405 : i32 to vector<16xi32>
          %add3A_407 = arith.addi %xor3A, %add3A_406 : vector<16xi32>
          %gather3A_408 = arith.constant 1 : i32
          %gather3A_409 = arith.constant 0 : i32
          %gather3A_410 = arith.constant 0 : i32
          %gather3A_411 = tpu.memref_slice %arg11[%gather3A_408, %gather3A_409, %gather3A_410] : memref<2x128x64xf32, #tpu.memory_space<vmem>> -> memref<1x128x64xf32, #tpu.memory_space<vmem>>
          %gather3A_412 = tpu.memref_squeeze %gather3A_411 : memref<1x128x64xf32, #tpu.memory_space<vmem>> -> memref<128x64xf32, #tpu.memory_space<vmem>>
          %gather3A_413 = tpu.vector_load_idx %gather3A_412[%add3A_158, %add3A_407] : memref<128x64xf32, #tpu.memory_space<vmem>>[vector<16xi32>, vector<16xi32>], vector<16xf32>,
          %scatter3A = arith.constant 1 : i32
          %scatter3A_414 = arith.constant 0 : i32
          %scatter3A_415 = arith.constant 0 : i32
          %scatter3A_416 = tpu.memref_slice %arg12[%scatter3A, %scatter3A_414, %scatter3A_415] : memref<2x64x128xf32, #tpu.memory_space<vmem>> -> memref<1x64x128xf32, #tpu.memory_space<vmem>>
          %scatter3A_417 = tpu.memref_squeeze %scatter3A_416 : memref<1x64x128xf32, #tpu.memory_space<vmem>> -> memref<64x128xf32, #tpu.memory_space<vmem>>
          tpu.vector_store_idx %scatter3A_417[%add3A_381, %add3A_158], %gather3A_386 : memref<64x128xf32, #tpu.memory_space<vmem>>[vector<16xi32>, vector<16xi32>], vector<16xf32>,
          %scatter3A_418 = arith.constant 1 : i32
          %scatter3A_419 = arith.constant 0 : i32
          %scatter3A_420 = arith.constant 0 : i32
          %scatter3A_421 = tpu.memref_slice %arg12[%scatter3A_418, %scatter3A_419, %scatter3A_420] : memref<2x64x128xf32, #tpu.memory_space<vmem>> -> memref<1x64x128xf32, #tpu.memory_space<vmem>>
          %scatter3A_422 = tpu.memref_squeeze %scatter3A_421 : memref<1x64x128xf32, #tpu.memory_space<vmem>> -> memref<64x128xf32, #tpu.memory_space<vmem>>
          tpu.vector_store_idx %scatter3A_422[%add3A_389, %add3A_158], %gather3A_395 : memref<64x128xf32, #tpu.memory_space<vmem>>[vector<16xi32>, vector<16xi32>], vector<16xf32>,
          %scatter3A_423 = arith.constant 1 : i32
          %scatter3A_424 = arith.constant 0 : i32
          %scatter3A_425 = arith.constant 0 : i32
          %scatter3A_426 = tpu.memref_slice %arg12[%scatter3A_423, %scatter3A_424, %scatter3A_425] : memref<2x64x128xf32, #tpu.memory_space<vmem>> -> memref<1x64x128xf32, #tpu.memory_space<vmem>>
          %scatter3A_427 = tpu.memref_squeeze %scatter3A_426 : memref<1x64x128xf32, #tpu.memory_space<vmem>> -> memref<64x128xf32, #tpu.memory_space<vmem>>
          tpu.vector_store_idx %scatter3A_427[%add3A_398, %add3A_158], %gather3A_404 : memref<64x128xf32, #tpu.memory_space<vmem>>[vector<16xi32>, vector<16xi32>], vector<16xf32>,
          %scatter3A_428 = arith.constant 1 : i32
          %scatter3A_429 = arith.constant 0 : i32
          %scatter3A_430 = arith.constant 0 : i32
          %scatter3A_431 = tpu.memref_slice %arg12[%scatter3A_428, %scatter3A_429, %scatter3A_430] : memref<2x64x128xf32, #tpu.memory_space<vmem>> -> memref<1x64x128xf32, #tpu.memory_space<vmem>>
          %scatter3A_432 = tpu.memref_squeeze %scatter3A_431 : memref<1x64x128xf32, #tpu.memory_space<vmem>> -> memref<64x128xf32, #tpu.memory_space<vmem>>
          tpu.vector_store_idx %scatter3A_432[%add3A_407, %add3A_158], %gather3A_413 : memref<64x128xf32, #tpu.memory_space<vmem>>[vector<16xi32>, vector<16xi32>], vector<16xf32>,
          %scan3A_433 = arith.constant 1 : i32
          %scan3A_434 = arith.addi %scan3A_378, %scan3A_433 : i32
          %broadcast_in_dim3A_435 = vector.broadcast %scan3A_434 : i32 to vector<16xi32>
          %xor3A_436 = arith.xori %broadcast_in_dim3A_435, %iota3A : vector<16xi32>
          %add3A_437 = arith.constant 0 : i32
          %add3A_438 = vector.broadcast %add3A_437 : i32 to vector<16xi32>
          %add3A_439 = arith.addi %xor3A_436, %add3A_438 : vector<16xi32>
          %gather3A_440 = arith.constant 1 : i32
          %gather3A_441 = arith.constant 0 : i32
          %gather3A_442 = arith.constant 0 : i32
          %gather3A_443 = tpu.memref_slice %arg11[%gather3A_440, %gather3A_441, %gather3A_442] : memref<2x128x64xf32, #tpu.memory_space<vmem>> -> memref<1x128x64xf32, #tpu.memory_space<vmem>>
          %gather3A_444 = tpu.memref_squeeze %gather3A_443 : memref<1x128x64xf32, #tpu.memory_space<vmem>> -> memref<128x64xf32, #tpu.memory_space<vmem>>
          %gather3A_445 = tpu.vector_load_idx %gather3A_444[%add3A_158, %add3A_439] : memref<128x64xf32, #tpu.memory_space<vmem>>[vector<16xi32>, vector<16xi32>], vector<16xf32>,
          %add3A_446 = arith.constant 16 : i32
          %add3A_447 = vector.broadcast %add3A_446 : i32 to vector<16xi32>
          %add3A_448 = arith.addi %xor3A_436, %add3A_447 : vector<16xi32>
          %gather3A_449 = arith.constant 1 : i32
          %gather3A_450 = arith.constant 0 : i32
          %gather3A_451 = arith.constant 0 : i32
          %gather3A_452 = tpu.memref_slice %arg11[%gather3A_449, %gather3A_450, %gather3A_451] : memref<2x128x64xf32, #tpu.memory_space<vmem>> -> memref<1x128x64xf32, #tpu.memory_space<vmem>>
          %gather3A_453 = tpu.memref_squeeze %gather3A_452 : memref<1x128x64xf32, #tpu.memory_space<vmem>> -> memref<128x64xf32, #tpu.memory_space<vmem>>
          %gather3A_454 = tpu.vector_load_idx %gather3A_453[%add3A_158, %add3A_448] : memref<128x64xf32, #tpu.memory_space<vmem>>[vector<16xi32>, vector<16xi32>], vector<16xf32>,
          %add3A_455 = arith.constant 32 : i32
          %add3A_456 = vector.broadcast %add3A_455 : i32 to vector<16xi32>
          %add3A_457 = arith.addi %xor3A_436, %add3A_456 : vector<16xi32>
          %gather3A_458 = arith.constant 1 : i32
          %gather3A_459 = arith.constant 0 : i32
          %gather3A_460 = arith.constant 0 : i32
          %gather3A_461 = tpu.memref_slice %arg11[%gather3A_458, %gather3A_459, %gather3A_460] : memref<2x128x64xf32, #tpu.memory_space<vmem>> -> memref<1x128x64xf32, #tpu.memory_space<vmem>>
          %gather3A_462 = tpu.memref_squeeze %gather3A_461 : memref<1x128x64xf32, #tpu.memory_space<vmem>> -> memref<128x64xf32, #tpu.memory_space<vmem>>
          %gather3A_463 = tpu.vector_load_idx %gather3A_462[%add3A_158, %add3A_457] : memref<128x64xf32, #tpu.memory_space<vmem>>[vector<16xi32>, vector<16xi32>], vector<16xf32>,
          %add3A_464 = arith.constant 48 : i32
          %add3A_465 = vector.broadcast %add3A_464 : i32 to vector<16xi32>
          %add3A_466 = arith.addi %xor3A_436, %add3A_465 : vector<16xi32>
          %gather3A_467 = arith.constant 1 : i32
          %gather3A_468 = arith.constant 0 : i32
          %gather3A_469 = arith.constant 0 : i32
          %gather3A_470 = tpu.memref_slice %arg11[%gather3A_467, %gather3A_468, %gather3A_469] : memref<2x128x64xf32, #tpu.memory_space<vmem>> -> memref<1x128x64xf32, #tpu.memory_space<vmem>>
          %gather3A_471 = tpu.memref_squeeze %gather3A_470 : memref<1x128x64xf32, #tpu.memory_space<vmem>> -> memref<128x64xf32, #tpu.memory_space<vmem>>
          %gather3A_472 = tpu.vector_load_idx %gather3A_471[%add3A_158, %add3A_466] : memref<128x64xf32, #tpu.memory_space<vmem>>[vector<16xi32>, vector<16xi32>], vector<16xf32>,
          %scatter3A_473 = arith.constant 1 : i32
          %scatter3A_474 = arith.constant 0 : i32
          %scatter3A_475 = arith.constant 0 : i32
          %scatter3A_476 = tpu.memref_slice %arg12[%scatter3A_473, %scatter3A_474, %scatter3A_475] : memref<2x64x128xf32, #tpu.memory_space<vmem>> -> memref<1x64x128xf32, #tpu.memory_space<vmem>>
          %scatter3A_477 = tpu.memref_squeeze %scatter3A_476 : memref<1x64x128xf32, #tpu.memory_space<vmem>> -> memref<64x128xf32, #tpu.memory_space<vmem>>
          tpu.vector_store_idx %scatter3A_477[%add3A_439, %add3A_158], %gather3A_445 : memref<64x128xf32, #tpu.memory_space<vmem>>[vector<16xi32>, vector<16xi32>], vector<16xf32>,
          %scatter3A_478 = arith.constant 1 : i32
          %scatter3A_479 = arith.constant 0 : i32
          %scatter3A_480 = arith.constant 0 : i32
          %scatter3A_481 = tpu.memref_slice %arg12[%scatter3A_478, %scatter3A_479, %scatter3A_480] : memref<2x64x128xf32, #tpu.memory_space<vmem>> -> memref<1x64x128xf32, #tpu.memory_space<vmem>>
          %scatter3A_482 = tpu.memref_squeeze %scatter3A_481 : memref<1x64x128xf32, #tpu.memory_space<vmem>> -> memref<64x128xf32, #tpu.memory_space<vmem>>
          tpu.vector_store_idx %scatter3A_482[%add3A_448, %add3A_158], %gather3A_454 : memref<64x128xf32, #tpu.memory_space<vmem>>[vector<16xi32>, vector<16xi32>], vector<16xf32>,
          %scatter3A_483 = arith.constant 1 : i32
          %scatter3A_484 = arith.constant 0 : i32
          %scatter3A_485 = arith.constant 0 : i32
          %scatter3A_486 = tpu.memref_slice %arg12[%scatter3A_483, %scatter3A_484, %scatter3A_485] : memref<2x64x128xf32, #tpu.memory_space<vmem>> -> memref<1x64x128xf32, #tpu.memory_space<vmem>>
          %scatter3A_487 = tpu.memref_squeeze %scatter3A_486 : memref<1x64x128xf32, #tpu.memory_space<vmem>> -> memref<64x128xf32, #tpu.memory_space<vmem>>
          tpu.vector_store_idx %scatter3A_487[%add3A_457, %add3A_158], %gather3A_463 : memref<64x128xf32, #tpu.memory_space<vmem>>[vector<16xi32>, vector<16xi32>], vector<16xf32>,
          %scatter3A_488 = arith.constant 1 : i32
          %scatter3A_489 = arith.constant 0 : i32
          %scatter3A_490 = arith.constant 0 : i32
          %scatter3A_491 = tpu.memref_slice %arg12[%scatter3A_488, %scatter3A_489, %scatter3A_490] : memref<2x64x128xf32, #tpu.memory_space<vmem>> -> memref<1x64x128xf32, #tpu.memory_space<vmem>>
          %scatter3A_492 = tpu.memref_squeeze %scatter3A_491 : memref<1x64x128xf32, #tpu.memory_space<vmem>> -> memref<64x128xf32, #tpu.memory_space<vmem>>
          tpu.vector_store_idx %scatter3A_492[%add3A_466, %add3A_158], %gather3A_472 : memref<64x128xf32, #tpu.memory_space<vmem>>[vector<16xi32>, vector<16xi32>], vector<16xf32>,
        }
        %scan3A_164 = arith.constant 16 : i32
        %add3A_165 = arith.constant 48 : i32
        %add3A_166 = vector.broadcast %add3A_165 : i32 to vector<16xi32>
        %add3A_167 = arith.addi %iota3A, %add3A_166 : vector<16xi32>
        %scan3A_168 = arith.constant 0 : i32
        %scan3A_169 = arith.constant 0 : i32
        %scan3A_170 = arith.constant 16 : i32
        %scan3A_171 = arith.addi %scan3A_169, %scan3A_170 : i32
        %scan3A_172 = arith.constant 2 : i32
        scf.for %scan3A_378 = %scan3A_169 to %scan3A_171 step %scan3A_172  : i32 {
          %broadcast_in_dim3A = vector.broadcast %scan3A_378 : i32 to vector<16xi32>
          %xor3A = arith.xori %broadcast_in_dim3A, %iota3A : vector<16xi32>
          %add3A_379 = arith.constant 0 : i32
          %add3A_380 = vector.broadcast %add3A_379 : i32 to vector<16xi32>
          %add3A_381 = arith.addi %xor3A, %add3A_380 : vector<16xi32>
          %gather3A = arith.constant 1 : i32
          %gather3A_382 = arith.constant 0 : i32
          %gather3A_383 = arith.constant 0 : i32
          %gather3A_384 = tpu.memref_slice %arg11[%gather3A, %gather3A_382, %gather3A_383] : memref<2x128x64xf32, #tpu.memory_space<vmem>> -> memref<1x128x64xf32, #tpu.memory_space<vmem>>
          %gather3A_385 = tpu.memref_squeeze %gather3A_384 : memref<1x128x64xf32, #tpu.memory_space<vmem>> -> memref<128x64xf32, #tpu.memory_space<vmem>>
          %gather3A_386 = tpu.vector_load_idx %gather3A_385[%add3A_167, %add3A_381] : memref<128x64xf32, #tpu.memory_space<vmem>>[vector<16xi32>, vector<16xi32>], vector<16xf32>,
          %add3A_387 = arith.constant 16 : i32
          %add3A_388 = vector.broadcast %add3A_387 : i32 to vector<16xi32>
          %add3A_389 = arith.addi %xor3A, %add3A_388 : vector<16xi32>
          %gather3A_390 = arith.constant 1 : i32
          %gather3A_391 = arith.constant 0 : i32
          %gather3A_392 = arith.constant 0 : i32
          %gather3A_393 = tpu.memref_slice %arg11[%gather3A_390, %gather3A_391, %gather3A_392] : memref<2x128x64xf32, #tpu.memory_space<vmem>> -> memref<1x128x64xf32, #tpu.memory_space<vmem>>
          %gather3A_394 = tpu.memref_squeeze %gather3A_393 : memref<1x128x64xf32, #tpu.memory_space<vmem>> -> memref<128x64xf32, #tpu.memory_space<vmem>>
          %gather3A_395 = tpu.vector_load_idx %gather3A_394[%add3A_167, %add3A_389] : memref<128x64xf32, #tpu.memory_space<vmem>>[vector<16xi32>, vector<16xi32>], vector<16xf32>,
          %add3A_396 = arith.constant 32 : i32
          %add3A_397 = vector.broadcast %add3A_396 : i32 to vector<16xi32>
          %add3A_398 = arith.addi %xor3A, %add3A_397 : vector<16xi32>
          %gather3A_399 = arith.constant 1 : i32
          %gather3A_400 = arith.constant 0 : i32
          %gather3A_401 = arith.constant 0 : i32
          %gather3A_402 = tpu.memref_slice %arg11[%gather3A_399, %gather3A_400, %gather3A_401] : memref<2x128x64xf32, #tpu.memory_space<vmem>> -> memref<1x128x64xf32, #tpu.memory_space<vmem>>
          %gather3A_403 = tpu.memref_squeeze %gather3A_402 : memref<1x128x64xf32, #tpu.memory_space<vmem>> -> memref<128x64xf32, #tpu.memory_space<vmem>>
          %gather3A_404 = tpu.vector_load_idx %gather3A_403[%add3A_167, %add3A_398] : memref<128x64xf32, #tpu.memory_space<vmem>>[vector<16xi32>, vector<16xi32>], vector<16xf32>,
          %add3A_405 = arith.constant 48 : i32
          %add3A_406 = vector.broadcast %add3A_405 : i32 to vector<16xi32>
          %add3A_407 = arith.addi %xor3A, %add3A_406 : vector<16xi32>
          %gather3A_408 = arith.constant 1 : i32
          %gather3A_409 = arith.constant 0 : i32
          %gather3A_410 = arith.constant 0 : i32
          %gather3A_411 = tpu.memref_slice %arg11[%gather3A_408, %gather3A_409, %gather3A_410] : memref<2x128x64xf32, #tpu.memory_space<vmem>> -> memref<1x128x64xf32, #tpu.memory_space<vmem>>
          %gather3A_412 = tpu.memref_squeeze %gather3A_411 : memref<1x128x64xf32, #tpu.memory_space<vmem>> -> memref<128x64xf32, #tpu.memory_space<vmem>>
          %gather3A_413 = tpu.vector_load_idx %gather3A_412[%add3A_167, %add3A_407] : memref<128x64xf32, #tpu.memory_space<vmem>>[vector<16xi32>, vector<16xi32>], vector<16xf32>,
          %scatter3A = arith.constant 1 : i32
          %scatter3A_414 = arith.constant 0 : i32
          %scatter3A_415 = arith.constant 0 : i32
          %scatter3A_416 = tpu.memref_slice %arg12[%scatter3A, %scatter3A_414, %scatter3A_415] : memref<2x64x128xf32, #tpu.memory_space<vmem>> -> memref<1x64x128xf32, #tpu.memory_space<vmem>>
          %scatter3A_417 = tpu.memref_squeeze %scatter3A_416 : memref<1x64x128xf32, #tpu.memory_space<vmem>> -> memref<64x128xf32, #tpu.memory_space<vmem>>
          tpu.vector_store_idx %scatter3A_417[%add3A_381, %add3A_167], %gather3A_386 : memref<64x128xf32, #tpu.memory_space<vmem>>[vector<16xi32>, vector<16xi32>], vector<16xf32>,
          %scatter3A_418 = arith.constant 1 : i32
          %scatter3A_419 = arith.constant 0 : i32
          %scatter3A_420 = arith.constant 0 : i32
          %scatter3A_421 = tpu.memref_slice %arg12[%scatter3A_418, %scatter3A_419, %scatter3A_420] : memref<2x64x128xf32, #tpu.memory_space<vmem>> -> memref<1x64x128xf32, #tpu.memory_space<vmem>>
          %scatter3A_422 = tpu.memref_squeeze %scatter3A_421 : memref<1x64x128xf32, #tpu.memory_space<vmem>> -> memref<64x128xf32, #tpu.memory_space<vmem>>
          tpu.vector_store_idx %scatter3A_422[%add3A_389, %add3A_167], %gather3A_395 : memref<64x128xf32, #tpu.memory_space<vmem>>[vector<16xi32>, vector<16xi32>], vector<16xf32>,
          %scatter3A_423 = arith.constant 1 : i32
          %scatter3A_424 = arith.constant 0 : i32
          %scatter3A_425 = arith.constant 0 : i32
          %scatter3A_426 = tpu.memref_slice %arg12[%scatter3A_423, %scatter3A_424, %scatter3A_425] : memref<2x64x128xf32, #tpu.memory_space<vmem>> -> memref<1x64x128xf32, #tpu.memory_space<vmem>>
          %scatter3A_427 = tpu.memref_squeeze %scatter3A_426 : memref<1x64x128xf32, #tpu.memory_space<vmem>> -> memref<64x128xf32, #tpu.memory_space<vmem>>
          tpu.vector_store_idx %scatter3A_427[%add3A_398, %add3A_167], %gather3A_404 : memref<64x128xf32, #tpu.memory_space<vmem>>[vector<16xi32>, vector<16xi32>], vector<16xf32>,
          %scatter3A_428 = arith.constant 1 : i32
          %scatter3A_429 = arith.constant 0 : i32
          %scatter3A_430 = arith.constant 0 : i32
          %scatter3A_431 = tpu.memref_slice %arg12[%scatter3A_428, %scatter3A_429, %scatter3A_430] : memref<2x64x128xf32, #tpu.memory_space<vmem>> -> memref<1x64x128xf32, #tpu.memory_space<vmem>>
          %scatter3A_432 = tpu.memref_squeeze %scatter3A_431 : memref<1x64x128xf32, #tpu.memory_space<vmem>> -> memref<64x128xf32, #tpu.memory_space<vmem>>
          tpu.vector_store_idx %scatter3A_432[%add3A_407, %add3A_167], %gather3A_413 : memref<64x128xf32, #tpu.memory_space<vmem>>[vector<16xi32>, vector<16xi32>], vector<16xf32>,
          %scan3A_433 = arith.constant 1 : i32
          %scan3A_434 = arith.addi %scan3A_378, %scan3A_433 : i32
          %broadcast_in_dim3A_435 = vector.broadcast %scan3A_434 : i32 to vector<16xi32>
          %xor3A_436 = arith.xori %broadcast_in_dim3A_435, %iota3A : vector<16xi32>
          %add3A_437 = arith.constant 0 : i32
          %add3A_438 = vector.broadcast %add3A_437 : i32 to vector<16xi32>
          %add3A_439 = arith.addi %xor3A_436, %add3A_438 : vector<16xi32>
          %gather3A_440 = arith.constant 1 : i32
          %gather3A_441 = arith.constant 0 : i32
          %gather3A_442 = arith.constant 0 : i32
          %gather3A_443 = tpu.memref_slice %arg11[%gather3A_440, %gather3A_441, %gather3A_442] : memref<2x128x64xf32, #tpu.memory_space<vmem>> -> memref<1x128x64xf32, #tpu.memory_space<vmem>>
          %gather3A_444 = tpu.memref_squeeze %gather3A_443 : memref<1x128x64xf32, #tpu.memory_space<vmem>> -> memref<128x64xf32, #tpu.memory_space<vmem>>
          %gather3A_445 = tpu.vector_load_idx %gather3A_444[%add3A_167, %add3A_439] : memref<128x64xf32, #tpu.memory_space<vmem>>[vector<16xi32>, vector<16xi32>], vector<16xf32>,
          %add3A_446 = arith.constant 16 : i32
          %add3A_447 = vector.broadcast %add3A_446 : i32 to vector<16xi32>
          %add3A_448 = arith.addi %xor3A_436, %add3A_447 : vector<16xi32>
          %gather3A_449 = arith.constant 1 : i32
          %gather3A_450 = arith.constant 0 : i32
          %gather3A_451 = arith.constant 0 : i32
          %gather3A_452 = tpu.memref_slice %arg11[%gather3A_449, %gather3A_450, %gather3A_451] : memref<2x128x64xf32, #tpu.memory_space<vmem>> -> memref<1x128x64xf32, #tpu.memory_space<vmem>>
          %gather3A_453 = tpu.memref_squeeze %gather3A_452 : memref<1x128x64xf32, #tpu.memory_space<vmem>> -> memref<128x64xf32, #tpu.memory_space<vmem>>
          %gather3A_454 = tpu.vector_load_idx %gather3A_453[%add3A_167, %add3A_448] : memref<128x64xf32, #tpu.memory_space<vmem>>[vector<16xi32>, vector<16xi32>], vector<16xf32>,
          %add3A_455 = arith.constant 32 : i32
          %add3A_456 = vector.broadcast %add3A_455 : i32 to vector<16xi32>
          %add3A_457 = arith.addi %xor3A_436, %add3A_456 : vector<16xi32>
          %gather3A_458 = arith.constant 1 : i32
          %gather3A_459 = arith.constant 0 : i32
          %gather3A_460 = arith.constant 0 : i32
          %gather3A_461 = tpu.memref_slice %arg11[%gather3A_458, %gather3A_459, %gather3A_460] : memref<2x128x64xf32, #tpu.memory_space<vmem>> -> memref<1x128x64xf32, #tpu.memory_space<vmem>>
          %gather3A_462 = tpu.memref_squeeze %gather3A_461 : memref<1x128x64xf32, #tpu.memory_space<vmem>> -> memref<128x64xf32, #tpu.memory_space<vmem>>
          %gather3A_463 = tpu.vector_load_idx %gather3A_462[%add3A_167, %add3A_457] : memref<128x64xf32, #tpu.memory_space<vmem>>[vector<16xi32>, vector<16xi32>], vector<16xf32>,
          %add3A_464 = arith.constant 48 : i32
          %add3A_465 = vector.broadcast %add3A_464 : i32 to vector<16xi32>
          %add3A_466 = arith.addi %xor3A_436, %add3A_465 : vector<16xi32>
          %gather3A_467 = arith.constant 1 : i32
          %gather3A_468 = arith.constant 0 : i32
          %gather3A_469 = arith.constant 0 : i32
          %gather3A_470 = tpu.memref_slice %arg11[%gather3A_467, %gather3A_468, %gather3A_469] : memref<2x128x64xf32, #tpu.memory_space<vmem>> -> memref<1x128x64xf32, #tpu.memory_space<vmem>>
          %gather3A_471 = tpu.memref_squeeze %gather3A_470 : memref<1x128x64xf32, #tpu.memory_space<vmem>> -> memref<128x64xf32, #tpu.memory_space<vmem>>
          %gather3A_472 = tpu.vector_load_idx %gather3A_471[%add3A_167, %add3A_466] : memref<128x64xf32, #tpu.memory_space<vmem>>[vector<16xi32>, vector<16xi32>], vector<16xf32>,
          %scatter3A_473 = arith.constant 1 : i32
          %scatter3A_474 = arith.constant 0 : i32
          %scatter3A_475 = arith.constant 0 : i32
          %scatter3A_476 = tpu.memref_slice %arg12[%scatter3A_473, %scatter3A_474, %scatter3A_475] : memref<2x64x128xf32, #tpu.memory_space<vmem>> -> memref<1x64x128xf32, #tpu.memory_space<vmem>>
          %scatter3A_477 = tpu.memref_squeeze %scatter3A_476 : memref<1x64x128xf32, #tpu.memory_space<vmem>> -> memref<64x128xf32, #tpu.memory_space<vmem>>
          tpu.vector_store_idx %scatter3A_477[%add3A_439, %add3A_167], %gather3A_445 : memref<64x128xf32, #tpu.memory_space<vmem>>[vector<16xi32>, vector<16xi32>], vector<16xf32>,
          %scatter3A_478 = arith.constant 1 : i32
          %scatter3A_479 = arith.constant 0 : i32
          %scatter3A_480 = arith.constant 0 : i32
          %scatter3A_481 = tpu.memref_slice %arg12[%scatter3A_478, %scatter3A_479, %scatter3A_480] : memref<2x64x128xf32, #tpu.memory_space<vmem>> -> memref<1x64x128xf32, #tpu.memory_space<vmem>>
          %scatter3A_482 = tpu.memref_squeeze %scatter3A_481 : memref<1x64x128xf32, #tpu.memory_space<vmem>> -> memref<64x128xf32, #tpu.memory_space<vmem>>
          tpu.vector_store_idx %scatter3A_482[%add3A_448, %add3A_167], %gather3A_454 : memref<64x128xf32, #tpu.memory_space<vmem>>[vector<16xi32>, vector<16xi32>], vector<16xf32>,
          %scatter3A_483 = arith.constant 1 : i32
          %scatter3A_484 = arith.constant 0 : i32
          %scatter3A_485 = arith.constant 0 : i32
          %scatter3A_486 = tpu.memref_slice %arg12[%scatter3A_483, %scatter3A_484, %scatter3A_485] : memref<2x64x128xf32, #tpu.memory_space<vmem>> -> memref<1x64x128xf32, #tpu.memory_space<vmem>>
          %scatter3A_487 = tpu.memref_squeeze %scatter3A_486 : memref<1x64x128xf32, #tpu.memory_space<vmem>> -> memref<64x128xf32, #tpu.memory_space<vmem>>
          tpu.vector_store_idx %scatter3A_487[%add3A_457, %add3A_167], %gather3A_463 : memref<64x128xf32, #tpu.memory_space<vmem>>[vector<16xi32>, vector<16xi32>], vector<16xf32>,
          %scatter3A_488 = arith.constant 1 : i32
          %scatter3A_489 = arith.constant 0 : i32
          %scatter3A_490 = arith.constant 0 : i32
          %scatter3A_491 = tpu.memref_slice %arg12[%scatter3A_488, %scatter3A_489, %scatter3A_490] : memref<2x64x128xf32, #tpu.memory_space<vmem>> -> memref<1x64x128xf32, #tpu.memory_space<vmem>>
          %scatter3A_492 = tpu.memref_squeeze %scatter3A_491 : memref<1x64x128xf32, #tpu.memory_space<vmem>> -> memref<64x128xf32, #tpu.memory_space<vmem>>
          tpu.vector_store_idx %scatter3A_492[%add3A_466, %add3A_167], %gather3A_472 : memref<64x128xf32, #tpu.memory_space<vmem>>[vector<16xi32>, vector<16xi32>], vector<16xf32>,
        }
        %scan3A_173 = arith.constant 16 : i32
        %add3A_174 = arith.constant 64 : i32
        %add3A_175 = vector.broadcast %add3A_174 : i32 to vector<16xi32>
        %add3A_176 = arith.addi %iota3A, %add3A_175 : vector<16xi32>
        %scan3A_177 = arith.constant 0 : i32
        %scan3A_178 = arith.constant 0 : i32
        %scan3A_179 = arith.constant 16 : i32
        %scan3A_180 = arith.addi %scan3A_178, %scan3A_179 : i32
        %scan3A_181 = arith.constant 2 : i32
        scf.for %scan3A_378 = %scan3A_178 to %scan3A_180 step %scan3A_181  : i32 {
          %broadcast_in_dim3A = vector.broadcast %scan3A_378 : i32 to vector<16xi32>
          %xor3A = arith.xori %broadcast_in_dim3A, %iota3A : vector<16xi32>
          %add3A_379 = arith.constant 0 : i32
          %add3A_380 = vector.broadcast %add3A_379 : i32 to vector<16xi32>
          %add3A_381 = arith.addi %xor3A, %add3A_380 : vector<16xi32>
          %gather3A = arith.constant 1 : i32
          %gather3A_382 = arith.constant 0 : i32
          %gather3A_383 = arith.constant 0 : i32
          %gather3A_384 = tpu.memref_slice %arg11[%gather3A, %gather3A_382, %gather3A_383] : memref<2x128x64xf32, #tpu.memory_space<vmem>> -> memref<1x128x64xf32, #tpu.memory_space<vmem>>
          %gather3A_385 = tpu.memref_squeeze %gather3A_384 : memref<1x128x64xf32, #tpu.memory_space<vmem>> -> memref<128x64xf32, #tpu.memory_space<vmem>>
          %gather3A_386 = tpu.vector_load_idx %gather3A_385[%add3A_176, %add3A_381] : memref<128x64xf32, #tpu.memory_space<vmem>>[vector<16xi32>, vector<16xi32>], vector<16xf32>,
          %add3A_387 = arith.constant 16 : i32
          %add3A_388 = vector.broadcast %add3A_387 : i32 to vector<16xi32>
          %add3A_389 = arith.addi %xor3A, %add3A_388 : vector<16xi32>
          %gather3A_390 = arith.constant 1 : i32
          %gather3A_391 = arith.constant 0 : i32
          %gather3A_392 = arith.constant 0 : i32
          %gather3A_393 = tpu.memref_slice %arg11[%gather3A_390, %gather3A_391, %gather3A_392] : memref<2x128x64xf32, #tpu.memory_space<vmem>> -> memref<1x128x64xf32, #tpu.memory_space<vmem>>
          %gather3A_394 = tpu.memref_squeeze %gather3A_393 : memref<1x128x64xf32, #tpu.memory_space<vmem>> -> memref<128x64xf32, #tpu.memory_space<vmem>>
          %gather3A_395 = tpu.vector_load_idx %gather3A_394[%add3A_176, %add3A_389] : memref<128x64xf32, #tpu.memory_space<vmem>>[vector<16xi32>, vector<16xi32>], vector<16xf32>,
          %add3A_396 = arith.constant 32 : i32
          %add3A_397 = vector.broadcast %add3A_396 : i32 to vector<16xi32>
          %add3A_398 = arith.addi %xor3A, %add3A_397 : vector<16xi32>
          %gather3A_399 = arith.constant 1 : i32
          %gather3A_400 = arith.constant 0 : i32
          %gather3A_401 = arith.constant 0 : i32
          %gather3A_402 = tpu.memref_slice %arg11[%gather3A_399, %gather3A_400, %gather3A_401] : memref<2x128x64xf32, #tpu.memory_space<vmem>> -> memref<1x128x64xf32, #tpu.memory_space<vmem>>
          %gather3A_403 = tpu.memref_squeeze %gather3A_402 : memref<1x128x64xf32, #tpu.memory_space<vmem>> -> memref<128x64xf32, #tpu.memory_space<vmem>>
          %gather3A_404 = tpu.vector_load_idx %gather3A_403[%add3A_176, %add3A_398] : memref<128x64xf32, #tpu.memory_space<vmem>>[vector<16xi32>, vector<16xi32>], vector<16xf32>,
          %add3A_405 = arith.constant 48 : i32
          %add3A_406 = vector.broadcast %add3A_405 : i32 to vector<16xi32>
          %add3A_407 = arith.addi %xor3A, %add3A_406 : vector<16xi32>
          %gather3A_408 = arith.constant 1 : i32
          %gather3A_409 = arith.constant 0 : i32
          %gather3A_410 = arith.constant 0 : i32
          %gather3A_411 = tpu.memref_slice %arg11[%gather3A_408, %gather3A_409, %gather3A_410] : memref<2x128x64xf32, #tpu.memory_space<vmem>> -> memref<1x128x64xf32, #tpu.memory_space<vmem>>
          %gather3A_412 = tpu.memref_squeeze %gather3A_411 : memref<1x128x64xf32, #tpu.memory_space<vmem>> -> memref<128x64xf32, #tpu.memory_space<vmem>>
          %gather3A_413 = tpu.vector_load_idx %gather3A_412[%add3A_176, %add3A_407] : memref<128x64xf32, #tpu.memory_space<vmem>>[vector<16xi32>, vector<16xi32>], vector<16xf32>,
          %scatter3A = arith.constant 1 : i32
          %scatter3A_414 = arith.constant 0 : i32
          %scatter3A_415 = arith.constant 0 : i32
          %scatter3A_416 = tpu.memref_slice %arg12[%scatter3A, %scatter3A_414, %scatter3A_415] : memref<2x64x128xf32, #tpu.memory_space<vmem>> -> memref<1x64x128xf32, #tpu.memory_space<vmem>>
          %scatter3A_417 = tpu.memref_squeeze %scatter3A_416 : memref<1x64x128xf32, #tpu.memory_space<vmem>> -> memref<64x128xf32, #tpu.memory_space<vmem>>
          tpu.vector_store_idx %scatter3A_417[%add3A_381, %add3A_176], %gather3A_386 : memref<64x128xf32, #tpu.memory_space<vmem>>[vector<16xi32>, vector<16xi32>], vector<16xf32>,
          %scatter3A_418 = arith.constant 1 : i32
          %scatter3A_419 = arith.constant 0 : i32
          %scatter3A_420 = arith.constant 0 : i32
          %scatter3A_421 = tpu.memref_slice %arg12[%scatter3A_418, %scatter3A_419, %scatter3A_420] : memref<2x64x128xf32, #tpu.memory_space<vmem>> -> memref<1x64x128xf32, #tpu.memory_space<vmem>>
          %scatter3A_422 = tpu.memref_squeeze %scatter3A_421 : memref<1x64x128xf32, #tpu.memory_space<vmem>> -> memref<64x128xf32, #tpu.memory_space<vmem>>
          tpu.vector_store_idx %scatter3A_422[%add3A_389, %add3A_176], %gather3A_395 : memref<64x128xf32, #tpu.memory_space<vmem>>[vector<16xi32>, vector<16xi32>], vector<16xf32>,
          %scatter3A_423 = arith.constant 1 : i32
          %scatter3A_424 = arith.constant 0 : i32
          %scatter3A_425 = arith.constant 0 : i32
          %scatter3A_426 = tpu.memref_slice %arg12[%scatter3A_423, %scatter3A_424, %scatter3A_425] : memref<2x64x128xf32, #tpu.memory_space<vmem>> -> memref<1x64x128xf32, #tpu.memory_space<vmem>>
          %scatter3A_427 = tpu.memref_squeeze %scatter3A_426 : memref<1x64x128xf32, #tpu.memory_space<vmem>> -> memref<64x128xf32, #tpu.memory_space<vmem>>
          tpu.vector_store_idx %scatter3A_427[%add3A_398, %add3A_176], %gather3A_404 : memref<64x128xf32, #tpu.memory_space<vmem>>[vector<16xi32>, vector<16xi32>], vector<16xf32>,
          %scatter3A_428 = arith.constant 1 : i32
          %scatter3A_429 = arith.constant 0 : i32
          %scatter3A_430 = arith.constant 0 : i32
          %scatter3A_431 = tpu.memref_slice %arg12[%scatter3A_428, %scatter3A_429, %scatter3A_430] : memref<2x64x128xf32, #tpu.memory_space<vmem>> -> memref<1x64x128xf32, #tpu.memory_space<vmem>>
          %scatter3A_432 = tpu.memref_squeeze %scatter3A_431 : memref<1x64x128xf32, #tpu.memory_space<vmem>> -> memref<64x128xf32, #tpu.memory_space<vmem>>
          tpu.vector_store_idx %scatter3A_432[%add3A_407, %add3A_176], %gather3A_413 : memref<64x128xf32, #tpu.memory_space<vmem>>[vector<16xi32>, vector<16xi32>], vector<16xf32>,
          %scan3A_433 = arith.constant 1 : i32
          %scan3A_434 = arith.addi %scan3A_378, %scan3A_433 : i32
          %broadcast_in_dim3A_435 = vector.broadcast %scan3A_434 : i32 to vector<16xi32>
          %xor3A_436 = arith.xori %broadcast_in_dim3A_435, %iota3A : vector<16xi32>
          %add3A_437 = arith.constant 0 : i32
          %add3A_438 = vector.broadcast %add3A_437 : i32 to vector<16xi32>
          %add3A_439 = arith.addi %xor3A_436, %add3A_438 : vector<16xi32>
          %gather3A_440 = arith.constant 1 : i32
          %gather3A_441 = arith.constant 0 : i32
          %gather3A_442 = arith.constant 0 : i32
          %gather3A_443 = tpu.memref_slice %arg11[%gather3A_440, %gather3A_441, %gather3A_442] : memref<2x128x64xf32, #tpu.memory_space<vmem>> -> memref<1x128x64xf32, #tpu.memory_space<vmem>>
          %gather3A_444 = tpu.memref_squeeze %gather3A_443 : memref<1x128x64xf32, #tpu.memory_space<vmem>> -> memref<128x64xf32, #tpu.memory_space<vmem>>
          %gather3A_445 = tpu.vector_load_idx %gather3A_444[%add3A_176, %add3A_439] : memref<128x64xf32, #tpu.memory_space<vmem>>[vector<16xi32>, vector<16xi32>], vector<16xf32>,
          %add3A_446 = arith.constant 16 : i32
          %add3A_447 = vector.broadcast %add3A_446 : i32 to vector<16xi32>
          %add3A_448 = arith.addi %xor3A_436, %add3A_447 : vector<16xi32>
          %gather3A_449 = arith.constant 1 : i32
          %gather3A_450 = arith.constant 0 : i32
          %gather3A_451 = arith.constant 0 : i32
          %gather3A_452 = tpu.memref_slice %arg11[%gather3A_449, %gather3A_450, %gather3A_451] : memref<2x128x64xf32, #tpu.memory_space<vmem>> -> memref<1x128x64xf32, #tpu.memory_space<vmem>>
          %gather3A_453 = tpu.memref_squeeze %gather3A_452 : memref<1x128x64xf32, #tpu.memory_space<vmem>> -> memref<128x64xf32, #tpu.memory_space<vmem>>
          %gather3A_454 = tpu.vector_load_idx %gather3A_453[%add3A_176, %add3A_448] : memref<128x64xf32, #tpu.memory_space<vmem>>[vector<16xi32>, vector<16xi32>], vector<16xf32>,
          %add3A_455 = arith.constant 32 : i32
          %add3A_456 = vector.broadcast %add3A_455 : i32 to vector<16xi32>
          %add3A_457 = arith.addi %xor3A_436, %add3A_456 : vector<16xi32>
          %gather3A_458 = arith.constant 1 : i32
          %gather3A_459 = arith.constant 0 : i32
          %gather3A_460 = arith.constant 0 : i32
          %gather3A_461 = tpu.memref_slice %arg11[%gather3A_458, %gather3A_459, %gather3A_460] : memref<2x128x64xf32, #tpu.memory_space<vmem>> -> memref<1x128x64xf32, #tpu.memory_space<vmem>>
          %gather3A_462 = tpu.memref_squeeze %gather3A_461 : memref<1x128x64xf32, #tpu.memory_space<vmem>> -> memref<128x64xf32, #tpu.memory_space<vmem>>
          %gather3A_463 = tpu.vector_load_idx %gather3A_462[%add3A_176, %add3A_457] : memref<128x64xf32, #tpu.memory_space<vmem>>[vector<16xi32>, vector<16xi32>], vector<16xf32>,
          %add3A_464 = arith.constant 48 : i32
          %add3A_465 = vector.broadcast %add3A_464 : i32 to vector<16xi32>
          %add3A_466 = arith.addi %xor3A_436, %add3A_465 : vector<16xi32>
          %gather3A_467 = arith.constant 1 : i32
          %gather3A_468 = arith.constant 0 : i32
          %gather3A_469 = arith.constant 0 : i32
          %gather3A_470 = tpu.memref_slice %arg11[%gather3A_467, %gather3A_468, %gather3A_469] : memref<2x128x64xf32, #tpu.memory_space<vmem>> -> memref<1x128x64xf32, #tpu.memory_space<vmem>>
          %gather3A_471 = tpu.memref_squeeze %gather3A_470 : memref<1x128x64xf32, #tpu.memory_space<vmem>> -> memref<128x64xf32, #tpu.memory_space<vmem>>
          %gather3A_472 = tpu.vector_load_idx %gather3A_471[%add3A_176, %add3A_466] : memref<128x64xf32, #tpu.memory_space<vmem>>[vector<16xi32>, vector<16xi32>], vector<16xf32>,
          %scatter3A_473 = arith.constant 1 : i32
          %scatter3A_474 = arith.constant 0 : i32
          %scatter3A_475 = arith.constant 0 : i32
          %scatter3A_476 = tpu.memref_slice %arg12[%scatter3A_473, %scatter3A_474, %scatter3A_475] : memref<2x64x128xf32, #tpu.memory_space<vmem>> -> memref<1x64x128xf32, #tpu.memory_space<vmem>>
          %scatter3A_477 = tpu.memref_squeeze %scatter3A_476 : memref<1x64x128xf32, #tpu.memory_space<vmem>> -> memref<64x128xf32, #tpu.memory_space<vmem>>
          tpu.vector_store_idx %scatter3A_477[%add3A_439, %add3A_176], %gather3A_445 : memref<64x128xf32, #tpu.memory_space<vmem>>[vector<16xi32>, vector<16xi32>], vector<16xf32>,
          %scatter3A_478 = arith.constant 1 : i32
          %scatter3A_479 = arith.constant 0 : i32
          %scatter3A_480 = arith.constant 0 : i32
          %scatter3A_481 = tpu.memref_slice %arg12[%scatter3A_478, %scatter3A_479, %scatter3A_480] : memref<2x64x128xf32, #tpu.memory_space<vmem>> -> memref<1x64x128xf32, #tpu.memory_space<vmem>>
          %scatter3A_482 = tpu.memref_squeeze %scatter3A_481 : memref<1x64x128xf32, #tpu.memory_space<vmem>> -> memref<64x128xf32, #tpu.memory_space<vmem>>
          tpu.vector_store_idx %scatter3A_482[%add3A_448, %add3A_176], %gather3A_454 : memref<64x128xf32, #tpu.memory_space<vmem>>[vector<16xi32>, vector<16xi32>], vector<16xf32>,
          %scatter3A_483 = arith.constant 1 : i32
          %scatter3A_484 = arith.constant 0 : i32
          %scatter3A_485 = arith.constant 0 : i32
          %scatter3A_486 = tpu.memref_slice %arg12[%scatter3A_483, %scatter3A_484, %scatter3A_485] : memref<2x64x128xf32, #tpu.memory_space<vmem>> -> memref<1x64x128xf32, #tpu.memory_space<vmem>>
          %scatter3A_487 = tpu.memref_squeeze %scatter3A_486 : memref<1x64x128xf32, #tpu.memory_space<vmem>> -> memref<64x128xf32, #tpu.memory_space<vmem>>
          tpu.vector_store_idx %scatter3A_487[%add3A_457, %add3A_176], %gather3A_463 : memref<64x128xf32, #tpu.memory_space<vmem>>[vector<16xi32>, vector<16xi32>], vector<16xf32>,
          %scatter3A_488 = arith.constant 1 : i32
          %scatter3A_489 = arith.constant 0 : i32
          %scatter3A_490 = arith.constant 0 : i32
          %scatter3A_491 = tpu.memref_slice %arg12[%scatter3A_488, %scatter3A_489, %scatter3A_490] : memref<2x64x128xf32, #tpu.memory_space<vmem>> -> memref<1x64x128xf32, #tpu.memory_space<vmem>>
          %scatter3A_492 = tpu.memref_squeeze %scatter3A_491 : memref<1x64x128xf32, #tpu.memory_space<vmem>> -> memref<64x128xf32, #tpu.memory_space<vmem>>
          tpu.vector_store_idx %scatter3A_492[%add3A_466, %add3A_176], %gather3A_472 : memref<64x128xf32, #tpu.memory_space<vmem>>[vector<16xi32>, vector<16xi32>], vector<16xf32>,
        }
        %scan3A_182 = arith.constant 16 : i32
        %add3A_183 = arith.constant 80 : i32
        %add3A_184 = vector.broadcast %add3A_183 : i32 to vector<16xi32>
        %add3A_185 = arith.addi %iota3A, %add3A_184 : vector<16xi32>
        %scan3A_186 = arith.constant 0 : i32
        %scan3A_187 = arith.constant 0 : i32
        %scan3A_188 = arith.constant 16 : i32
        %scan3A_189 = arith.addi %scan3A_187, %scan3A_188 : i32
        %scan3A_190 = arith.constant 2 : i32
        scf.for %scan3A_378 = %scan3A_187 to %scan3A_189 step %scan3A_190  : i32 {
          %broadcast_in_dim3A = vector.broadcast %scan3A_378 : i32 to vector<16xi32>
          %xor3A = arith.xori %broadcast_in_dim3A, %iota3A : vector<16xi32>
          %add3A_379 = arith.constant 0 : i32
          %add3A_380 = vector.broadcast %add3A_379 : i32 to vector<16xi32>
          %add3A_381 = arith.addi %xor3A, %add3A_380 : vector<16xi32>
          %gather3A = arith.constant 1 : i32
          %gather3A_382 = arith.constant 0 : i32
          %gather3A_383 = arith.constant 0 : i32
          %gather3A_384 = tpu.memref_slice %arg11[%gather3A, %gather3A_382, %gather3A_383] : memref<2x128x64xf32, #tpu.memory_space<vmem>> -> memref<1x128x64xf32, #tpu.memory_space<vmem>>
          %gather3A_385 = tpu.memref_squeeze %gather3A_384 : memref<1x128x64xf32, #tpu.memory_space<vmem>> -> memref<128x64xf32, #tpu.memory_space<vmem>>
          %gather3A_386 = tpu.vector_load_idx %gather3A_385[%add3A_185, %add3A_381] : memref<128x64xf32, #tpu.memory_space<vmem>>[vector<16xi32>, vector<16xi32>], vector<16xf32>,
          %add3A_387 = arith.constant 16 : i32
          %add3A_388 = vector.broadcast %add3A_387 : i32 to vector<16xi32>
          %add3A_389 = arith.addi %xor3A, %add3A_388 : vector<16xi32>
          %gather3A_390 = arith.constant 1 : i32
          %gather3A_391 = arith.constant 0 : i32
          %gather3A_392 = arith.constant 0 : i32
          %gather3A_393 = tpu.memref_slice %arg11[%gather3A_390, %gather3A_391, %gather3A_392] : memref<2x128x64xf32, #tpu.memory_space<vmem>> -> memref<1x128x64xf32, #tpu.memory_space<vmem>>
          %gather3A_394 = tpu.memref_squeeze %gather3A_393 : memref<1x128x64xf32, #tpu.memory_space<vmem>> -> memref<128x64xf32, #tpu.memory_space<vmem>>
          %gather3A_395 = tpu.vector_load_idx %gather3A_394[%add3A_185, %add3A_389] : memref<128x64xf32, #tpu.memory_space<vmem>>[vector<16xi32>, vector<16xi32>], vector<16xf32>,
          %add3A_396 = arith.constant 32 : i32
          %add3A_397 = vector.broadcast %add3A_396 : i32 to vector<16xi32>
          %add3A_398 = arith.addi %xor3A, %add3A_397 : vector<16xi32>
          %gather3A_399 = arith.constant 1 : i32
          %gather3A_400 = arith.constant 0 : i32
          %gather3A_401 = arith.constant 0 : i32
          %gather3A_402 = tpu.memref_slice %arg11[%gather3A_399, %gather3A_400, %gather3A_401] : memref<2x128x64xf32, #tpu.memory_space<vmem>> -> memref<1x128x64xf32, #tpu.memory_space<vmem>>
          %gather3A_403 = tpu.memref_squeeze %gather3A_402 : memref<1x128x64xf32, #tpu.memory_space<vmem>> -> memref<128x64xf32, #tpu.memory_space<vmem>>
          %gather3A_404 = tpu.vector_load_idx %gather3A_403[%add3A_185, %add3A_398] : memref<128x64xf32, #tpu.memory_space<vmem>>[vector<16xi32>, vector<16xi32>], vector<16xf32>,
          %add3A_405 = arith.constant 48 : i32
          %add3A_406 = vector.broadcast %add3A_405 : i32 to vector<16xi32>
          %add3A_407 = arith.addi %xor3A, %add3A_406 : vector<16xi32>
          %gather3A_408 = arith.constant 1 : i32
          %gather3A_409 = arith.constant 0 : i32
          %gather3A_410 = arith.constant 0 : i32
          %gather3A_411 = tpu.memref_slice %arg11[%gather3A_408, %gather3A_409, %gather3A_410] : memref<2x128x64xf32, #tpu.memory_space<vmem>> -> memref<1x128x64xf32, #tpu.memory_space<vmem>>
          %gather3A_412 = tpu.memref_squeeze %gather3A_411 : memref<1x128x64xf32, #tpu.memory_space<vmem>> -> memref<128x64xf32, #tpu.memory_space<vmem>>
          %gather3A_413 = tpu.vector_load_idx %gather3A_412[%add3A_185, %add3A_407] : memref<128x64xf32, #tpu.memory_space<vmem>>[vector<16xi32>, vector<16xi32>], vector<16xf32>,
          %scatter3A = arith.constant 1 : i32
          %scatter3A_414 = arith.constant 0 : i32
          %scatter3A_415 = arith.constant 0 : i32
          %scatter3A_416 = tpu.memref_slice %arg12[%scatter3A, %scatter3A_414, %scatter3A_415] : memref<2x64x128xf32, #tpu.memory_space<vmem>> -> memref<1x64x128xf32, #tpu.memory_space<vmem>>
          %scatter3A_417 = tpu.memref_squeeze %scatter3A_416 : memref<1x64x128xf32, #tpu.memory_space<vmem>> -> memref<64x128xf32, #tpu.memory_space<vmem>>
          tpu.vector_store_idx %scatter3A_417[%add3A_381, %add3A_185], %gather3A_386 : memref<64x128xf32, #tpu.memory_space<vmem>>[vector<16xi32>, vector<16xi32>], vector<16xf32>,
          %scatter3A_418 = arith.constant 1 : i32
          %scatter3A_419 = arith.constant 0 : i32
          %scatter3A_420 = arith.constant 0 : i32
          %scatter3A_421 = tpu.memref_slice %arg12[%scatter3A_418, %scatter3A_419, %scatter3A_420] : memref<2x64x128xf32, #tpu.memory_space<vmem>> -> memref<1x64x128xf32, #tpu.memory_space<vmem>>
          %scatter3A_422 = tpu.memref_squeeze %scatter3A_421 : memref<1x64x128xf32, #tpu.memory_space<vmem>> -> memref<64x128xf32, #tpu.memory_space<vmem>>
          tpu.vector_store_idx %scatter3A_422[%add3A_389, %add3A_185], %gather3A_395 : memref<64x128xf32, #tpu.memory_space<vmem>>[vector<16xi32>, vector<16xi32>], vector<16xf32>,
          %scatter3A_423 = arith.constant 1 : i32
          %scatter3A_424 = arith.constant 0 : i32
          %scatter3A_425 = arith.constant 0 : i32
          %scatter3A_426 = tpu.memref_slice %arg12[%scatter3A_423, %scatter3A_424, %scatter3A_425] : memref<2x64x128xf32, #tpu.memory_space<vmem>> -> memref<1x64x128xf32, #tpu.memory_space<vmem>>
          %scatter3A_427 = tpu.memref_squeeze %scatter3A_426 : memref<1x64x128xf32, #tpu.memory_space<vmem>> -> memref<64x128xf32, #tpu.memory_space<vmem>>
          tpu.vector_store_idx %scatter3A_427[%add3A_398, %add3A_185], %gather3A_404 : memref<64x128xf32, #tpu.memory_space<vmem>>[vector<16xi32>, vector<16xi32>], vector<16xf32>,
          %scatter3A_428 = arith.constant 1 : i32
          %scatter3A_429 = arith.constant 0 : i32
          %scatter3A_430 = arith.constant 0 : i32
          %scatter3A_431 = tpu.memref_slice %arg12[%scatter3A_428, %scatter3A_429, %scatter3A_430] : memref<2x64x128xf32, #tpu.memory_space<vmem>> -> memref<1x64x128xf32, #tpu.memory_space<vmem>>
          %scatter3A_432 = tpu.memref_squeeze %scatter3A_431 : memref<1x64x128xf32, #tpu.memory_space<vmem>> -> memref<64x128xf32, #tpu.memory_space<vmem>>
          tpu.vector_store_idx %scatter3A_432[%add3A_407, %add3A_185], %gather3A_413 : memref<64x128xf32, #tpu.memory_space<vmem>>[vector<16xi32>, vector<16xi32>], vector<16xf32>,
          %scan3A_433 = arith.constant 1 : i32
          %scan3A_434 = arith.addi %scan3A_378, %scan3A_433 : i32
          %broadcast_in_dim3A_435 = vector.broadcast %scan3A_434 : i32 to vector<16xi32>
          %xor3A_436 = arith.xori %broadcast_in_dim3A_435, %iota3A : vector<16xi32>
          %add3A_437 = arith.constant 0 : i32
          %add3A_438 = vector.broadcast %add3A_437 : i32 to vector<16xi32>
          %add3A_439 = arith.addi %xor3A_436, %add3A_438 : vector<16xi32>
          %gather3A_440 = arith.constant 1 : i32
          %gather3A_441 = arith.constant 0 : i32
          %gather3A_442 = arith.constant 0 : i32
          %gather3A_443 = tpu.memref_slice %arg11[%gather3A_440, %gather3A_441, %gather3A_442] : memref<2x128x64xf32, #tpu.memory_space<vmem>> -> memref<1x128x64xf32, #tpu.memory_space<vmem>>
          %gather3A_444 = tpu.memref_squeeze %gather3A_443 : memref<1x128x64xf32, #tpu.memory_space<vmem>> -> memref<128x64xf32, #tpu.memory_space<vmem>>
          %gather3A_445 = tpu.vector_load_idx %gather3A_444[%add3A_185, %add3A_439] : memref<128x64xf32, #tpu.memory_space<vmem>>[vector<16xi32>, vector<16xi32>], vector<16xf32>,
          %add3A_446 = arith.constant 16 : i32
          %add3A_447 = vector.broadcast %add3A_446 : i32 to vector<16xi32>
          %add3A_448 = arith.addi %xor3A_436, %add3A_447 : vector<16xi32>
          %gather3A_449 = arith.constant 1 : i32
          %gather3A_450 = arith.constant 0 : i32
          %gather3A_451 = arith.constant 0 : i32
          %gather3A_452 = tpu.memref_slice %arg11[%gather3A_449, %gather3A_450, %gather3A_451] : memref<2x128x64xf32, #tpu.memory_space<vmem>> -> memref<1x128x64xf32, #tpu.memory_space<vmem>>
          %gather3A_453 = tpu.memref_squeeze %gather3A_452 : memref<1x128x64xf32, #tpu.memory_space<vmem>> -> memref<128x64xf32, #tpu.memory_space<vmem>>
          %gather3A_454 = tpu.vector_load_idx %gather3A_453[%add3A_185, %add3A_448] : memref<128x64xf32, #tpu.memory_space<vmem>>[vector<16xi32>, vector<16xi32>], vector<16xf32>,
          %add3A_455 = arith.constant 32 : i32
          %add3A_456 = vector.broadcast %add3A_455 : i32 to vector<16xi32>
          %add3A_457 = arith.addi %xor3A_436, %add3A_456 : vector<16xi32>
          %gather3A_458 = arith.constant 1 : i32
          %gather3A_459 = arith.constant 0 : i32
          %gather3A_460 = arith.constant 0 : i32
          %gather3A_461 = tpu.memref_slice %arg11[%gather3A_458, %gather3A_459, %gather3A_460] : memref<2x128x64xf32, #tpu.memory_space<vmem>> -> memref<1x128x64xf32, #tpu.memory_space<vmem>>
          %gather3A_462 = tpu.memref_squeeze %gather3A_461 : memref<1x128x64xf32, #tpu.memory_space<vmem>> -> memref<128x64xf32, #tpu.memory_space<vmem>>
          %gather3A_463 = tpu.vector_load_idx %gather3A_462[%add3A_185, %add3A_457] : memref<128x64xf32, #tpu.memory_space<vmem>>[vector<16xi32>, vector<16xi32>], vector<16xf32>,
          %add3A_464 = arith.constant 48 : i32
          %add3A_465 = vector.broadcast %add3A_464 : i32 to vector<16xi32>
          %add3A_466 = arith.addi %xor3A_436, %add3A_465 : vector<16xi32>
          %gather3A_467 = arith.constant 1 : i32
          %gather3A_468 = arith.constant 0 : i32
          %gather3A_469 = arith.constant 0 : i32
          %gather3A_470 = tpu.memref_slice %arg11[%gather3A_467, %gather3A_468, %gather3A_469] : memref<2x128x64xf32, #tpu.memory_space<vmem>> -> memref<1x128x64xf32, #tpu.memory_space<vmem>>
          %gather3A_471 = tpu.memref_squeeze %gather3A_470 : memref<1x128x64xf32, #tpu.memory_space<vmem>> -> memref<128x64xf32, #tpu.memory_space<vmem>>
          %gather3A_472 = tpu.vector_load_idx %gather3A_471[%add3A_185, %add3A_466] : memref<128x64xf32, #tpu.memory_space<vmem>>[vector<16xi32>, vector<16xi32>], vector<16xf32>,
          %scatter3A_473 = arith.constant 1 : i32
          %scatter3A_474 = arith.constant 0 : i32
          %scatter3A_475 = arith.constant 0 : i32
          %scatter3A_476 = tpu.memref_slice %arg12[%scatter3A_473, %scatter3A_474, %scatter3A_475] : memref<2x64x128xf32, #tpu.memory_space<vmem>> -> memref<1x64x128xf32, #tpu.memory_space<vmem>>
          %scatter3A_477 = tpu.memref_squeeze %scatter3A_476 : memref<1x64x128xf32, #tpu.memory_space<vmem>> -> memref<64x128xf32, #tpu.memory_space<vmem>>
          tpu.vector_store_idx %scatter3A_477[%add3A_439, %add3A_185], %gather3A_445 : memref<64x128xf32, #tpu.memory_space<vmem>>[vector<16xi32>, vector<16xi32>], vector<16xf32>,
          %scatter3A_478 = arith.constant 1 : i32
          %scatter3A_479 = arith.constant 0 : i32
          %scatter3A_480 = arith.constant 0 : i32
          %scatter3A_481 = tpu.memref_slice %arg12[%scatter3A_478, %scatter3A_479, %scatter3A_480] : memref<2x64x128xf32, #tpu.memory_space<vmem>> -> memref<1x64x128xf32, #tpu.memory_space<vmem>>
          %scatter3A_482 = tpu.memref_squeeze %scatter3A_481 : memref<1x64x128xf32, #tpu.memory_space<vmem>> -> memref<64x128xf32, #tpu.memory_space<vmem>>
          tpu.vector_store_idx %scatter3A_482[%add3A_448, %add3A_185], %gather3A_454 : memref<64x128xf32, #tpu.memory_space<vmem>>[vector<16xi32>, vector<16xi32>], vector<16xf32>,
          %scatter3A_483 = arith.constant 1 : i32
          %scatter3A_484 = arith.constant 0 : i32
          %scatter3A_485 = arith.constant 0 : i32
          %scatter3A_486 = tpu.memref_slice %arg12[%scatter3A_483, %scatter3A_484, %scatter3A_485] : memref<2x64x128xf32, #tpu.memory_space<vmem>> -> memref<1x64x128xf32, #tpu.memory_space<vmem>>
          %scatter3A_487 = tpu.memref_squeeze %scatter3A_486 : memref<1x64x128xf32, #tpu.memory_space<vmem>> -> memref<64x128xf32, #tpu.memory_space<vmem>>
          tpu.vector_store_idx %scatter3A_487[%add3A_457, %add3A_185], %gather3A_463 : memref<64x128xf32, #tpu.memory_space<vmem>>[vector<16xi32>, vector<16xi32>], vector<16xf32>,
          %scatter3A_488 = arith.constant 1 : i32
          %scatter3A_489 = arith.constant 0 : i32
          %scatter3A_490 = arith.constant 0 : i32
          %scatter3A_491 = tpu.memref_slice %arg12[%scatter3A_488, %scatter3A_489, %scatter3A_490] : memref<2x64x128xf32, #tpu.memory_space<vmem>> -> memref<1x64x128xf32, #tpu.memory_space<vmem>>
          %scatter3A_492 = tpu.memref_squeeze %scatter3A_491 : memref<1x64x128xf32, #tpu.memory_space<vmem>> -> memref<64x128xf32, #tpu.memory_space<vmem>>
          tpu.vector_store_idx %scatter3A_492[%add3A_466, %add3A_185], %gather3A_472 : memref<64x128xf32, #tpu.memory_space<vmem>>[vector<16xi32>, vector<16xi32>], vector<16xf32>,
        }
        %scan3A_191 = arith.constant 16 : i32
        %add3A_192 = arith.constant 96 : i32
        %add3A_193 = vector.broadcast %add3A_192 : i32 to vector<16xi32>
        %add3A_194 = arith.addi %iota3A, %add3A_193 : vector<16xi32>
        %scan3A_195 = arith.constant 0 : i32
        %scan3A_196 = arith.constant 0 : i32
        %scan3A_197 = arith.constant 16 : i32
        %scan3A_198 = arith.addi %scan3A_196, %scan3A_197 : i32
        %scan3A_199 = arith.constant 2 : i32
        scf.for %scan3A_378 = %scan3A_196 to %scan3A_198 step %scan3A_199  : i32 {
          %broadcast_in_dim3A = vector.broadcast %scan3A_378 : i32 to vector<16xi32>
          %xor3A = arith.xori %broadcast_in_dim3A, %iota3A : vector<16xi32>
          %add3A_379 = arith.constant 0 : i32
          %add3A_380 = vector.broadcast %add3A_379 : i32 to vector<16xi32>
          %add3A_381 = arith.addi %xor3A, %add3A_380 : vector<16xi32>
          %gather3A = arith.constant 1 : i32
          %gather3A_382 = arith.constant 0 : i32
          %gather3A_383 = arith.constant 0 : i32
          %gather3A_384 = tpu.memref_slice %arg11[%gather3A, %gather3A_382, %gather3A_383] : memref<2x128x64xf32, #tpu.memory_space<vmem>> -> memref<1x128x64xf32, #tpu.memory_space<vmem>>
          %gather3A_385 = tpu.memref_squeeze %gather3A_384 : memref<1x128x64xf32, #tpu.memory_space<vmem>> -> memref<128x64xf32, #tpu.memory_space<vmem>>
          %gather3A_386 = tpu.vector_load_idx %gather3A_385[%add3A_194, %add3A_381] : memref<128x64xf32, #tpu.memory_space<vmem>>[vector<16xi32>, vector<16xi32>], vector<16xf32>,
          %add3A_387 = arith.constant 16 : i32
          %add3A_388 = vector.broadcast %add3A_387 : i32 to vector<16xi32>
          %add3A_389 = arith.addi %xor3A, %add3A_388 : vector<16xi32>
          %gather3A_390 = arith.constant 1 : i32
          %gather3A_391 = arith.constant 0 : i32
          %gather3A_392 = arith.constant 0 : i32
          %gather3A_393 = tpu.memref_slice %arg11[%gather3A_390, %gather3A_391, %gather3A_392] : memref<2x128x64xf32, #tpu.memory_space<vmem>> -> memref<1x128x64xf32, #tpu.memory_space<vmem>>
          %gather3A_394 = tpu.memref_squeeze %gather3A_393 : memref<1x128x64xf32, #tpu.memory_space<vmem>> -> memref<128x64xf32, #tpu.memory_space<vmem>>
          %gather3A_395 = tpu.vector_load_idx %gather3A_394[%add3A_194, %add3A_389] : memref<128x64xf32, #tpu.memory_space<vmem>>[vector<16xi32>, vector<16xi32>], vector<16xf32>,
          %add3A_396 = arith.constant 32 : i32
          %add3A_397 = vector.broadcast %add3A_396 : i32 to vector<16xi32>
          %add3A_398 = arith.addi %xor3A, %add3A_397 : vector<16xi32>
          %gather3A_399 = arith.constant 1 : i32
          %gather3A_400 = arith.constant 0 : i32
          %gather3A_401 = arith.constant 0 : i32
          %gather3A_402 = tpu.memref_slice %arg11[%gather3A_399, %gather3A_400, %gather3A_401] : memref<2x128x64xf32, #tpu.memory_space<vmem>> -> memref<1x128x64xf32, #tpu.memory_space<vmem>>
          %gather3A_403 = tpu.memref_squeeze %gather3A_402 : memref<1x128x64xf32, #tpu.memory_space<vmem>> -> memref<128x64xf32, #tpu.memory_space<vmem>>
          %gather3A_404 = tpu.vector_load_idx %gather3A_403[%add3A_194, %add3A_398] : memref<128x64xf32, #tpu.memory_space<vmem>>[vector<16xi32>, vector<16xi32>], vector<16xf32>,
          %add3A_405 = arith.constant 48 : i32
          %add3A_406 = vector.broadcast %add3A_405 : i32 to vector<16xi32>
          %add3A_407 = arith.addi %xor3A, %add3A_406 : vector<16xi32>
          %gather3A_408 = arith.constant 1 : i32
          %gather3A_409 = arith.constant 0 : i32
          %gather3A_410 = arith.constant 0 : i32
          %gather3A_411 = tpu.memref_slice %arg11[%gather3A_408, %gather3A_409, %gather3A_410] : memref<2x128x64xf32, #tpu.memory_space<vmem>> -> memref<1x128x64xf32, #tpu.memory_space<vmem>>
          %gather3A_412 = tpu.memref_squeeze %gather3A_411 : memref<1x128x64xf32, #tpu.memory_space<vmem>> -> memref<128x64xf32, #tpu.memory_space<vmem>>
          %gather3A_413 = tpu.vector_load_idx %gather3A_412[%add3A_194, %add3A_407] : memref<128x64xf32, #tpu.memory_space<vmem>>[vector<16xi32>, vector<16xi32>], vector<16xf32>,
          %scatter3A = arith.constant 1 : i32
          %scatter3A_414 = arith.constant 0 : i32
          %scatter3A_415 = arith.constant 0 : i32
          %scatter3A_416 = tpu.memref_slice %arg12[%scatter3A, %scatter3A_414, %scatter3A_415] : memref<2x64x128xf32, #tpu.memory_space<vmem>> -> memref<1x64x128xf32, #tpu.memory_space<vmem>>
          %scatter3A_417 = tpu.memref_squeeze %scatter3A_416 : memref<1x64x128xf32, #tpu.memory_space<vmem>> -> memref<64x128xf32, #tpu.memory_space<vmem>>
          tpu.vector_store_idx %scatter3A_417[%add3A_381, %add3A_194], %gather3A_386 : memref<64x128xf32, #tpu.memory_space<vmem>>[vector<16xi32>, vector<16xi32>], vector<16xf32>,
          %scatter3A_418 = arith.constant 1 : i32
          %scatter3A_419 = arith.constant 0 : i32
          %scatter3A_420 = arith.constant 0 : i32
          %scatter3A_421 = tpu.memref_slice %arg12[%scatter3A_418, %scatter3A_419, %scatter3A_420] : memref<2x64x128xf32, #tpu.memory_space<vmem>> -> memref<1x64x128xf32, #tpu.memory_space<vmem>>
          %scatter3A_422 = tpu.memref_squeeze %scatter3A_421 : memref<1x64x128xf32, #tpu.memory_space<vmem>> -> memref<64x128xf32, #tpu.memory_space<vmem>>
          tpu.vector_store_idx %scatter3A_422[%add3A_389, %add3A_194], %gather3A_395 : memref<64x128xf32, #tpu.memory_space<vmem>>[vector<16xi32>, vector<16xi32>], vector<16xf32>,
          %scatter3A_423 = arith.constant 1 : i32
          %scatter3A_424 = arith.constant 0 : i32
          %scatter3A_425 = arith.constant 0 : i32
          %scatter3A_426 = tpu.memref_slice %arg12[%scatter3A_423, %scatter3A_424, %scatter3A_425] : memref<2x64x128xf32, #tpu.memory_space<vmem>> -> memref<1x64x128xf32, #tpu.memory_space<vmem>>
          %scatter3A_427 = tpu.memref_squeeze %scatter3A_426 : memref<1x64x128xf32, #tpu.memory_space<vmem>> -> memref<64x128xf32, #tpu.memory_space<vmem>>
          tpu.vector_store_idx %scatter3A_427[%add3A_398, %add3A_194], %gather3A_404 : memref<64x128xf32, #tpu.memory_space<vmem>>[vector<16xi32>, vector<16xi32>], vector<16xf32>,
          %scatter3A_428 = arith.constant 1 : i32
          %scatter3A_429 = arith.constant 0 : i32
          %scatter3A_430 = arith.constant 0 : i32
          %scatter3A_431 = tpu.memref_slice %arg12[%scatter3A_428, %scatter3A_429, %scatter3A_430] : memref<2x64x128xf32, #tpu.memory_space<vmem>> -> memref<1x64x128xf32, #tpu.memory_space<vmem>>
          %scatter3A_432 = tpu.memref_squeeze %scatter3A_431 : memref<1x64x128xf32, #tpu.memory_space<vmem>> -> memref<64x128xf32, #tpu.memory_space<vmem>>
          tpu.vector_store_idx %scatter3A_432[%add3A_407, %add3A_194], %gather3A_413 : memref<64x128xf32, #tpu.memory_space<vmem>>[vector<16xi32>, vector<16xi32>], vector<16xf32>,
          %scan3A_433 = arith.constant 1 : i32
          %scan3A_434 = arith.addi %scan3A_378, %scan3A_433 : i32
          %broadcast_in_dim3A_435 = vector.broadcast %scan3A_434 : i32 to vector<16xi32>
          %xor3A_436 = arith.xori %broadcast_in_dim3A_435, %iota3A : vector<16xi32>
          %add3A_437 = arith.constant 0 : i32
          %add3A_438 = vector.broadcast %add3A_437 : i32 to vector<16xi32>
          %add3A_439 = arith.addi %xor3A_436, %add3A_438 : vector<16xi32>
          %gather3A_440 = arith.constant 1 : i32
          %gather3A_441 = arith.constant 0 : i32
          %gather3A_442 = arith.constant 0 : i32
          %gather3A_443 = tpu.memref_slice %arg11[%gather3A_440, %gather3A_441, %gather3A_442] : memref<2x128x64xf32, #tpu.memory_space<vmem>> -> memref<1x128x64xf32, #tpu.memory_space<vmem>>
          %gather3A_444 = tpu.memref_squeeze %gather3A_443 : memref<1x128x64xf32, #tpu.memory_space<vmem>> -> memref<128x64xf32, #tpu.memory_space<vmem>>
          %gather3A_445 = tpu.vector_load_idx %gather3A_444[%add3A_194, %add3A_439] : memref<128x64xf32, #tpu.memory_space<vmem>>[vector<16xi32>, vector<16xi32>], vector<16xf32>,
          %add3A_446 = arith.constant 16 : i32
          %add3A_447 = vector.broadcast %add3A_446 : i32 to vector<16xi32>
          %add3A_448 = arith.addi %xor3A_436, %add3A_447 : vector<16xi32>
          %gather3A_449 = arith.constant 1 : i32
          %gather3A_450 = arith.constant 0 : i32
          %gather3A_451 = arith.constant 0 : i32
          %gather3A_452 = tpu.memref_slice %arg11[%gather3A_449, %gather3A_450, %gather3A_451] : memref<2x128x64xf32, #tpu.memory_space<vmem>> -> memref<1x128x64xf32, #tpu.memory_space<vmem>>
          %gather3A_453 = tpu.memref_squeeze %gather3A_452 : memref<1x128x64xf32, #tpu.memory_space<vmem>> -> memref<128x64xf32, #tpu.memory_space<vmem>>
          %gather3A_454 = tpu.vector_load_idx %gather3A_453[%add3A_194, %add3A_448] : memref<128x64xf32, #tpu.memory_space<vmem>>[vector<16xi32>, vector<16xi32>], vector<16xf32>,
          %add3A_455 = arith.constant 32 : i32
          %add3A_456 = vector.broadcast %add3A_455 : i32 to vector<16xi32>
          %add3A_457 = arith.addi %xor3A_436, %add3A_456 : vector<16xi32>
          %gather3A_458 = arith.constant 1 : i32
          %gather3A_459 = arith.constant 0 : i32
          %gather3A_460 = arith.constant 0 : i32
          %gather3A_461 = tpu.memref_slice %arg11[%gather3A_458, %gather3A_459, %gather3A_460] : memref<2x128x64xf32, #tpu.memory_space<vmem>> -> memref<1x128x64xf32, #tpu.memory_space<vmem>>
          %gather3A_462 = tpu.memref_squeeze %gather3A_461 : memref<1x128x64xf32, #tpu.memory_space<vmem>> -> memref<128x64xf32, #tpu.memory_space<vmem>>
          %gather3A_463 = tpu.vector_load_idx %gather3A_462[%add3A_194, %add3A_457] : memref<128x64xf32, #tpu.memory_space<vmem>>[vector<16xi32>, vector<16xi32>], vector<16xf32>,
          %add3A_464 = arith.constant 48 : i32
          %add3A_465 = vector.broadcast %add3A_464 : i32 to vector<16xi32>
          %add3A_466 = arith.addi %xor3A_436, %add3A_465 : vector<16xi32>
          %gather3A_467 = arith.constant 1 : i32
          %gather3A_468 = arith.constant 0 : i32
          %gather3A_469 = arith.constant 0 : i32
          %gather3A_470 = tpu.memref_slice %arg11[%gather3A_467, %gather3A_468, %gather3A_469] : memref<2x128x64xf32, #tpu.memory_space<vmem>> -> memref<1x128x64xf32, #tpu.memory_space<vmem>>
          %gather3A_471 = tpu.memref_squeeze %gather3A_470 : memref<1x128x64xf32, #tpu.memory_space<vmem>> -> memref<128x64xf32, #tpu.memory_space<vmem>>
          %gather3A_472 = tpu.vector_load_idx %gather3A_471[%add3A_194, %add3A_466] : memref<128x64xf32, #tpu.memory_space<vmem>>[vector<16xi32>, vector<16xi32>], vector<16xf32>,
          %scatter3A_473 = arith.constant 1 : i32
          %scatter3A_474 = arith.constant 0 : i32
          %scatter3A_475 = arith.constant 0 : i32
          %scatter3A_476 = tpu.memref_slice %arg12[%scatter3A_473, %scatter3A_474, %scatter3A_475] : memref<2x64x128xf32, #tpu.memory_space<vmem>> -> memref<1x64x128xf32, #tpu.memory_space<vmem>>
          %scatter3A_477 = tpu.memref_squeeze %scatter3A_476 : memref<1x64x128xf32, #tpu.memory_space<vmem>> -> memref<64x128xf32, #tpu.memory_space<vmem>>
          tpu.vector_store_idx %scatter3A_477[%add3A_439, %add3A_194], %gather3A_445 : memref<64x128xf32, #tpu.memory_space<vmem>>[vector<16xi32>, vector<16xi32>], vector<16xf32>,
          %scatter3A_478 = arith.constant 1 : i32
          %scatter3A_479 = arith.constant 0 : i32
          %scatter3A_480 = arith.constant 0 : i32
          %scatter3A_481 = tpu.memref_slice %arg12[%scatter3A_478, %scatter3A_479, %scatter3A_480] : memref<2x64x128xf32, #tpu.memory_space<vmem>> -> memref<1x64x128xf32, #tpu.memory_space<vmem>>
          %scatter3A_482 = tpu.memref_squeeze %scatter3A_481 : memref<1x64x128xf32, #tpu.memory_space<vmem>> -> memref<64x128xf32, #tpu.memory_space<vmem>>
          tpu.vector_store_idx %scatter3A_482[%add3A_448, %add3A_194], %gather3A_454 : memref<64x128xf32, #tpu.memory_space<vmem>>[vector<16xi32>, vector<16xi32>], vector<16xf32>,
          %scatter3A_483 = arith.constant 1 : i32
          %scatter3A_484 = arith.constant 0 : i32
          %scatter3A_485 = arith.constant 0 : i32
          %scatter3A_486 = tpu.memref_slice %arg12[%scatter3A_483, %scatter3A_484, %scatter3A_485] : memref<2x64x128xf32, #tpu.memory_space<vmem>> -> memref<1x64x128xf32, #tpu.memory_space<vmem>>
          %scatter3A_487 = tpu.memref_squeeze %scatter3A_486 : memref<1x64x128xf32, #tpu.memory_space<vmem>> -> memref<64x128xf32, #tpu.memory_space<vmem>>
          tpu.vector_store_idx %scatter3A_487[%add3A_457, %add3A_194], %gather3A_463 : memref<64x128xf32, #tpu.memory_space<vmem>>[vector<16xi32>, vector<16xi32>], vector<16xf32>,
          %scatter3A_488 = arith.constant 1 : i32
          %scatter3A_489 = arith.constant 0 : i32
          %scatter3A_490 = arith.constant 0 : i32
          %scatter3A_491 = tpu.memref_slice %arg12[%scatter3A_488, %scatter3A_489, %scatter3A_490] : memref<2x64x128xf32, #tpu.memory_space<vmem>> -> memref<1x64x128xf32, #tpu.memory_space<vmem>>
          %scatter3A_492 = tpu.memref_squeeze %scatter3A_491 : memref<1x64x128xf32, #tpu.memory_space<vmem>> -> memref<64x128xf32, #tpu.memory_space<vmem>>
          tpu.vector_store_idx %scatter3A_492[%add3A_466, %add3A_194], %gather3A_472 : memref<64x128xf32, #tpu.memory_space<vmem>>[vector<16xi32>, vector<16xi32>], vector<16xf32>,
        }
        %scan3A_200 = arith.constant 16 : i32
        %add3A_201 = arith.constant 112 : i32
        %add3A_202 = vector.broadcast %add3A_201 : i32 to vector<16xi32>
        %add3A_203 = arith.addi %iota3A, %add3A_202 : vector<16xi32>
        %scan3A_204 = arith.constant 0 : i32
        %scan3A_205 = arith.constant 0 : i32
        %scan3A_206 = arith.constant 16 : i32
        %scan3A_207 = arith.addi %scan3A_205, %scan3A_206 : i32
        %scan3A_208 = arith.constant 2 : i32
        scf.for %scan3A_378 = %scan3A_205 to %scan3A_207 step %scan3A_208  : i32 {
          %broadcast_in_dim3A = vector.broadcast %scan3A_378 : i32 to vector<16xi32>
          %xor3A = arith.xori %broadcast_in_dim3A, %iota3A : vector<16xi32>
          %add3A_379 = arith.constant 0 : i32
          %add3A_380 = vector.broadcast %add3A_379 : i32 to vector<16xi32>
          %add3A_381 = arith.addi %xor3A, %add3A_380 : vector<16xi32>
          %gather3A = arith.constant 1 : i32
          %gather3A_382 = arith.constant 0 : i32
          %gather3A_383 = arith.constant 0 : i32
          %gather3A_384 = tpu.memref_slice %arg11[%gather3A, %gather3A_382, %gather3A_383] : memref<2x128x64xf32, #tpu.memory_space<vmem>> -> memref<1x128x64xf32, #tpu.memory_space<vmem>>
          %gather3A_385 = tpu.memref_squeeze %gather3A_384 : memref<1x128x64xf32, #tpu.memory_space<vmem>> -> memref<128x64xf32, #tpu.memory_space<vmem>>
          %gather3A_386 = tpu.vector_load_idx %gather3A_385[%add3A_203, %add3A_381] : memref<128x64xf32, #tpu.memory_space<vmem>>[vector<16xi32>, vector<16xi32>], vector<16xf32>,
          %add3A_387 = arith.constant 16 : i32
          %add3A_388 = vector.broadcast %add3A_387 : i32 to vector<16xi32>
          %add3A_389 = arith.addi %xor3A, %add3A_388 : vector<16xi32>
          %gather3A_390 = arith.constant 1 : i32
          %gather3A_391 = arith.constant 0 : i32
          %gather3A_392 = arith.constant 0 : i32
          %gather3A_393 = tpu.memref_slice %arg11[%gather3A_390, %gather3A_391, %gather3A_392] : memref<2x128x64xf32, #tpu.memory_space<vmem>> -> memref<1x128x64xf32, #tpu.memory_space<vmem>>
          %gather3A_394 = tpu.memref_squeeze %gather3A_393 : memref<1x128x64xf32, #tpu.memory_space<vmem>> -> memref<128x64xf32, #tpu.memory_space<vmem>>
          %gather3A_395 = tpu.vector_load_idx %gather3A_394[%add3A_203, %add3A_389] : memref<128x64xf32, #tpu.memory_space<vmem>>[vector<16xi32>, vector<16xi32>], vector<16xf32>,
          %add3A_396 = arith.constant 32 : i32
          %add3A_397 = vector.broadcast %add3A_396 : i32 to vector<16xi32>
          %add3A_398 = arith.addi %xor3A, %add3A_397 : vector<16xi32>
          %gather3A_399 = arith.constant 1 : i32
          %gather3A_400 = arith.constant 0 : i32
          %gather3A_401 = arith.constant 0 : i32
          %gather3A_402 = tpu.memref_slice %arg11[%gather3A_399, %gather3A_400, %gather3A_401] : memref<2x128x64xf32, #tpu.memory_space<vmem>> -> memref<1x128x64xf32, #tpu.memory_space<vmem>>
          %gather3A_403 = tpu.memref_squeeze %gather3A_402 : memref<1x128x64xf32, #tpu.memory_space<vmem>> -> memref<128x64xf32, #tpu.memory_space<vmem>>
          %gather3A_404 = tpu.vector_load_idx %gather3A_403[%add3A_203, %add3A_398] : memref<128x64xf32, #tpu.memory_space<vmem>>[vector<16xi32>, vector<16xi32>], vector<16xf32>,
          %add3A_405 = arith.constant 48 : i32
          %add3A_406 = vector.broadcast %add3A_405 : i32 to vector<16xi32>
          %add3A_407 = arith.addi %xor3A, %add3A_406 : vector<16xi32>
          %gather3A_408 = arith.constant 1 : i32
          %gather3A_409 = arith.constant 0 : i32
          %gather3A_410 = arith.constant 0 : i32
          %gather3A_411 = tpu.memref_slice %arg11[%gather3A_408, %gather3A_409, %gather3A_410] : memref<2x128x64xf32, #tpu.memory_space<vmem>> -> memref<1x128x64xf32, #tpu.memory_space<vmem>>
          %gather3A_412 = tpu.memref_squeeze %gather3A_411 : memref<1x128x64xf32, #tpu.memory_space<vmem>> -> memref<128x64xf32, #tpu.memory_space<vmem>>
          %gather3A_413 = tpu.vector_load_idx %gather3A_412[%add3A_203, %add3A_407] : memref<128x64xf32, #tpu.memory_space<vmem>>[vector<16xi32>, vector<16xi32>], vector<16xf32>,
          %scatter3A = arith.constant 1 : i32
          %scatter3A_414 = arith.constant 0 : i32
          %scatter3A_415 = arith.constant 0 : i32
          %scatter3A_416 = tpu.memref_slice %arg12[%scatter3A, %scatter3A_414, %scatter3A_415] : memref<2x64x128xf32, #tpu.memory_space<vmem>> -> memref<1x64x128xf32, #tpu.memory_space<vmem>>
          %scatter3A_417 = tpu.memref_squeeze %scatter3A_416 : memref<1x64x128xf32, #tpu.memory_space<vmem>> -> memref<64x128xf32, #tpu.memory_space<vmem>>
          tpu.vector_store_idx %scatter3A_417[%add3A_381, %add3A_203], %gather3A_386 : memref<64x128xf32, #tpu.memory_space<vmem>>[vector<16xi32>, vector<16xi32>], vector<16xf32>,
          %scatter3A_418 = arith.constant 1 : i32
          %scatter3A_419 = arith.constant 0 : i32
          %scatter3A_420 = arith.constant 0 : i32
          %scatter3A_421 = tpu.memref_slice %arg12[%scatter3A_418, %scatter3A_419, %scatter3A_420] : memref<2x64x128xf32, #tpu.memory_space<vmem>> -> memref<1x64x128xf32, #tpu.memory_space<vmem>>
          %scatter3A_422 = tpu.memref_squeeze %scatter3A_421 : memref<1x64x128xf32, #tpu.memory_space<vmem>> -> memref<64x128xf32, #tpu.memory_space<vmem>>
          tpu.vector_store_idx %scatter3A_422[%add3A_389, %add3A_203], %gather3A_395 : memref<64x128xf32, #tpu.memory_space<vmem>>[vector<16xi32>, vector<16xi32>], vector<16xf32>,
          %scatter3A_423 = arith.constant 1 : i32
          %scatter3A_424 = arith.constant 0 : i32
          %scatter3A_425 = arith.constant 0 : i32
          %scatter3A_426 = tpu.memref_slice %arg12[%scatter3A_423, %scatter3A_424, %scatter3A_425] : memref<2x64x128xf32, #tpu.memory_space<vmem>> -> memref<1x64x128xf32, #tpu.memory_space<vmem>>
          %scatter3A_427 = tpu.memref_squeeze %scatter3A_426 : memref<1x64x128xf32, #tpu.memory_space<vmem>> -> memref<64x128xf32, #tpu.memory_space<vmem>>
          tpu.vector_store_idx %scatter3A_427[%add3A_398, %add3A_203], %gather3A_404 : memref<64x128xf32, #tpu.memory_space<vmem>>[vector<16xi32>, vector<16xi32>], vector<16xf32>,
          %scatter3A_428 = arith.constant 1 : i32
          %scatter3A_429 = arith.constant 0 : i32
          %scatter3A_430 = arith.constant 0 : i32
          %scatter3A_431 = tpu.memref_slice %arg12[%scatter3A_428, %scatter3A_429, %scatter3A_430] : memref<2x64x128xf32, #tpu.memory_space<vmem>> -> memref<1x64x128xf32, #tpu.memory_space<vmem>>
          %scatter3A_432 = tpu.memref_squeeze %scatter3A_431 : memref<1x64x128xf32, #tpu.memory_space<vmem>> -> memref<64x128xf32, #tpu.memory_space<vmem>>
          tpu.vector_store_idx %scatter3A_432[%add3A_407, %add3A_203], %gather3A_413 : memref<64x128xf32, #tpu.memory_space<vmem>>[vector<16xi32>, vector<16xi32>], vector<16xf32>,
          %scan3A_433 = arith.constant 1 : i32
          %scan3A_434 = arith.addi %scan3A_378, %scan3A_433 : i32
          %broadcast_in_dim3A_435 = vector.broadcast %scan3A_434 : i32 to vector<16xi32>
          %xor3A_436 = arith.xori %broadcast_in_dim3A_435, %iota3A : vector<16xi32>
          %add3A_437 = arith.constant 0 : i32
          %add3A_438 = vector.broadcast %add3A_437 : i32 to vector<16xi32>
          %add3A_439 = arith.addi %xor3A_436, %add3A_438 : vector<16xi32>
          %gather3A_440 = arith.constant 1 : i32
          %gather3A_441 = arith.constant 0 : i32
          %gather3A_442 = arith.constant 0 : i32
          %gather3A_443 = tpu.memref_slice %arg11[%gather3A_440, %gather3A_441, %gather3A_442] : memref<2x128x64xf32, #tpu.memory_space<vmem>> -> memref<1x128x64xf32, #tpu.memory_space<vmem>>
          %gather3A_444 = tpu.memref_squeeze %gather3A_443 : memref<1x128x64xf32, #tpu.memory_space<vmem>> -> memref<128x64xf32, #tpu.memory_space<vmem>>
          %gather3A_445 = tpu.vector_load_idx %gather3A_444[%add3A_203, %add3A_439] : memref<128x64xf32, #tpu.memory_space<vmem>>[vector<16xi32>, vector<16xi32>], vector<16xf32>,
          %add3A_446 = arith.constant 16 : i32
          %add3A_447 = vector.broadcast %add3A_446 : i32 to vector<16xi32>
          %add3A_448 = arith.addi %xor3A_436, %add3A_447 : vector<16xi32>
          %gather3A_449 = arith.constant 1 : i32
          %gather3A_450 = arith.constant 0 : i32
          %gather3A_451 = arith.constant 0 : i32
          %gather3A_452 = tpu.memref_slice %arg11[%gather3A_449, %gather3A_450, %gather3A_451] : memref<2x128x64xf32, #tpu.memory_space<vmem>> -> memref<1x128x64xf32, #tpu.memory_space<vmem>>
          %gather3A_453 = tpu.memref_squeeze %gather3A_452 : memref<1x128x64xf32, #tpu.memory_space<vmem>> -> memref<128x64xf32, #tpu.memory_space<vmem>>
          %gather3A_454 = tpu.vector_load_idx %gather3A_453[%add3A_203, %add3A_448] : memref<128x64xf32, #tpu.memory_space<vmem>>[vector<16xi32>, vector<16xi32>], vector<16xf32>,
          %add3A_455 = arith.constant 32 : i32
          %add3A_456 = vector.broadcast %add3A_455 : i32 to vector<16xi32>
          %add3A_457 = arith.addi %xor3A_436, %add3A_456 : vector<16xi32>
          %gather3A_458 = arith.constant 1 : i32
          %gather3A_459 = arith.constant 0 : i32
          %gather3A_460 = arith.constant 0 : i32
          %gather3A_461 = tpu.memref_slice %arg11[%gather3A_458, %gather3A_459, %gather3A_460] : memref<2x128x64xf32, #tpu.memory_space<vmem>> -> memref<1x128x64xf32, #tpu.memory_space<vmem>>
          %gather3A_462 = tpu.memref_squeeze %gather3A_461 : memref<1x128x64xf32, #tpu.memory_space<vmem>> -> memref<128x64xf32, #tpu.memory_space<vmem>>
          %gather3A_463 = tpu.vector_load_idx %gather3A_462[%add3A_203, %add3A_457] : memref<128x64xf32, #tpu.memory_space<vmem>>[vector<16xi32>, vector<16xi32>], vector<16xf32>,
          %add3A_464 = arith.constant 48 : i32
          %add3A_465 = vector.broadcast %add3A_464 : i32 to vector<16xi32>
          %add3A_466 = arith.addi %xor3A_436, %add3A_465 : vector<16xi32>
          %gather3A_467 = arith.constant 1 : i32
          %gather3A_468 = arith.constant 0 : i32
          %gather3A_469 = arith.constant 0 : i32
          %gather3A_470 = tpu.memref_slice %arg11[%gather3A_467, %gather3A_468, %gather3A_469] : memref<2x128x64xf32, #tpu.memory_space<vmem>> -> memref<1x128x64xf32, #tpu.memory_space<vmem>>
          %gather3A_471 = tpu.memref_squeeze %gather3A_470 : memref<1x128x64xf32, #tpu.memory_space<vmem>> -> memref<128x64xf32, #tpu.memory_space<vmem>>
          %gather3A_472 = tpu.vector_load_idx %gather3A_471[%add3A_203, %add3A_466] : memref<128x64xf32, #tpu.memory_space<vmem>>[vector<16xi32>, vector<16xi32>], vector<16xf32>,
          %scatter3A_473 = arith.constant 1 : i32
          %scatter3A_474 = arith.constant 0 : i32
          %scatter3A_475 = arith.constant 0 : i32
          %scatter3A_476 = tpu.memref_slice %arg12[%scatter3A_473, %scatter3A_474, %scatter3A_475] : memref<2x64x128xf32, #tpu.memory_space<vmem>> -> memref<1x64x128xf32, #tpu.memory_space<vmem>>
          %scatter3A_477 = tpu.memref_squeeze %scatter3A_476 : memref<1x64x128xf32, #tpu.memory_space<vmem>> -> memref<64x128xf32, #tpu.memory_space<vmem>>
          tpu.vector_store_idx %scatter3A_477[%add3A_439, %add3A_203], %gather3A_445 : memref<64x128xf32, #tpu.memory_space<vmem>>[vector<16xi32>, vector<16xi32>], vector<16xf32>,
          %scatter3A_478 = arith.constant 1 : i32
          %scatter3A_479 = arith.constant 0 : i32
          %scatter3A_480 = arith.constant 0 : i32
          %scatter3A_481 = tpu.memref_slice %arg12[%scatter3A_478, %scatter3A_479, %scatter3A_480] : memref<2x64x128xf32, #tpu.memory_space<vmem>> -> memref<1x64x128xf32, #tpu.memory_space<vmem>>
          %scatter3A_482 = tpu.memref_squeeze %scatter3A_481 : memref<1x64x128xf32, #tpu.memory_space<vmem>> -> memref<64x128xf32, #tpu.memory_space<vmem>>
          tpu.vector_store_idx %scatter3A_482[%add3A_448, %add3A_203], %gather3A_454 : memref<64x128xf32, #tpu.memory_space<vmem>>[vector<16xi32>, vector<16xi32>], vector<16xf32>,
          %scatter3A_483 = arith.constant 1 : i32
          %scatter3A_484 = arith.constant 0 : i32
          %scatter3A_485 = arith.constant 0 : i32
          %scatter3A_486 = tpu.memref_slice %arg12[%scatter3A_483, %scatter3A_484, %scatter3A_485] : memref<2x64x128xf32, #tpu.memory_space<vmem>> -> memref<1x64x128xf32, #tpu.memory_space<vmem>>
          %scatter3A_487 = tpu.memref_squeeze %scatter3A_486 : memref<1x64x128xf32, #tpu.memory_space<vmem>> -> memref<64x128xf32, #tpu.memory_space<vmem>>
          tpu.vector_store_idx %scatter3A_487[%add3A_457, %add3A_203], %gather3A_463 : memref<64x128xf32, #tpu.memory_space<vmem>>[vector<16xi32>, vector<16xi32>], vector<16xf32>,
          %scatter3A_488 = arith.constant 1 : i32
          %scatter3A_489 = arith.constant 0 : i32
          %scatter3A_490 = arith.constant 0 : i32
          %scatter3A_491 = tpu.memref_slice %arg12[%scatter3A_488, %scatter3A_489, %scatter3A_490] : memref<2x64x128xf32, #tpu.memory_space<vmem>> -> memref<1x64x128xf32, #tpu.memory_space<vmem>>
          %scatter3A_492 = tpu.memref_squeeze %scatter3A_491 : memref<1x64x128xf32, #tpu.memory_space<vmem>> -> memref<64x128xf32, #tpu.memory_space<vmem>>
          tpu.vector_store_idx %scatter3A_492[%add3A_466, %add3A_203], %gather3A_472 : memref<64x128xf32, #tpu.memory_space<vmem>>[vector<16xi32>, vector<16xi32>], vector<16xf32>,
        }
        %scan3A_209 = arith.constant 16 : i32
        %dma_start3A_210 = arith.constant 1 : i32
        %dma_start3A_211 = arith.constant 0 : i32
        %dma_start3A_212 = arith.constant 1 : i32
        %dma_start3A_213 = arith.constant 0 : i32
        %dma_start3A_214 = arith.constant 0 : i32
        %dma_start3A_215 = tpu.memref_slice %arg12[%dma_start3A_210, %dma_start3A_213, %dma_start3A_214] : memref<2x64x128xf32, #tpu.memory_space<vmem>> -> memref<1x8x128xf32, #tpu.memory_space<vmem>>
        %dma_start3A_216 = tpu.memref_squeeze %dma_start3A_215 : memref<1x8x128xf32, #tpu.memory_space<vmem>> -> memref<8x128xf32, #tpu.memory_space<vmem>>
        %dma_start3A_217 = arith.constant 0 : i32
        %dma_start3A_218 = arith.constant 0 : i32
        %dma_start3A_219 = tpu.memref_slice %arg6[%add3A_105, %dma_start3A_211, %select_n3A, %dma_start3A_217, %dma_start3A_218] : memref<200x8x32x8x128xf32, #tpu.memory_space<hbm>> -> memref<1x1x1x8x128xf32, #tpu.memory_space<hbm>>
        %dma_start3A_220 = tpu.memref_squeeze %dma_start3A_219 : memref<1x1x1x8x128xf32, #tpu.memory_space<hbm>> -> memref<8x128xf32, #tpu.memory_space<hbm>>
        %dma_start3A_221 = tpu.memref_slice %arg15[%dma_start3A_212] : memref<2x!tpu.dma_semaphore, #tpu.memory_space<semaphore_mem>> -> memref<1x!tpu.dma_semaphore, #tpu.memory_space<semaphore_mem>>
        %dma_start3A_222 = tpu.memref_squeeze %dma_start3A_221 : memref<1x!tpu.dma_semaphore, #tpu.memory_space<semaphore_mem>> -> memref<!tpu.dma_semaphore, #tpu.memory_space<semaphore_mem>>
        %dma_start3A_223 = arith.constant 0 : i32
        %dma_start3A_224 = arith.constant 0 : i32
        %dma_start3A_225 = tpu.memref_slice %arg6[%add3A_105, %dma_start3A_211, %select_n3A, %dma_start3A_223, %dma_start3A_224] : memref<200x8x32x8x128xf32, #tpu.memory_space<hbm>> -> memref<1x1x1x8x128xf32, #tpu.memory_space<hbm>>
        %dma_start3A_226 = tpu.memref_squeeze %dma_start3A_225 : memref<1x1x1x8x128xf32, #tpu.memory_space<hbm>> -> memref<8x128xf32, #tpu.memory_space<hbm>>
        %dma_start3A_227 = arith.constant 0 : i32
        %dma_start3A_228 = arith.constant 0 : i32
        %dma_start3A_229 = tpu.memref_slice %arg12[%dma_start3A_210, %dma_start3A_227, %dma_start3A_228] : memref<2x64x128xf32, #tpu.memory_space<vmem>> -> memref<1x8x128xf32, #tpu.memory_space<vmem>>
        %dma_start3A_230 = tpu.memref_squeeze %dma_start3A_229 : memref<1x8x128xf32, #tpu.memory_space<vmem>> -> memref<8x128xf32, #tpu.memory_space<vmem>>
        tpu.enqueue_dma source(%dma_start3A_230 : memref<8x128xf32, #tpu.memory_space<vmem>>) target(%dma_start3A_226 : memref<8x128xf32, #tpu.memory_space<hbm>>) target_semaphore(%dma_start3A_222 : memref<!tpu.dma_semaphore, #tpu.memory_space<semaphore_mem>>)
        %dma_start3A_231 = arith.constant 1 : i32
        %dma_start3A_232 = arith.constant 1 : i32
        %dma_start3A_233 = arith.constant 1 : i32
        %dma_start3A_234 = arith.constant 8 : i32
        %dma_start3A_235 = arith.constant 0 : i32
        %dma_start3A_236 = tpu.memref_slice %arg12[%dma_start3A_231, %dma_start3A_234, %dma_start3A_235] : memref<2x64x128xf32, #tpu.memory_space<vmem>> -> memref<1x8x128xf32, #tpu.memory_space<vmem>>
        %dma_start3A_237 = tpu.memref_squeeze %dma_start3A_236 : memref<1x8x128xf32, #tpu.memory_space<vmem>> -> memref<8x128xf32, #tpu.memory_space<vmem>>
        %dma_start3A_238 = arith.constant 0 : i32
        %dma_start3A_239 = arith.constant 0 : i32
        %dma_start3A_240 = tpu.memref_slice %arg6[%add3A_105, %dma_start3A_232, %select_n3A, %dma_start3A_238, %dma_start3A_239] : memref<200x8x32x8x128xf32, #tpu.memory_space<hbm>> -> memref<1x1x1x8x128xf32, #tpu.memory_space<hbm>>
        %dma_start3A_241 = tpu.memref_squeeze %dma_start3A_240 : memref<1x1x1x8x128xf32, #tpu.memory_space<hbm>> -> memref<8x128xf32, #tpu.memory_space<hbm>>
        %dma_start3A_242 = tpu.memref_slice %arg15[%dma_start3A_233] : memref<2x!tpu.dma_semaphore, #tpu.memory_space<semaphore_mem>> -> memref<1x!tpu.dma_semaphore, #tpu.memory_space<semaphore_mem>>
        %dma_start3A_243 = tpu.memref_squeeze %dma_start3A_242 : memref<1x!tpu.dma_semaphore, #tpu.memory_space<semaphore_mem>> -> memref<!tpu.dma_semaphore, #tpu.memory_space<semaphore_mem>>
        %dma_start3A_244 = arith.constant 0 : i32
        %dma_start3A_245 = arith.constant 0 : i32
        %dma_start3A_246 = tpu.memref_slice %arg6[%add3A_105, %dma_start3A_232, %select_n3A, %dma_start3A_244, %dma_start3A_245] : memref<200x8x32x8x128xf32, #tpu.memory_space<hbm>> -> memref<1x1x1x8x128xf32, #tpu.memory_space<hbm>>
        %dma_start3A_247 = tpu.memref_squeeze %dma_start3A_246 : memref<1x1x1x8x128xf32, #tpu.memory_space<hbm>> -> memref<8x128xf32, #tpu.memory_space<hbm>>
        %dma_start3A_248 = arith.constant 8 : i32
        %dma_start3A_249 = arith.constant 0 : i32
        %dma_start3A_250 = tpu.memref_slice %arg12[%dma_start3A_231, %dma_start3A_248, %dma_start3A_249] : memref<2x64x128xf32, #tpu.memory_space<vmem>> -> memref<1x8x128xf32, #tpu.memory_space<vmem>>
        %dma_start3A_251 = tpu.memref_squeeze %dma_start3A_250 : memref<1x8x128xf32, #tpu.memory_space<vmem>> -> memref<8x128xf32, #tpu.memory_space<vmem>>
        tpu.enqueue_dma source(%dma_start3A_251 : memref<8x128xf32, #tpu.memory_space<vmem>>) target(%dma_start3A_247 : memref<8x128xf32, #tpu.memory_space<hbm>>) target_semaphore(%dma_start3A_243 : memref<!tpu.dma_semaphore, #tpu.memory_space<semaphore_mem>>)
        %dma_start3A_252 = arith.constant 1 : i32
        %dma_start3A_253 = arith.constant 2 : i32
        %dma_start3A_254 = arith.constant 1 : i32
        %dma_start3A_255 = arith.constant 16 : i32
        %dma_start3A_256 = arith.constant 0 : i32
        %dma_start3A_257 = tpu.memref_slice %arg12[%dma_start3A_252, %dma_start3A_255, %dma_start3A_256] : memref<2x64x128xf32, #tpu.memory_space<vmem>> -> memref<1x8x128xf32, #tpu.memory_space<vmem>>
        %dma_start3A_258 = tpu.memref_squeeze %dma_start3A_257 : memref<1x8x128xf32, #tpu.memory_space<vmem>> -> memref<8x128xf32, #tpu.memory_space<vmem>>
        %dma_start3A_259 = arith.constant 0 : i32
        %dma_start3A_260 = arith.constant 0 : i32
        %dma_start3A_261 = tpu.memref_slice %arg6[%add3A_105, %dma_start3A_253, %select_n3A, %dma_start3A_259, %dma_start3A_260] : memref<200x8x32x8x128xf32, #tpu.memory_space<hbm>> -> memref<1x1x1x8x128xf32, #tpu.memory_space<hbm>>
        %dma_start3A_262 = tpu.memref_squeeze %dma_start3A_261 : memref<1x1x1x8x128xf32, #tpu.memory_space<hbm>> -> memref<8x128xf32, #tpu.memory_space<hbm>>
        %dma_start3A_263 = tpu.memref_slice %arg15[%dma_start3A_254] : memref<2x!tpu.dma_semaphore, #tpu.memory_space<semaphore_mem>> -> memref<1x!tpu.dma_semaphore, #tpu.memory_space<semaphore_mem>>
        %dma_start3A_264 = tpu.memref_squeeze %dma_start3A_263 : memref<1x!tpu.dma_semaphore, #tpu.memory_space<semaphore_mem>> -> memref<!tpu.dma_semaphore, #tpu.memory_space<semaphore_mem>>
        %dma_start3A_265 = arith.constant 0 : i32
        %dma_start3A_266 = arith.constant 0 : i32
        %dma_start3A_267 = tpu.memref_slice %arg6[%add3A_105, %dma_start3A_253, %select_n3A, %dma_start3A_265, %dma_start3A_266] : memref<200x8x32x8x128xf32, #tpu.memory_space<hbm>> -> memref<1x1x1x8x128xf32, #tpu.memory_space<hbm>>
        %dma_start3A_268 = tpu.memref_squeeze %dma_start3A_267 : memref<1x1x1x8x128xf32, #tpu.memory_space<hbm>> -> memref<8x128xf32, #tpu.memory_space<hbm>>
        %dma_start3A_269 = arith.constant 16 : i32
        %dma_start3A_270 = arith.constant 0 : i32
        %dma_start3A_271 = tpu.memref_slice %arg12[%dma_start3A_252, %dma_start3A_269, %dma_start3A_270] : memref<2x64x128xf32, #tpu.memory_space<vmem>> -> memref<1x8x128xf32, #tpu.memory_space<vmem>>
        %dma_start3A_272 = tpu.memref_squeeze %dma_start3A_271 : memref<1x8x128xf32, #tpu.memory_space<vmem>> -> memref<8x128xf32, #tpu.memory_space<vmem>>
        tpu.enqueue_dma source(%dma_start3A_272 : memref<8x128xf32, #tpu.memory_space<vmem>>) target(%dma_start3A_268 : memref<8x128xf32, #tpu.memory_space<hbm>>) target_semaphore(%dma_start3A_264 : memref<!tpu.dma_semaphore, #tpu.memory_space<semaphore_mem>>)
        %dma_start3A_273 = arith.constant 1 : i32
        %dma_start3A_274 = arith.constant 3 : i32
        %dma_start3A_275 = arith.constant 1 : i32
        %dma_start3A_276 = arith.constant 24 : i32
        %dma_start3A_277 = arith.constant 0 : i32
        %dma_start3A_278 = tpu.memref_slice %arg12[%dma_start3A_273, %dma_start3A_276, %dma_start3A_277] : memref<2x64x128xf32, #tpu.memory_space<vmem>> -> memref<1x8x128xf32, #tpu.memory_space<vmem>>
        %dma_start3A_279 = tpu.memref_squeeze %dma_start3A_278 : memref<1x8x128xf32, #tpu.memory_space<vmem>> -> memref<8x128xf32, #tpu.memory_space<vmem>>
        %dma_start3A_280 = arith.constant 0 : i32
        %dma_start3A_281 = arith.constant 0 : i32
        %dma_start3A_282 = tpu.memref_slice %arg6[%add3A_105, %dma_start3A_274, %select_n3A, %dma_start3A_280, %dma_start3A_281] : memref<200x8x32x8x128xf32, #tpu.memory_space<hbm>> -> memref<1x1x1x8x128xf32, #tpu.memory_space<hbm>>
        %dma_start3A_283 = tpu.memref_squeeze %dma_start3A_282 : memref<1x1x1x8x128xf32, #tpu.memory_space<hbm>> -> memref<8x128xf32, #tpu.memory_space<hbm>>
        %dma_start3A_284 = tpu.memref_slice %arg15[%dma_start3A_275] : memref<2x!tpu.dma_semaphore, #tpu.memory_space<semaphore_mem>> -> memref<1x!tpu.dma_semaphore, #tpu.memory_space<semaphore_mem>>
        %dma_start3A_285 = tpu.memref_squeeze %dma_start3A_284 : memref<1x!tpu.dma_semaphore, #tpu.memory_space<semaphore_mem>> -> memref<!tpu.dma_semaphore, #tpu.memory_space<semaphore_mem>>
        %dma_start3A_286 = arith.constant 0 : i32
        %dma_start3A_287 = arith.constant 0 : i32
        %dma_start3A_288 = tpu.memref_slice %arg6[%add3A_105, %dma_start3A_274, %select_n3A, %dma_start3A_286, %dma_start3A_287] : memref<200x8x32x8x128xf32, #tpu.memory_space<hbm>> -> memref<1x1x1x8x128xf32, #tpu.memory_space<hbm>>
        %dma_start3A_289 = tpu.memref_squeeze %dma_start3A_288 : memref<1x1x1x8x128xf32, #tpu.memory_space<hbm>> -> memref<8x128xf32, #tpu.memory_space<hbm>>
        %dma_start3A_290 = arith.constant 24 : i32
        %dma_start3A_291 = arith.constant 0 : i32
        %dma_start3A_292 = tpu.memref_slice %arg12[%dma_start3A_273, %dma_start3A_290, %dma_start3A_291] : memref<2x64x128xf32, #tpu.memory_space<vmem>> -> memref<1x8x128xf32, #tpu.memory_space<vmem>>
        %dma_start3A_293 = tpu.memref_squeeze %dma_start3A_292 : memref<1x8x128xf32, #tpu.memory_space<vmem>> -> memref<8x128xf32, #tpu.memory_space<vmem>>
        tpu.enqueue_dma source(%dma_start3A_293 : memref<8x128xf32, #tpu.memory_space<vmem>>) target(%dma_start3A_289 : memref<8x128xf32, #tpu.memory_space<hbm>>) target_semaphore(%dma_start3A_285 : memref<!tpu.dma_semaphore, #tpu.memory_space<semaphore_mem>>)
        %dma_start3A_294 = arith.constant 1 : i32
        %dma_start3A_295 = arith.constant 4 : i32
        %dma_start3A_296 = arith.constant 1 : i32
        %dma_start3A_297 = arith.constant 32 : i32
        %dma_start3A_298 = arith.constant 0 : i32
        %dma_start3A_299 = tpu.memref_slice %arg12[%dma_start3A_294, %dma_start3A_297, %dma_start3A_298] : memref<2x64x128xf32, #tpu.memory_space<vmem>> -> memref<1x8x128xf32, #tpu.memory_space<vmem>>
        %dma_start3A_300 = tpu.memref_squeeze %dma_start3A_299 : memref<1x8x128xf32, #tpu.memory_space<vmem>> -> memref<8x128xf32, #tpu.memory_space<vmem>>
        %dma_start3A_301 = arith.constant 0 : i32
        %dma_start3A_302 = arith.constant 0 : i32
        %dma_start3A_303 = tpu.memref_slice %arg6[%add3A_105, %dma_start3A_295, %select_n3A, %dma_start3A_301, %dma_start3A_302] : memref<200x8x32x8x128xf32, #tpu.memory_space<hbm>> -> memref<1x1x1x8x128xf32, #tpu.memory_space<hbm>>
        %dma_start3A_304 = tpu.memref_squeeze %dma_start3A_303 : memref<1x1x1x8x128xf32, #tpu.memory_space<hbm>> -> memref<8x128xf32, #tpu.memory_space<hbm>>
        %dma_start3A_305 = tpu.memref_slice %arg15[%dma_start3A_296] : memref<2x!tpu.dma_semaphore, #tpu.memory_space<semaphore_mem>> -> memref<1x!tpu.dma_semaphore, #tpu.memory_space<semaphore_mem>>
        %dma_start3A_306 = tpu.memref_squeeze %dma_start3A_305 : memref<1x!tpu.dma_semaphore, #tpu.memory_space<semaphore_mem>> -> memref<!tpu.dma_semaphore, #tpu.memory_space<semaphore_mem>>
        %dma_start3A_307 = arith.constant 0 : i32
        %dma_start3A_308 = arith.constant 0 : i32
        %dma_start3A_309 = tpu.memref_slice %arg6[%add3A_105, %dma_start3A_295, %select_n3A, %dma_start3A_307, %dma_start3A_308] : memref<200x8x32x8x128xf32, #tpu.memory_space<hbm>> -> memref<1x1x1x8x128xf32, #tpu.memory_space<hbm>>
        %dma_start3A_310 = tpu.memref_squeeze %dma_start3A_309 : memref<1x1x1x8x128xf32, #tpu.memory_space<hbm>> -> memref<8x128xf32, #tpu.memory_space<hbm>>
        %dma_start3A_311 = arith.constant 32 : i32
        %dma_start3A_312 = arith.constant 0 : i32
        %dma_start3A_313 = tpu.memref_slice %arg12[%dma_start3A_294, %dma_start3A_311, %dma_start3A_312] : memref<2x64x128xf32, #tpu.memory_space<vmem>> -> memref<1x8x128xf32, #tpu.memory_space<vmem>>
        %dma_start3A_314 = tpu.memref_squeeze %dma_start3A_313 : memref<1x8x128xf32, #tpu.memory_space<vmem>> -> memref<8x128xf32, #tpu.memory_space<vmem>>
        tpu.enqueue_dma source(%dma_start3A_314 : memref<8x128xf32, #tpu.memory_space<vmem>>) target(%dma_start3A_310 : memref<8x128xf32, #tpu.memory_space<hbm>>) target_semaphore(%dma_start3A_306 : memref<!tpu.dma_semaphore, #tpu.memory_space<semaphore_mem>>)
        %dma_start3A_315 = arith.constant 1 : i32
        %dma_start3A_316 = arith.constant 5 : i32
        %dma_start3A_317 = arith.constant 1 : i32
        %dma_start3A_318 = arith.constant 40 : i32
        %dma_start3A_319 = arith.constant 0 : i32
        %dma_start3A_320 = tpu.memref_slice %arg12[%dma_start3A_315, %dma_start3A_318, %dma_start3A_319] : memref<2x64x128xf32, #tpu.memory_space<vmem>> -> memref<1x8x128xf32, #tpu.memory_space<vmem>>
        %dma_start3A_321 = tpu.memref_squeeze %dma_start3A_320 : memref<1x8x128xf32, #tpu.memory_space<vmem>> -> memref<8x128xf32, #tpu.memory_space<vmem>>
        %dma_start3A_322 = arith.constant 0 : i32
        %dma_start3A_323 = arith.constant 0 : i32
        %dma_start3A_324 = tpu.memref_slice %arg6[%add3A_105, %dma_start3A_316, %select_n3A, %dma_start3A_322, %dma_start3A_323] : memref<200x8x32x8x128xf32, #tpu.memory_space<hbm>> -> memref<1x1x1x8x128xf32, #tpu.memory_space<hbm>>
        %dma_start3A_325 = tpu.memref_squeeze %dma_start3A_324 : memref<1x1x1x8x128xf32, #tpu.memory_space<hbm>> -> memref<8x128xf32, #tpu.memory_space<hbm>>
        %dma_start3A_326 = tpu.memref_slice %arg15[%dma_start3A_317] : memref<2x!tpu.dma_semaphore, #tpu.memory_space<semaphore_mem>> -> memref<1x!tpu.dma_semaphore, #tpu.memory_space<semaphore_mem>>
        %dma_start3A_327 = tpu.memref_squeeze %dma_start3A_326 : memref<1x!tpu.dma_semaphore, #tpu.memory_space<semaphore_mem>> -> memref<!tpu.dma_semaphore, #tpu.memory_space<semaphore_mem>>
        %dma_start3A_328 = arith.constant 0 : i32
        %dma_start3A_329 = arith.constant 0 : i32
        %dma_start3A_330 = tpu.memref_slice %arg6[%add3A_105, %dma_start3A_316, %select_n3A, %dma_start3A_328, %dma_start3A_329] : memref<200x8x32x8x128xf32, #tpu.memory_space<hbm>> -> memref<1x1x1x8x128xf32, #tpu.memory_space<hbm>>
        %dma_start3A_331 = tpu.memref_squeeze %dma_start3A_330 : memref<1x1x1x8x128xf32, #tpu.memory_space<hbm>> -> memref<8x128xf32, #tpu.memory_space<hbm>>
        %dma_start3A_332 = arith.constant 40 : i32
        %dma_start3A_333 = arith.constant 0 : i32
        %dma_start3A_334 = tpu.memref_slice %arg12[%dma_start3A_315, %dma_start3A_332, %dma_start3A_333] : memref<2x64x128xf32, #tpu.memory_space<vmem>> -> memref<1x8x128xf32, #tpu.memory_space<vmem>>
        %dma_start3A_335 = tpu.memref_squeeze %dma_start3A_334 : memref<1x8x128xf32, #tpu.memory_space<vmem>> -> memref<8x128xf32, #tpu.memory_space<vmem>>
        tpu.enqueue_dma source(%dma_start3A_335 : memref<8x128xf32, #tpu.memory_space<vmem>>) target(%dma_start3A_331 : memref<8x128xf32, #tpu.memory_space<hbm>>) target_semaphore(%dma_start3A_327 : memref<!tpu.dma_semaphore, #tpu.memory_space<semaphore_mem>>)
        %dma_start3A_336 = arith.constant 1 : i32
        %dma_start3A_337 = arith.constant 6 : i32
        %dma_start3A_338 = arith.constant 1 : i32
        %dma_start3A_339 = arith.constant 48 : i32
        %dma_start3A_340 = arith.constant 0 : i32
        %dma_start3A_341 = tpu.memref_slice %arg12[%dma_start3A_336, %dma_start3A_339, %dma_start3A_340] : memref<2x64x128xf32, #tpu.memory_space<vmem>> -> memref<1x8x128xf32, #tpu.memory_space<vmem>>
        %dma_start3A_342 = tpu.memref_squeeze %dma_start3A_341 : memref<1x8x128xf32, #tpu.memory_space<vmem>> -> memref<8x128xf32, #tpu.memory_space<vmem>>
        %dma_start3A_343 = arith.constant 0 : i32
        %dma_start3A_344 = arith.constant 0 : i32
        %dma_start3A_345 = tpu.memref_slice %arg6[%add3A_105, %dma_start3A_337, %select_n3A, %dma_start3A_343, %dma_start3A_344] : memref<200x8x32x8x128xf32, #tpu.memory_space<hbm>> -> memref<1x1x1x8x128xf32, #tpu.memory_space<hbm>>
        %dma_start3A_346 = tpu.memref_squeeze %dma_start3A_345 : memref<1x1x1x8x128xf32, #tpu.memory_space<hbm>> -> memref<8x128xf32, #tpu.memory_space<hbm>>
        %dma_start3A_347 = tpu.memref_slice %arg15[%dma_start3A_338] : memref<2x!tpu.dma_semaphore, #tpu.memory_space<semaphore_mem>> -> memref<1x!tpu.dma_semaphore, #tpu.memory_space<semaphore_mem>>
        %dma_start3A_348 = tpu.memref_squeeze %dma_start3A_347 : memref<1x!tpu.dma_semaphore, #tpu.memory_space<semaphore_mem>> -> memref<!tpu.dma_semaphore, #tpu.memory_space<semaphore_mem>>
        %dma_start3A_349 = arith.constant 0 : i32
        %dma_start3A_350 = arith.constant 0 : i32
        %dma_start3A_351 = tpu.memref_slice %arg6[%add3A_105, %dma_start3A_337, %select_n3A, %dma_start3A_349, %dma_start3A_350] : memref<200x8x32x8x128xf32, #tpu.memory_space<hbm>> -> memref<1x1x1x8x128xf32, #tpu.memory_space<hbm>>
        %dma_start3A_352 = tpu.memref_squeeze %dma_start3A_351 : memref<1x1x1x8x128xf32, #tpu.memory_space<hbm>> -> memref<8x128xf32, #tpu.memory_space<hbm>>
        %dma_start3A_353 = arith.constant 48 : i32
        %dma_start3A_354 = arith.constant 0 : i32
        %dma_start3A_355 = tpu.memref_slice %arg12[%dma_start3A_336, %dma_start3A_353, %dma_start3A_354] : memref<2x64x128xf32, #tpu.memory_space<vmem>> -> memref<1x8x128xf32, #tpu.memory_space<vmem>>
        %dma_start3A_356 = tpu.memref_squeeze %dma_start3A_355 : memref<1x8x128xf32, #tpu.memory_space<vmem>> -> memref<8x128xf32, #tpu.memory_space<vmem>>
        tpu.enqueue_dma source(%dma_start3A_356 : memref<8x128xf32, #tpu.memory_space<vmem>>) target(%dma_start3A_352 : memref<8x128xf32, #tpu.memory_space<hbm>>) target_semaphore(%dma_start3A_348 : memref<!tpu.dma_semaphore, #tpu.memory_space<semaphore_mem>>)
        %dma_start3A_357 = arith.constant 1 : i32
        %dma_start3A_358 = arith.constant 7 : i32
        %dma_start3A_359 = arith.constant 1 : i32
        %dma_start3A_360 = arith.constant 56 : i32
        %dma_start3A_361 = arith.constant 0 : i32
        %dma_start3A_362 = tpu.memref_slice %arg12[%dma_start3A_357, %dma_start3A_360, %dma_start3A_361] : memref<2x64x128xf32, #tpu.memory_space<vmem>> -> memref<1x8x128xf32, #tpu.memory_space<vmem>>
        %dma_start3A_363 = tpu.memref_squeeze %dma_start3A_362 : memref<1x8x128xf32, #tpu.memory_space<vmem>> -> memref<8x128xf32, #tpu.memory_space<vmem>>
        %dma_start3A_364 = arith.constant 0 : i32
        %dma_start3A_365 = arith.constant 0 : i32
        %dma_start3A_366 = tpu.memref_slice %arg6[%add3A_105, %dma_start3A_358, %select_n3A, %dma_start3A_364, %dma_start3A_365] : memref<200x8x32x8x128xf32, #tpu.memory_space<hbm>> -> memref<1x1x1x8x128xf32, #tpu.memory_space<hbm>>
        %dma_start3A_367 = tpu.memref_squeeze %dma_start3A_366 : memref<1x1x1x8x128xf32, #tpu.memory_space<hbm>> -> memref<8x128xf32, #tpu.memory_space<hbm>>
        %dma_start3A_368 = tpu.memref_slice %arg15[%dma_start3A_359] : memref<2x!tpu.dma_semaphore, #tpu.memory_space<semaphore_mem>> -> memref<1x!tpu.dma_semaphore, #tpu.memory_space<semaphore_mem>>
        %dma_start3A_369 = tpu.memref_squeeze %dma_start3A_368 : memref<1x!tpu.dma_semaphore, #tpu.memory_space<semaphore_mem>> -> memref<!tpu.dma_semaphore, #tpu.memory_space<semaphore_mem>>
        %dma_start3A_370 = arith.constant 0 : i32
        %dma_start3A_371 = arith.constant 0 : i32
        %dma_start3A_372 = tpu.memref_slice %arg6[%add3A_105, %dma_start3A_358, %select_n3A, %dma_start3A_370, %dma_start3A_371] : memref<200x8x32x8x128xf32, #tpu.memory_space<hbm>> -> memref<1x1x1x8x128xf32, #tpu.memory_space<hbm>>
        %dma_start3A_373 = tpu.memref_squeeze %dma_start3A_372 : memref<1x1x1x8x128xf32, #tpu.memory_space<hbm>> -> memref<8x128xf32, #tpu.memory_space<hbm>>
        %dma_start3A_374 = arith.constant 56 : i32
        %dma_start3A_375 = arith.constant 0 : i32
        %dma_start3A_376 = tpu.memref_slice %arg12[%dma_start3A_357, %dma_start3A_374, %dma_start3A_375] : memref<2x64x128xf32, #tpu.memory_space<vmem>> -> memref<1x8x128xf32, #tpu.memory_space<vmem>>
        %dma_start3A_377 = tpu.memref_squeeze %dma_start3A_376 : memref<1x8x128xf32, #tpu.memory_space<vmem>> -> memref<8x128xf32, #tpu.memory_space<vmem>>
        tpu.enqueue_dma source(%dma_start3A_377 : memref<8x128xf32, #tpu.memory_space<vmem>>) target(%dma_start3A_373 : memref<8x128xf32, #tpu.memory_space<hbm>>) target_semaphore(%dma_start3A_369 : memref<!tpu.dma_semaphore, #tpu.memory_space<semaphore_mem>>)
      } else {
      }
      %add3A_131 = arith.constant 1 : i32
      %add3A_132 = arith.addi %add3A_105, %add3A_131 : i32
      %lt3A_133 = arith.constant 200 : i32
      %lt3A_134 = arith.cmpi slt, %add3A_132, %lt3A_133 : i32
      %convert_element_type3A_135 = arith.extui %lt3A_134 : i1 to i32
      %cond3A_136 = arith.constant 0 : i32
      %cond3A_137 = arith.cmpi ne, %convert_element_type3A_135, %cond3A_136 : i32
      scf.if %cond3A_137 {
        %dma_wait3A_138 = arith.constant 0 : i32
        %dma_wait3A_139 = arith.constant 0 : i32
        %dma_wait3A_140 = arith.constant 0 : i32
        %dma_wait3A_141 = arith.constant 0 : i32
        %dma_wait3A_142 = arith.constant 0 : i32
        %dma_wait3A_143 = tpu.memref_slice %arg11[%dma_wait3A_139, %dma_wait3A_141, %dma_wait3A_142] : memref<2x128x64xf32, #tpu.memory_space<vmem>> -> memref<1x128x64xf32, #tpu.memory_space<vmem>>
        %dma_wait3A_144 = tpu.memref_squeeze %dma_wait3A_143 : memref<1x128x64xf32, #tpu.memory_space<vmem>> -> memref<128x64xf32, #tpu.memory_space<vmem>>
        %dma_wait3A_145 = arith.constant 0 : i32
        %dma_wait3A_146 = tpu.memref_slice %arg7[%dma_wait3A_138, %dma_wait3A_145] : memref<200x128xi32, #tpu.memory_space<vmem>> -> memref<1x128xi32, #tpu.memory_space<vmem>>
        %dma_wait3A_147 = tpu.memref_squeeze %dma_wait3A_146 : memref<1x128xi32, #tpu.memory_space<vmem>> -> memref<128xi32, #tpu.memory_space<vmem>>
        %dma_wait3A_148 = arith.constant 0 : i32
        %dma_wait3A_149 = arith.constant 0 : i32
        %dma_wait3A_150 = tpu.memref_slice %arg4[%dma_wait3A_148, %dma_wait3A_149] : memref<100000x64xf32, #tpu.memory_space<hbm>> -> memref<100000x64xf32, #tpu.memory_space<hbm>>
        %dma_wait3A_151 = tpu.memref_slice %arg13[%dma_wait3A_140] : memref<2x!tpu.dma_semaphore, #tpu.memory_space<semaphore_mem>> -> memref<1x!tpu.dma_semaphore, #tpu.memory_space<semaphore_mem>>
        %dma_wait3A_152 = tpu.memref_squeeze %dma_wait3A_151 : memref<1x!tpu.dma_semaphore, #tpu.memory_space<semaphore_mem>> -> memref<!tpu.dma_semaphore, #tpu.memory_space<semaphore_mem>>
        tpu.wait_indirect_dma semaphore(%dma_wait3A_152 : memref<!tpu.dma_semaphore, #tpu.memory_space<semaphore_mem>>) src(%dma_wait3A_150 : memref<100000x64xf32, #tpu.memory_space<hbm>>) dst(%dma_wait3A_144 : memref<128x64xf32, #tpu.memory_space<vmem>>)
        %add3A_153 = arith.constant 1 : i32
        %add3A_154 = arith.addi %add3A_105, %add3A_153 : i32
        %dma_start3A_155 = arith.constant 0 : i32
        %dma_start3A_156 = arith.constant 0 : i32
        %dma_start3A_157 = arith.constant 0 : i32
        %dma_start3A_158 = arith.constant 0 : i32
        %dma_start3A_159 = tpu.memref_slice %arg11[%dma_start3A_155, %dma_start3A_157, %dma_start3A_158] : memref<2x128x64xf32, #tpu.memory_space<vmem>> -> memref<1x128x64xf32, #tpu.memory_space<vmem>>
        %dma_start3A_160 = tpu.memref_squeeze %dma_start3A_159 : memref<1x128x64xf32, #tpu.memory_space<vmem>> -> memref<128x64xf32, #tpu.memory_space<vmem>>
        %dma_start3A_161 = arith.constant 0 : i32
        %dma_start3A_162 = tpu.memref_slice %arg8[%add3A_154, %dma_start3A_161] : memref<200x128xi32, #tpu.memory_space<vmem>> -> memref<1x128xi32, #tpu.memory_space<vmem>>
        %dma_start3A_163 = tpu.memref_squeeze %dma_start3A_162 : memref<1x128xi32, #tpu.memory_space<vmem>> -> memref<128xi32, #tpu.memory_space<vmem>>
        %dma_start3A_164 = arith.constant 0 : i32
        %dma_start3A_165 = arith.constant 0 : i32
        %dma_start3A_166 = tpu.memref_slice %arg10[%dma_start3A_164, %dma_start3A_165] : memref<200x64xf32, #tpu.memory_space<vmem_shared>> -> memref<200x64xf32, #tpu.memory_space<vmem_shared>>
        %dma_start3A_167 = tpu.memref_slice %arg14[%dma_start3A_156] : memref<2x!tpu.dma_semaphore, #tpu.memory_space<semaphore_mem>> -> memref<1x!tpu.dma_semaphore, #tpu.memory_space<semaphore_mem>>
        %dma_start3A_168 = tpu.memref_squeeze %dma_start3A_167 : memref<1x!tpu.dma_semaphore, #tpu.memory_space<semaphore_mem>> -> memref<!tpu.dma_semaphore, #tpu.memory_space<semaphore_mem>>
        tpu.enqueue_indirect_dma source(%dma_start3A_166 : memref<200x64xf32, #tpu.memory_space<vmem_shared>>) target(%dma_start3A_160 : memref<128x64xf32, #tpu.memory_space<vmem>>) offsets(%dma_start3A_163 : memref<128xi32, #tpu.memory_space<vmem>>) semaphore(%dma_start3A_168 : memref<!tpu.dma_semaphore, #tpu.memory_space<semaphore_mem>>) {add = true}
      } else {
      }
    }
    %scan3A_68 = arith.constant 101 : i32
    return
  }
}

</mosaic_0001>

<sc_bundles>
// kernel: _emb.3.cloned.1.call-start
scs
__scs_entry_jumppad:
0x0: {  	(pc) =	sbr.rel $0x88, $3  }
0x1: {  	(tag) =	ssettag $0x0;
	lr =	simm.s32 $0x1  }
0x2: {  	[smem:$0x3F9D] =	sst lr;
	_ =	strace $0xD0000000  }
0x3: {  	_ = 	snop  }
0x4: {  	_ = 	snop  }
0x5: {  	_ = 	snop  }
0x6: {  	_ = 	snop  }
0x7: {  	_ = 	snop  }
__scs_overlays_trampoline_lowered:
0x8: {  	[smem:$0x3FAC] =	sst s0  }
0x9: {  	[smem:$0x3FAD] =	sst s1  }
0xa: {  	[smem:$0x3FAE] =	sst s2  }
0xb: {  	[smem:$0x3FAF] =	sst s3  }
0xc: {  	[smem:$0x3FB0] =	sst s4  }
0xd: {  	[smem:$0x3FB1] =	sst s5  }
0xe: {  	[smem:$0x3FB2] =	sst s6  }
0xf: {  	[smem:$0x3FB3] =	sst s7  }
0x10: {  	[smem:$0x3FB4] =	sst s8  }
0x11: {  	[smem:$0x3FB5] =	sst s9;
	s0 =	simm.s32 @!p0 $0x0  }
0x12: {  	s1 =	sld [smem:$0x3F9B];
	s0 =	simm.s32 @p0 $0x1  }
0x13: {  	[smem:$0x3FB6] =	sst s0;
	s0 =	simm.s32 @!p1 $0x0  }
0x14: {  	s2 =	sld [smem:$0x3F9A];
	s0 =	simm.s32 @p1 $0x1  }
0x15: {  	[smem:$0x3FB7] =	sst s0;
	s0 =	simm.s32 @!p2 $0x0  }
0x16: {  	s3 =	sld [smem:$0x3FDB];
	s0 =	simm.s32 @p2 $0x1  }
0x17: {  	s4 =	simm.s32 $0x1BF5;
	[smem:$0x3FB9] =	sst s0  }
0x18: {  	s0 =	sld [smem:$0x3F9C];
	_ =	swait.ge [sflag:s4], $0x0  }
0x19: {  	s7 =	sld [smem:$0x3F9D]  }
0x1a: {  	s8 =	sadd.s32 $0xFFFFE003, lr  }
0x1b: {  	s9 =	sadd.s32 $0xFFFFFEF7, lr;
	s5 =	simm.s32 $0xFFFFFFFF;
	p2 =	slt.u32 s8, $0xFFFFF086  }
0x1c: {  	p1 =	slt.u32 s9, $0xF7A;
	s5 =	simm.s32 @!p2 $0x0  }
0x1d: {  	s5 =	simm.s32 @p1 $0x1;
	p0 =	seq.s32 s7, s2  }
0x1e: {  	s7 =	smul.u32 @!p0 $0xF7A, s2;
	p2 =	seq.s32 @!p0 s5, $0x0  }
0x1f: {  	s9 =	smul.u32 $0xF7A, s1;
	s8 =	simm.s32 @!p0 $0x1BF5;
	p2 =	por !p2, p0  }
0x20: {  	[sflag:s8] =	ssyncset.s32 @!p0 $0xFFFFF086;
	s6 =	sadd.s32 @!p0 s3, s7;
	s7 =	simm.s32 @!p0 $0x108  }
0x21: {  	s3 =	sadd.s32 s3, s9;
	s6 =	sadd.s32 @!p0 $0x88, s6;
	s7 =	simm.s32 @p2 $0x1082  }
0x22: {  	[simem:s7], [sflag:s8] =	dma.local @!p0 [hbm:s6], $0xF7A  }
0x23: {  	s9 =	sor.u32 $0xD0000000, s2;
	s6 =	simm.s32 $0x108;
	_ =	swait.ge @!p0 [sflag:s8], $0x0  }
0x24: {  	s3 =	sadd.s32 $0x88, s3;
	s6 =	simm.s32 @!p1 $0x1082;
	[sflag:s4] =	ssyncset.s32 $0xFFFFF086  }
0x25: {  	[simem:s6], [sflag:s4] =	dma.local [hbm:s3], $0xF7A  }
0x26: {  	[smem:$0x3F9D] =	sst s1;
	(tag) =	ssettag s2;
	_ =	strace s9  }
0x27: {  	s1 =	sld [smem:$0x3FAD]  }
0x28: {  	s2 =	sld [smem:$0x3FAE]  }
0x29: {  	s4 =	sld [smem:$0x3FB0]  }
0x2a: {  	p0 =	seq.s32 s5, $0x0;
	s5 =	sld [smem:$0x3FB1]  }
0x2b: {  	s6 =	sld [smem:$0x3FB2]  }
0x2c: {  	s7 =	sld [smem:$0x3FB3]  }
0x2d: {  	s3 =	simm.s32 $0x108;
	s8 =	sld [smem:$0x3FB4]  }
0x2e: {  	s3 =	simm.s32 @!p0 $0x1082;
	s9 =	sld [smem:$0x3FB5]  }
0x2f: {  	lr =	sadd.s32 s0, s3;
	s0 =	sld [smem:$0x3FAC]  }
0x30: {  	s3 =	sld [smem:$0x3FAF]  }
0x31: {  	[smem:$0x3FB8] =	sst s10  }
0x32: {  	s10 =	sld [smem:$0x3FB6];
	_ =	sdelay $0x3  }
0x33: {  	p0 =	seq.s32 s10, $0x1;
	s10 =	sld [smem:$0x3FB8];
	_ =	sdelay $0x3  }
0x34: {  	[smem:$0x3FB8] =	sst s10  }
0x35: {  	s10 =	sld [smem:$0x3FB7];
	_ =	sdelay $0x3  }
0x36: {  	p1 =	seq.s32 s10, $0x1;
	s10 =	sld [smem:$0x3FB8];
	_ =	sdelay $0x3  }
0x37: {  	[smem:$0x3FB8] =	sst s10  }
0x38: {  	s10 =	sld [smem:$0x3FB9]  }
0x39: {  	_ = 	snop;
	(pc) =	sbr.ind lr, $3  }
0x3a: {  	_ = 	snop  }
0x3b: {  	_ = 	snop  }
0x3c: {  	p2 =	seq.s32 s10, $0x1;
	s10 =	sld [smem:$0x3FB8]  }
0x3d: {  	_ =	shalt  }
0x3e: {  	_ =	shalt  }
0x3f: {  	_ =	shalt  }
0x40: {  	_ =	shalt  }
0x41: {  	_ =	shalt  }
0x42: {  	_ =	shalt  }
0x43: {  	_ =	shalt  }
0x44: {  	_ =	shalt  }
0x45: {  	_ =	shalt  }
0x46: {  	_ =	shalt  }
0x47: {  	_ =	shalt  }
0x48: {  	_ =	shalt  }
0x49: {  	_ =	shalt  }
0x4a: {  	_ =	shalt  }
0x4b: {  	_ =	shalt  }
0x4c: {  	_ =	shalt  }
0x4d: {  	_ =	shalt  }
0x4e: {  	_ =	shalt  }
0x4f: {  	_ =	shalt  }
0x50: {  	_ =	shalt  }
0x51: {  	_ =	shalt  }
0x52: {  	_ =	shalt  }
0x53: {  	_ =	shalt  }
0x54: {  	_ =	shalt  }
0x55: {  	_ =	shalt  }
0x56: {  	_ =	shalt  }
0x57: {  	_ =	shalt  }
0x58: {  	_ =	shalt  }
0x59: {  	_ =	shalt  }
0x5a: {  	_ =	shalt  }
0x5b: {  	_ =	shalt  }
0x5c: {  	_ =	shalt  }
0x5d: {  	_ =	shalt  }
0x5e: {  	_ =	shalt  }
0x5f: {  	_ =	shalt  }
0x60: {  	_ =	shalt  }
0x61: {  	_ =	shalt  }
0x62: {  	_ =	shalt  }
0x63: {  	_ =	shalt  }
0x64: {  	_ =	shalt  }
0x65: {  	_ =	shalt  }
0x66: {  	_ =	shalt  }
0x67: {  	_ =	shalt  }
0x68: {  	_ =	shalt  }
0x69: {  	_ =	shalt  }
0x6a: {  	_ =	shalt  }
0x6b: {  	_ =	shalt  }
0x6c: {  	_ =	shalt  }
0x6d: {  	_ =	shalt  }
0x6e: {  	_ =	shalt  }
0x6f: {  	_ =	shalt  }
0x70: {  	_ =	shalt  }
0x71: {  	_ =	shalt  }
0x72: {  	_ =	shalt  }
0x73: {  	_ =	shalt  }
0x74: {  	_ =	shalt  }
0x75: {  	_ =	shalt  }
0x76: {  	_ =	shalt  }
0x77: {  	_ =	shalt  }
0x78: {  	_ =	shalt  }
0x79: {  	_ =	shalt  }
0x7a: {  	_ =	shalt  }
0x7b: {  	_ =	shalt  }
0x7c: {  	_ =	shalt  }
0x7d: {  	_ =	shalt  }
0x7e: {  	_ =	shalt  }
0x7f: {  	_ =	shalt  }
0x80: {  	_ =	shalt  }
0x81: {  	_ =	shalt  }
0x82: {  	_ =	shalt  }
0x83: {  	_ =	shalt  }
0x84: {  	_ =	shalt  }
0x85: {  	_ =	shalt  }
0x86: {  	_ =	shalt  }
0x87: {  	_ =	shalt  }
.Lfunc_end0:
.L_simem_size_0:
called_computation_lowered:
.L_overlay_start_0:
0x88: {  	s2 =	sld [smem:$0x3FD9]  }
0x89: {  	s3 =	sld [smem:$0x3FFE];
	_ =	sdelay $0x1  }
0x8a: {  	s1 =	srdreg.scid  }
0x8b: {  	s0 =	sand.u32 $0x1, s1  }
0x8c: {  	s17 =	sshll.u32 s0, $0xA;
	s2 =	sadd.s32 s3, s2  }
0x8d: {  	s2 =	sadd.s32 s2, s17  }
0x8e: {  	[smem:$0x3FC4] =	sst s2  }
0x8f: {  	_ = 	snop  }
0x90: {  	s2 =	sld [smem:$0x3FD0];
	(tm) =	ssettm $0x1  }
0x91: {  	s18 =	sld [smem:$0x3FFB];
	_ =	sdelay $0x3  }
0x92: {  	_ =	strace s18  }
0x93: {  	s3 =	sld [smem:$0x3FFC];
	_ =	sdelay $0x3  }
0x94: {  	_ =	strace s3  }
0x95: {  	s3 =	sld [smem:$0x3FFD];
	_ =	sdelay $0x3  }
0x96: {  	_ =	strace s3  }
0x97: {  	_ =	strace $0x8FFFFFFF  }
0x98: {  	s19 =	sld [smem:$0x3FDB];
	_ =	sdelay $0x1  }
0x99: {  	s4 =	simm.s32 $_scs_section_size  }
0x9a: {  	s5 =	simm.s32 $_size__tile_overlayer_lowered;
	s6 =	simm.s32 $_tile_overlayer_lowered  }
0x9b: {  	s22 =	simm.s32 $0x1BFF;
	s21 =	sshll.u32 s6, $0x1;
	s3 =	sadd.s32 s4, s19  }
0x9c: {  	s7 =	simm.s32 $0x0;
	s20 =	sshll.u32 s5, $0x1;
	s5 =	sadd.s32 s21, s3  }
0x9d: {  	[timem:s7], [sflag:s22] =	dma.local [hbm:s5], s20  }
0x9e: {  	_ =	swait.ge [sflag:s22], s20  }
0x9f: {  	s4 =	ssub.s32 $0x0, s20;
	[sflag:s22] =	ssyncset.done $0x0  }
0xa0: {  	[sflag:s22] =	ssyncadd.s32 s4;
	_ =	sdelay $0x1  }
0xa1: {  	s23 =	simm.s32 $0x1B8B  }
0xa2: {  	_ =	swait.ge [sflag:s23], $0x1  }
0xa3: {  	[sflag:s23] =	ssyncset.done $0x0  }
0xa4: {  	s25 =	simm.s32 $0x1B8E;
	s24 =	sld [smem:$0x3FFE];
	[sflag:s23] =	ssyncadd.s32 $0xFFFFFFFF  }
0xa5: {  	s26 =	simm.s32 $execute0_lowered;
	[smem:$0x3FD2] =	sst s25  }
0xa6: {  	s5 =	sshll.u32 s26, $0x1;
	_ =	strace $0x80000046;
	[dreg:$0x1] =	wrdreg $0xFFFFFFFF  }
0xa7: {  	s28 =	simm.s32 $_size_execute0_lowered;
	s3 =	sadd.s32 s3, s5;
	[dreg:$0x0] =	wrdreg $0x0  }
0xa8: {  	s5 =	sshll.u32 s28, $0x1;
	[dreg:$0x2] =	wrdreg s3  }
0xa9: {  	[dreg:$0x3] =	wrdreg s5  }
0xaa: {  	[dreg:$0x4] =	wrdreg $0xC0  }
0xab: {  	_ =	task [dreg:s7], $0x5FFFF  }
0xac: {  	[dreg:$0x1] =	wrdreg $0xFFFFFFFF  }
0xad: {  	[dreg:$0x0] =	wrdreg $0x60  }
0xae: {  	[dreg:$0x2] =	wrdreg s24  }
0xaf: {  	[dreg:$0x3] =	wrdreg s2  }
0xb0: {  	[dreg:$0x4] =	wrdreg $0xFA000  }
0xb1: {  	[dreg:$0x5] =	wrdreg $0x9  }
0xb2: {  	_ =	task.clear_ibuf [dreg:s7], $0x6FFFF;
	_ =	strace $0x90000046  }
0xb3: {  	s29 =	simm.s32 $0x9;
	_ =	strace $0x80000048  }
0xb4: {  	_ =	swait.ge [sflag:s29], $0x1  }
0xb5: {  	[sflag:s29] =	ssyncadd.s32 $0xFFFFFFFF  }
0xb6: {  	_ =	strace $0x90000048  }
0xb7: {  	_ =	sfence  }
0xb8: {  	s30 =	sld [smem:$0x0];
	_ =	sdelay $0x2  }
0xb9: {  	s31 =	sshll.u32 s1, $0xD;
	s1 =	sshrl.u32 s1, $0x2  }
0xba: {  	s3 =	sand.u32 $0x4000, s31;
	s1 =	sadd.s32 s1, s30  }
0xbb: {  	s0 =	sor.u32 s3, s0;
	s1 =	sshll.u32 s1, $0x11  }
0xbc: {  	s0 =	sor.u32 s1, s0  }
0xbd: {  	s0 =	sadd.s32 $0x8F2B, s0  }
0xbe: {  	[sflag:s0] =	ssyncadd.remote.s32 $0x1  }
0xbf: {  	_ =	sfence.sel $0xFFFF  }
0xc0: {  	[dreg:$0x0] =	wrdreg $0xFFFFFFFF;
	(pc) =	sbr.abs _section_cstart, $3  }
0xc1: {  	[dreg:$0x1] =	wrdreg $0xFFFFFFFF  }
0xc2: {  	_ =	task.clear_ibuf [dreg:s7], $0x2FFFF;
	_ =	strace $0x9FFFFFFF  }
0xc3: {  	(tm) =	ssettm $0x7FFFFFFF  }
tec
execute0_lowered:
.L_overlay_start_1:
0x0: {  	(tag) =	ssettag $0x1  }
0x1: {  	s1 =	rddreg [dreg:$0x0];
	s2 =	srdreg.scid  }
0x2: {  	s0 =	rddreg [dreg:$0x1];
	s6 =	stileid.u32  }
0x3: {  	s3 =	simm.s32 $0x0;
	s17 =	simm.s32 $0x80;
	s21 =	simm.s32 $0xFD20  }
0x4: {  	s22 =	simm.s32 $0x1;
	s23 =	simm.s32 $0x6;
	s24 =	simm.s32 $0x4  }
0x5: {  	s25 =	simm.s32 $0x11D20;
	s26 =	simm.s32 $0x15D20;
	s16 =	simm.s32 $0x2  }
0x6: {  	s19 =	simm.s32 $0x0;
	s5 =	sand.u32 $0x1, s2;
	s2 =	rddreg [dreg:$0x2]  }
0x7: {  	s4 =	sshll.u32 s6, $0x8;
	[smem:$0x7FF] =	sst s3;
	s10 =	sadd.s32 $0x2000, s0  }
0x8: {  	s11 =	sadd.s32 $0x3000, s0;
	s12 =	sadd.s32 $0x4000, s0;
	s13 =	sadd.s32 $0x5000, s0  }
0x9: {  	s14 =	sadd.s32 $0x6000, s0;
	s15 =	sadd.s32 $0x7000, s0;
	s7 =	sshll.u32 s5, $0x7  }
0xa: {  	p0 =	sne.s32 s6, $0x0;
	s8 =	ssub.s32 $0x2, s5;
	s4 =	sor.u32 s7, s4  }
0xb: {  	_ =	strace $0x80000047;
	s5 =	sadd.s32 $0x32C00, s1;
	s7 =	sshrl.u32 s4, $0x3  }
.Ltmp0:
0xc: {  	v0 =	vlaneseq.u32;
	s7 =	sadd.s32 s7, s1;
	s1 =	sadd.s32 $0x400, s1;
	(pc) =	sbr.rel .LBB2_1-.Ltmp0, $4  }
0xd: {  	v1 =	vmul.u32 $0x40, v0;
	v3 =	vor.u32 $0x10, v0;
	s9 =	sshrl.u32 s8, $0x1;
	[dreg:$0x4] =	wrdreg s1;
	s31 =	sadd.s32 $0xC00, s7  }
0xe: {  	v5 =	vor.u32 $0x20, v0;
	v7 =	vor.u32 $0x30, v0;
	v9 =	vor.u32 $0x40, v0;
	s30 =	ssub.s32 s8, s9;
	s7 =	sadd.s32 $0x19C00, s7;
	[dreg:$0x5] =	wrdreg s31  }
0xf: {  	s6 =	simm.s32 $0x3;
	v11 =	vor.u32 $0x50, v0;
	v2 =	vor.u32 $0x400, v1;
	v4 =	vor.u32 $0x800, v1;
	s1 =	smax.u32 s30, $0x1;
	[dreg:$0x6] =	wrdreg s7  }
0x10: {  	v6 =	vor.u32 $0xC00, v1;
	v8 =	vor.u32 $0x1000, v1;
	v10 =	vor.u32 $0x1400, v1;
	s9 =	sadd.s32 $0x1000, s0;
	[dreg:$0x7] =	wrdreg s1;
	s7 =	simm.s32 $0x13D20  }
.LBB2_43:
0x11: {  	s19 =	sadd.s32 $0x1, s19;
	s1 =	rddreg [dreg:$0x7]  }
0x12: {  	p1 =	sne.s32 s19, s1  }
.Ltmp1:
0x13: {  	_ = 	snop;
	(pc) =	sbr.rel @!p1 .LBB2_44-.Ltmp1, $1  }
0x14: {  	_ =	sdelay $0x3  }
.LBB2_1:
0x15: {  	s1 =	rddreg [dreg:$0x5];
	s8 =	simm.s32 $0x1000;
	s18 =	simm.s32 $0x7  }
0x16: {  	[tilespmem:s3], [sflag:$0x7] =	stream.strided.gather [hbm4b:s1+s17], $0x6400, s8, s17, $0x38;
	[tilespmem:$0x17D20] =	vst v63  }
0x17: {  	_ =	swait.ge [sflag:s18], $0x6400  }
0x18: {  	[sflag:s18] =	ssyncset.done $0x0  }
0x19: {  	s20 =	simm.s32 $0x6400;
	s31 =	rddreg [dreg:$0x6];
	[sflag:s18] =	ssyncadd.s32 $0xFFFF9C00  }
0x1a: {  	[tilespmem:s20], [sflag:$0x7] =	stream.strided.gather [hbm4b:s31+s17], $0x6400, s8, s17, $0x38;
	[tilespmem:$0x17D20] =	vst v63  }
0x1b: {  	_ =	swait.ge [sflag:s18], $0x6400  }
0x1c: {  	s1 =	simm.s32 @!p0 $0x0;
	[sflag:s18] =	ssyncset.done $0x0  }
0x1d: {  	s8 =	simm.s32 @!p0 $0xC800;
	[sflag:s18] =	ssyncadd.s32 $0xFFFF9C00;
	s18 =	rddreg [dreg:$0x4]  }
0x1e: {  	[tilespmem:s8], [sflag:$0x7] =	stream.linear.gather @!p0 [hbm4b:s18+s1], $0x3200, $0x38;
	[tilespmem:$0x17D20] =	vst v63  }
0x1f: {  	s1 =	simm.s32 @!p0 $0x7  }
0x20: {  	_ =	swait.ge @!p0 [sflag:s1], $0x3200  }
0x21: {  	[sflag:s1] =	ssyncset.done @!p0 $0x0  }
0x22: {  	[sflag:s1] =	ssyncadd.s32 @!p0 $0xFFFFCE00  }
0x23: {  	[spmem:s2] =	stream.linear.scatter @!p0 [tilespmem:s8], [sflag:$0x7], $0x3200, $0x38;
	[tilespmem:$0x17D20] =	vst v63  }
0x24: {  	_ =	swait.ge @!p0 [sflag:s1], $0x3200  }
0x25: {  	[sflag:s1] =	ssyncset.done @!p0 $0x0  }
0x26: {  	[sflag:s1] =	ssyncadd.s32 @!p0 $0xFFFFCE00  }
0x27: {  	[bflag:$0x0] =	sbarrier.arrive $0xFFFF  }
0x28: {  	[tilespmem:s21], [sflag:$0x1] =	stream.indirect.gather [hbm4b:s5+s17], $0x40, s3, s17, $0xb8;
	[tilespmem:$0x17D20] =	vst v63  }
.Ltmp2:
0x29: {  	_ = 	snop;
	(pc) =	sbr.rel .LBB2_2-.Ltmp2, $4  }
0x2a: {  	_ =	swait.ge [sflag:s22], $0x2000  }
0x2b: {  	[sflag:s22] =	ssyncset.done $0x0  }
0x2c: {  	s8 =	simm.s32 $0x0;
	[sflag:s22] =	ssyncadd.s32 $0xFFFFE000  }
0x2d: {  	[tilespmem:s21], [sflag:$0x3] =	stream.indirect.gather.add.f32 [spmem:s2], $0x40, s20, s17, $0xb8;
	[tilespmem:$0x17D20] =	vst v63  }
.LBB2_40:
.Ltmp3:
0x2e: {  	(pc) =	sbr.rel @!p2 .LBB2_43-.Ltmp3, $1  }
0x2f: {  	_ =	sdelay $0x3  }
.LBB2_41:
0x30: {  	_ =	swait.ge [sflag:s22], $0x2000;
	s1 =	sshll.u32 s29, $0x7  }
0x31: {  	[sflag:s22] =	ssyncset.done $0x0;
	s1 =	sand.u32 $0x3FFFFF80, s1  }
0x32: {  	[sflag:s22] =	ssyncadd.s32 $0xFFFFE000;
	s1 =	sadd.s32 $0x6400, s1  }
0x33: {  	[tilespmem:s21], [sflag:$0x3] =	stream.indirect.gather.add.f32 [spmem:s2], $0x40, s1, s17, $0xb8;
	[tilespmem:$0x17D20] =	vst v63  }
.LBB2_42:
0x34: {  	s8 =	sadd.s32 $0x1, s8  }
0x35: {  	p1 =	sne.s32 s8, $0x65  }
.Ltmp4:
0x36: {  	_ = 	snop;
	(pc) =	sbr.rel @!p1 .LBB2_43-.Ltmp4, $1  }
0x37: {  	_ =	sdelay $0x3  }
.LBB2_2:
0x38: {  	s28 =	sshllo.u32 s8, $0x1;
	p1 =	seq.s32 s8, $0x64  }
0x39: {  	s29 =	sshll.u32 s8, $0x1;
	s1 =	sshll.u32 @!p1 s28, $0x7  }
0x3a: {  	s18 =	simm.s32 @!p1 $0x80;
	s30 =	simm.s32 @!p1 $0x11D20;
	s1 =	sand.u32 @!p1 $0x3FFFFF80, s1  }
0x3b: {  	[tilespmem:s30], [sflag:$0x2] =	stream.indirect.gather @!p1 [hbm4b:s5+s18], $0x40, s1, s18, $0xb8;
	[tilespmem:$0x17D20] =	vst v63  }
0x3c: {  	s1 =	sadd.s32 @!p1 $0xFFFFFFFE, s29  }
0x3d: {  	p2 =	sgt.u32 @!p1 s1, $0xC7  }
0x3e: {  	p3 =	por p1, !p2  }
0x3f: {  	s1 =	simm.s32 @p3 $0x5  }
0x40: {  	_ =	swait.ge @p3 [sflag:s1], $0x400  }
0x41: {  	[sflag:s1] =	ssyncset.done @p3 $0x0  }
0x42: {  	[sflag:s1] =	ssyncadd.s32 @p3 $0xFFFFFC00  }
0x43: {  	_ =	swait.ge @p3 [sflag:s1], $0x400  }
0x44: {  	[sflag:s1] =	ssyncset.done @p3 $0x0  }
0x45: {  	[sflag:s1] =	ssyncadd.s32 @p3 $0xFFFFFC00  }
0x46: {  	_ =	swait.ge @p3 [sflag:s1], $0x400  }
0x47: {  	[sflag:s1] =	ssyncset.done @p3 $0x0  }
0x48: {  	[sflag:s1] =	ssyncadd.s32 @p3 $0xFFFFFC00  }
0x49: {  	_ =	swait.ge @p3 [sflag:s1], $0x400  }
0x4a: {  	[sflag:s1] =	ssyncset.done @p3 $0x0  }
0x4b: {  	[sflag:s1] =	ssyncadd.s32 @p3 $0xFFFFFC00  }
0x4c: {  	_ =	swait.ge @p3 [sflag:s1], $0x400  }
0x4d: {  	[sflag:s1] =	ssyncset.done @p3 $0x0  }
0x4e: {  	[sflag:s1] =	ssyncadd.s32 @p3 $0xFFFFFC00  }
0x4f: {  	_ =	swait.ge @p3 [sflag:s1], $0x400  }
0x50: {  	[sflag:s1] =	ssyncset.done @p3 $0x0  }
0x51: {  	p2 =	seq.s32 @p3 s8, $0x64;
	[sflag:s1] =	ssyncadd.s32 @p3 $0xFFFFFC00  }
0x52: {  	p2 =	por !p3, !p2;
	_ =	swait.ge @p3 [sflag:s1], $0x400  }
.Ltmp5:
0x53: {  	[sflag:s1] =	ssyncset.done @p3 $0x0;
	(pc) =	sbr.rel @p2 .LBB2_4-.Ltmp5, $4  }
0x54: {  	[sflag:s1] =	ssyncadd.s32 @p3 $0xFFFFFC00  }
0x55: {  	_ =	swait.ge @p3 [sflag:s1], $0x400  }
0x56: {  	[sflag:s1] =	ssyncset.done @p3 $0x0  }
0x57: {  	[sflag:s1] =	ssyncadd.s32 @p3 $0xFFFFFC00  }
.Ltmp6:
0x58: {  	(pc) =	sbr.rel .LBB2_22-.Ltmp6, $2  }
0x59: {  	_ =	sdelay $0x2  }
0x5a: {  	p2 =	por @p3 $0x0, $0x0;
	s29 =	simm.s32 @p3 $0xCA  }
.LBB2_4:
0x5b: {  	s1 =	simm.s32 $0x0  }
0x5c: {  	v12 =	vxor.u32 s1, v0  }
0x5d: {  	v17 =	vor.u32 $0x10, v12;
	v13 =	vand.u32 $0x7, v12;
	v19 =	vor.u32 $0x20, v12  }
0x5e: {  	v20 =	vor.u32 v1, v12;
	v14 =	vand.u32 $0x18, v17;
	v18 =	vor.u32 v1, v13  }
0x5f: {  	v22 =	vor.u32 $0x30, v12;
	v15 =	vand.u32 $0x28, v19;
	v21 =	vor.u32 v14, v18  }
0x60: {  	_ =	swait.ge [sflag:s6], $0x2000;
	v16 =	vand.u32 $0x38, v22;
	v23 =	vor.u32 v15, v18  }
0x61: {  	[sflag:s6] =	ssyncset.done $0x0;
	v24 =	vor.u32 v16, v18  }
0x62: {  	[sflag:s6] =	ssyncadd.s32 $0xFFFFE000;
	v18 =	vshll.u32 v12, $0x7  }
0x63: {  	v17 =	vshll.u32 v17, $0x7;
	v26 =	vor.u32 v0, v18;
	v25 =	vld.idx.msk [tilespmem:v20+s21+$0x0], $0xffff  }
0x64: {  	s20 =	simm.s32 $0x1;
	v19 =	vshll.u32 v19, $0x7;
	v28 =	vor.u32 v0, v17;
	v20 =	vshll.u32 v22, $0x7;
	v27 =	vld.idx.msk [tilespmem:v21+s21+$0x0], $0xffff  }
0x65: {  	v30 =	vor.u32 v0, v19;
	v32 =	vor.u32 v0, v20;
	v29 =	vld.idx.msk [tilespmem:v23+s21+$0x0], $0xffff;
	v21 =	vxor.u32 s20, v0  }
0x66: {  	v31 =	vld.idx.msk [tilespmem:v24+s21+$0x0], $0xffff;
	v24 =	vor.u32 $0x10, v21;
	v23 =	vand.u32 $0x7, v21;
	v33 =	vor.u32 v1, v21  }
0x67: {  	v35 =	vor.u32 $0x20, v21;
	v22 =	vand.u32 $0x18, v24;
	v34 =	vor.u32 v1, v23  }
0x68: {  	v36 =	vor.u32 $0x30, v21;
	[tilespmem:v26+s7+$0x0] =	vst.idx.msk $0xffff, v25;
	v37 =	vor.u32 v22, v34;
	v26 =	vand.u32 $0x28, v35  }
0x69: {  	s30 =	simm.s32 $0x2;
	v25 =	vand.u32 $0x38, v36;
	v38 =	vor.u32 v26, v34;
	[tilespmem:v28+s7+$0x0] =	vst.idx.msk $0xffff, v27  }
0x6a: {  	v40 =	vxor.u32 s30, v0;
	v39 =	vor.u32 v25, v34;
	[tilespmem:v30+s7+$0x0] =	vst.idx.msk $0xffff, v29  }
0x6b: {  	v44 =	vor.u32 $0x10, v40;
	v27 =	vshll.u32 v21, $0x7;
	[tilespmem:v32+s7+$0x0] =	vst.idx.msk $0xffff, v31  }
0x6c: {  	v60 =	vand.u32 $0x7, v40;
	v24 =	vshll.u32 v24, $0x7;
	v41 =	vor.u32 v0, v27;
	v59 =	vld.idx.msk [tilespmem:v33+s21+$0x0], $0xffff  }
0x6d: {  	v45 =	vor.u32 $0x20, v40;
	v43 =	vor.u32 v0, v24;
	v28 =	vshll.u32 v35, $0x7;
	v42 =	vld.idx.msk [tilespmem:v37+s21+$0x0], $0xffff  }
0x6e: {  	v61 =	vand.u32 $0x18, v44;
	v29 =	vshll.u32 v36, $0x7;
	v31 =	vor.u32 v0, v28;
	v33 =	vld.idx.msk [tilespmem:v38+s21+$0x0], $0xffff  }
0x6f: {  	v46 =	vor.u32 v1, v60;
	v62 =	vand.u32 $0x28, v45;
	v30 =	vor.u32 v0, v29;
	v38 =	vld.idx.msk [tilespmem:v39+s21+$0x0], $0xffff  }
0x70: {  	v34 =	vor.u32 v1, v40;
	v35 =	vor.u32 v62, v46;
	v32 =	vor.u32 $0x30, v40  }
0x71: {  	v40 =	vshll.u32 v40, $0x7;
	v37 =	vor.u32 v61, v46;
	v63 =	vand.u32 $0x38, v32;
	[tilespmem:v41+s7+$0x0] =	vst.idx.msk $0xffff, v59  }
0x72: {  	s31 =	simm.s32 $0x2;
	s1 =	simm.s32 $0x4;
	v36 =	vor.u32 v63, v46;
	v39 =	vshll.u32 v45, $0x7;
	v41 =	vshll.u32 v44, $0x7;
	[tilespmem:v43+s7+$0x0] =	vst.idx.msk $0xffff, v42  }
.LBB2_5:
0x73: {  	p2 =	slt.u32 s1, $0xE;
	[tilespmem:v31+s7+$0x0] =	vst.idx.msk $0xffff, v33;
	s18 =	smov.u32 s1;
	s1 =	sadd.s32 $0x2, s1  }
0x74: {  	[tilespmem:v30+s7+$0x0] =	vst.idx.msk $0xffff, v38  }
0x75: {  	v31 =	vor.u32 v0, v40;
	v30 =	vld.idx.msk [tilespmem:v34+s21+$0x0], $0xffff  }
0x76: {  	s20 =	sadd.s32 $0x1, s31;
	s31 =	smov.u32 s18;
	v34 =	vor.u32 v0, v41;
	v33 =	vld.idx.msk [tilespmem:v37+s21+$0x0], $0xffff  }
0x77: {  	v32 =	vshll.u32 v32, $0x7;
	v38 =	vxor.u32 s20, v0;
	v37 =	vor.u32 v0, v39;
	v35 =	vld.idx.msk [tilespmem:v35+s21+$0x0], $0xffff  }
0x78: {  	v32 =	vor.u32 v0, v32;
	v40 =	vor.u32 $0x10, v38;
	v39 =	vor.u32 v1, v38;
	v36 =	vld.idx.msk [tilespmem:v36+s21+$0x0], $0xffff  }
0x79: {  	v42 =	vand.u32 $0x7, v38;
	v43 =	vor.u32 $0x20, v38;
	v41 =	vand.u32 $0x18, v40  }
0x7a: {  	v45 =	vor.u32 $0x30, v38;
	v42 =	vor.u32 v1, v42;
	v44 =	vand.u32 $0x28, v43  }
0x7b: {  	[tilespmem:v31+s7+$0x0] =	vst.idx.msk $0xffff, v30;
	v30 =	vor.u32 v41, v42;
	v31 =	vor.u32 v44, v42;
	v41 =	vand.u32 $0x38, v45  }
0x7c: {  	[tilespmem:v34+s7+$0x0] =	vst.idx.msk $0xffff, v33;
	v34 =	vor.u32 v41, v42;
	v33 =	vshll.u32 v38, $0x7;
	v38 =	vshll.u32 v40, $0x7  }
0x7d: {  	[tilespmem:v37+s7+$0x0] =	vst.idx.msk $0xffff, v35;
	v35 =	vshll.u32 v43, $0x7;
	v37 =	vshll.u32 v45, $0x7  }
0x7e: {  	[tilespmem:v32+s7+$0x0] =	vst.idx.msk $0xffff, v36  }
0x7f: {  	v36 =	vld.idx.msk [tilespmem:v39+s21+$0x0], $0xffff  }
0x80: {  	v39 =	vor.u32 v0, v33;
	v42 =	vld.idx.msk [tilespmem:v30+s21+$0x0], $0xffff;
	v30 =	vor.u32 v0, v37  }
0x81: {  	v40 =	vxor.u32 s31, v0;
	v43 =	vor.u32 v0, v38;
	v33 =	vld.idx.msk [tilespmem:v31+s21+$0x0], $0xffff;
	v31 =	vor.u32 v0, v35  }
.Ltmp7:
0x82: {  	v41 =	vor.u32 $0x10, v40;
	v44 =	vor.u32 $0x20, v40;
	v32 =	vand.u32 $0x7, v40;
	v38 =	vld.idx.msk [tilespmem:v34+s21+$0x0], $0xffff;
	(pc) =	sbr.rel @p2 .LBB2_5-.Ltmp7, $4  }
0x83: {  	v45 =	vor.u32 v1, v32;
	v35 =	vand.u32 $0x18, v41;
	v34 =	vor.u32 v1, v40  }
0x84: {  	v32 =	vor.u32 $0x30, v40;
	v37 =	vor.u32 v35, v45;
	v35 =	vand.u32 $0x28, v44  }
0x85: {  	v46 =	vand.u32 $0x38, v32;
	v40 =	vshll.u32 v40, $0x7;
	v35 =	vor.u32 v35, v45;
	[tilespmem:v39+s7+$0x0] =	vst.idx.msk $0xffff, v36  }
0x86: {  	v41 =	vshll.u32 v41, $0x7;
	v36 =	vor.u32 v46, v45;
	v39 =	vshll.u32 v44, $0x7;
	[tilespmem:v43+s7+$0x0] =	vst.idx.msk $0xffff, v42  }
0x87: {  	_ =	sdelay $0x3  }
0x88: {  	[tilespmem:v31+s7+$0x0] =	vst.idx.msk $0xffff, v33  }
0x89: {  	[tilespmem:v30+s7+$0x0] =	vst.idx.msk $0xffff, v38  }
0x8a: {  	v61 =	vor.u32 v0, v40;
	v30 =	vld.idx.msk [tilespmem:v34+s21+$0x0], $0xffff  }
0x8b: {  	v62 =	vor.u32 v0, v41;
	s1 =	sadd.s32 $0x1, s31;
	v32 =	vshll.u32 v32, $0x7;
	v33 =	vld.idx.msk [tilespmem:v37+s21+$0x0], $0xffff  }
0x8c: {  	v63 =	vor.u32 v0, v39;
	v48 =	vxor.u32 s1, v0;
	v32 =	vor.u32 v0, v32;
	v35 =	vld.idx.msk [tilespmem:v35+s21+$0x0], $0xffff  }
0x8d: {  	v36 =	vld.idx.msk [tilespmem:v36+s21+$0x0], $0xffff;
	v49 =	vor.u32 v1, v48;
	v50 =	vor.u32 $0x10, v48;
	v51 =	vand.u32 $0x7, v48  }
0x8e: {  	v43 =	vor.u32 $0x20, v48;
	v42 =	vand.u32 $0x18, v50;
	v41 =	vor.u32 v1, v51  }
0x8f: {  	v45 =	vor.u32 $0x30, v48;
	v44 =	vand.u32 $0x28, v43;
	v52 =	vor.u32 v42, v41;
	[tilespmem:v61+s7+$0x0] =	vst.idx.msk $0xffff, v30  }
0x90: {  	v54 =	vand.u32 $0x38, v45;
	v53 =	vor.u32 v44, v41;
	[tilespmem:v62+s7+$0x0] =	vst.idx.msk $0xffff, v33  }
0x91: {  	v55 =	vor.u32 v54, v41;
	[tilespmem:v63+s7+$0x0] =	vst.idx.msk $0xffff, v35  }
0x92: {  	v56 =	vshll.u32 v48, $0x7;
	[tilespmem:v32+s7+$0x0] =	vst.idx.msk $0xffff, v36  }
0x93: {  	v57 =	vshll.u32 v50, $0x7;
	v34 =	vor.u32 v0, v56;
	v35 =	vld.idx.msk [tilespmem:v49+s21+$0x0], $0xffff  }
0x94: {  	v58 =	vshll.u32 v43, $0x7;
	v32 =	vor.u32 v0, v57;
	v30 =	vld.idx.msk [tilespmem:v52+s21+$0x0], $0xffff  }
0x95: {  	v59 =	vshll.u32 v45, $0x7;
	v36 =	vor.u32 v0, v58;
	v31 =	vld.idx.msk [tilespmem:v53+s21+$0x0], $0xffff  }
0x96: {  	v37 =	vor.u32 v0, v59;
	v33 =	vld.idx.msk [tilespmem:v55+s21+$0x0], $0xffff  }
0x97: {  	v12 =	vor.u32 v2, v12;
	v13 =	vor.u32 v2, v13  }
0x98: {  	v14 =	vor.u32 v14, v13;
	[tilespmem:v34+s7+$0x0] =	vst.idx.msk $0xffff, v35  }
0x99: {  	v15 =	vor.u32 v15, v13;
	[tilespmem:v32+s7+$0x0] =	vst.idx.msk $0xffff, v30  }
0x9a: {  	v13 =	vor.u32 v16, v13;
	[tilespmem:v36+s7+$0x0] =	vst.idx.msk $0xffff, v31  }
0x9b: {  	[tilespmem:v37+s7+$0x0] =	vst.idx.msk $0xffff, v33  }
0x9c: {  	v16 =	vor.u32 v3, v18;
	v12 =	vld.idx.msk [tilespmem:v12+s21+$0x0], $0xffff  }
0x9d: {  	v17 =	vor.u32 v3, v17;
	v14 =	vld.idx.msk [tilespmem:v14+s21+$0x0], $0xffff  }
0x9e: {  	v18 =	vor.u32 v3, v19;
	v15 =	vld.idx.msk [tilespmem:v15+s21+$0x0], $0xffff  }
0x9f: {  	v19 =	vor.u32 v3, v20;
	v13 =	vld.idx.msk [tilespmem:v13+s21+$0x0], $0xffff  }
0xa0: {  	v20 =	vor.u32 v2, v21;
	v21 =	vor.u32 v2, v23  }
0xa1: {  	[tilespmem:v16+s7+$0x0] =	vst.idx.msk $0xffff, v12;
	v16 =	vor.u32 v22, v21  }
0xa2: {  	[tilespmem:v17+s7+$0x0] =	vst.idx.msk $0xffff, v14;
	v14 =	vor.u32 v26, v21  }
0xa3: {  	v17 =	vor.u32 v25, v21;
	[tilespmem:v18+s7+$0x0] =	vst.idx.msk $0xffff, v15  }
0xa4: {  	[tilespmem:v19+s7+$0x0] =	vst.idx.msk $0xffff, v13  }
0xa5: {  	v22 =	vxor.u32 s30, v0;
	v21 =	vor.u32 v3, v27;
	v18 =	vld.idx.msk [tilespmem:v20+s21+$0x0], $0xffff  }
0xa6: {  	v24 =	vor.u32 v3, v24;
	v12 =	vor.u32 v3, v29;
	v23 =	vor.u32 $0x10, v22;
	v60 =	vld.idx.msk [tilespmem:v16+s21+$0x0], $0xffff  }
0xa7: {  	v61 =	vor.u32 $0x20, v22;
	v13 =	vor.u32 v3, v28;
	v19 =	vand.u32 $0x7, v22;
	v15 =	vld.idx.msk [tilespmem:v14+s21+$0x0], $0xffff  }
0xa8: {  	v62 =	vor.u32 v2, v19;
	v16 =	vor.u32 v2, v22;
	v14 =	vand.u32 $0x18, v23;
	v20 =	vld.idx.msk [tilespmem:v17+s21+$0x0], $0xffff  }
0xa9: {  	v17 =	vand.u32 $0x28, v61;
	v19 =	vor.u32 v14, v62;
	v14 =	vor.u32 $0x30, v22  }
0xaa: {  	v23 =	vshll.u32 v23, $0x7;
	v17 =	vor.u32 v17, v62;
	v63 =	vand.u32 $0x38, v14;
	[tilespmem:v21+s7+$0x0] =	vst.idx.msk $0xffff, v18  }
0xab: {  	s1 =	simm.s32 $0x4;
	v22 =	vshll.u32 v22, $0x7;
	v18 =	vor.u32 v63, v62;
	v21 =	vshll.u32 v61, $0x7;
	[tilespmem:v24+s7+$0x0] =	vst.idx.msk $0xffff, v60  }
.LBB2_7:
0xac: {  	p2 =	slt.u32 s1, $0xE;
	[tilespmem:v13+s7+$0x0] =	vst.idx.msk $0xffff, v15;
	s18 =	smov.u32 s1;
	s1 =	sadd.s32 $0x2, s1  }
0xad: {  	[tilespmem:v12+s7+$0x0] =	vst.idx.msk $0xffff, v20  }
0xae: {  	v13 =	vor.u32 v3, v22;
	v12 =	vld.idx.msk [tilespmem:v16+s21+$0x0], $0xffff  }
0xaf: {  	s20 =	sadd.s32 $0x1, s30;
	s30 =	smov.u32 s18;
	v16 =	vor.u32 v3, v23;
	v15 =	vld.idx.msk [tilespmem:v19+s21+$0x0], $0xffff  }
0xb0: {  	v14 =	vshll.u32 v14, $0x7;
	v20 =	vxor.u32 s20, v0;
	v19 =	vor.u32 v3, v21;
	v17 =	vld.idx.msk [tilespmem:v17+s21+$0x0], $0xffff  }
0xb1: {  	v14 =	vor.u32 v3, v14;
	v22 =	vor.u32 $0x10, v20;
	v21 =	vor.u32 v2, v20;
	v18 =	vld.idx.msk [tilespmem:v18+s21+$0x0], $0xffff  }
0xb2: {  	v24 =	vand.u32 $0x7, v20;
	v25 =	vor.u32 $0x20, v20;
	v23 =	vand.u32 $0x18, v22  }
0xb3: {  	v27 =	vor.u32 $0x30, v20;
	v24 =	vor.u32 v2, v24;
	v26 =	vand.u32 $0x28, v25  }
0xb4: {  	[tilespmem:v13+s7+$0x0] =	vst.idx.msk $0xffff, v12;
	v12 =	vor.u32 v23, v24;
	v13 =	vor.u32 v26, v24;
	v23 =	vand.u32 $0x38, v27  }
0xb5: {  	[tilespmem:v16+s7+$0x0] =	vst.idx.msk $0xffff, v15;
	v16 =	vor.u32 v23, v24;
	v15 =	vshll.u32 v20, $0x7;
	v20 =	vshll.u32 v22, $0x7  }
0xb6: {  	[tilespmem:v19+s7+$0x0] =	vst.idx.msk $0xffff, v17;
	v17 =	vshll.u32 v25, $0x7;
	v19 =	vshll.u32 v27, $0x7  }
0xb7: {  	[tilespmem:v14+s7+$0x0] =	vst.idx.msk $0xffff, v18  }
0xb8: {  	v18 =	vld.idx.msk [tilespmem:v21+s21+$0x0], $0xffff  }
0xb9: {  	v21 =	vor.u32 v3, v15;
	v24 =	vld.idx.msk [tilespmem:v12+s21+$0x0], $0xffff;
	v12 =	vor.u32 v3, v19  }
0xba: {  	v22 =	vxor.u32 s30, v0;
	v25 =	vor.u32 v3, v20;
	v15 =	vld.idx.msk [tilespmem:v13+s21+$0x0], $0xffff;
	v13 =	vor.u32 v3, v17  }
.Ltmp8:
0xbb: {  	v23 =	vor.u32 $0x10, v22;
	v26 =	vor.u32 $0x20, v22;
	v14 =	vand.u32 $0x7, v22;
	v20 =	vld.idx.msk [tilespmem:v16+s21+$0x0], $0xffff;
	(pc) =	sbr.rel @p2 .LBB2_7-.Ltmp8, $4  }
0xbc: {  	v27 =	vor.u32 v2, v14;
	v17 =	vand.u32 $0x18, v23;
	v16 =	vor.u32 v2, v22  }
0xbd: {  	v14 =	vor.u32 $0x30, v22;
	v19 =	vor.u32 v17, v27;
	v17 =	vand.u32 $0x28, v26  }
0xbe: {  	v28 =	vand.u32 $0x38, v14;
	v22 =	vshll.u32 v22, $0x7;
	v17 =	vor.u32 v17, v27;
	[tilespmem:v21+s7+$0x0] =	vst.idx.msk $0xffff, v18  }
0xbf: {  	v23 =	vshll.u32 v23, $0x7;
	v18 =	vor.u32 v28, v27;
	v21 =	vshll.u32 v26, $0x7;
	[tilespmem:v25+s7+$0x0] =	vst.idx.msk $0xffff, v24  }
0xc0: {  	_ =	sdelay $0x3  }
0xc1: {  	[tilespmem:v13+s7+$0x0] =	vst.idx.msk $0xffff, v15  }
0xc2: {  	[tilespmem:v12+s7+$0x0] =	vst.idx.msk $0xffff, v20  }
0xc3: {  	v13 =	vor.u32 v3, v22;
	v12 =	vld.idx.msk [tilespmem:v16+s21+$0x0], $0xffff  }
0xc4: {  	s1 =	sadd.s32 $0x1, s30;
	v14 =	vshll.u32 v14, $0x7;
	v15 =	vld.idx.msk [tilespmem:v19+s21+$0x0], $0xffff;
	v16 =	vor.u32 v3, v23  }
0xc5: {  	v20 =	vxor.u32 s1, v0;
	v14 =	vor.u32 v3, v14;
	v17 =	vld.idx.msk [tilespmem:v17+s21+$0x0], $0xffff;
	v19 =	vor.u32 v3, v21  }
0xc6: {  	v18 =	vld.idx.msk [tilespmem:v18+s21+$0x0], $0xffff;
	v21 =	vor.u32 v2, v20;
	v22 =	vor.u32 $0x10, v20;
	v23 =	vand.u32 $0x7, v20  }
0xc7: {  	v25 =	vor.u32 $0x20, v20;
	v24 =	vand.u32 $0x18, v22;
	v23 =	vor.u32 v2, v23  }
0xc8: {  	v27 =	vor.u32 $0x30, v20;
	v26 =	vand.u32 $0x28, v25;
	[tilespmem:v13+s7+$0x0] =	vst.idx.msk $0xffff, v12;
	v12 =	vor.u32 v24, v23  }
0xc9: {  	v13 =	vor.u32 v26, v23;
	v24 =	vand.u32 $0x38, v27;
	[tilespmem:v16+s7+$0x0] =	vst.idx.msk $0xffff, v15  }
0xca: {  	v15 =	vor.u32 v24, v23;
	[tilespmem:v19+s7+$0x0] =	vst.idx.msk $0xffff, v17  }
0xcb: {  	v16 =	vshll.u32 v20, $0x7;
	[tilespmem:v14+s7+$0x0] =	vst.idx.msk $0xffff, v18  }
0xcc: {  	v16 =	vor.u32 v3, v16;
	v14 =	vshll.u32 v22, $0x7;
	v17 =	vld.idx.msk [tilespmem:v21+s21+$0x0], $0xffff  }
0xcd: {  	s18 =	simm.s32 $0x0;
	v19 =	vshll.u32 v27, $0x7;
	v18 =	vshll.u32 v25, $0x7;
	v21 =	vor.u32 v3, v14;
	v20 =	vld.idx.msk [tilespmem:v12+s21+$0x0], $0xffff  }
0xce: {  	v19 =	vor.u32 v3, v19;
	v18 =	vor.u32 v3, v18;
	v22 =	vld.idx.msk [tilespmem:v13+s21+$0x0], $0xffff;
	v12 =	vxor.u32 s18, v0  }
0xcf: {  	v23 =	vld.idx.msk [tilespmem:v15+s21+$0x0], $0xffff;
	v24 =	vor.u32 $0x10, v12;
	v13 =	vand.u32 $0x7, v12;
	v25 =	vor.u32 $0x20, v12  }
0xd0: {  	v26 =	vor.u32 v4, v12;
	v14 =	vand.u32 $0x18, v24;
	v27 =	vor.u32 v4, v13  }
0xd1: {  	v29 =	vor.u32 $0x30, v12;
	v15 =	vand.u32 $0x28, v25;
	v28 =	vor.u32 v14, v27;
	[tilespmem:v16+s7+$0x0] =	vst.idx.msk $0xffff, v17  }
0xd2: {  	v16 =	vand.u32 $0x38, v29;
	[tilespmem:v21+s7+$0x0] =	vst.idx.msk $0xffff, v20;
	v20 =	vor.u32 v15, v27  }
0xd3: {  	[tilespmem:v18+s7+$0x0] =	vst.idx.msk $0xffff, v22;
	v22 =	vor.u32 v16, v27  }
0xd4: {  	v18 =	vshll.u32 v12, $0x7;
	[tilespmem:v19+s7+$0x0] =	vst.idx.msk $0xffff, v23  }
0xd5: {  	s20 =	simm.s32 $0x1;
	v17 =	vshll.u32 v24, $0x7;
	v24 =	vld.idx.msk [tilespmem:v26+s21+$0x0], $0xffff;
	v26 =	vor.u32 v5, v18  }
0xd6: {  	v21 =	vxor.u32 s20, v0;
	v19 =	vshll.u32 v25, $0x7;
	v27 =	vld.idx.msk [tilespmem:v28+s21+$0x0], $0xffff;
	v28 =	vor.u32 v5, v17  }
0xd7: {  	v34 =	vor.u32 v4, v21;
	v31 =	vor.u32 v5, v19;
	v30 =	vld.idx.msk [tilespmem:v20+s21+$0x0], $0xffff;
	v20 =	vshll.u32 v29, $0x7  }
0xd8: {  	v23 =	vand.u32 $0x7, v21;
	v29 =	vor.u32 $0x10, v21;
	v32 =	vld.idx.msk [tilespmem:v22+s21+$0x0], $0xffff;
	v33 =	vor.u32 v5, v20  }
0xd9: {  	v36 =	vor.u32 $0x20, v21;
	v35 =	vor.u32 v4, v23;
	v22 =	vand.u32 $0x18, v29  }
0xda: {  	v37 =	vor.u32 $0x30, v21;
	v38 =	vor.u32 v22, v35;
	[tilespmem:v26+s7+$0x0] =	vst.idx.msk $0xffff, v24;
	v26 =	vand.u32 $0x28, v36  }
0xdb: {  	s30 =	simm.s32 $0x2;
	v25 =	vand.u32 $0x38, v37;
	[tilespmem:v28+s7+$0x0] =	vst.idx.msk $0xffff, v27;
	v39 =	vor.u32 v26, v35  }
0xdc: {  	v40 =	vxor.u32 s30, v0;
	v35 =	vor.u32 v25, v35;
	[tilespmem:v31+s7+$0x0] =	vst.idx.msk $0xffff, v30  }
0xdd: {  	v44 =	vor.u32 $0x10, v40;
	v27 =	vshll.u32 v21, $0x7;
	[tilespmem:v33+s7+$0x0] =	vst.idx.msk $0xffff, v32  }
0xde: {  	v60 =	vand.u32 $0x7, v40;
	v24 =	vshll.u32 v29, $0x7;
	v41 =	vor.u32 v5, v27;
	v59 =	vld.idx.msk [tilespmem:v34+s21+$0x0], $0xffff  }
0xdf: {  	v45 =	vor.u32 $0x20, v40;
	v28 =	vshll.u32 v36, $0x7;
	v43 =	vor.u32 v5, v24;
	v42 =	vld.idx.msk [tilespmem:v38+s21+$0x0], $0xffff  }
0xe0: {  	v61 =	vand.u32 $0x18, v44;
	v29 =	vshll.u32 v37, $0x7;
	v31 =	vor.u32 v5, v28;
	v33 =	vld.idx.msk [tilespmem:v39+s21+$0x0], $0xffff  }
0xe1: {  	v62 =	vor.u32 v4, v60;
	v30 =	vor.u32 v5, v29;
	v32 =	vor.u32 $0x30, v40;
	v38 =	vld.idx.msk [tilespmem:v35+s21+$0x0], $0xffff  }
0xe2: {  	v63 =	vand.u32 $0x28, v45;
	v34 =	vor.u32 v4, v40;
	v46 =	vand.u32 $0x38, v32  }
0xe3: {  	v37 =	vor.u32 v61, v62;
	v40 =	vshll.u32 v40, $0x7;
	v36 =	vor.u32 v46, v62;
	[tilespmem:v41+s7+$0x0] =	vst.idx.msk $0xffff, v59  }
0xe4: {  	s31 =	simm.s32 $0x2;
	s1 =	simm.s32 $0x4;
	v35 =	vor.u32 v63, v62;
	v39 =	vshll.u32 v45, $0x7;
	v41 =	vshll.u32 v44, $0x7;
	[tilespmem:v43+s7+$0x0] =	vst.idx.msk $0xffff, v42  }
.LBB2_9:
0xe5: {  	p2 =	slt.u32 s1, $0xE;
	[tilespmem:v31+s7+$0x0] =	vst.idx.msk $0xffff, v33;
	s18 =	smov.u32 s1;
	s1 =	sadd.s32 $0x2, s1  }
0xe6: {  	[tilespmem:v30+s7+$0x0] =	vst.idx.msk $0xffff, v38  }
0xe7: {  	v31 =	vor.u32 v5, v40;
	v30 =	vld.idx.msk [tilespmem:v34+s21+$0x0], $0xffff  }
0xe8: {  	s20 =	sadd.s32 $0x1, s31;
	s31 =	smov.u32 s18;
	v34 =	vor.u32 v5, v41;
	v33 =	vld.idx.msk [tilespmem:v37+s21+$0x0], $0xffff  }
0xe9: {  	v32 =	vshll.u32 v32, $0x7;
	v38 =	vxor.u32 s20, v0;
	v37 =	vor.u32 v5, v39;
	v35 =	vld.idx.msk [tilespmem:v35+s21+$0x0], $0xffff  }
0xea: {  	v32 =	vor.u32 v5, v32;
	v40 =	vor.u32 $0x10, v38;
	v39 =	vor.u32 v4, v38;
	v36 =	vld.idx.msk [tilespmem:v36+s21+$0x0], $0xffff  }
0xeb: {  	v42 =	vand.u32 $0x7, v38;
	v43 =	vor.u32 $0x20, v38;
	v41 =	vand.u32 $0x18, v40  }
0xec: {  	v45 =	vor.u32 $0x30, v38;
	v42 =	vor.u32 v4, v42;
	v44 =	vand.u32 $0x28, v43  }
0xed: {  	[tilespmem:v31+s7+$0x0] =	vst.idx.msk $0xffff, v30;
	v30 =	vor.u32 v41, v42;
	v31 =	vor.u32 v44, v42;
	v41 =	vand.u32 $0x38, v45  }
0xee: {  	[tilespmem:v34+s7+$0x0] =	vst.idx.msk $0xffff, v33;
	v34 =	vor.u32 v41, v42;
	v33 =	vshll.u32 v38, $0x7;
	v38 =	vshll.u32 v40, $0x7  }
0xef: {  	[tilespmem:v37+s7+$0x0] =	vst.idx.msk $0xffff, v35;
	v35 =	vshll.u32 v43, $0x7;
	v37 =	vshll.u32 v45, $0x7  }
0xf0: {  	[tilespmem:v32+s7+$0x0] =	vst.idx.msk $0xffff, v36  }
0xf1: {  	v36 =	vld.idx.msk [tilespmem:v39+s21+$0x0], $0xffff  }
0xf2: {  	v39 =	vor.u32 v5, v33;
	v42 =	vld.idx.msk [tilespmem:v30+s21+$0x0], $0xffff;
	v30 =	vor.u32 v5, v37  }
0xf3: {  	v40 =	vxor.u32 s31, v0;
	v43 =	vor.u32 v5, v38;
	v33 =	vld.idx.msk [tilespmem:v31+s21+$0x0], $0xffff;
	v31 =	vor.u32 v5, v35  }
.Ltmp9:
0xf4: {  	v41 =	vor.u32 $0x10, v40;
	v44 =	vor.u32 $0x20, v40;
	v32 =	vand.u32 $0x7, v40;
	v38 =	vld.idx.msk [tilespmem:v34+s21+$0x0], $0xffff;
	(pc) =	sbr.rel @p2 .LBB2_9-.Ltmp9, $4  }
0xf5: {  	v45 =	vor.u32 v4, v32;
	v35 =	vand.u32 $0x18, v41;
	v34 =	vor.u32 v4, v40  }
0xf6: {  	v32 =	vor.u32 $0x30, v40;
	v37 =	vor.u32 v35, v45;
	v35 =	vand.u32 $0x28, v44  }
0xf7: {  	v46 =	vand.u32 $0x38, v32;
	v40 =	vshll.u32 v40, $0x7;
	v35 =	vor.u32 v35, v45;
	[tilespmem:v39+s7+$0x0] =	vst.idx.msk $0xffff, v36  }
0xf8: {  	v41 =	vshll.u32 v41, $0x7;
	v36 =	vor.u32 v46, v45;
	v39 =	vshll.u32 v44, $0x7;
	[tilespmem:v43+s7+$0x0] =	vst.idx.msk $0xffff, v42  }
0xf9: {  	_ =	sdelay $0x3  }
0xfa: {  	[tilespmem:v31+s7+$0x0] =	vst.idx.msk $0xffff, v33  }
0xfb: {  	[tilespmem:v30+s7+$0x0] =	vst.idx.msk $0xffff, v38  }
0xfc: {  	v61 =	vor.u32 v5, v40;
	v30 =	vld.idx.msk [tilespmem:v34+s21+$0x0], $0xffff  }
0xfd: {  	v62 =	vor.u32 v5, v41;
	s1 =	sadd.s32 $0x1, s31;
	v32 =	vshll.u32 v32, $0x7;
	v33 =	vld.idx.msk [tilespmem:v37+s21+$0x0], $0xffff  }
0xfe: {  	v63 =	vor.u32 v5, v39;
	v48 =	vxor.u32 s1, v0;
	v32 =	vor.u32 v5, v32;
	v35 =	vld.idx.msk [tilespmem:v35+s21+$0x0], $0xffff  }
0xff: {  	v36 =	vld.idx.msk [tilespmem:v36+s21+$0x0], $0xffff;
	v49 =	vor.u32 v4, v48;
	v50 =	vor.u32 $0x10, v48;
	v51 =	vand.u32 $0x7, v48  }
0x100: {  	v43 =	vor.u32 $0x20, v48;
	v42 =	vand.u32 $0x18, v50;
	v41 =	vor.u32 v4, v51  }
0x101: {  	v45 =	vor.u32 $0x30, v48;
	v44 =	vand.u32 $0x28, v43;
	v52 =	vor.u32 v42, v41;
	[tilespmem:v61+s7+$0x0] =	vst.idx.msk $0xffff, v30  }
0x102: {  	v54 =	vand.u32 $0x38, v45;
	v53 =	vor.u32 v44, v41;
	[tilespmem:v62+s7+$0x0] =	vst.idx.msk $0xffff, v33  }
0x103: {  	v55 =	vor.u32 v54, v41;
	[tilespmem:v63+s7+$0x0] =	vst.idx.msk $0xffff, v35  }
0x104: {  	v56 =	vshll.u32 v48, $0x7;
	[tilespmem:v32+s7+$0x0] =	vst.idx.msk $0xffff, v36  }
0x105: {  	v57 =	vshll.u32 v50, $0x7;
	v34 =	vor.u32 v5, v56;
	v35 =	vld.idx.msk [tilespmem:v49+s21+$0x0], $0xffff  }
0x106: {  	v58 =	vshll.u32 v43, $0x7;
	v32 =	vor.u32 v5, v57;
	v30 =	vld.idx.msk [tilespmem:v52+s21+$0x0], $0xffff  }
0x107: {  	v59 =	vshll.u32 v45, $0x7;
	v36 =	vor.u32 v5, v58;
	v31 =	vld.idx.msk [tilespmem:v53+s21+$0x0], $0xffff  }
0x108: {  	v37 =	vor.u32 v5, v59;
	v33 =	vld.idx.msk [tilespmem:v55+s21+$0x0], $0xffff  }
0x109: {  	v12 =	vor.u32 v6, v12;
	v13 =	vor.u32 v6, v13  }
0x10a: {  	v14 =	vor.u32 v14, v13;
	[tilespmem:v34+s7+$0x0] =	vst.idx.msk $0xffff, v35  }
0x10b: {  	v15 =	vor.u32 v15, v13;
	[tilespmem:v32+s7+$0x0] =	vst.idx.msk $0xffff, v30  }
0x10c: {  	v13 =	vor.u32 v16, v13;
	[tilespmem:v36+s7+$0x0] =	vst.idx.msk $0xffff, v31  }
0x10d: {  	[tilespmem:v37+s7+$0x0] =	vst.idx.msk $0xffff, v33  }
0x10e: {  	v16 =	vor.u32 v7, v18;
	v12 =	vld.idx.msk [tilespmem:v12+s21+$0x0], $0xffff  }
0x10f: {  	v17 =	vor.u32 v7, v17;
	v14 =	vld.idx.msk [tilespmem:v14+s21+$0x0], $0xffff  }
0x110: {  	v18 =	vor.u32 v7, v19;
	v15 =	vld.idx.msk [tilespmem:v15+s21+$0x0], $0xffff  }
0x111: {  	v19 =	vor.u32 v7, v20;
	v13 =	vld.idx.msk [tilespmem:v13+s21+$0x0], $0xffff  }
0x112: {  	v20 =	vor.u32 v6, v21;
	v21 =	vor.u32 v6, v23  }
0x113: {  	[tilespmem:v16+s7+$0x0] =	vst.idx.msk $0xffff, v12;
	v16 =	vor.u32 v22, v21  }
0x114: {  	[tilespmem:v17+s7+$0x0] =	vst.idx.msk $0xffff, v14;
	v14 =	vor.u32 v26, v21  }
0x115: {  	v17 =	vor.u32 v25, v21;
	[tilespmem:v18+s7+$0x0] =	vst.idx.msk $0xffff, v15  }
0x116: {  	[tilespmem:v19+s7+$0x0] =	vst.idx.msk $0xffff, v13  }
0x117: {  	v22 =	vxor.u32 s30, v0;
	v21 =	vor.u32 v7, v27;
	v18 =	vld.idx.msk [tilespmem:v20+s21+$0x0], $0xffff  }
0x118: {  	v24 =	vor.u32 v7, v24;
	v12 =	vor.u32 v7, v29;
	v23 =	vor.u32 $0x10, v22;
	v60 =	vld.idx.msk [tilespmem:v16+s21+$0x0], $0xffff  }
0x119: {  	v61 =	vor.u32 $0x20, v22;
	v13 =	vor.u32 v7, v28;
	v19 =	vand.u32 $0x7, v22;
	v15 =	vld.idx.msk [tilespmem:v14+s21+$0x0], $0xffff  }
0x11a: {  	v62 =	vor.u32 v6, v19;
	v16 =	vor.u32 v6, v22;
	v14 =	vand.u32 $0x18, v23;
	v20 =	vld.idx.msk [tilespmem:v17+s21+$0x0], $0xffff  }
0x11b: {  	v17 =	vand.u32 $0x28, v61;
	v19 =	vor.u32 v14, v62;
	v14 =	vor.u32 $0x30, v22  }
0x11c: {  	v23 =	vshll.u32 v23, $0x7;
	v17 =	vor.u32 v17, v62;
	v63 =	vand.u32 $0x38, v14;
	[tilespmem:v21+s7+$0x0] =	vst.idx.msk $0xffff, v18  }
0x11d: {  	s1 =	simm.s32 $0x4;
	v22 =	vshll.u32 v22, $0x7;
	v18 =	vor.u32 v63, v62;
	v21 =	vshll.u32 v61, $0x7;
	[tilespmem:v24+s7+$0x0] =	vst.idx.msk $0xffff, v60  }
.LBB2_11:
0x11e: {  	p2 =	slt.u32 s1, $0xE;
	[tilespmem:v13+s7+$0x0] =	vst.idx.msk $0xffff, v15;
	s18 =	smov.u32 s1;
	s1 =	sadd.s32 $0x2, s1  }
0x11f: {  	[tilespmem:v12+s7+$0x0] =	vst.idx.msk $0xffff, v20  }
0x120: {  	v13 =	vor.u32 v7, v22;
	v12 =	vld.idx.msk [tilespmem:v16+s21+$0x0], $0xffff  }
0x121: {  	s20 =	sadd.s32 $0x1, s30;
	s30 =	smov.u32 s18;
	v16 =	vor.u32 v7, v23;
	v15 =	vld.idx.msk [tilespmem:v19+s21+$0x0], $0xffff  }
0x122: {  	v14 =	vshll.u32 v14, $0x7;
	v20 =	vxor.u32 s20, v0;
	v19 =	vor.u32 v7, v21;
	v17 =	vld.idx.msk [tilespmem:v17+s21+$0x0], $0xffff  }
0x123: {  	v14 =	vor.u32 v7, v14;
	v22 =	vor.u32 $0x10, v20;
	v21 =	vor.u32 v6, v20;
	v18 =	vld.idx.msk [tilespmem:v18+s21+$0x0], $0xffff  }
0x124: {  	v24 =	vand.u32 $0x7, v20;
	v25 =	vor.u32 $0x20, v20;
	v23 =	vand.u32 $0x18, v22  }
0x125: {  	v27 =	vor.u32 $0x30, v20;
	v24 =	vor.u32 v6, v24;
	v26 =	vand.u32 $0x28, v25  }
0x126: {  	[tilespmem:v13+s7+$0x0] =	vst.idx.msk $0xffff, v12;
	v12 =	vor.u32 v23, v24;
	v13 =	vor.u32 v26, v24;
	v23 =	vand.u32 $0x38, v27  }
0x127: {  	[tilespmem:v16+s7+$0x0] =	vst.idx.msk $0xffff, v15;
	v16 =	vor.u32 v23, v24;
	v15 =	vshll.u32 v20, $0x7;
	v20 =	vshll.u32 v22, $0x7  }
0x128: {  	[tilespmem:v19+s7+$0x0] =	vst.idx.msk $0xffff, v17;
	v17 =	vshll.u32 v25, $0x7;
	v19 =	vshll.u32 v27, $0x7  }
0x129: {  	[tilespmem:v14+s7+$0x0] =	vst.idx.msk $0xffff, v18  }
0x12a: {  	v18 =	vld.idx.msk [tilespmem:v21+s21+$0x0], $0xffff  }
0x12b: {  	v21 =	vor.u32 v7, v15;
	v24 =	vld.idx.msk [tilespmem:v12+s21+$0x0], $0xffff;
	v12 =	vor.u32 v7, v19  }
0x12c: {  	v22 =	vxor.u32 s30, v0;
	v25 =	vor.u32 v7, v20;
	v15 =	vld.idx.msk [tilespmem:v13+s21+$0x0], $0xffff;
	v13 =	vor.u32 v7, v17  }
.Ltmp10:
0x12d: {  	v23 =	vor.u32 $0x10, v22;
	v26 =	vor.u32 $0x20, v22;
	v14 =	vand.u32 $0x7, v22;
	v20 =	vld.idx.msk [tilespmem:v16+s21+$0x0], $0xffff;
	(pc) =	sbr.rel @p2 .LBB2_11-.Ltmp10, $4  }
0x12e: {  	v27 =	vor.u32 v6, v14;
	v17 =	vand.u32 $0x18, v23;
	v16 =	vor.u32 v6, v22  }
0x12f: {  	v14 =	vor.u32 $0x30, v22;
	v19 =	vor.u32 v17, v27;
	v17 =	vand.u32 $0x28, v26  }
0x130: {  	v28 =	vand.u32 $0x38, v14;
	v22 =	vshll.u32 v22, $0x7;
	v17 =	vor.u32 v17, v27;
	[tilespmem:v21+s7+$0x0] =	vst.idx.msk $0xffff, v18  }
0x131: {  	v23 =	vshll.u32 v23, $0x7;
	v18 =	vor.u32 v28, v27;
	v21 =	vshll.u32 v26, $0x7;
	[tilespmem:v25+s7+$0x0] =	vst.idx.msk $0xffff, v24  }
0x132: {  	_ =	sdelay $0x3  }
0x133: {  	[tilespmem:v13+s7+$0x0] =	vst.idx.msk $0xffff, v15  }
0x134: {  	[tilespmem:v12+s7+$0x0] =	vst.idx.msk $0xffff, v20  }
0x135: {  	v13 =	vor.u32 v7, v22;
	v12 =	vld.idx.msk [tilespmem:v16+s21+$0x0], $0xffff  }
0x136: {  	s1 =	sadd.s32 $0x1, s30;
	v14 =	vshll.u32 v14, $0x7;
	v15 =	vld.idx.msk [tilespmem:v19+s21+$0x0], $0xffff;
	v16 =	vor.u32 v7, v23  }
0x137: {  	v20 =	vxor.u32 s1, v0;
	v14 =	vor.u32 v7, v14;
	v17 =	vld.idx.msk [tilespmem:v17+s21+$0x0], $0xffff;
	v19 =	vor.u32 v7, v21  }
0x138: {  	v18 =	vld.idx.msk [tilespmem:v18+s21+$0x0], $0xffff;
	v21 =	vor.u32 v6, v20;
	v22 =	vor.u32 $0x10, v20;
	v23 =	vand.u32 $0x7, v20  }
0x139: {  	v25 =	vor.u32 $0x20, v20;
	v24 =	vand.u32 $0x18, v22;
	v23 =	vor.u32 v6, v23  }
0x13a: {  	v27 =	vor.u32 $0x30, v20;
	v26 =	vand.u32 $0x28, v25;
	[tilespmem:v13+s7+$0x0] =	vst.idx.msk $0xffff, v12;
	v12 =	vor.u32 v24, v23  }
0x13b: {  	v13 =	vor.u32 v26, v23;
	v24 =	vand.u32 $0x38, v27;
	[tilespmem:v16+s7+$0x0] =	vst.idx.msk $0xffff, v15  }
0x13c: {  	v15 =	vor.u32 v24, v23;
	[tilespmem:v19+s7+$0x0] =	vst.idx.msk $0xffff, v17  }
0x13d: {  	v16 =	vshll.u32 v20, $0x7;
	[tilespmem:v14+s7+$0x0] =	vst.idx.msk $0xffff, v18  }
0x13e: {  	v16 =	vor.u32 v7, v16;
	v14 =	vshll.u32 v22, $0x7;
	v17 =	vld.idx.msk [tilespmem:v21+s21+$0x0], $0xffff  }
0x13f: {  	s18 =	simm.s32 $0x0;
	v19 =	vshll.u32 v27, $0x7;
	v18 =	vshll.u32 v25, $0x7;
	v21 =	vor.u32 v7, v14;
	v20 =	vld.idx.msk [tilespmem:v12+s21+$0x0], $0xffff  }
0x140: {  	v19 =	vor.u32 v7, v19;
	v18 =	vor.u32 v7, v18;
	v22 =	vld.idx.msk [tilespmem:v13+s21+$0x0], $0xffff;
	v12 =	vxor.u32 s18, v0  }
0x141: {  	v23 =	vld.idx.msk [tilespmem:v15+s21+$0x0], $0xffff;
	v24 =	vor.u32 $0x10, v12;
	v13 =	vand.u32 $0x7, v12;
	v25 =	vor.u32 $0x20, v12  }
0x142: {  	v26 =	vor.u32 v8, v12;
	v14 =	vand.u32 $0x18, v24;
	v27 =	vor.u32 v8, v13  }
0x143: {  	v29 =	vor.u32 $0x30, v12;
	v15 =	vand.u32 $0x28, v25;
	v28 =	vor.u32 v14, v27;
	[tilespmem:v16+s7+$0x0] =	vst.idx.msk $0xffff, v17  }
0x144: {  	v16 =	vand.u32 $0x38, v29;
	[tilespmem:v21+s7+$0x0] =	vst.idx.msk $0xffff, v20;
	v20 =	vor.u32 v15, v27  }
0x145: {  	[tilespmem:v18+s7+$0x0] =	vst.idx.msk $0xffff, v22;
	v22 =	vor.u32 v16, v27  }
0x146: {  	v18 =	vshll.u32 v12, $0x7;
	[tilespmem:v19+s7+$0x0] =	vst.idx.msk $0xffff, v23  }
0x147: {  	s20 =	simm.s32 $0x1;
	v17 =	vshll.u32 v24, $0x7;
	v24 =	vld.idx.msk [tilespmem:v26+s21+$0x0], $0xffff;
	v26 =	vor.u32 v9, v18  }
0x148: {  	v21 =	vxor.u32 s20, v0;
	v19 =	vshll.u32 v25, $0x7;
	v27 =	vld.idx.msk [tilespmem:v28+s21+$0x0], $0xffff;
	v28 =	vor.u32 v9, v17  }
0x149: {  	v34 =	vor.u32 v8, v21;
	v31 =	vor.u32 v9, v19;
	v30 =	vld.idx.msk [tilespmem:v20+s21+$0x0], $0xffff;
	v20 =	vshll.u32 v29, $0x7  }
0x14a: {  	v23 =	vand.u32 $0x7, v21;
	v29 =	vor.u32 $0x10, v21;
	v32 =	vld.idx.msk [tilespmem:v22+s21+$0x0], $0xffff;
	v33 =	vor.u32 v9, v20  }
0x14b: {  	v36 =	vor.u32 $0x20, v21;
	v35 =	vor.u32 v8, v23;
	v22 =	vand.u32 $0x18, v29  }
0x14c: {  	v37 =	vor.u32 $0x30, v21;
	v38 =	vor.u32 v22, v35;
	[tilespmem:v26+s7+$0x0] =	vst.idx.msk $0xffff, v24;
	v26 =	vand.u32 $0x28, v36  }
0x14d: {  	s30 =	simm.s32 $0x2;
	v25 =	vand.u32 $0x38, v37;
	[tilespmem:v28+s7+$0x0] =	vst.idx.msk $0xffff, v27;
	v39 =	vor.u32 v26, v35  }
0x14e: {  	v40 =	vxor.u32 s30, v0;
	v35 =	vor.u32 v25, v35;
	[tilespmem:v31+s7+$0x0] =	vst.idx.msk $0xffff, v30  }
0x14f: {  	v44 =	vor.u32 $0x10, v40;
	v27 =	vshll.u32 v21, $0x7;
	[tilespmem:v33+s7+$0x0] =	vst.idx.msk $0xffff, v32  }
0x150: {  	v60 =	vand.u32 $0x7, v40;
	v24 =	vshll.u32 v29, $0x7;
	v41 =	vor.u32 v9, v27;
	v59 =	vld.idx.msk [tilespmem:v34+s21+$0x0], $0xffff  }
0x151: {  	v45 =	vor.u32 $0x20, v40;
	v28 =	vshll.u32 v36, $0x7;
	v43 =	vor.u32 v9, v24;
	v42 =	vld.idx.msk [tilespmem:v38+s21+$0x0], $0xffff  }
0x152: {  	v61 =	vand.u32 $0x18, v44;
	v29 =	vshll.u32 v37, $0x7;
	v31 =	vor.u32 v9, v28;
	v33 =	vld.idx.msk [tilespmem:v39+s21+$0x0], $0xffff  }
0x153: {  	v62 =	vor.u32 v8, v60;
	v30 =	vor.u32 v9, v29;
	v32 =	vor.u32 $0x30, v40;
	v38 =	vld.idx.msk [tilespmem:v35+s21+$0x0], $0xffff  }
0x154: {  	v63 =	vand.u32 $0x28, v45;
	v34 =	vor.u32 v8, v40;
	v46 =	vand.u32 $0x38, v32  }
0x155: {  	v37 =	vor.u32 v61, v62;
	v40 =	vshll.u32 v40, $0x7;
	v36 =	vor.u32 v46, v62;
	[tilespmem:v41+s7+$0x0] =	vst.idx.msk $0xffff, v59  }
0x156: {  	s31 =	simm.s32 $0x2;
	s1 =	simm.s32 $0x4;
	v35 =	vor.u32 v63, v62;
	v39 =	vshll.u32 v45, $0x7;
	v41 =	vshll.u32 v44, $0x7;
	[tilespmem:v43+s7+$0x0] =	vst.idx.msk $0xffff, v42  }
.LBB2_13:
0x157: {  	p2 =	slt.u32 s1, $0xE;
	[tilespmem:v31+s7+$0x0] =	vst.idx.msk $0xffff, v33;
	s18 =	smov.u32 s1;
	s1 =	sadd.s32 $0x2, s1  }
0x158: {  	[tilespmem:v30+s7+$0x0] =	vst.idx.msk $0xffff, v38  }
0x159: {  	v31 =	vor.u32 v9, v40;
	v30 =	vld.idx.msk [tilespmem:v34+s21+$0x0], $0xffff  }
0x15a: {  	s20 =	sadd.s32 $0x1, s31;
	s31 =	smov.u32 s18;
	v34 =	vor.u32 v9, v41;
	v33 =	vld.idx.msk [tilespmem:v37+s21+$0x0], $0xffff  }
0x15b: {  	v32 =	vshll.u32 v32, $0x7;
	v38 =	vxor.u32 s20, v0;
	v37 =	vor.u32 v9, v39;
	v35 =	vld.idx.msk [tilespmem:v35+s21+$0x0], $0xffff  }
0x15c: {  	v32 =	vor.u32 v9, v32;
	v40 =	vor.u32 $0x10, v38;
	v39 =	vor.u32 v8, v38;
	v36 =	vld.idx.msk [tilespmem:v36+s21+$0x0], $0xffff  }
0x15d: {  	v42 =	vand.u32 $0x7, v38;
	v43 =	vor.u32 $0x20, v38;
	v41 =	vand.u32 $0x18, v40  }
0x15e: {  	v45 =	vor.u32 $0x30, v38;
	v42 =	vor.u32 v8, v42;
	v44 =	vand.u32 $0x28, v43  }
0x15f: {  	[tilespmem:v31+s7+$0x0] =	vst.idx.msk $0xffff, v30;
	v30 =	vor.u32 v41, v42;
	v31 =	vor.u32 v44, v42;
	v41 =	vand.u32 $0x38, v45  }
0x160: {  	[tilespmem:v34+s7+$0x0] =	vst.idx.msk $0xffff, v33;
	v34 =	vor.u32 v41, v42;
	v33 =	vshll.u32 v38, $0x7;
	v38 =	vshll.u32 v40, $0x7  }
0x161: {  	[tilespmem:v37+s7+$0x0] =	vst.idx.msk $0xffff, v35;
	v35 =	vshll.u32 v43, $0x7;
	v37 =	vshll.u32 v45, $0x7  }
0x162: {  	[tilespmem:v32+s7+$0x0] =	vst.idx.msk $0xffff, v36  }
0x163: {  	v36 =	vld.idx.msk [tilespmem:v39+s21+$0x0], $0xffff  }
0x164: {  	v39 =	vor.u32 v9, v33;
	v42 =	vld.idx.msk [tilespmem:v30+s21+$0x0], $0xffff;
	v30 =	vor.u32 v9, v37  }
0x165: {  	v40 =	vxor.u32 s31, v0;
	v43 =	vor.u32 v9, v38;
	v33 =	vld.idx.msk [tilespmem:v31+s21+$0x0], $0xffff;
	v31 =	vor.u32 v9, v35  }
.Ltmp11:
0x166: {  	v41 =	vor.u32 $0x10, v40;
	v44 =	vor.u32 $0x20, v40;
	v32 =	vand.u32 $0x7, v40;
	v38 =	vld.idx.msk [tilespmem:v34+s21+$0x0], $0xffff;
	(pc) =	sbr.rel @p2 .LBB2_13-.Ltmp11, $4  }
0x167: {  	v45 =	vor.u32 v8, v32;
	v35 =	vand.u32 $0x18, v41;
	v34 =	vor.u32 v8, v40  }
0x168: {  	v32 =	vor.u32 $0x30, v40;
	v37 =	vor.u32 v35, v45;
	v35 =	vand.u32 $0x28, v44  }
0x169: {  	v46 =	vand.u32 $0x38, v32;
	v40 =	vshll.u32 v40, $0x7;
	v35 =	vor.u32 v35, v45;
	[tilespmem:v39+s7+$0x0] =	vst.idx.msk $0xffff, v36  }
0x16a: {  	v41 =	vshll.u32 v41, $0x7;
	v36 =	vor.u32 v46, v45;
	v39 =	vshll.u32 v44, $0x7;
	[tilespmem:v43+s7+$0x0] =	vst.idx.msk $0xffff, v42  }
0x16b: {  	_ =	sdelay $0x3  }
0x16c: {  	[tilespmem:v31+s7+$0x0] =	vst.idx.msk $0xffff, v33  }
0x16d: {  	[tilespmem:v30+s7+$0x0] =	vst.idx.msk $0xffff, v38  }
0x16e: {  	v61 =	vor.u32 v9, v40;
	v30 =	vld.idx.msk [tilespmem:v34+s21+$0x0], $0xffff  }
0x16f: {  	v62 =	vor.u32 v9, v41;
	s1 =	sadd.s32 $0x1, s31;
	v32 =	vshll.u32 v32, $0x7;
	v33 =	vld.idx.msk [tilespmem:v37+s21+$0x0], $0xffff  }
0x170: {  	v63 =	vor.u32 v9, v39;
	v48 =	vxor.u32 s1, v0;
	v32 =	vor.u32 v9, v32;
	v35 =	vld.idx.msk [tilespmem:v35+s21+$0x0], $0xffff  }
0x171: {  	v36 =	vld.idx.msk [tilespmem:v36+s21+$0x0], $0xffff;
	v49 =	vor.u32 v8, v48;
	v50 =	vor.u32 $0x10, v48;
	v51 =	vand.u32 $0x7, v48  }
0x172: {  	v43 =	vor.u32 $0x20, v48;
	v42 =	vand.u32 $0x18, v50;
	v41 =	vor.u32 v8, v51  }
0x173: {  	v45 =	vor.u32 $0x30, v48;
	v44 =	vand.u32 $0x28, v43;
	v52 =	vor.u32 v42, v41;
	[tilespmem:v61+s7+$0x0] =	vst.idx.msk $0xffff, v30  }
0x174: {  	v54 =	vand.u32 $0x38, v45;
	v53 =	vor.u32 v44, v41;
	[tilespmem:v62+s7+$0x0] =	vst.idx.msk $0xffff, v33  }
0x175: {  	v55 =	vor.u32 v54, v41;
	[tilespmem:v63+s7+$0x0] =	vst.idx.msk $0xffff, v35  }
0x176: {  	v56 =	vshll.u32 v48, $0x7;
	[tilespmem:v32+s7+$0x0] =	vst.idx.msk $0xffff, v36  }
0x177: {  	v57 =	vshll.u32 v50, $0x7;
	v34 =	vor.u32 v9, v56;
	v35 =	vld.idx.msk [tilespmem:v49+s21+$0x0], $0xffff  }
0x178: {  	v58 =	vshll.u32 v43, $0x7;
	v32 =	vor.u32 v9, v57;
	v30 =	vld.idx.msk [tilespmem:v52+s21+$0x0], $0xffff  }
0x179: {  	v59 =	vshll.u32 v45, $0x7;
	v36 =	vor.u32 v9, v58;
	v31 =	vld.idx.msk [tilespmem:v53+s21+$0x0], $0xffff  }
0x17a: {  	v37 =	vor.u32 v9, v59;
	v33 =	vld.idx.msk [tilespmem:v55+s21+$0x0], $0xffff  }
0x17b: {  	v12 =	vor.u32 v10, v12;
	v13 =	vor.u32 v10, v13  }
0x17c: {  	v14 =	vor.u32 v14, v13;
	[tilespmem:v34+s7+$0x0] =	vst.idx.msk $0xffff, v35  }
0x17d: {  	v15 =	vor.u32 v15, v13;
	[tilespmem:v32+s7+$0x0] =	vst.idx.msk $0xffff, v30  }
0x17e: {  	v13 =	vor.u32 v16, v13;
	[tilespmem:v36+s7+$0x0] =	vst.idx.msk $0xffff, v31  }
0x17f: {  	[tilespmem:v37+s7+$0x0] =	vst.idx.msk $0xffff, v33  }
0x180: {  	v16 =	vor.u32 v11, v18;
	v12 =	vld.idx.msk [tilespmem:v12+s21+$0x0], $0xffff  }
0x181: {  	v17 =	vor.u32 v11, v17;
	v14 =	vld.idx.msk [tilespmem:v14+s21+$0x0], $0xffff  }
0x182: {  	v18 =	vor.u32 v11, v19;
	v15 =	vld.idx.msk [tilespmem:v15+s21+$0x0], $0xffff  }
0x183: {  	v19 =	vor.u32 v11, v20;
	v13 =	vld.idx.msk [tilespmem:v13+s21+$0x0], $0xffff  }
0x184: {  	v20 =	vor.u32 v10, v21;
	v21 =	vor.u32 v10, v23  }
0x185: {  	[tilespmem:v16+s7+$0x0] =	vst.idx.msk $0xffff, v12;
	v16 =	vor.u32 v22, v21  }
0x186: {  	[tilespmem:v17+s7+$0x0] =	vst.idx.msk $0xffff, v14;
	v14 =	vor.u32 v26, v21  }
0x187: {  	v17 =	vor.u32 v25, v21;
	[tilespmem:v18+s7+$0x0] =	vst.idx.msk $0xffff, v15  }
0x188: {  	[tilespmem:v19+s7+$0x0] =	vst.idx.msk $0xffff, v13  }
0x189: {  	v22 =	vxor.u32 s30, v0;
	v21 =	vor.u32 v11, v27;
	v18 =	vld.idx.msk [tilespmem:v20+s21+$0x0], $0xffff  }
0x18a: {  	v24 =	vor.u32 v11, v24;
	v12 =	vor.u32 v11, v29;
	v23 =	vor.u32 $0x10, v22;
	v60 =	vld.idx.msk [tilespmem:v16+s21+$0x0], $0xffff  }
0x18b: {  	v61 =	vor.u32 $0x20, v22;
	v13 =	vor.u32 v11, v28;
	v19 =	vand.u32 $0x7, v22;
	v15 =	vld.idx.msk [tilespmem:v14+s21+$0x0], $0xffff  }
0x18c: {  	v62 =	vor.u32 v10, v19;
	v16 =	vor.u32 v10, v22;
	v14 =	vand.u32 $0x18, v23;
	v20 =	vld.idx.msk [tilespmem:v17+s21+$0x0], $0xffff  }
0x18d: {  	v17 =	vand.u32 $0x28, v61;
	v19 =	vor.u32 v14, v62;
	v14 =	vor.u32 $0x30, v22  }
0x18e: {  	v23 =	vshll.u32 v23, $0x7;
	v17 =	vor.u32 v17, v62;
	v63 =	vand.u32 $0x38, v14;
	[tilespmem:v21+s7+$0x0] =	vst.idx.msk $0xffff, v18  }
0x18f: {  	s1 =	simm.s32 $0x4;
	v22 =	vshll.u32 v22, $0x7;
	v18 =	vor.u32 v63, v62;
	v21 =	vshll.u32 v61, $0x7;
	[tilespmem:v24+s7+$0x0] =	vst.idx.msk $0xffff, v60  }
.LBB2_15:
0x190: {  	p2 =	slt.u32 s1, $0xE;
	[tilespmem:v13+s7+$0x0] =	vst.idx.msk $0xffff, v15;
	s18 =	smov.u32 s1;
	s1 =	sadd.s32 $0x2, s1  }
0x191: {  	[tilespmem:v12+s7+$0x0] =	vst.idx.msk $0xffff, v20  }
0x192: {  	v13 =	vor.u32 v11, v22;
	v12 =	vld.idx.msk [tilespmem:v16+s21+$0x0], $0xffff  }
0x193: {  	s20 =	sadd.s32 $0x1, s30;
	s30 =	smov.u32 s18;
	v16 =	vor.u32 v11, v23;
	v15 =	vld.idx.msk [tilespmem:v19+s21+$0x0], $0xffff  }
0x194: {  	v14 =	vshll.u32 v14, $0x7;
	v20 =	vxor.u32 s20, v0;
	v19 =	vor.u32 v11, v21;
	v17 =	vld.idx.msk [tilespmem:v17+s21+$0x0], $0xffff  }
0x195: {  	v14 =	vor.u32 v11, v14;
	v22 =	vor.u32 $0x10, v20;
	v21 =	vor.u32 v10, v20;
	v18 =	vld.idx.msk [tilespmem:v18+s21+$0x0], $0xffff  }
0x196: {  	v24 =	vand.u32 $0x7, v20;
	v25 =	vor.u32 $0x20, v20;
	v23 =	vand.u32 $0x18, v22  }
0x197: {  	v27 =	vor.u32 $0x30, v20;
	v24 =	vor.u32 v10, v24;
	v26 =	vand.u32 $0x28, v25  }
0x198: {  	[tilespmem:v13+s7+$0x0] =	vst.idx.msk $0xffff, v12;
	v12 =	vor.u32 v23, v24;
	v13 =	vor.u32 v26, v24;
	v23 =	vand.u32 $0x38, v27  }
0x199: {  	[tilespmem:v16+s7+$0x0] =	vst.idx.msk $0xffff, v15;
	v16 =	vor.u32 v23, v24;
	v15 =	vshll.u32 v20, $0x7;
	v20 =	vshll.u32 v22, $0x7  }
0x19a: {  	[tilespmem:v19+s7+$0x0] =	vst.idx.msk $0xffff, v17;
	v17 =	vshll.u32 v25, $0x7;
	v19 =	vshll.u32 v27, $0x7  }
0x19b: {  	[tilespmem:v14+s7+$0x0] =	vst.idx.msk $0xffff, v18  }
0x19c: {  	v18 =	vld.idx.msk [tilespmem:v21+s21+$0x0], $0xffff  }
0x19d: {  	v21 =	vor.u32 v11, v15;
	v24 =	vld.idx.msk [tilespmem:v12+s21+$0x0], $0xffff;
	v12 =	vor.u32 v11, v19  }
0x19e: {  	v22 =	vxor.u32 s30, v0;
	v25 =	vor.u32 v11, v20;
	v15 =	vld.idx.msk [tilespmem:v13+s21+$0x0], $0xffff;
	v13 =	vor.u32 v11, v17  }
.Ltmp12:
0x19f: {  	v23 =	vor.u32 $0x10, v22;
	v26 =	vor.u32 $0x20, v22;
	v14 =	vand.u32 $0x7, v22;
	v20 =	vld.idx.msk [tilespmem:v16+s21+$0x0], $0xffff;
	(pc) =	sbr.rel @p2 .LBB2_15-.Ltmp12, $4  }
0x1a0: {  	v27 =	vor.u32 v10, v14;
	v17 =	vand.u32 $0x18, v23;
	v16 =	vor.u32 v10, v22  }
0x1a1: {  	v14 =	vor.u32 $0x30, v22;
	v19 =	vor.u32 v17, v27;
	v17 =	vand.u32 $0x28, v26  }
0x1a2: {  	v28 =	vand.u32 $0x38, v14;
	v22 =	vshll.u32 v22, $0x7;
	v17 =	vor.u32 v17, v27;
	[tilespmem:v21+s7+$0x0] =	vst.idx.msk $0xffff, v18  }
0x1a3: {  	v23 =	vshll.u32 v23, $0x7;
	v18 =	vor.u32 v28, v27;
	v21 =	vshll.u32 v26, $0x7;
	[tilespmem:v25+s7+$0x0] =	vst.idx.msk $0xffff, v24  }
0x1a4: {  	_ =	sdelay $0x3  }
0x1a5: {  	[tilespmem:v13+s7+$0x0] =	vst.idx.msk $0xffff, v15  }
0x1a6: {  	[tilespmem:v12+s7+$0x0] =	vst.idx.msk $0xffff, v20  }
0x1a7: {  	v13 =	vor.u32 v11, v22;
	v12 =	vld.idx.msk [tilespmem:v16+s21+$0x0], $0xffff  }
0x1a8: {  	s1 =	sadd.s32 $0x1, s30;
	v14 =	vshll.u32 v14, $0x7;
	v15 =	vld.idx.msk [tilespmem:v19+s21+$0x0], $0xffff;
	v16 =	vor.u32 v11, v23  }
0x1a9: {  	v20 =	vxor.u32 s1, v0;
	v14 =	vor.u32 v11, v14;
	v17 =	vld.idx.msk [tilespmem:v17+s21+$0x0], $0xffff;
	v19 =	vor.u32 v11, v21  }
0x1aa: {  	v18 =	vld.idx.msk [tilespmem:v18+s21+$0x0], $0xffff;
	v21 =	vor.u32 v10, v20;
	v22 =	vor.u32 $0x10, v20;
	v23 =	vand.u32 $0x7, v20  }
0x1ab: {  	v25 =	vor.u32 $0x20, v20;
	v24 =	vand.u32 $0x18, v22;
	v23 =	vor.u32 v10, v23  }
0x1ac: {  	v27 =	vor.u32 $0x30, v20;
	v26 =	vand.u32 $0x28, v25;
	[tilespmem:v13+s7+$0x0] =	vst.idx.msk $0xffff, v12;
	v12 =	vor.u32 v24, v23  }
0x1ad: {  	v13 =	vor.u32 v26, v23;
	v24 =	vand.u32 $0x38, v27;
	[tilespmem:v16+s7+$0x0] =	vst.idx.msk $0xffff, v15  }
0x1ae: {  	v15 =	vor.u32 v24, v23;
	[tilespmem:v19+s7+$0x0] =	vst.idx.msk $0xffff, v17  }
0x1af: {  	v16 =	vshll.u32 v20, $0x7;
	[tilespmem:v14+s7+$0x0] =	vst.idx.msk $0xffff, v18  }
0x1b0: {  	v17 =	vshll.u32 v27, $0x7;
	v16 =	vor.u32 v11, v16;
	v14 =	vshll.u32 v22, $0x7;
	v18 =	vld.idx.msk [tilespmem:v21+s21+$0x0], $0xffff  }
0x1b1: {  	s18 =	simm.s32 $0x0;
	v19 =	vshll.u32 v25, $0x7;
	v21 =	vor.u32 v11, v17;
	v17 =	vor.u32 v11, v14;
	v20 =	vld.idx.msk [tilespmem:v12+s21+$0x0], $0xffff  }
0x1b2: {  	v31 =	vor.u32 $0x1800, v1;
	v19 =	vor.u32 v11, v19;
	v22 =	vld.idx.msk [tilespmem:v13+s21+$0x0], $0xffff;
	v12 =	vxor.u32 s18, v0  }
0x1b3: {  	v23 =	vld.idx.msk [tilespmem:v15+s21+$0x0], $0xffff;
	v24 =	vor.u32 v31, v12;
	v25 =	vor.u32 $0x10, v12;
	v14 =	vand.u32 $0x7, v12  }
0x1b4: {  	v27 =	vor.u32 $0x20, v12;
	v13 =	vand.u32 $0x18, v25;
	v26 =	vor.u32 v31, v14  }
0x1b5: {  	v30 =	vor.u32 $0x30, v12;
	v15 =	vand.u32 $0x28, v27;
	v29 =	vor.u32 v13, v26;
	[tilespmem:v16+s7+$0x0] =	vst.idx.msk $0xffff, v18  }
0x1b6: {  	v32 =	vor.u32 v15, v26;
	[tilespmem:v17+s7+$0x0] =	vst.idx.msk $0xffff, v20;
	v17 =	vand.u32 $0x38, v30  }
0x1b7: {  	[tilespmem:v19+s7+$0x0] =	vst.idx.msk $0xffff, v22;
	v26 =	vor.u32 v17, v26  }
0x1b8: {  	v28 =	vor.u32 $0x60, v0;
	v18 =	vshll.u32 v12, $0x7;
	[tilespmem:v21+s7+$0x0] =	vst.idx.msk $0xffff, v23  }
0x1b9: {  	s20 =	simm.s32 $0x1;
	v19 =	vshll.u32 v25, $0x7;
	v25 =	vor.u32 v28, v18;
	v24 =	vld.idx.msk [tilespmem:v24+s21+$0x0], $0xffff  }
0x1ba: {  	v16 =	vxor.u32 s20, v0;
	v22 =	vshll.u32 v27, $0x7;
	v33 =	vor.u32 v28, v19;
	v29 =	vld.idx.msk [tilespmem:v29+s21+$0x0], $0xffff  }
0x1bb: {  	v20 =	vand.u32 $0x7, v16;
	v21 =	vshll.u32 v30, $0x7;
	v30 =	vor.u32 v28, v22;
	v27 =	vld.idx.msk [tilespmem:v32+s21+$0x0], $0xffff  }
0x1bc: {  	v35 =	vor.u32 $0x10, v16;
	v36 =	vor.u32 $0x20, v16;
	v34 =	vor.u32 v28, v21;
	v26 =	vld.idx.msk [tilespmem:v26+s21+$0x0], $0xffff  }
0x1bd: {  	v37 =	vor.u32 v31, v16;
	v59 =	vor.u32 v31, v20;
	v23 =	vand.u32 $0x18, v35  }
0x1be: {  	v39 =	vor.u32 $0x30, v16;
	v38 =	vor.u32 v23, v59;
	[tilespmem:v25+s7+$0x0] =	vst.idx.msk $0xffff, v24;
	v24 =	vand.u32 $0x28, v36  }
0x1bf: {  	v25 =	vand.u32 $0x38, v39;
	[tilespmem:v33+s7+$0x0] =	vst.idx.msk $0xffff, v29;
	v60 =	vor.u32 v24, v59  }
0x1c0: {  	v32 =	vor.u32 v25, v59;
	[tilespmem:v30+s7+$0x0] =	vst.idx.msk $0xffff, v27  }
0x1c1: {  	v27 =	vshll.u32 v16, $0x7;
	[tilespmem:v34+s7+$0x0] =	vst.idx.msk $0xffff, v26  }
0x1c2: {  	v26 =	vshll.u32 v35, $0x7;
	v41 =	vor.u32 v28, v27;
	v40 =	vld.idx.msk [tilespmem:v37+s21+$0x0], $0xffff  }
0x1c3: {  	v29 =	vshll.u32 v36, $0x7;
	v43 =	vor.u32 v28, v26;
	v44 =	vld.idx.msk [tilespmem:v38+s21+$0x0], $0xffff  }
0x1c4: {  	s30 =	simm.s32 $0x2;
	v45 =	vor.u32 v28, v29;
	v30 =	vshll.u32 v39, $0x7;
	v46 =	vld.idx.msk [tilespmem:v60+s21+$0x0], $0xffff  }
0x1c5: {  	v33 =	vor.u32 v28, v30;
	v34 =	vxor.u32 s30, v0;
	v37 =	vld.idx.msk [tilespmem:v32+s21+$0x0], $0xffff  }
0x1c6: {  	v36 =	vor.u32 v31, v34;
	v39 =	vor.u32 $0x10, v34;
	v61 =	vand.u32 $0x7, v34  }
0x1c7: {  	v35 =	vor.u32 $0x20, v34;
	v62 =	vand.u32 $0x18, v39;
	v42 =	vor.u32 v31, v61;
	[tilespmem:v41+s7+$0x0] =	vst.idx.msk $0xffff, v40  }
0x1c8: {  	s31 =	simm.s32 $0x3;
	v63 =	vand.u32 $0x28, v35;
	v38 =	vor.u32 v62, v42;
	v41 =	vor.u32 $0x30, v34;
	[tilespmem:v43+s7+$0x0] =	vst.idx.msk $0xffff, v44  }
0x1c9: {  	s1 =	simm.s32 $0x4;
	v32 =	vxor.u32 s31, v0;
	v40 =	vor.u32 v63, v42;
	v43 =	vand.u32 $0x38, v41;
	[tilespmem:v45+s7+$0x0] =	vst.idx.msk $0xffff, v46  }
.LBB2_17:
0x1ca: {  	p2 =	slt.u32 s1, $0xE;
	v42 =	vor.u32 v43, v42;
	v39 =	vshll.u32 v39, $0x7;
	v43 =	vand.u32 $0x7, v32;
	[tilespmem:v33+s7+$0x0] =	vst.idx.msk $0xffff, v37;
	s18 =	smov.u32 s1;
	s1 =	sadd.s32 $0x2, s1  }
0x1cb: {  	v33 =	vshll.u32 v41, $0x7;
	v37 =	vor.u32 v31, v43  }
0x1cc: {  	v34 =	vshll.u32 v34, $0x7;
	v36 =	vld.idx.msk [tilespmem:v36+s21+$0x0], $0xffff  }
0x1cd: {  	v34 =	vor.u32 v28, v34;
	v38 =	vld.idx.msk [tilespmem:v38+s21+$0x0], $0xffff  }
0x1ce: {  	v35 =	vshll.u32 v35, $0x7;
	v39 =	vor.u32 v28, v39;
	v40 =	vld.idx.msk [tilespmem:v40+s21+$0x0], $0xffff  }
0x1cf: {  	v35 =	vor.u32 v28, v35;
	v41 =	vld.idx.msk [tilespmem:v42+s21+$0x0], $0xffff;
	v42 =	vor.u32 $0x20, v32  }
0x1d0: {  	v44 =	vor.u32 $0x30, v32;
	v33 =	vor.u32 v28, v33;
	v43 =	vor.u32 $0x10, v32  }
0x1d1: {  	v45 =	vor.u32 v31, v32;
	v47 =	vand.u32 $0x38, v44;
	v46 =	vand.u32 $0x18, v43  }
0x1d2: {  	v43 =	vshll.u32 v43, $0x7;
	[tilespmem:v34+s7+$0x0] =	vst.idx.msk $0xffff, v36;
	v34 =	vor.u32 v46, v37;
	v36 =	vand.u32 $0x28, v42  }
0x1d3: {  	v43 =	vor.u32 v28, v43;
	[tilespmem:v39+s7+$0x0] =	vst.idx.msk $0xffff, v38;
	v36 =	vor.u32 v36, v37;
	v38 =	vshll.u32 v42, $0x7  }
0x1d4: {  	[tilespmem:v35+s7+$0x0] =	vst.idx.msk $0xffff, v40;
	v35 =	vor.u32 v47, v37;
	v46 =	vor.u32 v28, v38;
	v37 =	vshll.u32 v44, $0x7  }
0x1d5: {  	[tilespmem:v33+s7+$0x0] =	vst.idx.msk $0xffff, v41;
	v33 =	vor.u32 v28, v37  }
0x1d6: {  	v32 =	vshll.u32 v32, $0x7;
	v38 =	vld.idx.msk [tilespmem:v45+s21+$0x0], $0xffff  }
0x1d7: {  	v32 =	vor.u32 v28, v32;
	v40 =	vld.idx.msk [tilespmem:v34+s21+$0x0], $0xffff  }
0x1d8: {  	v44 =	vld.idx.msk [tilespmem:v36+s21+$0x0], $0xffff  }
0x1d9: {  	v37 =	vld.idx.msk [tilespmem:v35+s21+$0x0], $0xffff  }
.Ltmp13:
0x1da: {  	v34 =	vxor.u32 s18, v0;
	(pc) =	sbr.rel @p2 .LBB2_17-.Ltmp13, $4  }
0x1db: {  	v36 =	vor.u32 v31, v34;
	v39 =	vor.u32 $0x10, v34;
	v35 =	vand.u32 $0x7, v34  }
0x1dc: {  	v41 =	vand.u32 $0x18, v39;
	v42 =	vor.u32 v31, v35;
	v35 =	vor.u32 $0x20, v34;
	[tilespmem:v32+s7+$0x0] =	vst.idx.msk $0xffff, v38  }
0x1dd: {  	s18 =	sadd.s32 $0x1, s18;
	v38 =	vor.u32 v41, v42;
	v32 =	vand.u32 $0x28, v35;
	v41 =	vor.u32 $0x30, v34;
	[tilespmem:v43+s7+$0x0] =	vst.idx.msk $0xffff, v40  }
0x1de: {  	v40 =	vor.u32 v32, v42;
	v43 =	vand.u32 $0x38, v41;
	v32 =	vxor.u32 s18, v0;
	[tilespmem:v46+s7+$0x0] =	vst.idx.msk $0xffff, v44  }
0x1df: {  	_ =	sdelay $0x2  }
0x1e0: {  	v42 =	vor.u32 v43, v42  }
0x1e1: {  	[tilespmem:v33+s7+$0x0] =	vst.idx.msk $0xffff, v37;
	v47 =	vshll.u32 v34, $0x7  }
0x1e2: {  	v48 =	vshll.u32 v39, $0x7;
	v36 =	vld.idx.msk [tilespmem:v36+s21+$0x0], $0xffff;
	v33 =	vor.u32 v28, v47  }
0x1e3: {  	v35 =	vshll.u32 v35, $0x7;
	v37 =	vld.idx.msk [tilespmem:v38+s21+$0x0], $0xffff;
	v34 =	vor.u32 v28, v48  }
0x1e4: {  	v49 =	vand.u32 $0x7, v32;
	v50 =	vshll.u32 v41, $0x7;
	v40 =	vld.idx.msk [tilespmem:v40+s21+$0x0], $0xffff;
	v35 =	vor.u32 v28, v35  }
0x1e5: {  	v52 =	vor.u32 $0x10, v32;
	v53 =	vor.u32 $0x20, v32;
	v39 =	vor.u32 v28, v50;
	v51 =	vld.idx.msk [tilespmem:v42+s21+$0x0], $0xffff  }
0x1e6: {  	v38 =	vor.u32 v31, v49;
	v31 =	vor.u32 v31, v32;
	v44 =	vand.u32 $0x18, v52  }
0x1e7: {  	v45 =	vor.u32 $0x30, v32;
	v55 =	vand.u32 $0x28, v53;
	v54 =	vor.u32 v44, v38;
	[tilespmem:v33+s7+$0x0] =	vst.idx.msk $0xffff, v36  }
0x1e8: {  	v56 =	vand.u32 $0x38, v45;
	v57 =	vor.u32 v55, v38;
	[tilespmem:v34+s7+$0x0] =	vst.idx.msk $0xffff, v37  }
0x1e9: {  	v58 =	vor.u32 v56, v38;
	[tilespmem:v35+s7+$0x0] =	vst.idx.msk $0xffff, v40  }
0x1ea: {  	v59 =	vshll.u32 v32, $0x7;
	[tilespmem:v39+s7+$0x0] =	vst.idx.msk $0xffff, v51  }
0x1eb: {  	v60 =	vshll.u32 v52, $0x7;
	v32 =	vor.u32 v28, v59;
	v31 =	vld.idx.msk [tilespmem:v31+s21+$0x0], $0xffff  }
0x1ec: {  	v61 =	vshll.u32 v53, $0x7;
	v36 =	vor.u32 v28, v60;
	v33 =	vld.idx.msk [tilespmem:v54+s21+$0x0], $0xffff  }
0x1ed: {  	v62 =	vshll.u32 v45, $0x7;
	v37 =	vor.u32 v28, v61;
	v34 =	vld.idx.msk [tilespmem:v57+s21+$0x0], $0xffff  }
0x1ee: {  	v38 =	vor.u32 v28, v62;
	v28 =	vor.u32 $0x1C00, v1;
	v35 =	vld.idx.msk [tilespmem:v58+s21+$0x0], $0xffff  }
0x1ef: {  	v63 =	vor.u32 v28, v12;
	v12 =	vor.u32 v28, v14  }
0x1f0: {  	v13 =	vor.u32 v13, v12;
	[tilespmem:v32+s7+$0x0] =	vst.idx.msk $0xffff, v31  }
0x1f1: {  	v14 =	vor.u32 v15, v12;
	[tilespmem:v36+s7+$0x0] =	vst.idx.msk $0xffff, v33  }
0x1f2: {  	v15 =	vor.u32 v17, v12;
	[tilespmem:v37+s7+$0x0] =	vst.idx.msk $0xffff, v34  }
0x1f3: {  	v12 =	vor.u32 $0x70, v0;
	[tilespmem:v38+s7+$0x0] =	vst.idx.msk $0xffff, v35  }
0x1f4: {  	v18 =	vor.u32 v12, v18;
	v17 =	vld.idx.msk [tilespmem:v63+s21+$0x0], $0xffff  }
0x1f5: {  	v19 =	vor.u32 v12, v19;
	v13 =	vld.idx.msk [tilespmem:v13+s21+$0x0], $0xffff  }
0x1f6: {  	v22 =	vor.u32 v12, v22;
	v14 =	vld.idx.msk [tilespmem:v14+s21+$0x0], $0xffff  }
0x1f7: {  	v21 =	vor.u32 v12, v21;
	v15 =	vld.idx.msk [tilespmem:v15+s21+$0x0], $0xffff  }
0x1f8: {  	v20 =	vor.u32 v28, v20;
	v16 =	vor.u32 v28, v16  }
0x1f9: {  	[tilespmem:v18+s7+$0x0] =	vst.idx.msk $0xffff, v17;
	v17 =	vor.u32 v23, v20  }
0x1fa: {  	[tilespmem:v19+s7+$0x0] =	vst.idx.msk $0xffff, v13;
	v13 =	vor.u32 v24, v20  }
0x1fb: {  	v18 =	vor.u32 v25, v20;
	[tilespmem:v22+s7+$0x0] =	vst.idx.msk $0xffff, v14  }
0x1fc: {  	[tilespmem:v21+s7+$0x0] =	vst.idx.msk $0xffff, v15  }
0x1fd: {  	v21 =	vor.u32 v12, v27;
	v19 =	vld.idx.msk [tilespmem:v16+s21+$0x0], $0xffff  }
0x1fe: {  	v24 =	vor.u32 v12, v26;
	v25 =	vld.idx.msk [tilespmem:v17+s21+$0x0], $0xffff  }
0x1ff: {  	v26 =	vor.u32 v12, v29;
	v27 =	vld.idx.msk [tilespmem:v13+s21+$0x0], $0xffff  }
0x200: {  	v14 =	vor.u32 v12, v30;
	v15 =	vxor.u32 s30, v0;
	v18 =	vld.idx.msk [tilespmem:v18+s21+$0x0], $0xffff  }
0x201: {  	v20 =	vor.u32 $0x10, v15;
	v16 =	vor.u32 $0x20, v15;
	v13 =	vand.u32 $0x7, v15  }
0x202: {  	v17 =	vor.u32 v28, v15;
	v22 =	vand.u32 $0x18, v20;
	v23 =	vor.u32 v28, v13;
	[tilespmem:v21+s7+$0x0] =	vst.idx.msk $0xffff, v19  }
0x203: {  	v13 =	vand.u32 $0x28, v16;
	v19 =	vor.u32 v22, v23;
	v22 =	vor.u32 $0x30, v15;
	[tilespmem:v24+s7+$0x0] =	vst.idx.msk $0xffff, v25  }
0x204: {  	s1 =	simm.s32 $0x4;
	v21 =	vor.u32 v13, v23;
	v13 =	vxor.u32 s31, v0;
	v24 =	vand.u32 $0x38, v22;
	[tilespmem:v26+s7+$0x0] =	vst.idx.msk $0xffff, v27  }
.LBB2_19:
0x205: {  	p2 =	slt.u32 s1, $0xE;
	v23 =	vor.u32 v24, v23;
	v20 =	vshll.u32 v20, $0x7;
	v24 =	vand.u32 $0x7, v13;
	[tilespmem:v14+s7+$0x0] =	vst.idx.msk $0xffff, v18;
	s18 =	smov.u32 s1;
	s1 =	sadd.s32 $0x2, s1  }
0x206: {  	v14 =	vshll.u32 v22, $0x7;
	v18 =	vor.u32 v28, v24  }
0x207: {  	v15 =	vshll.u32 v15, $0x7;
	v17 =	vld.idx.msk [tilespmem:v17+s21+$0x0], $0xffff  }
0x208: {  	v15 =	vor.u32 v12, v15;
	v19 =	vld.idx.msk [tilespmem:v19+s21+$0x0], $0xffff  }
0x209: {  	v16 =	vshll.u32 v16, $0x7;
	v20 =	vor.u32 v12, v20;
	v21 =	vld.idx.msk [tilespmem:v21+s21+$0x0], $0xffff  }
0x20a: {  	v16 =	vor.u32 v12, v16;
	v22 =	vld.idx.msk [tilespmem:v23+s21+$0x0], $0xffff;
	v23 =	vor.u32 $0x20, v13  }
0x20b: {  	v25 =	vor.u32 $0x30, v13;
	v14 =	vor.u32 v12, v14;
	v24 =	vor.u32 $0x10, v13  }
0x20c: {  	v26 =	vor.u32 v28, v13;
	v29 =	vand.u32 $0x38, v25;
	v27 =	vand.u32 $0x18, v24  }
0x20d: {  	v24 =	vshll.u32 v24, $0x7;
	[tilespmem:v15+s7+$0x0] =	vst.idx.msk $0xffff, v17;
	v15 =	vor.u32 v27, v18;
	v17 =	vand.u32 $0x28, v23  }
0x20e: {  	v24 =	vor.u32 v12, v24;
	[tilespmem:v20+s7+$0x0] =	vst.idx.msk $0xffff, v19;
	v17 =	vor.u32 v17, v18;
	v19 =	vshll.u32 v23, $0x7  }
0x20f: {  	[tilespmem:v16+s7+$0x0] =	vst.idx.msk $0xffff, v21;
	v16 =	vor.u32 v29, v18;
	v27 =	vor.u32 v12, v19;
	v18 =	vshll.u32 v25, $0x7  }
0x210: {  	[tilespmem:v14+s7+$0x0] =	vst.idx.msk $0xffff, v22;
	v14 =	vor.u32 v12, v18  }
0x211: {  	v13 =	vshll.u32 v13, $0x7;
	v19 =	vld.idx.msk [tilespmem:v26+s21+$0x0], $0xffff  }
0x212: {  	v13 =	vor.u32 v12, v13;
	v21 =	vld.idx.msk [tilespmem:v15+s21+$0x0], $0xffff  }
0x213: {  	v25 =	vld.idx.msk [tilespmem:v17+s21+$0x0], $0xffff  }
0x214: {  	v18 =	vld.idx.msk [tilespmem:v16+s21+$0x0], $0xffff  }
.Ltmp14:
0x215: {  	v15 =	vxor.u32 s18, v0;
	(pc) =	sbr.rel @p2 .LBB2_19-.Ltmp14, $4  }
0x216: {  	v17 =	vor.u32 v28, v15;
	v20 =	vor.u32 $0x10, v15;
	v16 =	vand.u32 $0x7, v15  }
0x217: {  	v22 =	vand.u32 $0x18, v20;
	v23 =	vor.u32 v28, v16;
	v16 =	vor.u32 $0x20, v15;
	[tilespmem:v13+s7+$0x0] =	vst.idx.msk $0xffff, v19  }
0x218: {  	s18 =	sadd.s32 $0x1, s18;
	v19 =	vor.u32 v22, v23;
	v13 =	vand.u32 $0x28, v16;
	v22 =	vor.u32 $0x30, v15;
	[tilespmem:v24+s7+$0x0] =	vst.idx.msk $0xffff, v21  }
0x219: {  	v21 =	vor.u32 v13, v23;
	v24 =	vand.u32 $0x38, v22;
	v13 =	vxor.u32 s18, v0;
	[tilespmem:v27+s7+$0x0] =	vst.idx.msk $0xffff, v25  }
0x21a: {  	_ =	sdelay $0x2  }
0x21b: {  	v23 =	vor.u32 v24, v23  }
0x21c: {  	[tilespmem:v14+s7+$0x0] =	vst.idx.msk $0xffff, v18;
	v47 =	vshll.u32 v15, $0x7  }
0x21d: {  	v48 =	vshll.u32 v20, $0x7;
	v17 =	vld.idx.msk [tilespmem:v17+s21+$0x0], $0xffff;
	v14 =	vor.u32 v12, v47  }
0x21e: {  	v16 =	vshll.u32 v16, $0x7;
	v18 =	vld.idx.msk [tilespmem:v19+s21+$0x0], $0xffff;
	v15 =	vor.u32 v12, v48  }
0x21f: {  	v49 =	vand.u32 $0x7, v13;
	v50 =	vshll.u32 v22, $0x7;
	v21 =	vld.idx.msk [tilespmem:v21+s21+$0x0], $0xffff;
	v16 =	vor.u32 v12, v16  }
0x220: {  	v52 =	vor.u32 $0x10, v13;
	v53 =	vor.u32 $0x20, v13;
	v20 =	vor.u32 v12, v50;
	v51 =	vld.idx.msk [tilespmem:v23+s21+$0x0], $0xffff  }
0x221: {  	v25 =	vor.u32 v28, v13;
	v19 =	vor.u32 v28, v49;
	v26 =	vand.u32 $0x18, v52  }
0x222: {  	v27 =	vor.u32 $0x30, v13;
	v55 =	vand.u32 $0x28, v53;
	v54 =	vor.u32 v26, v19;
	[tilespmem:v14+s7+$0x0] =	vst.idx.msk $0xffff, v17  }
0x223: {  	v56 =	vand.u32 $0x38, v27;
	v57 =	vor.u32 v55, v19;
	[tilespmem:v15+s7+$0x0] =	vst.idx.msk $0xffff, v18  }
0x224: {  	v58 =	vor.u32 v56, v19;
	[tilespmem:v16+s7+$0x0] =	vst.idx.msk $0xffff, v21  }
0x225: {  	v59 =	vshll.u32 v13, $0x7;
	[tilespmem:v20+s7+$0x0] =	vst.idx.msk $0xffff, v51  }
0x226: {  	v60 =	vshll.u32 v52, $0x7;
	v13 =	vor.u32 v12, v59;
	v18 =	vld.idx.msk [tilespmem:v25+s21+$0x0], $0xffff  }
0x227: {  	v61 =	vshll.u32 v53, $0x7;
	v17 =	vor.u32 v12, v60;
	v14 =	vld.idx.msk [tilespmem:v54+s21+$0x0], $0xffff  }
0x228: {  	v62 =	vshll.u32 v27, $0x7;
	v19 =	vor.u32 v12, v61;
	v15 =	vld.idx.msk [tilespmem:v57+s21+$0x0], $0xffff  }
0x229: {  	v63 =	vor.u32 v12, v62;
	v16 =	vld.idx.msk [tilespmem:v58+s21+$0x0], $0xffff;
	_ =	sdelay $0x1  }
0x22a: {  	[tilespmem:v13+s7+$0x0] =	vst.idx.msk $0xffff, v18  }
0x22b: {  	s1 =	sshll.u32 s8, $0x10;
	[tilespmem:v17+s7+$0x0] =	vst.idx.msk $0xffff, v14  }
0x22c: {  	s1 =	sor.u32 s4, s1;
	[tilespmem:v19+s7+$0x0] =	vst.idx.msk $0xffff, v15  }
0x22d: {  	s18 =	sadd.s32 s0, s1;
	[tilespmem:v63+s7+$0x0] =	vst.idx.msk $0xffff, v16  }
0x22e: {  	[hbm4b:s18+s3] =	stream.linear.scatter [tilespmem:s7], [sflag:$0x5], $0x400, $0x38;
	[tilespmem:$0x17D20] =	vst v63  }
0x22f: {  	s20 =	simm.s32 $0x14120;
	s31 =	sadd.s32 s1, s9  }
0x230: {  	[hbm4b:s31+s3] =	stream.linear.scatter [tilespmem:s20], [sflag:$0x5], $0x400, $0x38;
	[tilespmem:$0x17D20] =	vst v63  }
0x231: {  	s30 =	sadd.s32 s1, s10;
	s31 =	simm.s32 $0x14520  }
0x232: {  	[hbm4b:s30+s3] =	stream.linear.scatter [tilespmem:s31], [sflag:$0x5], $0x400, $0x38;
	[tilespmem:$0x17D20] =	vst v63  }
0x233: {  	s30 =	sadd.s32 s1, s11;
	s31 =	simm.s32 $0x14920  }
0x234: {  	[hbm4b:s30+s3] =	stream.linear.scatter [tilespmem:s31], [sflag:$0x5], $0x400, $0x38;
	[tilespmem:$0x17D20] =	vst v63  }
0x235: {  	s30 =	sadd.s32 s1, s12;
	s31 =	simm.s32 $0x14D20  }
0x236: {  	[hbm4b:s30+s3] =	stream.linear.scatter [tilespmem:s31], [sflag:$0x5], $0x400, $0x38;
	[tilespmem:$0x17D20] =	vst v63  }
0x237: {  	s30 =	sadd.s32 s1, s13;
	s31 =	simm.s32 $0x15120  }
0x238: {  	[hbm4b:s30+s3] =	stream.linear.scatter [tilespmem:s31], [sflag:$0x5], $0x400, $0x38;
	[tilespmem:$0x17D20] =	vst v63  }
0x239: {  	s29 =	sadd.s32 $0x2, s29;
	s30 =	sadd.s32 s1, s14;
	s31 =	simm.s32 $0x15520  }
0x23a: {  	[hbm4b:s30+s3] =	stream.linear.scatter [tilespmem:s31], [sflag:$0x5], $0x400, $0x38;
	[tilespmem:$0x17D20] =	vst v63  }
0x23b: {  	p3 =	sgt.u32 s8, $0x62;
	s1 =	sadd.s32 s1, s15;
	s30 =	simm.s32 $0x15920  }
0x23c: {  	[hbm4b:s1+s3] =	stream.linear.scatter [tilespmem:s30], [sflag:$0x5], $0x400, $0x38;
	[tilespmem:$0x17D20] =	vst v63  }
0x23d: {  	p2 =	seq.s32 @!p3 s8, $0x0;
	s31 =	sshll.u32 s28, $0x7;
	_ =	swait.ge [sflag:s16], $0x2000  }
0x23e: {  	p4 =	por p3, !p2;
	s1 =	sand.u32 $0x3FFFFF80, s31;
	[sflag:s16] =	ssyncset.done $0x0  }
.Ltmp15:
0x23f: {  	s1 =	sadd.s32 $0x6400, s1;
	[sflag:s16] =	ssyncadd.s32 $0xFFFFE000;
	(pc) =	sbr.rel @!p4 .LBB2_23-.Ltmp15, $4  }
0x240: {  	[tilespmem:s25], [sflag:$0x4] =	stream.indirect.gather.add.f32 [spmem:s2], $0x40, s1, s17, $0xb8;
	[tilespmem:$0x17D20] =	vst v63  }
0x241: {  	p2 =	por @!p3 $0x1, $0x1;
	s1 =	sshll.u32 @!p3 s29, $0x7  }
0x242: {  	s18 =	simm.s32 @!p3 $0x80;
	s20 =	simm.s32 @!p3 $0xFD20;
	s1 =	sand.u32 @!p3 $0x3FFFFF80, s1  }
0x243: {  	[tilespmem:s20], [sflag:$0x1] =	stream.indirect.gather @!p3 [hbm4b:s5+s18], $0x40, s1, s18, $0xb8;
	[tilespmem:$0x17D20] =	vst v63  }
0x244: {  	p4 =	por $0x0, $0x0  }
0x245: {  	p4 =	por @!p3 p2, p2  }
0x246: {  	s29 =	smov.u32 @p3 s29;
	p2 =	por p4, p4  }
.LBB2_22:
0x247: {  	_ =	swait.ge [sflag:s23], $0x400  }
0x248: {  	[sflag:s23] =	ssyncset.done $0x0  }
0x249: {  	[sflag:s23] =	ssyncadd.s32 $0xFFFFFC00  }
0x24a: {  	_ =	swait.ge [sflag:s23], $0x400  }
0x24b: {  	[sflag:s23] =	ssyncset.done $0x0  }
0x24c: {  	[sflag:s23] =	ssyncadd.s32 $0xFFFFFC00  }
0x24d: {  	_ =	swait.ge [sflag:s23], $0x400  }
0x24e: {  	[sflag:s23] =	ssyncset.done $0x0  }
0x24f: {  	[sflag:s23] =	ssyncadd.s32 $0xFFFFFC00  }
0x250: {  	_ =	swait.ge [sflag:s23], $0x400  }
0x251: {  	[sflag:s23] =	ssyncset.done $0x0  }
0x252: {  	[sflag:s23] =	ssyncadd.s32 $0xFFFFFC00  }
0x253: {  	_ =	swait.ge [sflag:s23], $0x400  }
0x254: {  	[sflag:s23] =	ssyncset.done $0x0  }
0x255: {  	[sflag:s23] =	ssyncadd.s32 $0xFFFFFC00  }
0x256: {  	_ =	swait.ge [sflag:s23], $0x400  }
0x257: {  	[sflag:s23] =	ssyncset.done $0x0  }
0x258: {  	[sflag:s23] =	ssyncadd.s32 $0xFFFFFC00  }
0x259: {  	_ =	swait.ge [sflag:s23], $0x400  }
.Ltmp16:
0x25a: {  	[sflag:s23] =	ssyncset.done $0x0;
	(pc) =	sbr.rel @p1 .LBB2_40-.Ltmp16, $4  }
0x25b: {  	[sflag:s23] =	ssyncadd.s32 $0xFFFFFC00  }
0x25c: {  	_ =	swait.ge [sflag:s23], $0x400  }
0x25d: {  	[sflag:s23] =	ssyncset.done $0x0  }
0x25e: {  	[sflag:s23] =	ssyncadd.s32 $0xFFFFFC00  }
.LBB2_23:
0x25f: {  	s1 =	simm.s32 $0x0  }
0x260: {  	v12 =	vxor.u32 s1, v0  }
0x261: {  	v17 =	vor.u32 $0x10, v12;
	v13 =	vand.u32 $0x7, v12;
	v19 =	vor.u32 $0x20, v12  }
0x262: {  	v20 =	vor.u32 v1, v12;
	v14 =	vand.u32 $0x18, v17;
	v18 =	vor.u32 v1, v13  }
0x263: {  	v22 =	vor.u32 $0x30, v12;
	v15 =	vand.u32 $0x28, v19;
	v21 =	vor.u32 v14, v18  }
0x264: {  	_ =	swait.ge [sflag:s24], $0x2000;
	v16 =	vand.u32 $0x38, v22;
	v23 =	vor.u32 v15, v18  }
0x265: {  	[sflag:s24] =	ssyncset.done $0x0;
	v24 =	vor.u32 v16, v18  }
0x266: {  	[sflag:s24] =	ssyncadd.s32 $0xFFFFE000;
	v18 =	vshll.u32 v12, $0x7  }
0x267: {  	v17 =	vshll.u32 v17, $0x7;
	v26 =	vor.u32 v0, v18;
	v25 =	vld.idx.msk [tilespmem:v20+s25+$0x0], $0xffff  }
0x268: {  	s20 =	simm.s32 $0x1;
	v19 =	vshll.u32 v19, $0x7;
	v28 =	vor.u32 v0, v17;
	v20 =	vshll.u32 v22, $0x7;
	v27 =	vld.idx.msk [tilespmem:v21+s25+$0x0], $0xffff  }
0x269: {  	v30 =	vor.u32 v0, v19;
	v32 =	vor.u32 v0, v20;
	v29 =	vld.idx.msk [tilespmem:v23+s25+$0x0], $0xffff;
	v21 =	vxor.u32 s20, v0  }
0x26a: {  	v31 =	vld.idx.msk [tilespmem:v24+s25+$0x0], $0xffff;
	v24 =	vor.u32 $0x10, v21;
	v23 =	vand.u32 $0x7, v21;
	v33 =	vor.u32 v1, v21  }
0x26b: {  	v35 =	vor.u32 $0x20, v21;
	v22 =	vand.u32 $0x18, v24;
	v34 =	vor.u32 v1, v23  }
0x26c: {  	v36 =	vor.u32 $0x30, v21;
	[tilespmem:v26+s26+$0x0] =	vst.idx.msk $0xffff, v25;
	v37 =	vor.u32 v22, v34;
	v26 =	vand.u32 $0x28, v35  }
0x26d: {  	s30 =	simm.s32 $0x2;
	v25 =	vand.u32 $0x38, v36;
	v38 =	vor.u32 v26, v34;
	[tilespmem:v28+s26+$0x0] =	vst.idx.msk $0xffff, v27  }
0x26e: {  	v40 =	vxor.u32 s30, v0;
	v39 =	vor.u32 v25, v34;
	[tilespmem:v30+s26+$0x0] =	vst.idx.msk $0xffff, v29  }
0x26f: {  	v44 =	vor.u32 $0x10, v40;
	v27 =	vshll.u32 v21, $0x7;
	[tilespmem:v32+s26+$0x0] =	vst.idx.msk $0xffff, v31  }
0x270: {  	v60 =	vand.u32 $0x7, v40;
	v24 =	vshll.u32 v24, $0x7;
	v41 =	vor.u32 v0, v27;
	v59 =	vld.idx.msk [tilespmem:v33+s25+$0x0], $0xffff  }
0x271: {  	v45 =	vor.u32 $0x20, v40;
	v43 =	vor.u32 v0, v24;
	v28 =	vshll.u32 v35, $0x7;
	v42 =	vld.idx.msk [tilespmem:v37+s25+$0x0], $0xffff  }
0x272: {  	v61 =	vand.u32 $0x18, v44;
	v29 =	vshll.u32 v36, $0x7;
	v31 =	vor.u32 v0, v28;
	v33 =	vld.idx.msk [tilespmem:v38+s25+$0x0], $0xffff  }
0x273: {  	v46 =	vor.u32 v1, v60;
	v62 =	vand.u32 $0x28, v45;
	v30 =	vor.u32 v0, v29;
	v38 =	vld.idx.msk [tilespmem:v39+s25+$0x0], $0xffff  }
0x274: {  	v34 =	vor.u32 v1, v40;
	v35 =	vor.u32 v62, v46;
	v32 =	vor.u32 $0x30, v40  }
0x275: {  	v40 =	vshll.u32 v40, $0x7;
	v37 =	vor.u32 v61, v46;
	v63 =	vand.u32 $0x38, v32;
	[tilespmem:v41+s26+$0x0] =	vst.idx.msk $0xffff, v59  }
0x276: {  	s31 =	simm.s32 $0x2;
	s1 =	simm.s32 $0x4;
	v36 =	vor.u32 v63, v46;
	v39 =	vshll.u32 v45, $0x7;
	v41 =	vshll.u32 v44, $0x7;
	[tilespmem:v43+s26+$0x0] =	vst.idx.msk $0xffff, v42  }
.LBB2_24:
0x277: {  	p1 =	slt.u32 s1, $0xE;
	[tilespmem:v31+s26+$0x0] =	vst.idx.msk $0xffff, v33;
	s18 =	smov.u32 s1;
	s1 =	sadd.s32 $0x2, s1  }
0x278: {  	[tilespmem:v30+s26+$0x0] =	vst.idx.msk $0xffff, v38  }
0x279: {  	v31 =	vor.u32 v0, v40;
	v30 =	vld.idx.msk [tilespmem:v34+s25+$0x0], $0xffff  }
0x27a: {  	s20 =	sadd.s32 $0x1, s31;
	s31 =	smov.u32 s18;
	v34 =	vor.u32 v0, v41;
	v33 =	vld.idx.msk [tilespmem:v37+s25+$0x0], $0xffff  }
0x27b: {  	v32 =	vshll.u32 v32, $0x7;
	v38 =	vxor.u32 s20, v0;
	v37 =	vor.u32 v0, v39;
	v35 =	vld.idx.msk [tilespmem:v35+s25+$0x0], $0xffff  }
0x27c: {  	v32 =	vor.u32 v0, v32;
	v40 =	vor.u32 $0x10, v38;
	v39 =	vor.u32 v1, v38;
	v36 =	vld.idx.msk [tilespmem:v36+s25+$0x0], $0xffff  }
0x27d: {  	v42 =	vand.u32 $0x7, v38;
	v43 =	vor.u32 $0x20, v38;
	v41 =	vand.u32 $0x18, v40  }
0x27e: {  	v45 =	vor.u32 $0x30, v38;
	v42 =	vor.u32 v1, v42;
	v44 =	vand.u32 $0x28, v43  }
0x27f: {  	[tilespmem:v31+s26+$0x0] =	vst.idx.msk $0xffff, v30;
	v30 =	vor.u32 v41, v42;
	v31 =	vor.u32 v44, v42;
	v41 =	vand.u32 $0x38, v45  }
0x280: {  	[tilespmem:v34+s26+$0x0] =	vst.idx.msk $0xffff, v33;
	v34 =	vor.u32 v41, v42;
	v33 =	vshll.u32 v38, $0x7;
	v38 =	vshll.u32 v40, $0x7  }
0x281: {  	[tilespmem:v37+s26+$0x0] =	vst.idx.msk $0xffff, v35;
	v35 =	vshll.u32 v43, $0x7;
	v37 =	vshll.u32 v45, $0x7  }
0x282: {  	[tilespmem:v32+s26+$0x0] =	vst.idx.msk $0xffff, v36  }
0x283: {  	v36 =	vld.idx.msk [tilespmem:v39+s25+$0x0], $0xffff  }
0x284: {  	v39 =	vor.u32 v0, v33;
	v42 =	vld.idx.msk [tilespmem:v30+s25+$0x0], $0xffff;
	v30 =	vor.u32 v0, v37  }
0x285: {  	v40 =	vxor.u32 s31, v0;
	v43 =	vor.u32 v0, v38;
	v33 =	vld.idx.msk [tilespmem:v31+s25+$0x0], $0xffff;
	v31 =	vor.u32 v0, v35  }
.Ltmp17:
0x286: {  	v41 =	vor.u32 $0x10, v40;
	v44 =	vor.u32 $0x20, v40;
	v32 =	vand.u32 $0x7, v40;
	v38 =	vld.idx.msk [tilespmem:v34+s25+$0x0], $0xffff;
	(pc) =	sbr.rel @p1 .LBB2_24-.Ltmp17, $4  }
0x287: {  	v45 =	vor.u32 v1, v32;
	v35 =	vand.u32 $0x18, v41;
	v34 =	vor.u32 v1, v40  }
0x288: {  	v32 =	vor.u32 $0x30, v40;
	v37 =	vor.u32 v35, v45;
	v35 =	vand.u32 $0x28, v44  }
0x289: {  	v46 =	vand.u32 $0x38, v32;
	v40 =	vshll.u32 v40, $0x7;
	v35 =	vor.u32 v35, v45;
	[tilespmem:v39+s26+$0x0] =	vst.idx.msk $0xffff, v36  }
0x28a: {  	v41 =	vshll.u32 v41, $0x7;
	v36 =	vor.u32 v46, v45;
	v39 =	vshll.u32 v44, $0x7;
	[tilespmem:v43+s26+$0x0] =	vst.idx.msk $0xffff, v42  }
0x28b: {  	_ =	sdelay $0x3  }
0x28c: {  	[tilespmem:v31+s26+$0x0] =	vst.idx.msk $0xffff, v33  }
0x28d: {  	[tilespmem:v30+s26+$0x0] =	vst.idx.msk $0xffff, v38  }
0x28e: {  	v61 =	vor.u32 v0, v40;
	v30 =	vld.idx.msk [tilespmem:v34+s25+$0x0], $0xffff  }
0x28f: {  	v62 =	vor.u32 v0, v41;
	s1 =	sadd.s32 $0x1, s31;
	v32 =	vshll.u32 v32, $0x7;
	v33 =	vld.idx.msk [tilespmem:v37+s25+$0x0], $0xffff  }
0x290: {  	v63 =	vor.u32 v0, v39;
	v48 =	vxor.u32 s1, v0;
	v32 =	vor.u32 v0, v32;
	v35 =	vld.idx.msk [tilespmem:v35+s25+$0x0], $0xffff  }
0x291: {  	v36 =	vld.idx.msk [tilespmem:v36+s25+$0x0], $0xffff;
	v49 =	vor.u32 v1, v48;
	v50 =	vor.u32 $0x10, v48;
	v51 =	vand.u32 $0x7, v48  }
0x292: {  	v43 =	vor.u32 $0x20, v48;
	v42 =	vand.u32 $0x18, v50;
	v41 =	vor.u32 v1, v51  }
0x293: {  	v45 =	vor.u32 $0x30, v48;
	v44 =	vand.u32 $0x28, v43;
	v52 =	vor.u32 v42, v41;
	[tilespmem:v61+s26+$0x0] =	vst.idx.msk $0xffff, v30  }
0x294: {  	v54 =	vand.u32 $0x38, v45;
	v53 =	vor.u32 v44, v41;
	[tilespmem:v62+s26+$0x0] =	vst.idx.msk $0xffff, v33  }
0x295: {  	v55 =	vor.u32 v54, v41;
	[tilespmem:v63+s26+$0x0] =	vst.idx.msk $0xffff, v35  }
0x296: {  	v56 =	vshll.u32 v48, $0x7;
	[tilespmem:v32+s26+$0x0] =	vst.idx.msk $0xffff, v36  }
0x297: {  	v57 =	vshll.u32 v50, $0x7;
	v34 =	vor.u32 v0, v56;
	v35 =	vld.idx.msk [tilespmem:v49+s25+$0x0], $0xffff  }
0x298: {  	v58 =	vshll.u32 v43, $0x7;
	v32 =	vor.u32 v0, v57;
	v30 =	vld.idx.msk [tilespmem:v52+s25+$0x0], $0xffff  }
0x299: {  	v59 =	vshll.u32 v45, $0x7;
	v36 =	vor.u32 v0, v58;
	v31 =	vld.idx.msk [tilespmem:v53+s25+$0x0], $0xffff  }
0x29a: {  	v37 =	vor.u32 v0, v59;
	v33 =	vld.idx.msk [tilespmem:v55+s25+$0x0], $0xffff  }
0x29b: {  	v12 =	vor.u32 v2, v12;
	v13 =	vor.u32 v2, v13  }
0x29c: {  	v14 =	vor.u32 v14, v13;
	[tilespmem:v34+s26+$0x0] =	vst.idx.msk $0xffff, v35  }
0x29d: {  	v15 =	vor.u32 v15, v13;
	[tilespmem:v32+s26+$0x0] =	vst.idx.msk $0xffff, v30  }
0x29e: {  	v13 =	vor.u32 v16, v13;
	[tilespmem:v36+s26+$0x0] =	vst.idx.msk $0xffff, v31  }
0x29f: {  	[tilespmem:v37+s26+$0x0] =	vst.idx.msk $0xffff, v33  }
0x2a0: {  	v16 =	vor.u32 v3, v18;
	v12 =	vld.idx.msk [tilespmem:v12+s25+$0x0], $0xffff  }
0x2a1: {  	v17 =	vor.u32 v3, v17;
	v14 =	vld.idx.msk [tilespmem:v14+s25+$0x0], $0xffff  }
0x2a2: {  	v18 =	vor.u32 v3, v19;
	v15 =	vld.idx.msk [tilespmem:v15+s25+$0x0], $0xffff  }
0x2a3: {  	v19 =	vor.u32 v3, v20;
	v13 =	vld.idx.msk [tilespmem:v13+s25+$0x0], $0xffff  }
0x2a4: {  	v20 =	vor.u32 v2, v21;
	v21 =	vor.u32 v2, v23  }
0x2a5: {  	[tilespmem:v16+s26+$0x0] =	vst.idx.msk $0xffff, v12;
	v16 =	vor.u32 v22, v21  }
0x2a6: {  	[tilespmem:v17+s26+$0x0] =	vst.idx.msk $0xffff, v14;
	v14 =	vor.u32 v26, v21  }
0x2a7: {  	v17 =	vor.u32 v25, v21;
	[tilespmem:v18+s26+$0x0] =	vst.idx.msk $0xffff, v15  }
0x2a8: {  	[tilespmem:v19+s26+$0x0] =	vst.idx.msk $0xffff, v13  }
0x2a9: {  	v22 =	vxor.u32 s30, v0;
	v21 =	vor.u32 v3, v27;
	v18 =	vld.idx.msk [tilespmem:v20+s25+$0x0], $0xffff  }
0x2aa: {  	v24 =	vor.u32 v3, v24;
	v12 =	vor.u32 v3, v29;
	v23 =	vor.u32 $0x10, v22;
	v60 =	vld.idx.msk [tilespmem:v16+s25+$0x0], $0xffff  }
0x2ab: {  	v61 =	vor.u32 $0x20, v22;
	v13 =	vor.u32 v3, v28;
	v19 =	vand.u32 $0x7, v22;
	v15 =	vld.idx.msk [tilespmem:v14+s25+$0x0], $0xffff  }
0x2ac: {  	v62 =	vor.u32 v2, v19;
	v16 =	vor.u32 v2, v22;
	v14 =	vand.u32 $0x18, v23;
	v20 =	vld.idx.msk [tilespmem:v17+s25+$0x0], $0xffff  }
0x2ad: {  	v17 =	vand.u32 $0x28, v61;
	v19 =	vor.u32 v14, v62;
	v14 =	vor.u32 $0x30, v22  }
0x2ae: {  	v23 =	vshll.u32 v23, $0x7;
	v17 =	vor.u32 v17, v62;
	v63 =	vand.u32 $0x38, v14;
	[tilespmem:v21+s26+$0x0] =	vst.idx.msk $0xffff, v18  }
0x2af: {  	s1 =	simm.s32 $0x4;
	v22 =	vshll.u32 v22, $0x7;
	v18 =	vor.u32 v63, v62;
	v21 =	vshll.u32 v61, $0x7;
	[tilespmem:v24+s26+$0x0] =	vst.idx.msk $0xffff, v60  }
.LBB2_26:
0x2b0: {  	p1 =	slt.u32 s1, $0xE;
	[tilespmem:v13+s26+$0x0] =	vst.idx.msk $0xffff, v15;
	s18 =	smov.u32 s1;
	s1 =	sadd.s32 $0x2, s1  }
0x2b1: {  	[tilespmem:v12+s26+$0x0] =	vst.idx.msk $0xffff, v20  }
0x2b2: {  	v13 =	vor.u32 v3, v22;
	v12 =	vld.idx.msk [tilespmem:v16+s25+$0x0], $0xffff  }
0x2b3: {  	s20 =	sadd.s32 $0x1, s30;
	s30 =	smov.u32 s18;
	v16 =	vor.u32 v3, v23;
	v15 =	vld.idx.msk [tilespmem:v19+s25+$0x0], $0xffff  }
0x2b4: {  	v14 =	vshll.u32 v14, $0x7;
	v20 =	vxor.u32 s20, v0;
	v19 =	vor.u32 v3, v21;
	v17 =	vld.idx.msk [tilespmem:v17+s25+$0x0], $0xffff  }
0x2b5: {  	v14 =	vor.u32 v3, v14;
	v22 =	vor.u32 $0x10, v20;
	v21 =	vor.u32 v2, v20;
	v18 =	vld.idx.msk [tilespmem:v18+s25+$0x0], $0xffff  }
0x2b6: {  	v24 =	vand.u32 $0x7, v20;
	v25 =	vor.u32 $0x20, v20;
	v23 =	vand.u32 $0x18, v22  }
0x2b7: {  	v27 =	vor.u32 $0x30, v20;
	v24 =	vor.u32 v2, v24;
	v26 =	vand.u32 $0x28, v25  }
0x2b8: {  	[tilespmem:v13+s26+$0x0] =	vst.idx.msk $0xffff, v12;
	v12 =	vor.u32 v23, v24;
	v13 =	vor.u32 v26, v24;
	v23 =	vand.u32 $0x38, v27  }
0x2b9: {  	[tilespmem:v16+s26+$0x0] =	vst.idx.msk $0xffff, v15;
	v16 =	vor.u32 v23, v24;
	v15 =	vshll.u32 v20, $0x7;
	v20 =	vshll.u32 v22, $0x7  }
0x2ba: {  	[tilespmem:v19+s26+$0x0] =	vst.idx.msk $0xffff, v17;
	v17 =	vshll.u32 v25, $0x7;
	v19 =	vshll.u32 v27, $0x7  }
0x2bb: {  	[tilespmem:v14+s26+$0x0] =	vst.idx.msk $0xffff, v18  }
0x2bc: {  	v18 =	vld.idx.msk [tilespmem:v21+s25+$0x0], $0xffff  }
0x2bd: {  	v21 =	vor.u32 v3, v15;
	v24 =	vld.idx.msk [tilespmem:v12+s25+$0x0], $0xffff;
	v12 =	vor.u32 v3, v19  }
0x2be: {  	v22 =	vxor.u32 s30, v0;
	v25 =	vor.u32 v3, v20;
	v15 =	vld.idx.msk [tilespmem:v13+s25+$0x0], $0xffff;
	v13 =	vor.u32 v3, v17  }
.Ltmp18:
0x2bf: {  	v23 =	vor.u32 $0x10, v22;
	v26 =	vor.u32 $0x20, v22;
	v14 =	vand.u32 $0x7, v22;
	v20 =	vld.idx.msk [tilespmem:v16+s25+$0x0], $0xffff;
	(pc) =	sbr.rel @p1 .LBB2_26-.Ltmp18, $4  }
0x2c0: {  	v27 =	vor.u32 v2, v14;
	v17 =	vand.u32 $0x18, v23;
	v16 =	vor.u32 v2, v22  }
0x2c1: {  	v14 =	vor.u32 $0x30, v22;
	v19 =	vor.u32 v17, v27;
	v17 =	vand.u32 $0x28, v26  }
0x2c2: {  	v28 =	vand.u32 $0x38, v14;
	v22 =	vshll.u32 v22, $0x7;
	v17 =	vor.u32 v17, v27;
	[tilespmem:v21+s26+$0x0] =	vst.idx.msk $0xffff, v18  }
0x2c3: {  	v23 =	vshll.u32 v23, $0x7;
	v18 =	vor.u32 v28, v27;
	v21 =	vshll.u32 v26, $0x7;
	[tilespmem:v25+s26+$0x0] =	vst.idx.msk $0xffff, v24  }
0x2c4: {  	_ =	sdelay $0x3  }
0x2c5: {  	[tilespmem:v13+s26+$0x0] =	vst.idx.msk $0xffff, v15  }
0x2c6: {  	[tilespmem:v12+s26+$0x0] =	vst.idx.msk $0xffff, v20  }
0x2c7: {  	v13 =	vor.u32 v3, v22;
	v12 =	vld.idx.msk [tilespmem:v16+s25+$0x0], $0xffff  }
0x2c8: {  	s1 =	sadd.s32 $0x1, s30;
	v14 =	vshll.u32 v14, $0x7;
	v15 =	vld.idx.msk [tilespmem:v19+s25+$0x0], $0xffff;
	v16 =	vor.u32 v3, v23  }
0x2c9: {  	v20 =	vxor.u32 s1, v0;
	v14 =	vor.u32 v3, v14;
	v17 =	vld.idx.msk [tilespmem:v17+s25+$0x0], $0xffff;
	v19 =	vor.u32 v3, v21  }
0x2ca: {  	v18 =	vld.idx.msk [tilespmem:v18+s25+$0x0], $0xffff;
	v21 =	vor.u32 v2, v20;
	v22 =	vor.u32 $0x10, v20;
	v23 =	vand.u32 $0x7, v20  }
0x2cb: {  	v25 =	vor.u32 $0x20, v20;
	v24 =	vand.u32 $0x18, v22;
	v23 =	vor.u32 v2, v23  }
0x2cc: {  	v27 =	vor.u32 $0x30, v20;
	v26 =	vand.u32 $0x28, v25;
	[tilespmem:v13+s26+$0x0] =	vst.idx.msk $0xffff, v12;
	v12 =	vor.u32 v24, v23  }
0x2cd: {  	v13 =	vor.u32 v26, v23;
	v24 =	vand.u32 $0x38, v27;
	[tilespmem:v16+s26+$0x0] =	vst.idx.msk $0xffff, v15  }
0x2ce: {  	v15 =	vor.u32 v24, v23;
	[tilespmem:v19+s26+$0x0] =	vst.idx.msk $0xffff, v17  }
0x2cf: {  	v16 =	vshll.u32 v20, $0x7;
	[tilespmem:v14+s26+$0x0] =	vst.idx.msk $0xffff, v18  }
0x2d0: {  	v16 =	vor.u32 v3, v16;
	v14 =	vshll.u32 v22, $0x7;
	v17 =	vld.idx.msk [tilespmem:v21+s25+$0x0], $0xffff  }
0x2d1: {  	s18 =	simm.s32 $0x0;
	v19 =	vshll.u32 v27, $0x7;
	v18 =	vshll.u32 v25, $0x7;
	v21 =	vor.u32 v3, v14;
	v20 =	vld.idx.msk [tilespmem:v12+s25+$0x0], $0xffff  }
0x2d2: {  	v19 =	vor.u32 v3, v19;
	v18 =	vor.u32 v3, v18;
	v22 =	vld.idx.msk [tilespmem:v13+s25+$0x0], $0xffff;
	v12 =	vxor.u32 s18, v0  }
0x2d3: {  	v23 =	vld.idx.msk [tilespmem:v15+s25+$0x0], $0xffff;
	v24 =	vor.u32 $0x10, v12;
	v13 =	vand.u32 $0x7, v12;
	v25 =	vor.u32 $0x20, v12  }
0x2d4: {  	v26 =	vor.u32 v4, v12;
	v14 =	vand.u32 $0x18, v24;
	v27 =	vor.u32 v4, v13  }
0x2d5: {  	v29 =	vor.u32 $0x30, v12;
	v15 =	vand.u32 $0x28, v25;
	v28 =	vor.u32 v14, v27;
	[tilespmem:v16+s26+$0x0] =	vst.idx.msk $0xffff, v17  }
0x2d6: {  	v16 =	vand.u32 $0x38, v29;
	[tilespmem:v21+s26+$0x0] =	vst.idx.msk $0xffff, v20;
	v20 =	vor.u32 v15, v27  }
0x2d7: {  	[tilespmem:v18+s26+$0x0] =	vst.idx.msk $0xffff, v22;
	v22 =	vor.u32 v16, v27  }
0x2d8: {  	v18 =	vshll.u32 v12, $0x7;
	[tilespmem:v19+s26+$0x0] =	vst.idx.msk $0xffff, v23  }
0x2d9: {  	s20 =	simm.s32 $0x1;
	v17 =	vshll.u32 v24, $0x7;
	v24 =	vld.idx.msk [tilespmem:v26+s25+$0x0], $0xffff;
	v26 =	vor.u32 v5, v18  }
0x2da: {  	v21 =	vxor.u32 s20, v0;
	v19 =	vshll.u32 v25, $0x7;
	v27 =	vld.idx.msk [tilespmem:v28+s25+$0x0], $0xffff;
	v28 =	vor.u32 v5, v17  }
0x2db: {  	v34 =	vor.u32 v4, v21;
	v31 =	vor.u32 v5, v19;
	v30 =	vld.idx.msk [tilespmem:v20+s25+$0x0], $0xffff;
	v20 =	vshll.u32 v29, $0x7  }
0x2dc: {  	v23 =	vand.u32 $0x7, v21;
	v29 =	vor.u32 $0x10, v21;
	v32 =	vld.idx.msk [tilespmem:v22+s25+$0x0], $0xffff;
	v33 =	vor.u32 v5, v20  }
0x2dd: {  	v36 =	vor.u32 $0x20, v21;
	v35 =	vor.u32 v4, v23;
	v22 =	vand.u32 $0x18, v29  }
0x2de: {  	v37 =	vor.u32 $0x30, v21;
	v38 =	vor.u32 v22, v35;
	[tilespmem:v26+s26+$0x0] =	vst.idx.msk $0xffff, v24;
	v26 =	vand.u32 $0x28, v36  }
0x2df: {  	s30 =	simm.s32 $0x2;
	v25 =	vand.u32 $0x38, v37;
	[tilespmem:v28+s26+$0x0] =	vst.idx.msk $0xffff, v27;
	v39 =	vor.u32 v26, v35  }
0x2e0: {  	v40 =	vxor.u32 s30, v0;
	v35 =	vor.u32 v25, v35;
	[tilespmem:v31+s26+$0x0] =	vst.idx.msk $0xffff, v30  }
0x2e1: {  	v44 =	vor.u32 $0x10, v40;
	v27 =	vshll.u32 v21, $0x7;
	[tilespmem:v33+s26+$0x0] =	vst.idx.msk $0xffff, v32  }
0x2e2: {  	v60 =	vand.u32 $0x7, v40;
	v24 =	vshll.u32 v29, $0x7;
	v41 =	vor.u32 v5, v27;
	v59 =	vld.idx.msk [tilespmem:v34+s25+$0x0], $0xffff  }
0x2e3: {  	v45 =	vor.u32 $0x20, v40;
	v28 =	vshll.u32 v36, $0x7;
	v43 =	vor.u32 v5, v24;
	v42 =	vld.idx.msk [tilespmem:v38+s25+$0x0], $0xffff  }
0x2e4: {  	v61 =	vand.u32 $0x18, v44;
	v29 =	vshll.u32 v37, $0x7;
	v31 =	vor.u32 v5, v28;
	v33 =	vld.idx.msk [tilespmem:v39+s25+$0x0], $0xffff  }
0x2e5: {  	v62 =	vor.u32 v4, v60;
	v30 =	vor.u32 v5, v29;
	v32 =	vor.u32 $0x30, v40;
	v38 =	vld.idx.msk [tilespmem:v35+s25+$0x0], $0xffff  }
0x2e6: {  	v63 =	vand.u32 $0x28, v45;
	v34 =	vor.u32 v4, v40;
	v46 =	vand.u32 $0x38, v32  }
0x2e7: {  	v37 =	vor.u32 v61, v62;
	v40 =	vshll.u32 v40, $0x7;
	v36 =	vor.u32 v46, v62;
	[tilespmem:v41+s26+$0x0] =	vst.idx.msk $0xffff, v59  }
0x2e8: {  	s31 =	simm.s32 $0x2;
	s1 =	simm.s32 $0x4;
	v35 =	vor.u32 v63, v62;
	v39 =	vshll.u32 v45, $0x7;
	v41 =	vshll.u32 v44, $0x7;
	[tilespmem:v43+s26+$0x0] =	vst.idx.msk $0xffff, v42  }
.LBB2_28:
0x2e9: {  	p1 =	slt.u32 s1, $0xE;
	[tilespmem:v31+s26+$0x0] =	vst.idx.msk $0xffff, v33;
	s18 =	smov.u32 s1;
	s1 =	sadd.s32 $0x2, s1  }
0x2ea: {  	[tilespmem:v30+s26+$0x0] =	vst.idx.msk $0xffff, v38  }
0x2eb: {  	v31 =	vor.u32 v5, v40;
	v30 =	vld.idx.msk [tilespmem:v34+s25+$0x0], $0xffff  }
0x2ec: {  	s20 =	sadd.s32 $0x1, s31;
	s31 =	smov.u32 s18;
	v34 =	vor.u32 v5, v41;
	v33 =	vld.idx.msk [tilespmem:v37+s25+$0x0], $0xffff  }
0x2ed: {  	v32 =	vshll.u32 v32, $0x7;
	v38 =	vxor.u32 s20, v0;
	v37 =	vor.u32 v5, v39;
	v35 =	vld.idx.msk [tilespmem:v35+s25+$0x0], $0xffff  }
0x2ee: {  	v32 =	vor.u32 v5, v32;
	v40 =	vor.u32 $0x10, v38;
	v39 =	vor.u32 v4, v38;
	v36 =	vld.idx.msk [tilespmem:v36+s25+$0x0], $0xffff  }
0x2ef: {  	v42 =	vand.u32 $0x7, v38;
	v43 =	vor.u32 $0x20, v38;
	v41 =	vand.u32 $0x18, v40  }
0x2f0: {  	v45 =	vor.u32 $0x30, v38;
	v42 =	vor.u32 v4, v42;
	v44 =	vand.u32 $0x28, v43  }
0x2f1: {  	[tilespmem:v31+s26+$0x0] =	vst.idx.msk $0xffff, v30;
	v30 =	vor.u32 v41, v42;
	v31 =	vor.u32 v44, v42;
	v41 =	vand.u32 $0x38, v45  }
0x2f2: {  	[tilespmem:v34+s26+$0x0] =	vst.idx.msk $0xffff, v33;
	v34 =	vor.u32 v41, v42;
	v33 =	vshll.u32 v38, $0x7;
	v38 =	vshll.u32 v40, $0x7  }
0x2f3: {  	[tilespmem:v37+s26+$0x0] =	vst.idx.msk $0xffff, v35;
	v35 =	vshll.u32 v43, $0x7;
	v37 =	vshll.u32 v45, $0x7  }
0x2f4: {  	[tilespmem:v32+s26+$0x0] =	vst.idx.msk $0xffff, v36  }
0x2f5: {  	v36 =	vld.idx.msk [tilespmem:v39+s25+$0x0], $0xffff  }
0x2f6: {  	v39 =	vor.u32 v5, v33;
	v42 =	vld.idx.msk [tilespmem:v30+s25+$0x0], $0xffff;
	v30 =	vor.u32 v5, v37  }
0x2f7: {  	v40 =	vxor.u32 s31, v0;
	v43 =	vor.u32 v5, v38;
	v33 =	vld.idx.msk [tilespmem:v31+s25+$0x0], $0xffff;
	v31 =	vor.u32 v5, v35  }
.Ltmp19:
0x2f8: {  	v41 =	vor.u32 $0x10, v40;
	v44 =	vor.u32 $0x20, v40;
	v32 =	vand.u32 $0x7, v40;
	v38 =	vld.idx.msk [tilespmem:v34+s25+$0x0], $0xffff;
	(pc) =	sbr.rel @p1 .LBB2_28-.Ltmp19, $4  }
0x2f9: {  	v45 =	vor.u32 v4, v32;
	v35 =	vand.u32 $0x18, v41;
	v34 =	vor.u32 v4, v40  }
0x2fa: {  	v32 =	vor.u32 $0x30, v40;
	v37 =	vor.u32 v35, v45;
	v35 =	vand.u32 $0x28, v44  }
0x2fb: {  	v46 =	vand.u32 $0x38, v32;
	v40 =	vshll.u32 v40, $0x7;
	v35 =	vor.u32 v35, v45;
	[tilespmem:v39+s26+$0x0] =	vst.idx.msk $0xffff, v36  }
0x2fc: {  	v41 =	vshll.u32 v41, $0x7;
	v36 =	vor.u32 v46, v45;
	v39 =	vshll.u32 v44, $0x7;
	[tilespmem:v43+s26+$0x0] =	vst.idx.msk $0xffff, v42  }
0x2fd: {  	_ =	sdelay $0x3  }
0x2fe: {  	[tilespmem:v31+s26+$0x0] =	vst.idx.msk $0xffff, v33  }
0x2ff: {  	[tilespmem:v30+s26+$0x0] =	vst.idx.msk $0xffff, v38  }
0x300: {  	v61 =	vor.u32 v5, v40;
	v30 =	vld.idx.msk [tilespmem:v34+s25+$0x0], $0xffff  }
0x301: {  	v62 =	vor.u32 v5, v41;
	s1 =	sadd.s32 $0x1, s31;
	v32 =	vshll.u32 v32, $0x7;
	v33 =	vld.idx.msk [tilespmem:v37+s25+$0x0], $0xffff  }
0x302: {  	v63 =	vor.u32 v5, v39;
	v48 =	vxor.u32 s1, v0;
	v32 =	vor.u32 v5, v32;
	v35 =	vld.idx.msk [tilespmem:v35+s25+$0x0], $0xffff  }
0x303: {  	v36 =	vld.idx.msk [tilespmem:v36+s25+$0x0], $0xffff;
	v49 =	vor.u32 v4, v48;
	v50 =	vor.u32 $0x10, v48;
	v51 =	vand.u32 $0x7, v48  }
0x304: {  	v43 =	vor.u32 $0x20, v48;
	v42 =	vand.u32 $0x18, v50;
	v41 =	vor.u32 v4, v51  }
0x305: {  	v45 =	vor.u32 $0x30, v48;
	v44 =	vand.u32 $0x28, v43;
	v52 =	vor.u32 v42, v41;
	[tilespmem:v61+s26+$0x0] =	vst.idx.msk $0xffff, v30  }
0x306: {  	v54 =	vand.u32 $0x38, v45;
	v53 =	vor.u32 v44, v41;
	[tilespmem:v62+s26+$0x0] =	vst.idx.msk $0xffff, v33  }
0x307: {  	v55 =	vor.u32 v54, v41;
	[tilespmem:v63+s26+$0x0] =	vst.idx.msk $0xffff, v35  }
0x308: {  	v56 =	vshll.u32 v48, $0x7;
	[tilespmem:v32+s26+$0x0] =	vst.idx.msk $0xffff, v36  }
0x309: {  	v57 =	vshll.u32 v50, $0x7;
	v34 =	vor.u32 v5, v56;
	v35 =	vld.idx.msk [tilespmem:v49+s25+$0x0], $0xffff  }
0x30a: {  	v58 =	vshll.u32 v43, $0x7;
	v32 =	vor.u32 v5, v57;
	v30 =	vld.idx.msk [tilespmem:v52+s25+$0x0], $0xffff  }
0x30b: {  	v59 =	vshll.u32 v45, $0x7;
	v36 =	vor.u32 v5, v58;
	v31 =	vld.idx.msk [tilespmem:v53+s25+$0x0], $0xffff  }
0x30c: {  	v37 =	vor.u32 v5, v59;
	v33 =	vld.idx.msk [tilespmem:v55+s25+$0x0], $0xffff  }
0x30d: {  	v12 =	vor.u32 v6, v12;
	v13 =	vor.u32 v6, v13  }
0x30e: {  	v14 =	vor.u32 v14, v13;
	[tilespmem:v34+s26+$0x0] =	vst.idx.msk $0xffff, v35  }
0x30f: {  	v15 =	vor.u32 v15, v13;
	[tilespmem:v32+s26+$0x0] =	vst.idx.msk $0xffff, v30  }
0x310: {  	v13 =	vor.u32 v16, v13;
	[tilespmem:v36+s26+$0x0] =	vst.idx.msk $0xffff, v31  }
0x311: {  	[tilespmem:v37+s26+$0x0] =	vst.idx.msk $0xffff, v33  }
0x312: {  	v16 =	vor.u32 v7, v18;
	v12 =	vld.idx.msk [tilespmem:v12+s25+$0x0], $0xffff  }
0x313: {  	v17 =	vor.u32 v7, v17;
	v14 =	vld.idx.msk [tilespmem:v14+s25+$0x0], $0xffff  }
0x314: {  	v18 =	vor.u32 v7, v19;
	v15 =	vld.idx.msk [tilespmem:v15+s25+$0x0], $0xffff  }
0x315: {  	v19 =	vor.u32 v7, v20;
	v13 =	vld.idx.msk [tilespmem:v13+s25+$0x0], $0xffff  }
0x316: {  	v20 =	vor.u32 v6, v21;
	v21 =	vor.u32 v6, v23  }
0x317: {  	[tilespmem:v16+s26+$0x0] =	vst.idx.msk $0xffff, v12;
	v16 =	vor.u32 v22, v21  }
0x318: {  	[tilespmem:v17+s26+$0x0] =	vst.idx.msk $0xffff, v14;
	v14 =	vor.u32 v26, v21  }
0x319: {  	v17 =	vor.u32 v25, v21;
	[tilespmem:v18+s26+$0x0] =	vst.idx.msk $0xffff, v15  }
0x31a: {  	[tilespmem:v19+s26+$0x0] =	vst.idx.msk $0xffff, v13  }
0x31b: {  	v22 =	vxor.u32 s30, v0;
	v21 =	vor.u32 v7, v27;
	v18 =	vld.idx.msk [tilespmem:v20+s25+$0x0], $0xffff  }
0x31c: {  	v24 =	vor.u32 v7, v24;
	v12 =	vor.u32 v7, v29;
	v23 =	vor.u32 $0x10, v22;
	v60 =	vld.idx.msk [tilespmem:v16+s25+$0x0], $0xffff  }
0x31d: {  	v61 =	vor.u32 $0x20, v22;
	v13 =	vor.u32 v7, v28;
	v19 =	vand.u32 $0x7, v22;
	v15 =	vld.idx.msk [tilespmem:v14+s25+$0x0], $0xffff  }
0x31e: {  	v62 =	vor.u32 v6, v19;
	v16 =	vor.u32 v6, v22;
	v14 =	vand.u32 $0x18, v23;
	v20 =	vld.idx.msk [tilespmem:v17+s25+$0x0], $0xffff  }
0x31f: {  	v17 =	vand.u32 $0x28, v61;
	v19 =	vor.u32 v14, v62;
	v14 =	vor.u32 $0x30, v22  }
0x320: {  	v23 =	vshll.u32 v23, $0x7;
	v17 =	vor.u32 v17, v62;
	v63 =	vand.u32 $0x38, v14;
	[tilespmem:v21+s26+$0x0] =	vst.idx.msk $0xffff, v18  }
0x321: {  	s1 =	simm.s32 $0x4;
	v22 =	vshll.u32 v22, $0x7;
	v18 =	vor.u32 v63, v62;
	v21 =	vshll.u32 v61, $0x7;
	[tilespmem:v24+s26+$0x0] =	vst.idx.msk $0xffff, v60  }
.LBB2_30:
0x322: {  	p1 =	slt.u32 s1, $0xE;
	[tilespmem:v13+s26+$0x0] =	vst.idx.msk $0xffff, v15;
	s18 =	smov.u32 s1;
	s1 =	sadd.s32 $0x2, s1  }
0x323: {  	[tilespmem:v12+s26+$0x0] =	vst.idx.msk $0xffff, v20  }
0x324: {  	v13 =	vor.u32 v7, v22;
	v12 =	vld.idx.msk [tilespmem:v16+s25+$0x0], $0xffff  }
0x325: {  	s20 =	sadd.s32 $0x1, s30;
	s30 =	smov.u32 s18;
	v16 =	vor.u32 v7, v23;
	v15 =	vld.idx.msk [tilespmem:v19+s25+$0x0], $0xffff  }
0x326: {  	v14 =	vshll.u32 v14, $0x7;
	v20 =	vxor.u32 s20, v0;
	v19 =	vor.u32 v7, v21;
	v17 =	vld.idx.msk [tilespmem:v17+s25+$0x0], $0xffff  }
0x327: {  	v14 =	vor.u32 v7, v14;
	v22 =	vor.u32 $0x10, v20;
	v21 =	vor.u32 v6, v20;
	v18 =	vld.idx.msk [tilespmem:v18+s25+$0x0], $0xffff  }
0x328: {  	v24 =	vand.u32 $0x7, v20;
	v25 =	vor.u32 $0x20, v20;
	v23 =	vand.u32 $0x18, v22  }
0x329: {  	v27 =	vor.u32 $0x30, v20;
	v24 =	vor.u32 v6, v24;
	v26 =	vand.u32 $0x28, v25  }
0x32a: {  	[tilespmem:v13+s26+$0x0] =	vst.idx.msk $0xffff, v12;
	v12 =	vor.u32 v23, v24;
	v13 =	vor.u32 v26, v24;
	v23 =	vand.u32 $0x38, v27  }
0x32b: {  	[tilespmem:v16+s26+$0x0] =	vst.idx.msk $0xffff, v15;
	v16 =	vor.u32 v23, v24;
	v15 =	vshll.u32 v20, $0x7;
	v20 =	vshll.u32 v22, $0x7  }
0x32c: {  	[tilespmem:v19+s26+$0x0] =	vst.idx.msk $0xffff, v17;
	v17 =	vshll.u32 v25, $0x7;
	v19 =	vshll.u32 v27, $0x7  }
0x32d: {  	[tilespmem:v14+s26+$0x0] =	vst.idx.msk $0xffff, v18  }
0x32e: {  	v18 =	vld.idx.msk [tilespmem:v21+s25+$0x0], $0xffff  }
0x32f: {  	v21 =	vor.u32 v7, v15;
	v24 =	vld.idx.msk [tilespmem:v12+s25+$0x0], $0xffff;
	v12 =	vor.u32 v7, v19  }
0x330: {  	v22 =	vxor.u32 s30, v0;
	v25 =	vor.u32 v7, v20;
	v15 =	vld.idx.msk [tilespmem:v13+s25+$0x0], $0xffff;
	v13 =	vor.u32 v7, v17  }
.Ltmp20:
0x331: {  	v23 =	vor.u32 $0x10, v22;
	v26 =	vor.u32 $0x20, v22;
	v14 =	vand.u32 $0x7, v22;
	v20 =	vld.idx.msk [tilespmem:v16+s25+$0x0], $0xffff;
	(pc) =	sbr.rel @p1 .LBB2_30-.Ltmp20, $4  }
0x332: {  	v27 =	vor.u32 v6, v14;
	v17 =	vand.u32 $0x18, v23;
	v16 =	vor.u32 v6, v22  }
0x333: {  	v14 =	vor.u32 $0x30, v22;
	v19 =	vor.u32 v17, v27;
	v17 =	vand.u32 $0x28, v26  }
0x334: {  	v28 =	vand.u32 $0x38, v14;
	v22 =	vshll.u32 v22, $0x7;
	v17 =	vor.u32 v17, v27;
	[tilespmem:v21+s26+$0x0] =	vst.idx.msk $0xffff, v18  }
0x335: {  	v23 =	vshll.u32 v23, $0x7;
	v18 =	vor.u32 v28, v27;
	v21 =	vshll.u32 v26, $0x7;
	[tilespmem:v25+s26+$0x0] =	vst.idx.msk $0xffff, v24  }
0x336: {  	_ =	sdelay $0x3  }
0x337: {  	[tilespmem:v13+s26+$0x0] =	vst.idx.msk $0xffff, v15  }
0x338: {  	[tilespmem:v12+s26+$0x0] =	vst.idx.msk $0xffff, v20  }
0x339: {  	v13 =	vor.u32 v7, v22;
	v12 =	vld.idx.msk [tilespmem:v16+s25+$0x0], $0xffff  }
0x33a: {  	s1 =	sadd.s32 $0x1, s30;
	v14 =	vshll.u32 v14, $0x7;
	v15 =	vld.idx.msk [tilespmem:v19+s25+$0x0], $0xffff;
	v16 =	vor.u32 v7, v23  }
0x33b: {  	v20 =	vxor.u32 s1, v0;
	v14 =	vor.u32 v7, v14;
	v17 =	vld.idx.msk [tilespmem:v17+s25+$0x0], $0xffff;
	v19 =	vor.u32 v7, v21  }
0x33c: {  	v18 =	vld.idx.msk [tilespmem:v18+s25+$0x0], $0xffff;
	v21 =	vor.u32 v6, v20;
	v22 =	vor.u32 $0x10, v20;
	v23 =	vand.u32 $0x7, v20  }
0x33d: {  	v25 =	vor.u32 $0x20, v20;
	v24 =	vand.u32 $0x18, v22;
	v23 =	vor.u32 v6, v23  }
0x33e: {  	v27 =	vor.u32 $0x30, v20;
	v26 =	vand.u32 $0x28, v25;
	[tilespmem:v13+s26+$0x0] =	vst.idx.msk $0xffff, v12;
	v12 =	vor.u32 v24, v23  }
0x33f: {  	v13 =	vor.u32 v26, v23;
	v24 =	vand.u32 $0x38, v27;
	[tilespmem:v16+s26+$0x0] =	vst.idx.msk $0xffff, v15  }
0x340: {  	v15 =	vor.u32 v24, v23;
	[tilespmem:v19+s26+$0x0] =	vst.idx.msk $0xffff, v17  }
0x341: {  	v16 =	vshll.u32 v20, $0x7;
	[tilespmem:v14+s26+$0x0] =	vst.idx.msk $0xffff, v18  }
0x342: {  	v16 =	vor.u32 v7, v16;
	v14 =	vshll.u32 v22, $0x7;
	v17 =	vld.idx.msk [tilespmem:v21+s25+$0x0], $0xffff  }
0x343: {  	s18 =	simm.s32 $0x0;
	v19 =	vshll.u32 v27, $0x7;
	v18 =	vshll.u32 v25, $0x7;
	v21 =	vor.u32 v7, v14;
	v20 =	vld.idx.msk [tilespmem:v12+s25+$0x0], $0xffff  }
0x344: {  	v19 =	vor.u32 v7, v19;
	v18 =	vor.u32 v7, v18;
	v22 =	vld.idx.msk [tilespmem:v13+s25+$0x0], $0xffff;
	v12 =	vxor.u32 s18, v0  }
0x345: {  	v23 =	vld.idx.msk [tilespmem:v15+s25+$0x0], $0xffff;
	v24 =	vor.u32 $0x10, v12;
	v13 =	vand.u32 $0x7, v12;
	v25 =	vor.u32 $0x20, v12  }
0x346: {  	v26 =	vor.u32 v8, v12;
	v14 =	vand.u32 $0x18, v24;
	v27 =	vor.u32 v8, v13  }
0x347: {  	v29 =	vor.u32 $0x30, v12;
	v15 =	vand.u32 $0x28, v25;
	v28 =	vor.u32 v14, v27;
	[tilespmem:v16+s26+$0x0] =	vst.idx.msk $0xffff, v17  }
0x348: {  	v16 =	vand.u32 $0x38, v29;
	[tilespmem:v21+s26+$0x0] =	vst.idx.msk $0xffff, v20;
	v20 =	vor.u32 v15, v27  }
0x349: {  	[tilespmem:v18+s26+$0x0] =	vst.idx.msk $0xffff, v22;
	v22 =	vor.u32 v16, v27  }
0x34a: {  	v18 =	vshll.u32 v12, $0x7;
	[tilespmem:v19+s26+$0x0] =	vst.idx.msk $0xffff, v23  }
0x34b: {  	s20 =	simm.s32 $0x1;
	v17 =	vshll.u32 v24, $0x7;
	v24 =	vld.idx.msk [tilespmem:v26+s25+$0x0], $0xffff;
	v26 =	vor.u32 v9, v18  }
0x34c: {  	v21 =	vxor.u32 s20, v0;
	v19 =	vshll.u32 v25, $0x7;
	v27 =	vld.idx.msk [tilespmem:v28+s25+$0x0], $0xffff;
	v28 =	vor.u32 v9, v17  }
0x34d: {  	v34 =	vor.u32 v8, v21;
	v31 =	vor.u32 v9, v19;
	v30 =	vld.idx.msk [tilespmem:v20+s25+$0x0], $0xffff;
	v20 =	vshll.u32 v29, $0x7  }
0x34e: {  	v23 =	vand.u32 $0x7, v21;
	v29 =	vor.u32 $0x10, v21;
	v32 =	vld.idx.msk [tilespmem:v22+s25+$0x0], $0xffff;
	v33 =	vor.u32 v9, v20  }
0x34f: {  	v36 =	vor.u32 $0x20, v21;
	v35 =	vor.u32 v8, v23;
	v22 =	vand.u32 $0x18, v29  }
0x350: {  	v37 =	vor.u32 $0x30, v21;
	v38 =	vor.u32 v22, v35;
	[tilespmem:v26+s26+$0x0] =	vst.idx.msk $0xffff, v24;
	v26 =	vand.u32 $0x28, v36  }
0x351: {  	s30 =	simm.s32 $0x2;
	v25 =	vand.u32 $0x38, v37;
	[tilespmem:v28+s26+$0x0] =	vst.idx.msk $0xffff, v27;
	v39 =	vor.u32 v26, v35  }
0x352: {  	v40 =	vxor.u32 s30, v0;
	v35 =	vor.u32 v25, v35;
	[tilespmem:v31+s26+$0x0] =	vst.idx.msk $0xffff, v30  }
0x353: {  	v44 =	vor.u32 $0x10, v40;
	v27 =	vshll.u32 v21, $0x7;
	[tilespmem:v33+s26+$0x0] =	vst.idx.msk $0xffff, v32  }
0x354: {  	v60 =	vand.u32 $0x7, v40;
	v24 =	vshll.u32 v29, $0x7;
	v41 =	vor.u32 v9, v27;
	v59 =	vld.idx.msk [tilespmem:v34+s25+$0x0], $0xffff  }
0x355: {  	v45 =	vor.u32 $0x20, v40;
	v28 =	vshll.u32 v36, $0x7;
	v43 =	vor.u32 v9, v24;
	v42 =	vld.idx.msk [tilespmem:v38+s25+$0x0], $0xffff  }
0x356: {  	v61 =	vand.u32 $0x18, v44;
	v29 =	vshll.u32 v37, $0x7;
	v31 =	vor.u32 v9, v28;
	v33 =	vld.idx.msk [tilespmem:v39+s25+$0x0], $0xffff  }
0x357: {  	v62 =	vor.u32 v8, v60;
	v30 =	vor.u32 v9, v29;
	v32 =	vor.u32 $0x30, v40;
	v38 =	vld.idx.msk [tilespmem:v35+s25+$0x0], $0xffff  }
0x358: {  	v63 =	vand.u32 $0x28, v45;
	v34 =	vor.u32 v8, v40;
	v46 =	vand.u32 $0x38, v32  }
0x359: {  	v37 =	vor.u32 v61, v62;
	v40 =	vshll.u32 v40, $0x7;
	v36 =	vor.u32 v46, v62;
	[tilespmem:v41+s26+$0x0] =	vst.idx.msk $0xffff, v59  }
0x35a: {  	s31 =	simm.s32 $0x2;
	s1 =	simm.s32 $0x4;
	v35 =	vor.u32 v63, v62;
	v39 =	vshll.u32 v45, $0x7;
	v41 =	vshll.u32 v44, $0x7;
	[tilespmem:v43+s26+$0x0] =	vst.idx.msk $0xffff, v42  }
.LBB2_32:
0x35b: {  	p1 =	slt.u32 s1, $0xE;
	[tilespmem:v31+s26+$0x0] =	vst.idx.msk $0xffff, v33;
	s18 =	smov.u32 s1;
	s1 =	sadd.s32 $0x2, s1  }
0x35c: {  	[tilespmem:v30+s26+$0x0] =	vst.idx.msk $0xffff, v38  }
0x35d: {  	v31 =	vor.u32 v9, v40;
	v30 =	vld.idx.msk [tilespmem:v34+s25+$0x0], $0xffff  }
0x35e: {  	s20 =	sadd.s32 $0x1, s31;
	s31 =	smov.u32 s18;
	v34 =	vor.u32 v9, v41;
	v33 =	vld.idx.msk [tilespmem:v37+s25+$0x0], $0xffff  }
0x35f: {  	v32 =	vshll.u32 v32, $0x7;
	v38 =	vxor.u32 s20, v0;
	v37 =	vor.u32 v9, v39;
	v35 =	vld.idx.msk [tilespmem:v35+s25+$0x0], $0xffff  }
0x360: {  	v32 =	vor.u32 v9, v32;
	v40 =	vor.u32 $0x10, v38;
	v39 =	vor.u32 v8, v38;
	v36 =	vld.idx.msk [tilespmem:v36+s25+$0x0], $0xffff  }
0x361: {  	v42 =	vand.u32 $0x7, v38;
	v43 =	vor.u32 $0x20, v38;
	v41 =	vand.u32 $0x18, v40  }
0x362: {  	v45 =	vor.u32 $0x30, v38;
	v42 =	vor.u32 v8, v42;
	v44 =	vand.u32 $0x28, v43  }
0x363: {  	[tilespmem:v31+s26+$0x0] =	vst.idx.msk $0xffff, v30;
	v30 =	vor.u32 v41, v42;
	v31 =	vor.u32 v44, v42;
	v41 =	vand.u32 $0x38, v45  }
0x364: {  	[tilespmem:v34+s26+$0x0] =	vst.idx.msk $0xffff, v33;
	v34 =	vor.u32 v41, v42;
	v33 =	vshll.u32 v38, $0x7;
	v38 =	vshll.u32 v40, $0x7  }
0x365: {  	[tilespmem:v37+s26+$0x0] =	vst.idx.msk $0xffff, v35;
	v35 =	vshll.u32 v43, $0x7;
	v37 =	vshll.u32 v45, $0x7  }
0x366: {  	[tilespmem:v32+s26+$0x0] =	vst.idx.msk $0xffff, v36  }
0x367: {  	v36 =	vld.idx.msk [tilespmem:v39+s25+$0x0], $0xffff  }
0x368: {  	v39 =	vor.u32 v9, v33;
	v42 =	vld.idx.msk [tilespmem:v30+s25+$0x0], $0xffff;
	v30 =	vor.u32 v9, v37  }
0x369: {  	v40 =	vxor.u32 s31, v0;
	v43 =	vor.u32 v9, v38;
	v33 =	vld.idx.msk [tilespmem:v31+s25+$0x0], $0xffff;
	v31 =	vor.u32 v9, v35  }
.Ltmp21:
0x36a: {  	v41 =	vor.u32 $0x10, v40;
	v44 =	vor.u32 $0x20, v40;
	v32 =	vand.u32 $0x7, v40;
	v38 =	vld.idx.msk [tilespmem:v34+s25+$0x0], $0xffff;
	(pc) =	sbr.rel @p1 .LBB2_32-.Ltmp21, $4  }
0x36b: {  	v45 =	vor.u32 v8, v32;
	v35 =	vand.u32 $0x18, v41;
	v34 =	vor.u32 v8, v40  }
0x36c: {  	v32 =	vor.u32 $0x30, v40;
	v37 =	vor.u32 v35, v45;
	v35 =	vand.u32 $0x28, v44  }
0x36d: {  	v46 =	vand.u32 $0x38, v32;
	v40 =	vshll.u32 v40, $0x7;
	v35 =	vor.u32 v35, v45;
	[tilespmem:v39+s26+$0x0] =	vst.idx.msk $0xffff, v36  }
0x36e: {  	v41 =	vshll.u32 v41, $0x7;
	v36 =	vor.u32 v46, v45;
	v39 =	vshll.u32 v44, $0x7;
	[tilespmem:v43+s26+$0x0] =	vst.idx.msk $0xffff, v42  }
0x36f: {  	_ =	sdelay $0x3  }
0x370: {  	[tilespmem:v31+s26+$0x0] =	vst.idx.msk $0xffff, v33  }
0x371: {  	[tilespmem:v30+s26+$0x0] =	vst.idx.msk $0xffff, v38  }
0x372: {  	v61 =	vor.u32 v9, v40;
	v30 =	vld.idx.msk [tilespmem:v34+s25+$0x0], $0xffff  }
0x373: {  	v62 =	vor.u32 v9, v41;
	s1 =	sadd.s32 $0x1, s31;
	v32 =	vshll.u32 v32, $0x7;
	v33 =	vld.idx.msk [tilespmem:v37+s25+$0x0], $0xffff  }
0x374: {  	v63 =	vor.u32 v9, v39;
	v48 =	vxor.u32 s1, v0;
	v32 =	vor.u32 v9, v32;
	v35 =	vld.idx.msk [tilespmem:v35+s25+$0x0], $0xffff  }
0x375: {  	v36 =	vld.idx.msk [tilespmem:v36+s25+$0x0], $0xffff;
	v49 =	vor.u32 v8, v48;
	v50 =	vor.u32 $0x10, v48;
	v51 =	vand.u32 $0x7, v48  }
0x376: {  	v43 =	vor.u32 $0x20, v48;
	v42 =	vand.u32 $0x18, v50;
	v41 =	vor.u32 v8, v51  }
0x377: {  	v45 =	vor.u32 $0x30, v48;
	v44 =	vand.u32 $0x28, v43;
	v52 =	vor.u32 v42, v41;
	[tilespmem:v61+s26+$0x0] =	vst.idx.msk $0xffff, v30  }
0x378: {  	v54 =	vand.u32 $0x38, v45;
	v53 =	vor.u32 v44, v41;
	[tilespmem:v62+s26+$0x0] =	vst.idx.msk $0xffff, v33  }
0x379: {  	v55 =	vor.u32 v54, v41;
	[tilespmem:v63+s26+$0x0] =	vst.idx.msk $0xffff, v35  }
0x37a: {  	v56 =	vshll.u32 v48, $0x7;
	[tilespmem:v32+s26+$0x0] =	vst.idx.msk $0xffff, v36  }
0x37b: {  	v57 =	vshll.u32 v50, $0x7;
	v34 =	vor.u32 v9, v56;
	v35 =	vld.idx.msk [tilespmem:v49+s25+$0x0], $0xffff  }
0x37c: {  	v58 =	vshll.u32 v43, $0x7;
	v32 =	vor.u32 v9, v57;
	v30 =	vld.idx.msk [tilespmem:v52+s25+$0x0], $0xffff  }
0x37d: {  	v59 =	vshll.u32 v45, $0x7;
	v36 =	vor.u32 v9, v58;
	v31 =	vld.idx.msk [tilespmem:v53+s25+$0x0], $0xffff  }
0x37e: {  	v37 =	vor.u32 v9, v59;
	v33 =	vld.idx.msk [tilespmem:v55+s25+$0x0], $0xffff  }
0x37f: {  	v12 =	vor.u32 v10, v12;
	v13 =	vor.u32 v10, v13  }
0x380: {  	v14 =	vor.u32 v14, v13;
	[tilespmem:v34+s26+$0x0] =	vst.idx.msk $0xffff, v35  }
0x381: {  	v15 =	vor.u32 v15, v13;
	[tilespmem:v32+s26+$0x0] =	vst.idx.msk $0xffff, v30  }
0x382: {  	v13 =	vor.u32 v16, v13;
	[tilespmem:v36+s26+$0x0] =	vst.idx.msk $0xffff, v31  }
0x383: {  	[tilespmem:v37+s26+$0x0] =	vst.idx.msk $0xffff, v33  }
0x384: {  	v16 =	vor.u32 v11, v18;
	v12 =	vld.idx.msk [tilespmem:v12+s25+$0x0], $0xffff  }
0x385: {  	v17 =	vor.u32 v11, v17;
	v14 =	vld.idx.msk [tilespmem:v14+s25+$0x0], $0xffff  }
0x386: {  	v18 =	vor.u32 v11, v19;
	v15 =	vld.idx.msk [tilespmem:v15+s25+$0x0], $0xffff  }
0x387: {  	v19 =	vor.u32 v11, v20;
	v13 =	vld.idx.msk [tilespmem:v13+s25+$0x0], $0xffff  }
0x388: {  	v20 =	vor.u32 v10, v21;
	v21 =	vor.u32 v10, v23  }
0x389: {  	[tilespmem:v16+s26+$0x0] =	vst.idx.msk $0xffff, v12;
	v16 =	vor.u32 v22, v21  }
0x38a: {  	[tilespmem:v17+s26+$0x0] =	vst.idx.msk $0xffff, v14;
	v14 =	vor.u32 v26, v21  }
0x38b: {  	v17 =	vor.u32 v25, v21;
	[tilespmem:v18+s26+$0x0] =	vst.idx.msk $0xffff, v15  }
0x38c: {  	[tilespmem:v19+s26+$0x0] =	vst.idx.msk $0xffff, v13  }
0x38d: {  	v22 =	vxor.u32 s30, v0;
	v21 =	vor.u32 v11, v27;
	v18 =	vld.idx.msk [tilespmem:v20+s25+$0x0], $0xffff  }
0x38e: {  	v24 =	vor.u32 v11, v24;
	v12 =	vor.u32 v11, v29;
	v23 =	vor.u32 $0x10, v22;
	v60 =	vld.idx.msk [tilespmem:v16+s25+$0x0], $0xffff  }
0x38f: {  	v61 =	vor.u32 $0x20, v22;
	v13 =	vor.u32 v11, v28;
	v19 =	vand.u32 $0x7, v22;
	v15 =	vld.idx.msk [tilespmem:v14+s25+$0x0], $0xffff  }
0x390: {  	v62 =	vor.u32 v10, v19;
	v16 =	vor.u32 v10, v22;
	v14 =	vand.u32 $0x18, v23;
	v20 =	vld.idx.msk [tilespmem:v17+s25+$0x0], $0xffff  }
0x391: {  	v17 =	vand.u32 $0x28, v61;
	v19 =	vor.u32 v14, v62;
	v14 =	vor.u32 $0x30, v22  }
0x392: {  	v23 =	vshll.u32 v23, $0x7;
	v17 =	vor.u32 v17, v62;
	v63 =	vand.u32 $0x38, v14;
	[tilespmem:v21+s26+$0x0] =	vst.idx.msk $0xffff, v18  }
0x393: {  	s1 =	simm.s32 $0x4;
	v22 =	vshll.u32 v22, $0x7;
	v18 =	vor.u32 v63, v62;
	v21 =	vshll.u32 v61, $0x7;
	[tilespmem:v24+s26+$0x0] =	vst.idx.msk $0xffff, v60  }
.LBB2_34:
0x394: {  	p1 =	slt.u32 s1, $0xE;
	[tilespmem:v13+s26+$0x0] =	vst.idx.msk $0xffff, v15;
	s18 =	smov.u32 s1;
	s1 =	sadd.s32 $0x2, s1  }
0x395: {  	[tilespmem:v12+s26+$0x0] =	vst.idx.msk $0xffff, v20  }
0x396: {  	v13 =	vor.u32 v11, v22;
	v12 =	vld.idx.msk [tilespmem:v16+s25+$0x0], $0xffff  }
0x397: {  	s20 =	sadd.s32 $0x1, s30;
	s30 =	smov.u32 s18;
	v16 =	vor.u32 v11, v23;
	v15 =	vld.idx.msk [tilespmem:v19+s25+$0x0], $0xffff  }
0x398: {  	v14 =	vshll.u32 v14, $0x7;
	v20 =	vxor.u32 s20, v0;
	v19 =	vor.u32 v11, v21;
	v17 =	vld.idx.msk [tilespmem:v17+s25+$0x0], $0xffff  }
0x399: {  	v14 =	vor.u32 v11, v14;
	v22 =	vor.u32 $0x10, v20;
	v21 =	vor.u32 v10, v20;
	v18 =	vld.idx.msk [tilespmem:v18+s25+$0x0], $0xffff  }
0x39a: {  	v24 =	vand.u32 $0x7, v20;
	v25 =	vor.u32 $0x20, v20;
	v23 =	vand.u32 $0x18, v22  }
0x39b: {  	v27 =	vor.u32 $0x30, v20;
	v24 =	vor.u32 v10, v24;
	v26 =	vand.u32 $0x28, v25  }
0x39c: {  	[tilespmem:v13+s26+$0x0] =	vst.idx.msk $0xffff, v12;
	v12 =	vor.u32 v23, v24;
	v13 =	vor.u32 v26, v24;
	v23 =	vand.u32 $0x38, v27  }
0x39d: {  	[tilespmem:v16+s26+$0x0] =	vst.idx.msk $0xffff, v15;
	v16 =	vor.u32 v23, v24;
	v15 =	vshll.u32 v20, $0x7;
	v20 =	vshll.u32 v22, $0x7  }
0x39e: {  	[tilespmem:v19+s26+$0x0] =	vst.idx.msk $0xffff, v17;
	v17 =	vshll.u32 v25, $0x7;
	v19 =	vshll.u32 v27, $0x7  }
0x39f: {  	[tilespmem:v14+s26+$0x0] =	vst.idx.msk $0xffff, v18  }
0x3a0: {  	v18 =	vld.idx.msk [tilespmem:v21+s25+$0x0], $0xffff  }
0x3a1: {  	v21 =	vor.u32 v11, v15;
	v24 =	vld.idx.msk [tilespmem:v12+s25+$0x0], $0xffff;
	v12 =	vor.u32 v11, v19  }
0x3a2: {  	v22 =	vxor.u32 s30, v0;
	v25 =	vor.u32 v11, v20;
	v15 =	vld.idx.msk [tilespmem:v13+s25+$0x0], $0xffff;
	v13 =	vor.u32 v11, v17  }
.Ltmp22:
0x3a3: {  	v23 =	vor.u32 $0x10, v22;
	v26 =	vor.u32 $0x20, v22;
	v14 =	vand.u32 $0x7, v22;
	v20 =	vld.idx.msk [tilespmem:v16+s25+$0x0], $0xffff;
	(pc) =	sbr.rel @p1 .LBB2_34-.Ltmp22, $4  }
0x3a4: {  	v27 =	vor.u32 v10, v14;
	v17 =	vand.u32 $0x18, v23;
	v16 =	vor.u32 v10, v22  }
0x3a5: {  	v14 =	vor.u32 $0x30, v22;
	v19 =	vor.u32 v17, v27;
	v17 =	vand.u32 $0x28, v26  }
0x3a6: {  	v28 =	vand.u32 $0x38, v14;
	v22 =	vshll.u32 v22, $0x7;
	v17 =	vor.u32 v17, v27;
	[tilespmem:v21+s26+$0x0] =	vst.idx.msk $0xffff, v18  }
0x3a7: {  	v23 =	vshll.u32 v23, $0x7;
	v18 =	vor.u32 v28, v27;
	v21 =	vshll.u32 v26, $0x7;
	[tilespmem:v25+s26+$0x0] =	vst.idx.msk $0xffff, v24  }
0x3a8: {  	_ =	sdelay $0x3  }
0x3a9: {  	[tilespmem:v13+s26+$0x0] =	vst.idx.msk $0xffff, v15  }
0x3aa: {  	[tilespmem:v12+s26+$0x0] =	vst.idx.msk $0xffff, v20  }
0x3ab: {  	v13 =	vor.u32 v11, v22;
	v12 =	vld.idx.msk [tilespmem:v16+s25+$0x0], $0xffff  }
0x3ac: {  	s1 =	sadd.s32 $0x1, s30;
	v14 =	vshll.u32 v14, $0x7;
	v15 =	vld.idx.msk [tilespmem:v19+s25+$0x0], $0xffff;
	v16 =	vor.u32 v11, v23  }
0x3ad: {  	v20 =	vxor.u32 s1, v0;
	v14 =	vor.u32 v11, v14;
	v17 =	vld.idx.msk [tilespmem:v17+s25+$0x0], $0xffff;
	v19 =	vor.u32 v11, v21  }
0x3ae: {  	v18 =	vld.idx.msk [tilespmem:v18+s25+$0x0], $0xffff;
	v21 =	vor.u32 v10, v20;
	v22 =	vor.u32 $0x10, v20;
	v23 =	vand.u32 $0x7, v20  }
0x3af: {  	v25 =	vor.u32 $0x20, v20;
	v24 =	vand.u32 $0x18, v22;
	v23 =	vor.u32 v10, v23  }
0x3b0: {  	v27 =	vor.u32 $0x30, v20;
	v26 =	vand.u32 $0x28, v25;
	[tilespmem:v13+s26+$0x0] =	vst.idx.msk $0xffff, v12;
	v12 =	vor.u32 v24, v23  }
0x3b1: {  	v13 =	vor.u32 v26, v23;
	v24 =	vand.u32 $0x38, v27;
	[tilespmem:v16+s26+$0x0] =	vst.idx.msk $0xffff, v15  }
0x3b2: {  	v15 =	vor.u32 v24, v23;
	[tilespmem:v19+s26+$0x0] =	vst.idx.msk $0xffff, v17  }
0x3b3: {  	v16 =	vshll.u32 v20, $0x7;
	[tilespmem:v14+s26+$0x0] =	vst.idx.msk $0xffff, v18  }
0x3b4: {  	v17 =	vshll.u32 v27, $0x7;
	v16 =	vor.u32 v11, v16;
	v14 =	vshll.u32 v22, $0x7;
	v18 =	vld.idx.msk [tilespmem:v21+s25+$0x0], $0xffff  }
0x3b5: {  	s18 =	simm.s32 $0x0;
	v19 =	vshll.u32 v25, $0x7;
	v21 =	vor.u32 v11, v17;
	v17 =	vor.u32 v11, v14;
	v20 =	vld.idx.msk [tilespmem:v12+s25+$0x0], $0xffff  }
0x3b6: {  	v31 =	vor.u32 $0x1800, v1;
	v19 =	vor.u32 v11, v19;
	v22 =	vld.idx.msk [tilespmem:v13+s25+$0x0], $0xffff;
	v12 =	vxor.u32 s18, v0  }
0x3b7: {  	v23 =	vld.idx.msk [tilespmem:v15+s25+$0x0], $0xffff;
	v24 =	vor.u32 v31, v12;
	v25 =	vor.u32 $0x10, v12;
	v14 =	vand.u32 $0x7, v12  }
0x3b8: {  	v27 =	vor.u32 $0x20, v12;
	v13 =	vand.u32 $0x18, v25;
	v26 =	vor.u32 v31, v14  }
0x3b9: {  	v30 =	vor.u32 $0x30, v12;
	v15 =	vand.u32 $0x28, v27;
	v29 =	vor.u32 v13, v26;
	[tilespmem:v16+s26+$0x0] =	vst.idx.msk $0xffff, v18  }
0x3ba: {  	v32 =	vor.u32 v15, v26;
	[tilespmem:v17+s26+$0x0] =	vst.idx.msk $0xffff, v20;
	v17 =	vand.u32 $0x38, v30  }
0x3bb: {  	[tilespmem:v19+s26+$0x0] =	vst.idx.msk $0xffff, v22;
	v26 =	vor.u32 v17, v26  }
0x3bc: {  	v28 =	vor.u32 $0x60, v0;
	v18 =	vshll.u32 v12, $0x7;
	[tilespmem:v21+s26+$0x0] =	vst.idx.msk $0xffff, v23  }
0x3bd: {  	s20 =	simm.s32 $0x1;
	v19 =	vshll.u32 v25, $0x7;
	v25 =	vor.u32 v28, v18;
	v24 =	vld.idx.msk [tilespmem:v24+s25+$0x0], $0xffff  }
0x3be: {  	v16 =	vxor.u32 s20, v0;
	v22 =	vshll.u32 v27, $0x7;
	v33 =	vor.u32 v28, v19;
	v29 =	vld.idx.msk [tilespmem:v29+s25+$0x0], $0xffff  }
0x3bf: {  	v20 =	vand.u32 $0x7, v16;
	v21 =	vshll.u32 v30, $0x7;
	v30 =	vor.u32 v28, v22;
	v27 =	vld.idx.msk [tilespmem:v32+s25+$0x0], $0xffff  }
0x3c0: {  	v35 =	vor.u32 $0x10, v16;
	v36 =	vor.u32 $0x20, v16;
	v34 =	vor.u32 v28, v21;
	v26 =	vld.idx.msk [tilespmem:v26+s25+$0x0], $0xffff  }
0x3c1: {  	v37 =	vor.u32 v31, v16;
	v59 =	vor.u32 v31, v20;
	v23 =	vand.u32 $0x18, v35  }
0x3c2: {  	v39 =	vor.u32 $0x30, v16;
	v38 =	vor.u32 v23, v59;
	[tilespmem:v25+s26+$0x0] =	vst.idx.msk $0xffff, v24;
	v24 =	vand.u32 $0x28, v36  }
0x3c3: {  	v25 =	vand.u32 $0x38, v39;
	[tilespmem:v33+s26+$0x0] =	vst.idx.msk $0xffff, v29;
	v60 =	vor.u32 v24, v59  }
0x3c4: {  	v32 =	vor.u32 v25, v59;
	[tilespmem:v30+s26+$0x0] =	vst.idx.msk $0xffff, v27  }
0x3c5: {  	v27 =	vshll.u32 v16, $0x7;
	[tilespmem:v34+s26+$0x0] =	vst.idx.msk $0xffff, v26  }
0x3c6: {  	v26 =	vshll.u32 v35, $0x7;
	v41 =	vor.u32 v28, v27;
	v40 =	vld.idx.msk [tilespmem:v37+s25+$0x0], $0xffff  }
0x3c7: {  	v29 =	vshll.u32 v36, $0x7;
	v43 =	vor.u32 v28, v26;
	v44 =	vld.idx.msk [tilespmem:v38+s25+$0x0], $0xffff  }
0x3c8: {  	s30 =	simm.s32 $0x2;
	v45 =	vor.u32 v28, v29;
	v30 =	vshll.u32 v39, $0x7;
	v46 =	vld.idx.msk [tilespmem:v60+s25+$0x0], $0xffff  }
0x3c9: {  	v33 =	vor.u32 v28, v30;
	v34 =	vxor.u32 s30, v0;
	v37 =	vld.idx.msk [tilespmem:v32+s25+$0x0], $0xffff  }
0x3ca: {  	v36 =	vor.u32 v31, v34;
	v39 =	vor.u32 $0x10, v34;
	v61 =	vand.u32 $0x7, v34  }
0x3cb: {  	v35 =	vor.u32 $0x20, v34;
	v62 =	vand.u32 $0x18, v39;
	v42 =	vor.u32 v31, v61;
	[tilespmem:v41+s26+$0x0] =	vst.idx.msk $0xffff, v40  }
0x3cc: {  	s31 =	simm.s32 $0x3;
	v63 =	vand.u32 $0x28, v35;
	v38 =	vor.u32 v62, v42;
	v41 =	vor.u32 $0x30, v34;
	[tilespmem:v43+s26+$0x0] =	vst.idx.msk $0xffff, v44  }
0x3cd: {  	s1 =	simm.s32 $0x4;
	v32 =	vxor.u32 s31, v0;
	v40 =	vor.u32 v63, v42;
	v43 =	vand.u32 $0x38, v41;
	[tilespmem:v45+s26+$0x0] =	vst.idx.msk $0xffff, v46  }
.LBB2_36:
0x3ce: {  	p1 =	slt.u32 s1, $0xE;
	v42 =	vor.u32 v43, v42;
	v39 =	vshll.u32 v39, $0x7;
	v43 =	vand.u32 $0x7, v32;
	[tilespmem:v33+s26+$0x0] =	vst.idx.msk $0xffff, v37;
	s18 =	smov.u32 s1;
	s1 =	sadd.s32 $0x2, s1  }
0x3cf: {  	v33 =	vshll.u32 v41, $0x7;
	v37 =	vor.u32 v31, v43  }
0x3d0: {  	v34 =	vshll.u32 v34, $0x7;
	v36 =	vld.idx.msk [tilespmem:v36+s25+$0x0], $0xffff  }
0x3d1: {  	v34 =	vor.u32 v28, v34;
	v38 =	vld.idx.msk [tilespmem:v38+s25+$0x0], $0xffff  }
0x3d2: {  	v35 =	vshll.u32 v35, $0x7;
	v39 =	vor.u32 v28, v39;
	v40 =	vld.idx.msk [tilespmem:v40+s25+$0x0], $0xffff  }
0x3d3: {  	v35 =	vor.u32 v28, v35;
	v41 =	vld.idx.msk [tilespmem:v42+s25+$0x0], $0xffff;
	v42 =	vor.u32 $0x20, v32  }
0x3d4: {  	v44 =	vor.u32 $0x30, v32;
	v33 =	vor.u32 v28, v33;
	v43 =	vor.u32 $0x10, v32  }
0x3d5: {  	v45 =	vor.u32 v31, v32;
	v47 =	vand.u32 $0x38, v44;
	v46 =	vand.u32 $0x18, v43  }
0x3d6: {  	v43 =	vshll.u32 v43, $0x7;
	[tilespmem:v34+s26+$0x0] =	vst.idx.msk $0xffff, v36;
	v34 =	vor.u32 v46, v37;
	v36 =	vand.u32 $0x28, v42  }
0x3d7: {  	v43 =	vor.u32 v28, v43;
	[tilespmem:v39+s26+$0x0] =	vst.idx.msk $0xffff, v38;
	v36 =	vor.u32 v36, v37;
	v38 =	vshll.u32 v42, $0x7  }
0x3d8: {  	[tilespmem:v35+s26+$0x0] =	vst.idx.msk $0xffff, v40;
	v35 =	vor.u32 v47, v37;
	v46 =	vor.u32 v28, v38;
	v37 =	vshll.u32 v44, $0x7  }
0x3d9: {  	[tilespmem:v33+s26+$0x0] =	vst.idx.msk $0xffff, v41;
	v33 =	vor.u32 v28, v37  }
0x3da: {  	v32 =	vshll.u32 v32, $0x7;
	v38 =	vld.idx.msk [tilespmem:v45+s25+$0x0], $0xffff  }
0x3db: {  	v32 =	vor.u32 v28, v32;
	v40 =	vld.idx.msk [tilespmem:v34+s25+$0x0], $0xffff  }
0x3dc: {  	v44 =	vld.idx.msk [tilespmem:v36+s25+$0x0], $0xffff  }
0x3dd: {  	v37 =	vld.idx.msk [tilespmem:v35+s25+$0x0], $0xffff  }
.Ltmp23:
0x3de: {  	v34 =	vxor.u32 s18, v0;
	(pc) =	sbr.rel @p1 .LBB2_36-.Ltmp23, $4  }
0x3df: {  	v36 =	vor.u32 v31, v34;
	v39 =	vor.u32 $0x10, v34;
	v35 =	vand.u32 $0x7, v34  }
0x3e0: {  	v41 =	vand.u32 $0x18, v39;
	v42 =	vor.u32 v31, v35;
	v35 =	vor.u32 $0x20, v34;
	[tilespmem:v32+s26+$0x0] =	vst.idx.msk $0xffff, v38  }
0x3e1: {  	s18 =	sadd.s32 $0x1, s18;
	v38 =	vor.u32 v41, v42;
	v32 =	vand.u32 $0x28, v35;
	v41 =	vor.u32 $0x30, v34;
	[tilespmem:v43+s26+$0x0] =	vst.idx.msk $0xffff, v40  }
0x3e2: {  	v40 =	vor.u32 v32, v42;
	v43 =	vand.u32 $0x38, v41;
	v32 =	vxor.u32 s18, v0;
	[tilespmem:v46+s26+$0x0] =	vst.idx.msk $0xffff, v44  }
0x3e3: {  	_ =	sdelay $0x2  }
0x3e4: {  	v42 =	vor.u32 v43, v42  }
0x3e5: {  	[tilespmem:v33+s26+$0x0] =	vst.idx.msk $0xffff, v37;
	v47 =	vshll.u32 v34, $0x7  }
0x3e6: {  	v48 =	vshll.u32 v39, $0x7;
	v36 =	vld.idx.msk [tilespmem:v36+s25+$0x0], $0xffff;
	v33 =	vor.u32 v28, v47  }
0x3e7: {  	v35 =	vshll.u32 v35, $0x7;
	v37 =	vld.idx.msk [tilespmem:v38+s25+$0x0], $0xffff;
	v34 =	vor.u32 v28, v48  }
0x3e8: {  	v49 =	vand.u32 $0x7, v32;
	v50 =	vshll.u32 v41, $0x7;
	v40 =	vld.idx.msk [tilespmem:v40+s25+$0x0], $0xffff;
	v35 =	vor.u32 v28, v35  }
0x3e9: {  	v52 =	vor.u32 $0x10, v32;
	v53 =	vor.u32 $0x20, v32;
	v39 =	vor.u32 v28, v50;
	v51 =	vld.idx.msk [tilespmem:v42+s25+$0x0], $0xffff  }
0x3ea: {  	v38 =	vor.u32 v31, v49;
	v31 =	vor.u32 v31, v32;
	v44 =	vand.u32 $0x18, v52  }
0x3eb: {  	v45 =	vor.u32 $0x30, v32;
	v55 =	vand.u32 $0x28, v53;
	v54 =	vor.u32 v44, v38;
	[tilespmem:v33+s26+$0x0] =	vst.idx.msk $0xffff, v36  }
0x3ec: {  	v56 =	vand.u32 $0x38, v45;
	v57 =	vor.u32 v55, v38;
	[tilespmem:v34+s26+$0x0] =	vst.idx.msk $0xffff, v37  }
0x3ed: {  	v58 =	vor.u32 v56, v38;
	[tilespmem:v35+s26+$0x0] =	vst.idx.msk $0xffff, v40  }
0x3ee: {  	v59 =	vshll.u32 v32, $0x7;
	[tilespmem:v39+s26+$0x0] =	vst.idx.msk $0xffff, v51  }
0x3ef: {  	v60 =	vshll.u32 v52, $0x7;
	v32 =	vor.u32 v28, v59;
	v31 =	vld.idx.msk [tilespmem:v31+s25+$0x0], $0xffff  }
0x3f0: {  	v61 =	vshll.u32 v53, $0x7;
	v36 =	vor.u32 v28, v60;
	v33 =	vld.idx.msk [tilespmem:v54+s25+$0x0], $0xffff  }
0x3f1: {  	v62 =	vshll.u32 v45, $0x7;
	v37 =	vor.u32 v28, v61;
	v34 =	vld.idx.msk [tilespmem:v57+s25+$0x0], $0xffff  }
0x3f2: {  	v38 =	vor.u32 v28, v62;
	v28 =	vor.u32 $0x1C00, v1;
	v35 =	vld.idx.msk [tilespmem:v58+s25+$0x0], $0xffff  }
0x3f3: {  	v63 =	vor.u32 v28, v12;
	v12 =	vor.u32 v28, v14  }
0x3f4: {  	v13 =	vor.u32 v13, v12;
	[tilespmem:v32+s26+$0x0] =	vst.idx.msk $0xffff, v31  }
0x3f5: {  	v14 =	vor.u32 v15, v12;
	[tilespmem:v36+s26+$0x0] =	vst.idx.msk $0xffff, v33  }
0x3f6: {  	v15 =	vor.u32 v17, v12;
	[tilespmem:v37+s26+$0x0] =	vst.idx.msk $0xffff, v34  }
0x3f7: {  	v12 =	vor.u32 $0x70, v0;
	[tilespmem:v38+s26+$0x0] =	vst.idx.msk $0xffff, v35  }
0x3f8: {  	v18 =	vor.u32 v12, v18;
	v17 =	vld.idx.msk [tilespmem:v63+s25+$0x0], $0xffff  }
0x3f9: {  	v19 =	vor.u32 v12, v19;
	v13 =	vld.idx.msk [tilespmem:v13+s25+$0x0], $0xffff  }
0x3fa: {  	v22 =	vor.u32 v12, v22;
	v14 =	vld.idx.msk [tilespmem:v14+s25+$0x0], $0xffff  }
0x3fb: {  	v21 =	vor.u32 v12, v21;
	v15 =	vld.idx.msk [tilespmem:v15+s25+$0x0], $0xffff  }
0x3fc: {  	v20 =	vor.u32 v28, v20;
	v16 =	vor.u32 v28, v16  }
0x3fd: {  	[tilespmem:v18+s26+$0x0] =	vst.idx.msk $0xffff, v17;
	v17 =	vor.u32 v23, v20  }
0x3fe: {  	[tilespmem:v19+s26+$0x0] =	vst.idx.msk $0xffff, v13;
	v13 =	vor.u32 v24, v20  }
0x3ff: {  	v18 =	vor.u32 v25, v20;
	[tilespmem:v22+s26+$0x0] =	vst.idx.msk $0xffff, v14  }
0x400: {  	[tilespmem:v21+s26+$0x0] =	vst.idx.msk $0xffff, v15  }
0x401: {  	v21 =	vor.u32 v12, v27;
	v19 =	vld.idx.msk [tilespmem:v16+s25+$0x0], $0xffff  }
0x402: {  	v24 =	vor.u32 v12, v26;
	v25 =	vld.idx.msk [tilespmem:v17+s25+$0x0], $0xffff  }
0x403: {  	v26 =	vor.u32 v12, v29;
	v27 =	vld.idx.msk [tilespmem:v13+s25+$0x0], $0xffff  }
0x404: {  	v14 =	vor.u32 v12, v30;
	v15 =	vxor.u32 s30, v0;
	v18 =	vld.idx.msk [tilespmem:v18+s25+$0x0], $0xffff  }
0x405: {  	v20 =	vor.u32 $0x10, v15;
	v16 =	vor.u32 $0x20, v15;
	v13 =	vand.u32 $0x7, v15  }
0x406: {  	v17 =	vor.u32 v28, v15;
	v22 =	vand.u32 $0x18, v20;
	v23 =	vor.u32 v28, v13;
	[tilespmem:v21+s26+$0x0] =	vst.idx.msk $0xffff, v19  }
0x407: {  	v13 =	vand.u32 $0x28, v16;
	v19 =	vor.u32 v22, v23;
	v22 =	vor.u32 $0x30, v15;
	[tilespmem:v24+s26+$0x0] =	vst.idx.msk $0xffff, v25  }
0x408: {  	s1 =	simm.s32 $0x4;
	v21 =	vor.u32 v13, v23;
	v13 =	vxor.u32 s31, v0;
	v24 =	vand.u32 $0x38, v22;
	[tilespmem:v26+s26+$0x0] =	vst.idx.msk $0xffff, v27  }
.LBB2_38:
0x409: {  	p1 =	slt.u32 s1, $0xE;
	v23 =	vor.u32 v24, v23;
	v20 =	vshll.u32 v20, $0x7;
	v24 =	vand.u32 $0x7, v13;
	[tilespmem:v14+s26+$0x0] =	vst.idx.msk $0xffff, v18;
	s18 =	smov.u32 s1;
	s1 =	sadd.s32 $0x2, s1  }
0x40a: {  	v14 =	vshll.u32 v22, $0x7;
	v18 =	vor.u32 v28, v24  }
0x40b: {  	v15 =	vshll.u32 v15, $0x7;
	v17 =	vld.idx.msk [tilespmem:v17+s25+$0x0], $0xffff  }
0x40c: {  	v15 =	vor.u32 v12, v15;
	v19 =	vld.idx.msk [tilespmem:v19+s25+$0x0], $0xffff  }
0x40d: {  	v16 =	vshll.u32 v16, $0x7;
	v20 =	vor.u32 v12, v20;
	v21 =	vld.idx.msk [tilespmem:v21+s25+$0x0], $0xffff  }
0x40e: {  	v16 =	vor.u32 v12, v16;
	v22 =	vld.idx.msk [tilespmem:v23+s25+$0x0], $0xffff;
	v23 =	vor.u32 $0x20, v13  }
0x40f: {  	v25 =	vor.u32 $0x30, v13;
	v14 =	vor.u32 v12, v14;
	v24 =	vor.u32 $0x10, v13  }
0x410: {  	v26 =	vor.u32 v28, v13;
	v29 =	vand.u32 $0x38, v25;
	v27 =	vand.u32 $0x18, v24  }
0x411: {  	v24 =	vshll.u32 v24, $0x7;
	[tilespmem:v15+s26+$0x0] =	vst.idx.msk $0xffff, v17;
	v15 =	vor.u32 v27, v18;
	v17 =	vand.u32 $0x28, v23  }
0x412: {  	v24 =	vor.u32 v12, v24;
	[tilespmem:v20+s26+$0x0] =	vst.idx.msk $0xffff, v19;
	v17 =	vor.u32 v17, v18;
	v19 =	vshll.u32 v23, $0x7  }
0x413: {  	[tilespmem:v16+s26+$0x0] =	vst.idx.msk $0xffff, v21;
	v16 =	vor.u32 v29, v18;
	v27 =	vor.u32 v12, v19;
	v18 =	vshll.u32 v25, $0x7  }
0x414: {  	[tilespmem:v14+s26+$0x0] =	vst.idx.msk $0xffff, v22;
	v14 =	vor.u32 v12, v18  }
0x415: {  	v13 =	vshll.u32 v13, $0x7;
	v19 =	vld.idx.msk [tilespmem:v26+s25+$0x0], $0xffff  }
0x416: {  	v13 =	vor.u32 v12, v13;
	v21 =	vld.idx.msk [tilespmem:v15+s25+$0x0], $0xffff  }
0x417: {  	v25 =	vld.idx.msk [tilespmem:v17+s25+$0x0], $0xffff  }
0x418: {  	v18 =	vld.idx.msk [tilespmem:v16+s25+$0x0], $0xffff  }
.Ltmp24:
0x419: {  	v15 =	vxor.u32 s18, v0;
	(pc) =	sbr.rel @p1 .LBB2_38-.Ltmp24, $4  }
0x41a: {  	v17 =	vor.u32 v28, v15;
	v20 =	vor.u32 $0x10, v15;
	v16 =	vand.u32 $0x7, v15  }
0x41b: {  	v22 =	vand.u32 $0x18, v20;
	v23 =	vor.u32 v28, v16;
	v16 =	vor.u32 $0x20, v15;
	[tilespmem:v13+s26+$0x0] =	vst.idx.msk $0xffff, v19  }
0x41c: {  	s18 =	sadd.s32 $0x1, s18;
	v19 =	vor.u32 v22, v23;
	v13 =	vand.u32 $0x28, v16;
	v22 =	vor.u32 $0x30, v15;
	[tilespmem:v24+s26+$0x0] =	vst.idx.msk $0xffff, v21  }
0x41d: {  	v21 =	vor.u32 v13, v23;
	v24 =	vand.u32 $0x38, v22;
	v13 =	vxor.u32 s18, v0;
	[tilespmem:v27+s26+$0x0] =	vst.idx.msk $0xffff, v25  }
0x41e: {  	_ =	sdelay $0x2  }
0x41f: {  	v23 =	vor.u32 v24, v23  }
0x420: {  	[tilespmem:v14+s26+$0x0] =	vst.idx.msk $0xffff, v18;
	v47 =	vshll.u32 v15, $0x7  }
0x421: {  	v48 =	vshll.u32 v20, $0x7;
	v17 =	vld.idx.msk [tilespmem:v17+s25+$0x0], $0xffff;
	v14 =	vor.u32 v12, v47  }
0x422: {  	v16 =	vshll.u32 v16, $0x7;
	v18 =	vld.idx.msk [tilespmem:v19+s25+$0x0], $0xffff;
	v15 =	vor.u32 v12, v48  }
0x423: {  	v49 =	vand.u32 $0x7, v13;
	v50 =	vshll.u32 v22, $0x7;
	v21 =	vld.idx.msk [tilespmem:v21+s25+$0x0], $0xffff;
	v16 =	vor.u32 v12, v16  }
0x424: {  	v52 =	vor.u32 $0x10, v13;
	v53 =	vor.u32 $0x20, v13;
	v20 =	vor.u32 v12, v50;
	v51 =	vld.idx.msk [tilespmem:v23+s25+$0x0], $0xffff  }
0x425: {  	v25 =	vor.u32 v28, v13;
	v19 =	vor.u32 v28, v49;
	v26 =	vand.u32 $0x18, v52  }
0x426: {  	v27 =	vor.u32 $0x30, v13;
	v55 =	vand.u32 $0x28, v53;
	v54 =	vor.u32 v26, v19;
	[tilespmem:v14+s26+$0x0] =	vst.idx.msk $0xffff, v17  }
0x427: {  	v56 =	vand.u32 $0x38, v27;
	v57 =	vor.u32 v55, v19;
	[tilespmem:v15+s26+$0x0] =	vst.idx.msk $0xffff, v18  }
0x428: {  	v58 =	vor.u32 v56, v19;
	[tilespmem:v16+s26+$0x0] =	vst.idx.msk $0xffff, v21  }
0x429: {  	v59 =	vshll.u32 v13, $0x7;
	[tilespmem:v20+s26+$0x0] =	vst.idx.msk $0xffff, v51  }
0x42a: {  	v60 =	vshll.u32 v52, $0x7;
	v13 =	vor.u32 v12, v59;
	v18 =	vld.idx.msk [tilespmem:v25+s25+$0x0], $0xffff  }
0x42b: {  	v61 =	vshll.u32 v53, $0x7;
	v17 =	vor.u32 v12, v60;
	v14 =	vld.idx.msk [tilespmem:v54+s25+$0x0], $0xffff  }
0x42c: {  	v62 =	vshll.u32 v27, $0x7;
	v19 =	vor.u32 v12, v61;
	v15 =	vld.idx.msk [tilespmem:v57+s25+$0x0], $0xffff  }
0x42d: {  	v63 =	vor.u32 v12, v62;
	v16 =	vld.idx.msk [tilespmem:v58+s25+$0x0], $0xffff;
	_ =	sdelay $0x1  }
0x42e: {  	[tilespmem:v13+s26+$0x0] =	vst.idx.msk $0xffff, v18  }
0x42f: {  	s1 =	sshll.u32 s28, $0xF;
	[tilespmem:v17+s26+$0x0] =	vst.idx.msk $0xffff, v14  }
0x430: {  	s1 =	sor.u32 s4, s1;
	[tilespmem:v19+s26+$0x0] =	vst.idx.msk $0xffff, v15  }
0x431: {  	s18 =	sadd.s32 s0, s1;
	[tilespmem:v63+s26+$0x0] =	vst.idx.msk $0xffff, v16  }
0x432: {  	[hbm4b:s18+s3] =	stream.linear.scatter [tilespmem:s26], [sflag:$0x6], $0x400, $0x38;
	[tilespmem:$0x17D20] =	vst v63  }
0x433: {  	s20 =	simm.s32 $0x16120;
	s31 =	sadd.s32 s1, s9  }
0x434: {  	[hbm4b:s31+s3] =	stream.linear.scatter [tilespmem:s20], [sflag:$0x6], $0x400, $0x38;
	[tilespmem:$0x17D20] =	vst v63  }
0x435: {  	s28 =	simm.s32 $0x16520;
	s20 =	sadd.s32 s1, s10  }
0x436: {  	[hbm4b:s20+s3] =	stream.linear.scatter [tilespmem:s28], [sflag:$0x6], $0x400, $0x38;
	[tilespmem:$0x17D20] =	vst v63  }
0x437: {  	s30 =	sadd.s32 s1, s11;
	s31 =	simm.s32 $0x16920  }
0x438: {  	[hbm4b:s30+s3] =	stream.linear.scatter [tilespmem:s31], [sflag:$0x6], $0x400, $0x38;
	[tilespmem:$0x17D20] =	vst v63  }
0x439: {  	s20 =	sadd.s32 s1, s12;
	s28 =	simm.s32 $0x16D20  }
0x43a: {  	[hbm4b:s20+s3] =	stream.linear.scatter [tilespmem:s28], [sflag:$0x6], $0x400, $0x38;
	[tilespmem:$0x17D20] =	vst v63  }
0x43b: {  	s30 =	sadd.s32 s1, s13;
	s31 =	simm.s32 $0x17120  }
0x43c: {  	[hbm4b:s30+s3] =	stream.linear.scatter [tilespmem:s31], [sflag:$0x6], $0x400, $0x38;
	[tilespmem:$0x17D20] =	vst v63  }
.Ltmp25:
0x43d: {  	_ = 	snop;
	(pc) =	sbr.rel @p2 .LBB2_41-.Ltmp25, $4  }
.Ltmp26:
0x43e: {  	s28 =	sadd.s32 s1, s14;
	s30 =	simm.s32 $0x17520;
	(pc) =	sbr.rel @!p2 .LBB2_42-.Ltmp26, $4  }
0x43f: {  	[hbm4b:s28+s3] =	stream.linear.scatter [tilespmem:s30], [sflag:$0x6], $0x400, $0x38;
	[tilespmem:$0x17D20] =	vst v63  }
0x440: {  	s1 =	sadd.s32 s1, s15;
	s31 =	simm.s32 $0x17920  }
0x441: {  	[hbm4b:s1+s3] =	stream.linear.scatter [tilespmem:s31], [sflag:$0x6], $0x400, $0x38;
	[tilespmem:$0x17D20] =	vst v63  }
0x442: {  	_ = 	snop  }
.LBB2_44:
0x443: {  	_ =	sfence.sel $0x180000  }
0x444: {  	[bflag:$0x0] =	sbarrier.arrive $0xFFFF  }
0x445: {  	_ =	strace $0x90000047  }
0x446: {  	[bflag:$0x2] =	sbarrier.arrive $0xFFFF  }
0x447: {  	s0 =	rddreg [dreg:$0x3]  }
0x448: {  	s0 =	sadd.s32 @!p0 $0x100000, s0  }
0x449: {  	[sflag:s0] =	ssyncadd.tile.s32 @!p0 $0x1;
	_ =	shalt  }
.Lfunc_end2:
_tile_overlayer_lowered:
.L_overlay_start_2:
0x44a: {  	(tag) =	ssettag $0x2  }
0x44b: {  	s0 =	rddreg [dreg:$0x0];
	s2 =	stileid.u32  }
0x44c: {  	s1 =	rddreg [dreg:$0x1];
	p0 =	sne.s32 s2, $0x0  }
0x44d: {  	s3 =	rddreg [dreg:$0x2];
	[bflag:$0x3] =	sbarrier.arrive $0xFFFF;
	s2 =	simm.s32 @!p0 $0x1C07  }
0x44e: {  	[timem:s3], [sflag:s2] =	dma.local @!p0 [hbm:s0], s1  }
0x44f: {  	s0 =	simm.s32 @!p0 $0x7  }
0x450: {  	_ =	swait.ge @!p0 [sflag:s0], s1  }
0x451: {  	s1 =	ssub.s32 @!p0 $0x0, s1;
	[sflag:s0] =	ssyncset.done @!p0 $0x0  }
0x452: {  	[sflag:s0] =	ssyncadd.s32 @!p0 s1  }
0x453: {  	[bflag:$0x3] =	sbarrier.arrive $0xFFFF  }
0x454: {  	_ =	shalt  }

</sc_bundles>
